<compile_context>
chip_gen: v7x
topology: tpu7x:2x2x1
jax: 0.10.2.dev20260603
libtpu: 0.0.44.dev20260713+nightly
codegen_flags: <defaults>
</compile_context>

<pallas_src>
import jax
import jax.numpy as jnp
from jax import lax
from jax.experimental import pallas as pl
from jax.experimental.pallas import tpu as pltpu
from jax.experimental.pallas import tpu_sc as plsc

N_PIX = 262144
D = 64
M = 524288
N_VIEWS = 131072
N_PTS = 32768

NS = 16
LANES = 16
B = 128
CHUNK = 1024
R = CHUNK // B


def _matmul_body(x_ref, w_ref, o_ref):
    o_ref[...] = lax.dot_general(
        w_ref[...], x_ref[...], (((0,), (1,)), ((), ())),
        preferred_element_type=jnp.float32)


def _matmul(x, w):
    bm = 2048
    out_t = pl.pallas_call(
        _matmul_body,
        grid=(N_PIX // bm,),
        in_specs=[
            pl.BlockSpec((bm, D), lambda i: (i, 0)),
            pl.BlockSpec((D, D), lambda i: (0, 0)),
        ],
        out_specs=pl.BlockSpec((D, bm), lambda i: (0, i)),
        out_shape=jax.ShapeDtypeStruct((D, N_PIX), jnp.float32),
    )(x, w)
    return out_t.T


def _fuse_body(x3d_ref, a0_ref, a1_ref, w_ref, o_ref):
    acc = jnp.concatenate([a0_ref[...], a1_ref[...]], axis=1)
    o_ref[...] = x3d_ref[...] + jnp.dot(acc, w_ref[...],
                                        preferred_element_type=jnp.float32)


def _fuse(x_3d, accf, w):
    br = 2048
    nb = N_PTS // br
    return pl.pallas_call(
        _fuse_body,
        grid=(nb,),
        in_specs=[
            pl.BlockSpec((br, D), lambda i: (i, 0)),
            pl.BlockSpec((br, D // 2), lambda i: (i, 0)),
            pl.BlockSpec((br, D // 2), lambda i, nb=nb: (i + nb, 0)),
            pl.BlockSpec((D, D), lambda i: (0, 0)),
        ],
        out_specs=pl.BlockSpec((br, D), lambda i: (i, 0)),
        out_shape=jax.ShapeDtypeStruct((N_PTS, D), jnp.float32),
    )(x_3d, accf, accf, w)


def _sc_body(xm2, fmi2, as2, vs2, out,
             ids_v, bufB, bufC, sbuf, a_v, rows_v, ones_v,
             cnt_a_sp, cnt_v_sp, vs_sp, acc_sp, sem_g):
    c = lax.axis_index("c")
    s = lax.axis_index("s")

    def _zero_rows(r, _):
        rows_v[r, pl.ds(0, LANES)] = jnp.zeros((LANES,), jnp.float32)
        rows_v[r, pl.ds(LANES, LANES)] = jnp.zeros((LANES,), jnp.float32)
        return 0
    lax.fori_loop(0, CHUNK, _zero_rows, 0)

    def _zero_a(q, _):
        a_v[pl.ds(q * LANES, LANES)] = jnp.zeros((LANES,), jnp.int32)
        return 0
    lax.fori_loop(0, CHUNK // LANES, _zero_a, 0)

    for j in range(B // LANES):
        ones_v[pl.ds(j * LANES, LANES)] = jnp.ones((LANES,), jnp.int32)

    for q in range(8):
        pltpu.sync_copy(a_v, cnt_a_sp.at[pl.ds(s * 8192 + q * CHUNK, CHUNK)])
    for q in range(2):
        pltpu.sync_copy(a_v, cnt_v_sp.at[pl.ds(s * 2048 + q * CHUNK, CHUNK)])
        pltpu.sync_copy(rows_v, acc_sp.at[pl.ds(s * 2048 + q * CHUNK, CHUNK)])
    plsc.subcore_barrier()

    def _count_a(k, _):
        rb = pl.multiple_of(s * 256 + k * R, 8)
        pltpu.sync_copy(as2.at[pl.ds(rb, R)], ids_v)
        for j in range(R):
            pltpu.sync_copy(ones_v, cnt_a_sp.at[ids_v.at[j]], add=True)
        return 0
    lax.fori_loop(0, 32, _count_a, 0)

    def _count_v(k, _):
        rb = pl.multiple_of(s * 64 + k * R, 8)
        pltpu.sync_copy(vs2.at[pl.ds(rb, R)], ids_v)
        for j in range(R):
            pltpu.sync_copy(ones_v, cnt_v_sp.at[ids_v.at[j]], add=True)
            pltpu.sync_copy(ids_v.at[j], vs_sp.at[pl.ds(pl.multiple_of((rb + j) * B, B), B)])
        return 0
    lax.fori_loop(0, 8, _count_v, 0)
    plsc.subcore_barrier()

    def _scale(k, _):
        vb = pl.multiple_of(s * 8192 + k * CHUNK, CHUNK)
        rb = pl.multiple_of(vb // B, 8)
        pltpu.sync_copy(cnt_a_sp.at[pl.ds(vb, CHUNK)], a_v)
        pltpu.sync_copy(vs2.at[pl.ds(rb, R)], ids_v)
        for j in range(R):
            pltpu.sync_copy(cnt_v_sp.at[ids_v.at[j]], bufC.at[j])

        def _t(q, _):
            i = q // 8
            jj = q % 8
            a16 = a_v[pl.ds(q * LANES, LANES)]
            vc16 = bufC[i, pl.ds(jj * LANES, LANES)]
            af = jnp.maximum(a16, 1).astype(jnp.float32)
            vf = vc16.astype(jnp.float32)
            t16 = 1.0 / (af * vf)
            sbuf[i, pl.ds(jj * LANES, LANES)] = plsc.bitcast(t16, jnp.int32)
            return 0
        lax.fori_loop(0, CHUNK // LANES, _t, 0)
        for j in range(R):
            pltpu.sync_copy(sbuf.at[j], cnt_a_sp.at[pl.ds(pl.multiple_of(vb + j * B, B), B)])
        return 0
    lax.fori_loop(0, 8, _scale, 0)
    plsc.subcore_barrier()

    RH = R // 2

    def _main(h, _):
        half = h % 2
        prev = (h - 1) % 2

        @pl.when(h < 64)
        def _fire():
            rb = pl.multiple_of(s * 256 + h * RH, 4)
            pltpu.sync_copy(fmi2.at[pl.ds(rb, RH)], bufB.at[pl.ds(half * RH, RH)])
            pltpu.sync_copy(as2.at[pl.ds(rb, RH)], ids_v.at[pl.ds(half * RH, RH)])

            def _gidx(q, _):
                i = half * RH + q // 8
                jj = q % 8
                v = bufB[i, pl.ds(jj * LANES, LANES)]
                bufB[i, pl.ds(jj * LANES, LANES)] = v * 2 + c
                return 0
            lax.fori_loop(0, (CHUNK // 2) // LANES, _gidx, 0)

            for j in range(RH):
                jh = half * RH + j
                pltpu.sync_copy(cnt_a_sp.at[ids_v.at[jh]], sbuf.at[jh])
                pltpu.sync_copy(vs_sp.at[ids_v.at[jh]], bufC.at[jh])
                pltpu.async_copy(xm2.at[bufB.at[jh]],
                                 rows_v.at[pl.ds(jh * B, B)],
                                 sem_g.at[half])

        @pl.when(h > 0)
        def _compute():
            base = prev * (CHUNK // 2)
            pltpu.make_async_copy(
                xm2.at[pl.ds(0, CHUNK // 2)],
                rows_v.at[pl.ds(base, CHUNK // 2)],
                sem_g.at[prev]).wait()

            def _scalemul(g, _):
                i = prev * RH + g // 8
                jj = g % 8
                s16 = plsc.bitcast(sbuf[i, pl.ds(jj * LANES, LANES)], jnp.float32)
                for u in range(LANES):
                    r = base + g * LANES + u
                    sb = jnp.full((LANES,), s16[u], jnp.float32)
                    rows_v[r, pl.ds(0, LANES)] = rows_v[r, pl.ds(0, LANES)] * sb
                    rows_v[r, pl.ds(LANES, LANES)] = rows_v[r, pl.ds(LANES, LANES)] * sb
                return 0
            lax.fori_loop(0, (CHUNK // 2) // LANES, _scalemul, 0)

            for j in range(RH):
                jh = prev * RH + j
                pltpu.sync_copy(rows_v.at[pl.ds(jh * B, B)],
                                acc_sp.at[bufC.at[jh]], add=True)
        return 0
    lax.fori_loop(0, 65, _main, 0)
    plsc.subcore_barrier()

    pltpu.sync_copy(acc_sp.at[pl.ds(s * 2048, 2048)],
                    out.at[pl.ds(c * N_PTS + s * 2048, 2048)])


def _sc_pool(xm2, fmi2, as2, vs2):
    mesh = plsc.VectorSubcoreMesh(core_axis_name="c", subcore_axis_name="s")
    f = pl.kernel(
        _sc_body,
        out_type=jax.ShapeDtypeStruct((2 * N_PTS, D // 2), jnp.float32),
        mesh=mesh,
        scratch_types=[
            pltpu.VMEM((R, B), jnp.int32),
            pltpu.VMEM((R, B), jnp.int32),
            pltpu.VMEM((R, B), jnp.int32),
            pltpu.VMEM((R, B), jnp.int32),
            pltpu.VMEM((CHUNK,), jnp.int32),
            pltpu.VMEM((CHUNK, D // 2), jnp.float32),
            pltpu.VMEM((B,), jnp.int32),
            pltpu.VMEM_SHARED((N_VIEWS,), jnp.int32),
            pltpu.VMEM_SHARED((N_PTS,), jnp.int32),
            pltpu.VMEM_SHARED((N_VIEWS,), jnp.int32),
            pltpu.VMEM_SHARED((N_PTS, D // 2), jnp.float32),
            pltpu.SemaphoreType.DMA((2,)),
        ],
        compiler_params=pltpu.CompilerParams(
            use_tc_tiling_on_sc=False, needs_layout_passes=False),
    )
    return f(xm2, fmi2, as2, vs2)


def kernel(x, x_3d, W, feature_map_indexing, atomic_segment_ids, view_segment_ids):
    x2 = x.reshape(2 * N_PIX, D // 2)
    fmi2 = feature_map_indexing.reshape(M // B, B)
    as2 = atomic_segment_ids.reshape(M // B, B)
    vs2 = view_segment_ids.reshape(N_VIEWS // B, B)
    accf = _sc_pool(x2, fmi2, as2, vs2)
    x_mod = _matmul(x, W)
    x_3d_out = _fuse(x_3d, accf, W)
    return (x_mod, x_3d_out)

# --- scband reference (transcript-rebuilt; emitter-appended) ---
"""Pipeline reference for scband-unimodal-branch-31353261261529 (READ-ONLY COPY).

The authoritative reference and input builder live on the scoring server;
editing this copy changes nothing except your own understanding.
"""

import jax, jax.numpy as jnp
import numpy as np

N_PIX = 262144
D = 64
M = 524288
N_VIEWS = 131072
N_PTS = 32768


def setup_inputs(seed: int = 0) -> dict:
    key = jax.random.key(seed)
    ks = jax.random.split(key, 6)
    x = jax.random.normal(ks[0], (N_PIX, D), dtype=jnp.float32)
    x_3d = jax.random.normal(ks[1], (N_PTS, D), dtype=jnp.float32)
    W = jax.random.normal(ks[2], (D, D), dtype=jnp.float32) * 0.05
    feature_map_indexing = jax.random.randint(ks[3], (M,), 0, N_PIX, dtype=jnp.int32)
    atomic_segment_ids = jnp.sort(jax.random.randint(ks[4], (M,), 0, N_VIEWS, dtype=jnp.int32))
    view_segment_ids = jnp.sort(jax.random.randint(ks[5], (N_VIEWS,), 0, N_PTS, dtype=jnp.int32))
    return {
        "x": x,
        "x_3d": x_3d,
        "W": W,
        "feature_map_indexing": feature_map_indexing,
        "atomic_segment_ids": atomic_segment_ids,
        "view_segment_ids": view_segment_ids,
    }


def _segment_mean(vals, seg_ids, num_segments):
    s = jax.ops.segment_sum(vals, seg_ids, num_segments=num_segments)
    cnt = jax.ops.segment_sum(jnp.ones((vals.shape[0], 1), dtype=vals.dtype), seg_ids, num_segments=num_segments)
    return s / jnp.maximum(cnt, 1.0)


def reference(x, x_3d, W, feature_map_indexing, atomic_segment_ids, view_segment_ids):
    # conv (pointwise, shape-preserving down-conv stand-in)
    x_mod = x @ W
    # mod_data.update_features_and_scale(x_mod): features are replaced; mappings
    # (feature_map_indexing / csr indexings) already at the conv output scale.
    # feature map indexing: gather per-mapping pixel features
    gathered = jnp.take(x_mod, feature_map_indexing, axis=0)
    # atomic pool: CSR-style pooling of pixels into atoms (point-view pairs), mean
    n_views = view_segment_ids.shape[0]
    atoms = _segment_mean(gathered, atomic_segment_ids, n_views)
    # view pool: CSR-style pooling of views into 3D points, mean
    n_pts = x_3d.shape[0]
    views = _segment_mean(atoms, view_segment_ids, n_pts)
    # fusion: residual additive fusion of modality features into 3D features
    x_3d_out = x_3d + views
    # return (updated modality features, fused 3D features)
    return (x_mod, x_3d_out)

if __name__ == "__main__":
    import jax
    _d = setup_inputs()
    print(jax.jit(kernel)(*tuple(_d.values())))

</pallas_src>

<mosaic_0001>
#map = affine_map<(d0, d1) -> (0, 0)>
module attributes {stable_mosaic.version = 14 : i64} {
  func.func @_sc_body(%arg0: i32, %arg1: i32, %arg2: memref<524288x32xf32, #tpu.memory_space<hbm>>, %arg3: memref<4096x128xi32, #tpu.memory_space<hbm>>, %arg4: memref<4096x128xi32, #tpu.memory_space<hbm>>, %arg5: memref<1024x128xi32, #tpu.memory_space<hbm>>, %arg6: memref<65536x32xf32, #tpu.memory_space<hbm>>, %arg7: memref<8x128xi32, #tpu.memory_space<vmem>>, %arg8: memref<8x128xi32, #tpu.memory_space<vmem>>, %arg9: memref<8x128xi32, #tpu.memory_space<vmem>>, %arg10: memref<8x128xi32, #tpu.memory_space<vmem>>, %arg11: memref<1024xi32, #tpu.memory_space<vmem>>, %arg12: memref<1024x32xf32, #tpu.memory_space<vmem>>, %arg13: memref<128xi32, #tpu.memory_space<vmem>>, %arg14: memref<131072xi32, #tpu.memory_space<vmem_shared>>, %arg15: memref<32768xi32, #tpu.memory_space<vmem_shared>>, %arg16: memref<131072xi32, #tpu.memory_space<vmem_shared>>, %arg17: memref<32768x32xf32, #tpu.memory_space<vmem_shared>>, %arg18: memref<2x!tpu.dma_semaphore, #tpu.memory_space<semaphore_mem>>) attributes {dimension_semantics = [#tpu.dimension_semantics<core_parallel>, #tpu.dimension_semantics<subcore_parallel>], iteration_bounds = array<i64: 2, 16>, scalar_prefetch = 0 : i64, scratch_operands = 12 : i64, tpu.core_type = #tpu.core_type<sc_vector_subcore>, window_params = [{transform_indices = #map}, {transform_indices = #map}, {transform_indices = #map}, {transform_indices = #map}, {transform_indices = #map}]} {
    %scan3A = arith.constant 0 : i32
    %scan3A_0 = arith.constant 0 : i32
    %scan3A_1 = arith.constant 1024 : i32
    %scan3A_2 = arith.addi %scan3A_0, %scan3A_1 : i32
    %scan3A_3 = arith.constant 1 : i32
    %scan3A_4 = scf.for %scan3A_127 = %scan3A_0 to %scan3A_2 step %scan3A_3 iter_args(%scan3A_128 = %scan3A) -> (i32)  : i32 {
      %broadcast_in_dim3A_129 = arith.constant 0.000000e+00 : f32
      %broadcast_in_dim3A_130 = vector.broadcast %broadcast_in_dim3A_129 : f32 to vector<16xf32>
      %swap3A_131 = arith.index_cast %scan3A_127 : i32 to index
      %swap3A_132 = arith.constant 0 : index
      %swap3A_133 = tpu.vector_load %arg12[%swap3A_131, %swap3A_132] {strides = array<i32>} : memref<1024x32xf32, #tpu.memory_space<vmem>>, vector<16xf32>,
      tpu.vector_store %arg12[%swap3A_131, %swap3A_132], %broadcast_in_dim3A_130 {strides = array<i32>} : memref<1024x32xf32, #tpu.memory_space<vmem>>, vector<16xf32>,
      %broadcast_in_dim3A_134 = arith.constant 0.000000e+00 : f32
      %broadcast_in_dim3A_135 = vector.broadcast %broadcast_in_dim3A_134 : f32 to vector<16xf32>
      %swap3A_136 = arith.index_cast %scan3A_127 : i32 to index
      %swap3A_137 = arith.constant 16 : index
      %swap3A_138 = tpu.vector_load %arg12[%swap3A_136, %swap3A_137] {strides = array<i32>} : memref<1024x32xf32, #tpu.memory_space<vmem>>, vector<16xf32>,
      tpu.vector_store %arg12[%swap3A_136, %swap3A_137], %broadcast_in_dim3A_135 {strides = array<i32>} : memref<1024x32xf32, #tpu.memory_space<vmem>>, vector<16xf32>,
      %scan3A_139 = arith.constant 0 : i32
      scf.yield %scan3A_139 : i32
    }
    %scan3A_5 = arith.constant 1024 : i32
    %scan3A_6 = arith.constant 0 : i32
    %scan3A_7 = arith.constant 0 : i32
    %scan3A_8 = arith.constant 64 : i32
    %scan3A_9 = arith.addi %scan3A_7, %scan3A_8 : i32
    %scan3A_10 = arith.constant 1 : i32
    %scan3A_11 = scf.for %scan3A_127 = %scan3A_7 to %scan3A_9 step %scan3A_10 iter_args(%scan3A_128 = %scan3A_6) -> (i32)  : i32 {
      %broadcast_in_dim3A_129 = arith.constant 0 : i32
      %broadcast_in_dim3A_130 = vector.broadcast %broadcast_in_dim3A_129 : i32 to vector<16xi32>
      %mul3A_131 = arith.constant 16 : i32
      %mul3A_132 = arith.muli %scan3A_127, %mul3A_131 : i32
      %swap3A_133 = arith.index_cast %mul3A_132 : i32 to index
      %swap3A_134 = tpu.vector_load %arg11[%swap3A_133] {strides = array<i32>} : memref<1024xi32, #tpu.memory_space<vmem>>, vector<16xi32>,
      tpu.vector_store %arg11[%swap3A_133], %broadcast_in_dim3A_130 {strides = array<i32>} : memref<1024xi32, #tpu.memory_space<vmem>>, vector<16xi32>,
      %scan3A_135 = arith.constant 0 : i32
      scf.yield %scan3A_135 : i32
    }
    %scan3A_12 = arith.constant 64 : i32
    %broadcast_in_dim3A = arith.constant 1 : i32
    %broadcast_in_dim3A_13 = vector.broadcast %broadcast_in_dim3A : i32 to vector<16xi32>
    %swap3A = arith.constant 0 : index
    %swap3A_14 = tpu.vector_load %arg13[%swap3A] {strides = array<i32>} : memref<128xi32, #tpu.memory_space<vmem>>, vector<16xi32>,
    tpu.vector_store %arg13[%swap3A], %broadcast_in_dim3A_13 {strides = array<i32>} : memref<128xi32, #tpu.memory_space<vmem>>, vector<16xi32>,
    %broadcast_in_dim3A_15 = arith.constant 1 : i32
    %broadcast_in_dim3A_16 = vector.broadcast %broadcast_in_dim3A_15 : i32 to vector<16xi32>
    %swap3A_17 = arith.constant 16 : index
    %swap3A_18 = tpu.vector_load %arg13[%swap3A_17] {strides = array<i32>} : memref<128xi32, #tpu.memory_space<vmem>>, vector<16xi32>,
    tpu.vector_store %arg13[%swap3A_17], %broadcast_in_dim3A_16 {strides = array<i32>} : memref<128xi32, #tpu.memory_space<vmem>>, vector<16xi32>,
    %broadcast_in_dim3A_19 = arith.constant 1 : i32
    %broadcast_in_dim3A_20 = vector.broadcast %broadcast_in_dim3A_19 : i32 to vector<16xi32>
    %swap3A_21 = arith.constant 32 : index
    %swap3A_22 = tpu.vector_load %arg13[%swap3A_21] {strides = array<i32>} : memref<128xi32, #tpu.memory_space<vmem>>, vector<16xi32>,
    tpu.vector_store %arg13[%swap3A_21], %broadcast_in_dim3A_20 {strides = array<i32>} : memref<128xi32, #tpu.memory_space<vmem>>, vector<16xi32>,
    %broadcast_in_dim3A_23 = arith.constant 1 : i32
    %broadcast_in_dim3A_24 = vector.broadcast %broadcast_in_dim3A_23 : i32 to vector<16xi32>
    %swap3A_25 = arith.constant 48 : index
    %swap3A_26 = tpu.vector_load %arg13[%swap3A_25] {strides = array<i32>} : memref<128xi32, #tpu.memory_space<vmem>>, vector<16xi32>,
    tpu.vector_store %arg13[%swap3A_25], %broadcast_in_dim3A_24 {strides = array<i32>} : memref<128xi32, #tpu.memory_space<vmem>>, vector<16xi32>,
    %broadcast_in_dim3A_27 = arith.constant 1 : i32
    %broadcast_in_dim3A_28 = vector.broadcast %broadcast_in_dim3A_27 : i32 to vector<16xi32>
    %swap3A_29 = arith.constant 64 : index
    %swap3A_30 = tpu.vector_load %arg13[%swap3A_29] {strides = array<i32>} : memref<128xi32, #tpu.memory_space<vmem>>, vector<16xi32>,
    tpu.vector_store %arg13[%swap3A_29], %broadcast_in_dim3A_28 {strides = array<i32>} : memref<128xi32, #tpu.memory_space<vmem>>, vector<16xi32>,
    %broadcast_in_dim3A_31 = arith.constant 1 : i32
    %broadcast_in_dim3A_32 = vector.broadcast %broadcast_in_dim3A_31 : i32 to vector<16xi32>
    %swap3A_33 = arith.constant 80 : index
    %swap3A_34 = tpu.vector_load %arg13[%swap3A_33] {strides = array<i32>} : memref<128xi32, #tpu.memory_space<vmem>>, vector<16xi32>,
    tpu.vector_store %arg13[%swap3A_33], %broadcast_in_dim3A_32 {strides = array<i32>} : memref<128xi32, #tpu.memory_space<vmem>>, vector<16xi32>,
    %broadcast_in_dim3A_35 = arith.constant 1 : i32
    %broadcast_in_dim3A_36 = vector.broadcast %broadcast_in_dim3A_35 : i32 to vector<16xi32>
    %swap3A_37 = arith.constant 96 : index
    %swap3A_38 = tpu.vector_load %arg13[%swap3A_37] {strides = array<i32>} : memref<128xi32, #tpu.memory_space<vmem>>, vector<16xi32>,
    tpu.vector_store %arg13[%swap3A_37], %broadcast_in_dim3A_36 {strides = array<i32>} : memref<128xi32, #tpu.memory_space<vmem>>, vector<16xi32>,
    %broadcast_in_dim3A_39 = arith.constant 1 : i32
    %broadcast_in_dim3A_40 = vector.broadcast %broadcast_in_dim3A_39 : i32 to vector<16xi32>
    %swap3A_41 = arith.constant 112 : index
    %swap3A_42 = tpu.vector_load %arg13[%swap3A_41] {strides = array<i32>} : memref<128xi32, #tpu.memory_space<vmem>>, vector<16xi32>,
    tpu.vector_store %arg13[%swap3A_41], %broadcast_in_dim3A_40 {strides = array<i32>} : memref<128xi32, #tpu.memory_space<vmem>>, vector<16xi32>,
    %mul3A = arith.constant 8192 : i32
    %mul3A_43 = arith.muli %arg1, %mul3A : i32
    %add3A = arith.constant 0 : i32
    %add3A_44 = arith.addi %mul3A_43, %add3A : i32
    "tpu.region"() ({
      %run_scoped3A = tpu.sem_alloc : memref<!tpu.dma_semaphore, #tpu.memory_space<semaphore_mem>>
      %dma_start3A = tpu.memref_slice %arg14[%add3A_44] : memref<131072xi32, #tpu.memory_space<vmem_shared>> -> memref<1024xi32, #tpu.memory_space<vmem_shared>>
      %dma_start3A_127 = tpu.memref_slice %arg14[%add3A_44] : memref<131072xi32, #tpu.memory_space<vmem_shared>> -> memref<1024xi32, #tpu.memory_space<vmem_shared>>
      tpu.enqueue_dma source(%arg11 : memref<1024xi32, #tpu.memory_space<vmem>>) target(%dma_start3A_127 : memref<1024xi32, #tpu.memory_space<vmem_shared>>) target_semaphore(%run_scoped3A : memref<!tpu.dma_semaphore, #tpu.memory_space<semaphore_mem>>)
      %dma_wait3A = tpu.memref_slice %arg14[%add3A_44] : memref<131072xi32, #tpu.memory_space<vmem_shared>> -> memref<1024xi32, #tpu.memory_space<vmem_shared>>
      %dma_wait3A_128 = tpu.memref_slice %arg14[%add3A_44] : memref<131072xi32, #tpu.memory_space<vmem_shared>> -> memref<1024xi32, #tpu.memory_space<vmem_shared>>
      tpu.wait_dma2 semaphore(%run_scoped3A : memref<!tpu.dma_semaphore, #tpu.memory_space<semaphore_mem>>) src(%arg11 : memref<1024xi32, #tpu.memory_space<vmem>>) dst(%dma_wait3A_128 : memref<1024xi32, #tpu.memory_space<vmem_shared>>)
      tpu.yield
    }) : () -> ()
    %mul3A_45 = arith.constant 8192 : i32
    %mul3A_46 = arith.muli %arg1, %mul3A_45 : i32
    %add3A_47 = arith.constant 1024 : i32
    %add3A_48 = arith.addi %mul3A_46, %add3A_47 : i32
    "tpu.region"() ({
      %run_scoped3A = tpu.sem_alloc : memref<!tpu.dma_semaphore, #tpu.memory_space<semaphore_mem>>
      %dma_start3A = tpu.memref_slice %arg14[%add3A_48] : memref<131072xi32, #tpu.memory_space<vmem_shared>> -> memref<1024xi32, #tpu.memory_space<vmem_shared>>
      %dma_start3A_127 = tpu.memref_slice %arg14[%add3A_48] : memref<131072xi32, #tpu.memory_space<vmem_shared>> -> memref<1024xi32, #tpu.memory_space<vmem_shared>>
      tpu.enqueue_dma source(%arg11 : memref<1024xi32, #tpu.memory_space<vmem>>) target(%dma_start3A_127 : memref<1024xi32, #tpu.memory_space<vmem_shared>>) target_semaphore(%run_scoped3A : memref<!tpu.dma_semaphore, #tpu.memory_space<semaphore_mem>>)
      %dma_wait3A = tpu.memref_slice %arg14[%add3A_48] : memref<131072xi32, #tpu.memory_space<vmem_shared>> -> memref<1024xi32, #tpu.memory_space<vmem_shared>>
      %dma_wait3A_128 = tpu.memref_slice %arg14[%add3A_48] : memref<131072xi32, #tpu.memory_space<vmem_shared>> -> memref<1024xi32, #tpu.memory_space<vmem_shared>>
      tpu.wait_dma2 semaphore(%run_scoped3A : memref<!tpu.dma_semaphore, #tpu.memory_space<semaphore_mem>>) src(%arg11 : memref<1024xi32, #tpu.memory_space<vmem>>) dst(%dma_wait3A_128 : memref<1024xi32, #tpu.memory_space<vmem_shared>>)
      tpu.yield
    }) : () -> ()
    %mul3A_49 = arith.constant 8192 : i32
    %mul3A_50 = arith.muli %arg1, %mul3A_49 : i32
    %add3A_51 = arith.constant 2048 : i32
    %add3A_52 = arith.addi %mul3A_50, %add3A_51 : i32
    "tpu.region"() ({
      %run_scoped3A = tpu.sem_alloc : memref<!tpu.dma_semaphore, #tpu.memory_space<semaphore_mem>>
      %dma_start3A = tpu.memref_slice %arg14[%add3A_52] : memref<131072xi32, #tpu.memory_space<vmem_shared>> -> memref<1024xi32, #tpu.memory_space<vmem_shared>>
      %dma_start3A_127 = tpu.memref_slice %arg14[%add3A_52] : memref<131072xi32, #tpu.memory_space<vmem_shared>> -> memref<1024xi32, #tpu.memory_space<vmem_shared>>
      tpu.enqueue_dma source(%arg11 : memref<1024xi32, #tpu.memory_space<vmem>>) target(%dma_start3A_127 : memref<1024xi32, #tpu.memory_space<vmem_shared>>) target_semaphore(%run_scoped3A : memref<!tpu.dma_semaphore, #tpu.memory_space<semaphore_mem>>)
      %dma_wait3A = tpu.memref_slice %arg14[%add3A_52] : memref<131072xi32, #tpu.memory_space<vmem_shared>> -> memref<1024xi32, #tpu.memory_space<vmem_shared>>
      %dma_wait3A_128 = tpu.memref_slice %arg14[%add3A_52] : memref<131072xi32, #tpu.memory_space<vmem_shared>> -> memref<1024xi32, #tpu.memory_space<vmem_shared>>
      tpu.wait_dma2 semaphore(%run_scoped3A : memref<!tpu.dma_semaphore, #tpu.memory_space<semaphore_mem>>) src(%arg11 : memref<1024xi32, #tpu.memory_space<vmem>>) dst(%dma_wait3A_128 : memref<1024xi32, #tpu.memory_space<vmem_shared>>)
      tpu.yield
    }) : () -> ()
    %mul3A_53 = arith.constant 8192 : i32
    %mul3A_54 = arith.muli %arg1, %mul3A_53 : i32
    %add3A_55 = arith.constant 3072 : i32
    %add3A_56 = arith.addi %mul3A_54, %add3A_55 : i32
    "tpu.region"() ({
      %run_scoped3A = tpu.sem_alloc : memref<!tpu.dma_semaphore, #tpu.memory_space<semaphore_mem>>
      %dma_start3A = tpu.memref_slice %arg14[%add3A_56] : memref<131072xi32, #tpu.memory_space<vmem_shared>> -> memref<1024xi32, #tpu.memory_space<vmem_shared>>
      %dma_start3A_127 = tpu.memref_slice %arg14[%add3A_56] : memref<131072xi32, #tpu.memory_space<vmem_shared>> -> memref<1024xi32, #tpu.memory_space<vmem_shared>>
      tpu.enqueue_dma source(%arg11 : memref<1024xi32, #tpu.memory_space<vmem>>) target(%dma_start3A_127 : memref<1024xi32, #tpu.memory_space<vmem_shared>>) target_semaphore(%run_scoped3A : memref<!tpu.dma_semaphore, #tpu.memory_space<semaphore_mem>>)
      %dma_wait3A = tpu.memref_slice %arg14[%add3A_56] : memref<131072xi32, #tpu.memory_space<vmem_shared>> -> memref<1024xi32, #tpu.memory_space<vmem_shared>>
      %dma_wait3A_128 = tpu.memref_slice %arg14[%add3A_56] : memref<131072xi32, #tpu.memory_space<vmem_shared>> -> memref<1024xi32, #tpu.memory_space<vmem_shared>>
      tpu.wait_dma2 semaphore(%run_scoped3A : memref<!tpu.dma_semaphore, #tpu.memory_space<semaphore_mem>>) src(%arg11 : memref<1024xi32, #tpu.memory_space<vmem>>) dst(%dma_wait3A_128 : memref<1024xi32, #tpu.memory_space<vmem_shared>>)
      tpu.yield
    }) : () -> ()
    %mul3A_57 = arith.constant 8192 : i32
    %mul3A_58 = arith.muli %arg1, %mul3A_57 : i32
    %add3A_59 = arith.constant 4096 : i32
    %add3A_60 = arith.addi %mul3A_58, %add3A_59 : i32
    "tpu.region"() ({
      %run_scoped3A = tpu.sem_alloc : memref<!tpu.dma_semaphore, #tpu.memory_space<semaphore_mem>>
      %dma_start3A = tpu.memref_slice %arg14[%add3A_60] : memref<131072xi32, #tpu.memory_space<vmem_shared>> -> memref<1024xi32, #tpu.memory_space<vmem_shared>>
      %dma_start3A_127 = tpu.memref_slice %arg14[%add3A_60] : memref<131072xi32, #tpu.memory_space<vmem_shared>> -> memref<1024xi32, #tpu.memory_space<vmem_shared>>
      tpu.enqueue_dma source(%arg11 : memref<1024xi32, #tpu.memory_space<vmem>>) target(%dma_start3A_127 : memref<1024xi32, #tpu.memory_space<vmem_shared>>) target_semaphore(%run_scoped3A : memref<!tpu.dma_semaphore, #tpu.memory_space<semaphore_mem>>)
      %dma_wait3A = tpu.memref_slice %arg14[%add3A_60] : memref<131072xi32, #tpu.memory_space<vmem_shared>> -> memref<1024xi32, #tpu.memory_space<vmem_shared>>
      %dma_wait3A_128 = tpu.memref_slice %arg14[%add3A_60] : memref<131072xi32, #tpu.memory_space<vmem_shared>> -> memref<1024xi32, #tpu.memory_space<vmem_shared>>
      tpu.wait_dma2 semaphore(%run_scoped3A : memref<!tpu.dma_semaphore, #tpu.memory_space<semaphore_mem>>) src(%arg11 : memref<1024xi32, #tpu.memory_space<vmem>>) dst(%dma_wait3A_128 : memref<1024xi32, #tpu.memory_space<vmem_shared>>)
      tpu.yield
    }) : () -> ()
    %mul3A_61 = arith.constant 8192 : i32
    %mul3A_62 = arith.muli %arg1, %mul3A_61 : i32
    %add3A_63 = arith.constant 5120 : i32
    %add3A_64 = arith.addi %mul3A_62, %add3A_63 : i32
    "tpu.region"() ({
      %run_scoped3A = tpu.sem_alloc : memref<!tpu.dma_semaphore, #tpu.memory_space<semaphore_mem>>
      %dma_start3A = tpu.memref_slice %arg14[%add3A_64] : memref<131072xi32, #tpu.memory_space<vmem_shared>> -> memref<1024xi32, #tpu.memory_space<vmem_shared>>
      %dma_start3A_127 = tpu.memref_slice %arg14[%add3A_64] : memref<131072xi32, #tpu.memory_space<vmem_shared>> -> memref<1024xi32, #tpu.memory_space<vmem_shared>>
      tpu.enqueue_dma source(%arg11 : memref<1024xi32, #tpu.memory_space<vmem>>) target(%dma_start3A_127 : memref<1024xi32, #tpu.memory_space<vmem_shared>>) target_semaphore(%run_scoped3A : memref<!tpu.dma_semaphore, #tpu.memory_space<semaphore_mem>>)
      %dma_wait3A = tpu.memref_slice %arg14[%add3A_64] : memref<131072xi32, #tpu.memory_space<vmem_shared>> -> memref<1024xi32, #tpu.memory_space<vmem_shared>>
      %dma_wait3A_128 = tpu.memref_slice %arg14[%add3A_64] : memref<131072xi32, #tpu.memory_space<vmem_shared>> -> memref<1024xi32, #tpu.memory_space<vmem_shared>>
      tpu.wait_dma2 semaphore(%run_scoped3A : memref<!tpu.dma_semaphore, #tpu.memory_space<semaphore_mem>>) src(%arg11 : memref<1024xi32, #tpu.memory_space<vmem>>) dst(%dma_wait3A_128 : memref<1024xi32, #tpu.memory_space<vmem_shared>>)
      tpu.yield
    }) : () -> ()
    %mul3A_65 = arith.constant 8192 : i32
    %mul3A_66 = arith.muli %arg1, %mul3A_65 : i32
    %add3A_67 = arith.constant 6144 : i32
    %add3A_68 = arith.addi %mul3A_66, %add3A_67 : i32
    "tpu.region"() ({
      %run_scoped3A = tpu.sem_alloc : memref<!tpu.dma_semaphore, #tpu.memory_space<semaphore_mem>>
      %dma_start3A = tpu.memref_slice %arg14[%add3A_68] : memref<131072xi32, #tpu.memory_space<vmem_shared>> -> memref<1024xi32, #tpu.memory_space<vmem_shared>>
      %dma_start3A_127 = tpu.memref_slice %arg14[%add3A_68] : memref<131072xi32, #tpu.memory_space<vmem_shared>> -> memref<1024xi32, #tpu.memory_space<vmem_shared>>
      tpu.enqueue_dma source(%arg11 : memref<1024xi32, #tpu.memory_space<vmem>>) target(%dma_start3A_127 : memref<1024xi32, #tpu.memory_space<vmem_shared>>) target_semaphore(%run_scoped3A : memref<!tpu.dma_semaphore, #tpu.memory_space<semaphore_mem>>)
      %dma_wait3A = tpu.memref_slice %arg14[%add3A_68] : memref<131072xi32, #tpu.memory_space<vmem_shared>> -> memref<1024xi32, #tpu.memory_space<vmem_shared>>
      %dma_wait3A_128 = tpu.memref_slice %arg14[%add3A_68] : memref<131072xi32, #tpu.memory_space<vmem_shared>> -> memref<1024xi32, #tpu.memory_space<vmem_shared>>
      tpu.wait_dma2 semaphore(%run_scoped3A : memref<!tpu.dma_semaphore, #tpu.memory_space<semaphore_mem>>) src(%arg11 : memref<1024xi32, #tpu.memory_space<vmem>>) dst(%dma_wait3A_128 : memref<1024xi32, #tpu.memory_space<vmem_shared>>)
      tpu.yield
    }) : () -> ()
    %mul3A_69 = arith.constant 8192 : i32
    %mul3A_70 = arith.muli %arg1, %mul3A_69 : i32
    %add3A_71 = arith.constant 7168 : i32
    %add3A_72 = arith.addi %mul3A_70, %add3A_71 : i32
    "tpu.region"() ({
      %run_scoped3A = tpu.sem_alloc : memref<!tpu.dma_semaphore, #tpu.memory_space<semaphore_mem>>
      %dma_start3A = tpu.memref_slice %arg14[%add3A_72] : memref<131072xi32, #tpu.memory_space<vmem_shared>> -> memref<1024xi32, #tpu.memory_space<vmem_shared>>
      %dma_start3A_127 = tpu.memref_slice %arg14[%add3A_72] : memref<131072xi32, #tpu.memory_space<vmem_shared>> -> memref<1024xi32, #tpu.memory_space<vmem_shared>>
      tpu.enqueue_dma source(%arg11 : memref<1024xi32, #tpu.memory_space<vmem>>) target(%dma_start3A_127 : memref<1024xi32, #tpu.memory_space<vmem_shared>>) target_semaphore(%run_scoped3A : memref<!tpu.dma_semaphore, #tpu.memory_space<semaphore_mem>>)
      %dma_wait3A = tpu.memref_slice %arg14[%add3A_72] : memref<131072xi32, #tpu.memory_space<vmem_shared>> -> memref<1024xi32, #tpu.memory_space<vmem_shared>>
      %dma_wait3A_128 = tpu.memref_slice %arg14[%add3A_72] : memref<131072xi32, #tpu.memory_space<vmem_shared>> -> memref<1024xi32, #tpu.memory_space<vmem_shared>>
      tpu.wait_dma2 semaphore(%run_scoped3A : memref<!tpu.dma_semaphore, #tpu.memory_space<semaphore_mem>>) src(%arg11 : memref<1024xi32, #tpu.memory_space<vmem>>) dst(%dma_wait3A_128 : memref<1024xi32, #tpu.memory_space<vmem_shared>>)
      tpu.yield
    }) : () -> ()
    %mul3A_73 = arith.constant 2048 : i32
    %mul3A_74 = arith.muli %arg1, %mul3A_73 : i32
    %add3A_75 = arith.constant 0 : i32
    %add3A_76 = arith.addi %mul3A_74, %add3A_75 : i32
    "tpu.region"() ({
      %run_scoped3A = tpu.sem_alloc : memref<!tpu.dma_semaphore, #tpu.memory_space<semaphore_mem>>
      %dma_start3A = tpu.memref_slice %arg15[%add3A_76] : memref<32768xi32, #tpu.memory_space<vmem_shared>> -> memref<1024xi32, #tpu.memory_space<vmem_shared>>
      %dma_start3A_127 = tpu.memref_slice %arg15[%add3A_76] : memref<32768xi32, #tpu.memory_space<vmem_shared>> -> memref<1024xi32, #tpu.memory_space<vmem_shared>>
      tpu.enqueue_dma source(%arg11 : memref<1024xi32, #tpu.memory_space<vmem>>) target(%dma_start3A_127 : memref<1024xi32, #tpu.memory_space<vmem_shared>>) target_semaphore(%run_scoped3A : memref<!tpu.dma_semaphore, #tpu.memory_space<semaphore_mem>>)
      %dma_wait3A = tpu.memref_slice %arg15[%add3A_76] : memref<32768xi32, #tpu.memory_space<vmem_shared>> -> memref<1024xi32, #tpu.memory_space<vmem_shared>>
      %dma_wait3A_128 = tpu.memref_slice %arg15[%add3A_76] : memref<32768xi32, #tpu.memory_space<vmem_shared>> -> memref<1024xi32, #tpu.memory_space<vmem_shared>>
      tpu.wait_dma2 semaphore(%run_scoped3A : memref<!tpu.dma_semaphore, #tpu.memory_space<semaphore_mem>>) src(%arg11 : memref<1024xi32, #tpu.memory_space<vmem>>) dst(%dma_wait3A_128 : memref<1024xi32, #tpu.memory_space<vmem_shared>>)
      tpu.yield
    }) : () -> ()
    %mul3A_77 = arith.constant 2048 : i32
    %mul3A_78 = arith.muli %arg1, %mul3A_77 : i32
    %add3A_79 = arith.constant 0 : i32
    %add3A_80 = arith.addi %mul3A_78, %add3A_79 : i32
    "tpu.region"() ({
      %run_scoped3A = tpu.sem_alloc : memref<!tpu.dma_semaphore, #tpu.memory_space<semaphore_mem>>
      %dma_start3A = arith.constant 0 : i32
      %dma_start3A_127 = tpu.memref_slice %arg17[%add3A_80, %dma_start3A] : memref<32768x32xf32, #tpu.memory_space<vmem_shared>> -> memref<1024x32xf32, #tpu.memory_space<vmem_shared>>
      %dma_start3A_128 = arith.constant 0 : i32
      %dma_start3A_129 = tpu.memref_slice %arg17[%add3A_80, %dma_start3A_128] : memref<32768x32xf32, #tpu.memory_space<vmem_shared>> -> memref<1024x32xf32, #tpu.memory_space<vmem_shared>>
      tpu.enqueue_dma source(%arg12 : memref<1024x32xf32, #tpu.memory_space<vmem>>) target(%dma_start3A_129 : memref<1024x32xf32, #tpu.memory_space<vmem_shared>>) target_semaphore(%run_scoped3A : memref<!tpu.dma_semaphore, #tpu.memory_space<semaphore_mem>>)
      %dma_wait3A = arith.constant 0 : i32
      %dma_wait3A_130 = tpu.memref_slice %arg17[%add3A_80, %dma_wait3A] : memref<32768x32xf32, #tpu.memory_space<vmem_shared>> -> memref<1024x32xf32, #tpu.memory_space<vmem_shared>>
      %dma_wait3A_131 = arith.constant 0 : i32
      %dma_wait3A_132 = tpu.memref_slice %arg17[%add3A_80, %dma_wait3A_131] : memref<32768x32xf32, #tpu.memory_space<vmem_shared>> -> memref<1024x32xf32, #tpu.memory_space<vmem_shared>>
      tpu.wait_dma2 semaphore(%run_scoped3A : memref<!tpu.dma_semaphore, #tpu.memory_space<semaphore_mem>>) src(%arg12 : memref<1024x32xf32, #tpu.memory_space<vmem>>) dst(%dma_wait3A_132 : memref<1024x32xf32, #tpu.memory_space<vmem_shared>>)
      tpu.yield
    }) : () -> ()
    %mul3A_81 = arith.constant 2048 : i32
    %mul3A_82 = arith.muli %arg1, %mul3A_81 : i32
    %add3A_83 = arith.constant 1024 : i32
    %add3A_84 = arith.addi %mul3A_82, %add3A_83 : i32
    "tpu.region"() ({
      %run_scoped3A = tpu.sem_alloc : memref<!tpu.dma_semaphore, #tpu.memory_space<semaphore_mem>>
      %dma_start3A = tpu.memref_slice %arg15[%add3A_84] : memref<32768xi32, #tpu.memory_space<vmem_shared>> -> memref<1024xi32, #tpu.memory_space<vmem_shared>>
      %dma_start3A_127 = tpu.memref_slice %arg15[%add3A_84] : memref<32768xi32, #tpu.memory_space<vmem_shared>> -> memref<1024xi32, #tpu.memory_space<vmem_shared>>
      tpu.enqueue_dma source(%arg11 : memref<1024xi32, #tpu.memory_space<vmem>>) target(%dma_start3A_127 : memref<1024xi32, #tpu.memory_space<vmem_shared>>) target_semaphore(%run_scoped3A : memref<!tpu.dma_semaphore, #tpu.memory_space<semaphore_mem>>)
      %dma_wait3A = tpu.memref_slice %arg15[%add3A_84] : memref<32768xi32, #tpu.memory_space<vmem_shared>> -> memref<1024xi32, #tpu.memory_space<vmem_shared>>
      %dma_wait3A_128 = tpu.memref_slice %arg15[%add3A_84] : memref<32768xi32, #tpu.memory_space<vmem_shared>> -> memref<1024xi32, #tpu.memory_space<vmem_shared>>
      tpu.wait_dma2 semaphore(%run_scoped3A : memref<!tpu.dma_semaphore, #tpu.memory_space<semaphore_mem>>) src(%arg11 : memref<1024xi32, #tpu.memory_space<vmem>>) dst(%dma_wait3A_128 : memref<1024xi32, #tpu.memory_space<vmem_shared>>)
      tpu.yield
    }) : () -> ()
    %mul3A_85 = arith.constant 2048 : i32
    %mul3A_86 = arith.muli %arg1, %mul3A_85 : i32
    %add3A_87 = arith.constant 1024 : i32
    %add3A_88 = arith.addi %mul3A_86, %add3A_87 : i32
    "tpu.region"() ({
      %run_scoped3A = tpu.sem_alloc : memref<!tpu.dma_semaphore, #tpu.memory_space<semaphore_mem>>
      %dma_start3A = arith.constant 0 : i32
      %dma_start3A_127 = tpu.memref_slice %arg17[%add3A_88, %dma_start3A] : memref<32768x32xf32, #tpu.memory_space<vmem_shared>> -> memref<1024x32xf32, #tpu.memory_space<vmem_shared>>
      %dma_start3A_128 = arith.constant 0 : i32
      %dma_start3A_129 = tpu.memref_slice %arg17[%add3A_88, %dma_start3A_128] : memref<32768x32xf32, #tpu.memory_space<vmem_shared>> -> memref<1024x32xf32, #tpu.memory_space<vmem_shared>>
      tpu.enqueue_dma source(%arg12 : memref<1024x32xf32, #tpu.memory_space<vmem>>) target(%dma_start3A_129 : memref<1024x32xf32, #tpu.memory_space<vmem_shared>>) target_semaphore(%run_scoped3A : memref<!tpu.dma_semaphore, #tpu.memory_space<semaphore_mem>>)
      %dma_wait3A = arith.constant 0 : i32
      %dma_wait3A_130 = tpu.memref_slice %arg17[%add3A_88, %dma_wait3A] : memref<32768x32xf32, #tpu.memory_space<vmem_shared>> -> memref<1024x32xf32, #tpu.memory_space<vmem_shared>>
      %dma_wait3A_131 = arith.constant 0 : i32
      %dma_wait3A_132 = tpu.memref_slice %arg17[%add3A_88, %dma_wait3A_131] : memref<32768x32xf32, #tpu.memory_space<vmem_shared>> -> memref<1024x32xf32, #tpu.memory_space<vmem_shared>>
      tpu.wait_dma2 semaphore(%run_scoped3A : memref<!tpu.dma_semaphore, #tpu.memory_space<semaphore_mem>>) src(%arg12 : memref<1024x32xf32, #tpu.memory_space<vmem>>) dst(%dma_wait3A_132 : memref<1024x32xf32, #tpu.memory_space<vmem_shared>>)
      tpu.yield
    }) : () -> ()
    %barrier3A = arith.constant 0 : index
    tpu.barrier barrier_id(%barrier3A)
    %scan3A_89 = arith.constant 0 : i32
    %scan3A_90 = arith.constant 0 : i32
    %scan3A_91 = arith.constant 32 : i32
    %scan3A_92 = arith.addi %scan3A_90, %scan3A_91 : i32
    %scan3A_93 = arith.constant 1 : i32
    %scan3A_94 = scf.for %scan3A_127 = %scan3A_90 to %scan3A_92 step %scan3A_93 iter_args(%scan3A_128 = %scan3A_89) -> (i32)  : i32 {
      %mul3A_129 = arith.constant 256 : i32
      %mul3A_130 = arith.muli %arg1, %mul3A_129 : i32
      %mul3A_131 = arith.constant 8 : i32
      %mul3A_132 = arith.muli %scan3A_127, %mul3A_131 : i32
      %add3A_133 = arith.addi %mul3A_130, %mul3A_132 : i32
      %multiple_of3A = tpu.assume_multiple %add3A_133, 8 : i32
      "tpu.region"() ({
        %run_scoped3A_142 = tpu.sem_alloc : memref<!tpu.dma_semaphore, #tpu.memory_space<semaphore_mem>>
        %dma_start3A = arith.constant 0 : i32
        %dma_start3A_143 = tpu.memref_slice %arg4[%multiple_of3A, %dma_start3A] : memref<4096x128xi32, #tpu.memory_space<hbm>> -> memref<8x128xi32, #tpu.memory_space<hbm>>
        %dma_start3A_144 = arith.constant 0 : i32
        %dma_start3A_145 = tpu.memref_slice %arg4[%multiple_of3A, %dma_start3A_144] : memref<4096x128xi32, #tpu.memory_space<hbm>> -> memref<8x128xi32, #tpu.memory_space<hbm>>
        tpu.enqueue_dma source(%dma_start3A_145 : memref<8x128xi32, #tpu.memory_space<hbm>>) target(%arg7 : memref<8x128xi32, #tpu.memory_space<vmem>>) target_semaphore(%run_scoped3A_142 : memref<!tpu.dma_semaphore, #tpu.memory_space<semaphore_mem>>)
        %dma_wait3A = arith.constant 0 : i32
        %dma_wait3A_146 = tpu.memref_slice %arg4[%multiple_of3A, %dma_wait3A] : memref<4096x128xi32, #tpu.memory_space<hbm>> -> memref<8x128xi32, #tpu.memory_space<hbm>>
        %dma_wait3A_147 = arith.constant 0 : i32
        %dma_wait3A_148 = tpu.memref_slice %arg4[%multiple_of3A, %dma_wait3A_147] : memref<4096x128xi32, #tpu.memory_space<hbm>> -> memref<8x128xi32, #tpu.memory_space<hbm>>
        tpu.wait_dma2 semaphore(%run_scoped3A_142 : memref<!tpu.dma_semaphore, #tpu.memory_space<semaphore_mem>>) src(%dma_wait3A_148 : memref<8x128xi32, #tpu.memory_space<hbm>>) dst(%arg7 : memref<8x128xi32, #tpu.memory_space<vmem>>)
        tpu.yield
      }) : () -> ()
      %run_scoped3A = arith.constant 0 : i32
      "tpu.region"() ({
        %run_scoped3A_142 = tpu.sem_alloc : memref<!tpu.dma_semaphore, #tpu.memory_space<semaphore_mem>>
        %dma_start3A = arith.constant 0 : i32
        %dma_start3A_143 = tpu.memref_slice %arg7[%run_scoped3A, %dma_start3A] : memref<8x128xi32, #tpu.memory_space<vmem>> -> memref<1x128xi32, #tpu.memory_space<vmem>>
        %dma_start3A_144 = tpu.memref_squeeze %dma_start3A_143 : memref<1x128xi32, #tpu.memory_space<vmem>> -> memref<128xi32, #tpu.memory_space<vmem>>
        %dma_start3A_145 = arith.constant 0 : i32
        %dma_start3A_146 = tpu.memref_slice %arg14[%dma_start3A_145] : memref<131072xi32, #tpu.memory_space<vmem_shared>> -> memref<131072xi32, #tpu.memory_space<vmem_shared>>
        tpu.enqueue_indirect_dma source(%arg13 : memref<128xi32, #tpu.memory_space<vmem>>) target(%dma_start3A_146 : memref<131072xi32, #tpu.memory_space<vmem_shared>>) offsets(%dma_start3A_144 : memref<128xi32, #tpu.memory_space<vmem>>) semaphore(%run_scoped3A_142 : memref<!tpu.dma_semaphore, #tpu.memory_space<semaphore_mem>>) {add = true}
        %dma_wait3A = arith.constant 0 : i32
        %dma_wait3A_147 = tpu.memref_slice %arg7[%run_scoped3A, %dma_wait3A] : memref<8x128xi32, #tpu.memory_space<vmem>> -> memref<1x128xi32, #tpu.memory_space<vmem>>
        %dma_wait3A_148 = tpu.memref_squeeze %dma_wait3A_147 : memref<1x128xi32, #tpu.memory_space<vmem>> -> memref<128xi32, #tpu.memory_space<vmem>>
        %dma_wait3A_149 = arith.constant 0 : i32
        %dma_wait3A_150 = tpu.memref_slice %arg14[%dma_wait3A_149] : memref<131072xi32, #tpu.memory_space<vmem_shared>> -> memref<131072xi32, #tpu.memory_space<vmem_shared>>
        tpu.wait_indirect_dma semaphore(%run_scoped3A_142 : memref<!tpu.dma_semaphore, #tpu.memory_space<semaphore_mem>>) src(%arg13 : memref<128xi32, #tpu.memory_space<vmem>>) dst(%dma_wait3A_150 : memref<131072xi32, #tpu.memory_space<vmem_shared>>)
        tpu.yield
      }) : () -> ()
      %run_scoped3A_134 = arith.constant 1 : i32
      "tpu.region"() ({
        %run_scoped3A_142 = tpu.sem_alloc : memref<!tpu.dma_semaphore, #tpu.memory_space<semaphore_mem>>
        %dma_start3A = arith.constant 0 : i32
        %dma_start3A_143 = tpu.memref_slice %arg7[%run_scoped3A_134, %dma_start3A] : memref<8x128xi32, #tpu.memory_space<vmem>> -> memref<1x128xi32, #tpu.memory_space<vmem>>
        %dma_start3A_144 = tpu.memref_squeeze %dma_start3A_143 : memref<1x128xi32, #tpu.memory_space<vmem>> -> memref<128xi32, #tpu.memory_space<vmem>>
        %dma_start3A_145 = arith.constant 0 : i32
        %dma_start3A_146 = tpu.memref_slice %arg14[%dma_start3A_145] : memref<131072xi32, #tpu.memory_space<vmem_shared>> -> memref<131072xi32, #tpu.memory_space<vmem_shared>>
        tpu.enqueue_indirect_dma source(%arg13 : memref<128xi32, #tpu.memory_space<vmem>>) target(%dma_start3A_146 : memref<131072xi32, #tpu.memory_space<vmem_shared>>) offsets(%dma_start3A_144 : memref<128xi32, #tpu.memory_space<vmem>>) semaphore(%run_scoped3A_142 : memref<!tpu.dma_semaphore, #tpu.memory_space<semaphore_mem>>) {add = true}
        %dma_wait3A = arith.constant 0 : i32
        %dma_wait3A_147 = tpu.memref_slice %arg7[%run_scoped3A_134, %dma_wait3A] : memref<8x128xi32, #tpu.memory_space<vmem>> -> memref<1x128xi32, #tpu.memory_space<vmem>>
        %dma_wait3A_148 = tpu.memref_squeeze %dma_wait3A_147 : memref<1x128xi32, #tpu.memory_space<vmem>> -> memref<128xi32, #tpu.memory_space<vmem>>
        %dma_wait3A_149 = arith.constant 0 : i32
        %dma_wait3A_150 = tpu.memref_slice %arg14[%dma_wait3A_149] : memref<131072xi32, #tpu.memory_space<vmem_shared>> -> memref<131072xi32, #tpu.memory_space<vmem_shared>>
        tpu.wait_indirect_dma semaphore(%run_scoped3A_142 : memref<!tpu.dma_semaphore, #tpu.memory_space<semaphore_mem>>) src(%arg13 : memref<128xi32, #tpu.memory_space<vmem>>) dst(%dma_wait3A_150 : memref<131072xi32, #tpu.memory_space<vmem_shared>>)
        tpu.yield
      }) : () -> ()
      %run_scoped3A_135 = arith.constant 2 : i32
      "tpu.region"() ({
        %run_scoped3A_142 = tpu.sem_alloc : memref<!tpu.dma_semaphore, #tpu.memory_space<semaphore_mem>>
        %dma_start3A = arith.constant 0 : i32
        %dma_start3A_143 = tpu.memref_slice %arg7[%run_scoped3A_135, %dma_start3A] : memref<8x128xi32, #tpu.memory_space<vmem>> -> memref<1x128xi32, #tpu.memory_space<vmem>>
        %dma_start3A_144 = tpu.memref_squeeze %dma_start3A_143 : memref<1x128xi32, #tpu.memory_space<vmem>> -> memref<128xi32, #tpu.memory_space<vmem>>
        %dma_start3A_145 = arith.constant 0 : i32
        %dma_start3A_146 = tpu.memref_slice %arg14[%dma_start3A_145] : memref<131072xi32, #tpu.memory_space<vmem_shared>> -> memref<131072xi32, #tpu.memory_space<vmem_shared>>
        tpu.enqueue_indirect_dma source(%arg13 : memref<128xi32, #tpu.memory_space<vmem>>) target(%dma_start3A_146 : memref<131072xi32, #tpu.memory_space<vmem_shared>>) offsets(%dma_start3A_144 : memref<128xi32, #tpu.memory_space<vmem>>) semaphore(%run_scoped3A_142 : memref<!tpu.dma_semaphore, #tpu.memory_space<semaphore_mem>>) {add = true}
        %dma_wait3A = arith.constant 0 : i32
        %dma_wait3A_147 = tpu.memref_slice %arg7[%run_scoped3A_135, %dma_wait3A] : memref<8x128xi32, #tpu.memory_space<vmem>> -> memref<1x128xi32, #tpu.memory_space<vmem>>
        %dma_wait3A_148 = tpu.memref_squeeze %dma_wait3A_147 : memref<1x128xi32, #tpu.memory_space<vmem>> -> memref<128xi32, #tpu.memory_space<vmem>>
        %dma_wait3A_149 = arith.constant 0 : i32
        %dma_wait3A_150 = tpu.memref_slice %arg14[%dma_wait3A_149] : memref<131072xi32, #tpu.memory_space<vmem_shared>> -> memref<131072xi32, #tpu.memory_space<vmem_shared>>
        tpu.wait_indirect_dma semaphore(%run_scoped3A_142 : memref<!tpu.dma_semaphore, #tpu.memory_space<semaphore_mem>>) src(%arg13 : memref<128xi32, #tpu.memory_space<vmem>>) dst(%dma_wait3A_150 : memref<131072xi32, #tpu.memory_space<vmem_shared>>)
        tpu.yield
      }) : () -> ()
      %run_scoped3A_136 = arith.constant 3 : i32
      "tpu.region"() ({
        %run_scoped3A_142 = tpu.sem_alloc : memref<!tpu.dma_semaphore, #tpu.memory_space<semaphore_mem>>
        %dma_start3A = arith.constant 0 : i32
        %dma_start3A_143 = tpu.memref_slice %arg7[%run_scoped3A_136, %dma_start3A] : memref<8x128xi32, #tpu.memory_space<vmem>> -> memref<1x128xi32, #tpu.memory_space<vmem>>
        %dma_start3A_144 = tpu.memref_squeeze %dma_start3A_143 : memref<1x128xi32, #tpu.memory_space<vmem>> -> memref<128xi32, #tpu.memory_space<vmem>>
        %dma_start3A_145 = arith.constant 0 : i32
        %dma_start3A_146 = tpu.memref_slice %arg14[%dma_start3A_145] : memref<131072xi32, #tpu.memory_space<vmem_shared>> -> memref<131072xi32, #tpu.memory_space<vmem_shared>>
        tpu.enqueue_indirect_dma source(%arg13 : memref<128xi32, #tpu.memory_space<vmem>>) target(%dma_start3A_146 : memref<131072xi32, #tpu.memory_space<vmem_shared>>) offsets(%dma_start3A_144 : memref<128xi32, #tpu.memory_space<vmem>>) semaphore(%run_scoped3A_142 : memref<!tpu.dma_semaphore, #tpu.memory_space<semaphore_mem>>) {add = true}
        %dma_wait3A = arith.constant 0 : i32
        %dma_wait3A_147 = tpu.memref_slice %arg7[%run_scoped3A_136, %dma_wait3A] : memref<8x128xi32, #tpu.memory_space<vmem>> -> memref<1x128xi32, #tpu.memory_space<vmem>>
        %dma_wait3A_148 = tpu.memref_squeeze %dma_wait3A_147 : memref<1x128xi32, #tpu.memory_space<vmem>> -> memref<128xi32, #tpu.memory_space<vmem>>
        %dma_wait3A_149 = arith.constant 0 : i32
        %dma_wait3A_150 = tpu.memref_slice %arg14[%dma_wait3A_149] : memref<131072xi32, #tpu.memory_space<vmem_shared>> -> memref<131072xi32, #tpu.memory_space<vmem_shared>>
        tpu.wait_indirect_dma semaphore(%run_scoped3A_142 : memref<!tpu.dma_semaphore, #tpu.memory_space<semaphore_mem>>) src(%arg13 : memref<128xi32, #tpu.memory_space<vmem>>) dst(%dma_wait3A_150 : memref<131072xi32, #tpu.memory_space<vmem_shared>>)
        tpu.yield
      }) : () -> ()
      %run_scoped3A_137 = arith.constant 4 : i32
      "tpu.region"() ({
        %run_scoped3A_142 = tpu.sem_alloc : memref<!tpu.dma_semaphore, #tpu.memory_space<semaphore_mem>>
        %dma_start3A = arith.constant 0 : i32
        %dma_start3A_143 = tpu.memref_slice %arg7[%run_scoped3A_137, %dma_start3A] : memref<8x128xi32, #tpu.memory_space<vmem>> -> memref<1x128xi32, #tpu.memory_space<vmem>>
        %dma_start3A_144 = tpu.memref_squeeze %dma_start3A_143 : memref<1x128xi32, #tpu.memory_space<vmem>> -> memref<128xi32, #tpu.memory_space<vmem>>
        %dma_start3A_145 = arith.constant 0 : i32
        %dma_start3A_146 = tpu.memref_slice %arg14[%dma_start3A_145] : memref<131072xi32, #tpu.memory_space<vmem_shared>> -> memref<131072xi32, #tpu.memory_space<vmem_shared>>
        tpu.enqueue_indirect_dma source(%arg13 : memref<128xi32, #tpu.memory_space<vmem>>) target(%dma_start3A_146 : memref<131072xi32, #tpu.memory_space<vmem_shared>>) offsets(%dma_start3A_144 : memref<128xi32, #tpu.memory_space<vmem>>) semaphore(%run_scoped3A_142 : memref<!tpu.dma_semaphore, #tpu.memory_space<semaphore_mem>>) {add = true}
        %dma_wait3A = arith.constant 0 : i32
        %dma_wait3A_147 = tpu.memref_slice %arg7[%run_scoped3A_137, %dma_wait3A] : memref<8x128xi32, #tpu.memory_space<vmem>> -> memref<1x128xi32, #tpu.memory_space<vmem>>
        %dma_wait3A_148 = tpu.memref_squeeze %dma_wait3A_147 : memref<1x128xi32, #tpu.memory_space<vmem>> -> memref<128xi32, #tpu.memory_space<vmem>>
        %dma_wait3A_149 = arith.constant 0 : i32
        %dma_wait3A_150 = tpu.memref_slice %arg14[%dma_wait3A_149] : memref<131072xi32, #tpu.memory_space<vmem_shared>> -> memref<131072xi32, #tpu.memory_space<vmem_shared>>
        tpu.wait_indirect_dma semaphore(%run_scoped3A_142 : memref<!tpu.dma_semaphore, #tpu.memory_space<semaphore_mem>>) src(%arg13 : memref<128xi32, #tpu.memory_space<vmem>>) dst(%dma_wait3A_150 : memref<131072xi32, #tpu.memory_space<vmem_shared>>)
        tpu.yield
      }) : () -> ()
      %run_scoped3A_138 = arith.constant 5 : i32
      "tpu.region"() ({
        %run_scoped3A_142 = tpu.sem_alloc : memref<!tpu.dma_semaphore, #tpu.memory_space<semaphore_mem>>
        %dma_start3A = arith.constant 0 : i32
        %dma_start3A_143 = tpu.memref_slice %arg7[%run_scoped3A_138, %dma_start3A] : memref<8x128xi32, #tpu.memory_space<vmem>> -> memref<1x128xi32, #tpu.memory_space<vmem>>
        %dma_start3A_144 = tpu.memref_squeeze %dma_start3A_143 : memref<1x128xi32, #tpu.memory_space<vmem>> -> memref<128xi32, #tpu.memory_space<vmem>>
        %dma_start3A_145 = arith.constant 0 : i32
        %dma_start3A_146 = tpu.memref_slice %arg14[%dma_start3A_145] : memref<131072xi32, #tpu.memory_space<vmem_shared>> -> memref<131072xi32, #tpu.memory_space<vmem_shared>>
        tpu.enqueue_indirect_dma source(%arg13 : memref<128xi32, #tpu.memory_space<vmem>>) target(%dma_start3A_146 : memref<131072xi32, #tpu.memory_space<vmem_shared>>) offsets(%dma_start3A_144 : memref<128xi32, #tpu.memory_space<vmem>>) semaphore(%run_scoped3A_142 : memref<!tpu.dma_semaphore, #tpu.memory_space<semaphore_mem>>) {add = true}
        %dma_wait3A = arith.constant 0 : i32
        %dma_wait3A_147 = tpu.memref_slice %arg7[%run_scoped3A_138, %dma_wait3A] : memref<8x128xi32, #tpu.memory_space<vmem>> -> memref<1x128xi32, #tpu.memory_space<vmem>>
        %dma_wait3A_148 = tpu.memref_squeeze %dma_wait3A_147 : memref<1x128xi32, #tpu.memory_space<vmem>> -> memref<128xi32, #tpu.memory_space<vmem>>
        %dma_wait3A_149 = arith.constant 0 : i32
        %dma_wait3A_150 = tpu.memref_slice %arg14[%dma_wait3A_149] : memref<131072xi32, #tpu.memory_space<vmem_shared>> -> memref<131072xi32, #tpu.memory_space<vmem_shared>>
        tpu.wait_indirect_dma semaphore(%run_scoped3A_142 : memref<!tpu.dma_semaphore, #tpu.memory_space<semaphore_mem>>) src(%arg13 : memref<128xi32, #tpu.memory_space<vmem>>) dst(%dma_wait3A_150 : memref<131072xi32, #tpu.memory_space<vmem_shared>>)
        tpu.yield
      }) : () -> ()
      %run_scoped3A_139 = arith.constant 6 : i32
      "tpu.region"() ({
        %run_scoped3A_142 = tpu.sem_alloc : memref<!tpu.dma_semaphore, #tpu.memory_space<semaphore_mem>>
        %dma_start3A = arith.constant 0 : i32
        %dma_start3A_143 = tpu.memref_slice %arg7[%run_scoped3A_139, %dma_start3A] : memref<8x128xi32, #tpu.memory_space<vmem>> -> memref<1x128xi32, #tpu.memory_space<vmem>>
        %dma_start3A_144 = tpu.memref_squeeze %dma_start3A_143 : memref<1x128xi32, #tpu.memory_space<vmem>> -> memref<128xi32, #tpu.memory_space<vmem>>
        %dma_start3A_145 = arith.constant 0 : i32
        %dma_start3A_146 = tpu.memref_slice %arg14[%dma_start3A_145] : memref<131072xi32, #tpu.memory_space<vmem_shared>> -> memref<131072xi32, #tpu.memory_space<vmem_shared>>
        tpu.enqueue_indirect_dma source(%arg13 : memref<128xi32, #tpu.memory_space<vmem>>) target(%dma_start3A_146 : memref<131072xi32, #tpu.memory_space<vmem_shared>>) offsets(%dma_start3A_144 : memref<128xi32, #tpu.memory_space<vmem>>) semaphore(%run_scoped3A_142 : memref<!tpu.dma_semaphore, #tpu.memory_space<semaphore_mem>>) {add = true}
        %dma_wait3A = arith.constant 0 : i32
        %dma_wait3A_147 = tpu.memref_slice %arg7[%run_scoped3A_139, %dma_wait3A] : memref<8x128xi32, #tpu.memory_space<vmem>> -> memref<1x128xi32, #tpu.memory_space<vmem>>
        %dma_wait3A_148 = tpu.memref_squeeze %dma_wait3A_147 : memref<1x128xi32, #tpu.memory_space<vmem>> -> memref<128xi32, #tpu.memory_space<vmem>>
        %dma_wait3A_149 = arith.constant 0 : i32
        %dma_wait3A_150 = tpu.memref_slice %arg14[%dma_wait3A_149] : memref<131072xi32, #tpu.memory_space<vmem_shared>> -> memref<131072xi32, #tpu.memory_space<vmem_shared>>
        tpu.wait_indirect_dma semaphore(%run_scoped3A_142 : memref<!tpu.dma_semaphore, #tpu.memory_space<semaphore_mem>>) src(%arg13 : memref<128xi32, #tpu.memory_space<vmem>>) dst(%dma_wait3A_150 : memref<131072xi32, #tpu.memory_space<vmem_shared>>)
        tpu.yield
      }) : () -> ()
      %run_scoped3A_140 = arith.constant 7 : i32
      "tpu.region"() ({
        %run_scoped3A_142 = tpu.sem_alloc : memref<!tpu.dma_semaphore, #tpu.memory_space<semaphore_mem>>
        %dma_start3A = arith.constant 0 : i32
        %dma_start3A_143 = tpu.memref_slice %arg7[%run_scoped3A_140, %dma_start3A] : memref<8x128xi32, #tpu.memory_space<vmem>> -> memref<1x128xi32, #tpu.memory_space<vmem>>
        %dma_start3A_144 = tpu.memref_squeeze %dma_start3A_143 : memref<1x128xi32, #tpu.memory_space<vmem>> -> memref<128xi32, #tpu.memory_space<vmem>>
        %dma_start3A_145 = arith.constant 0 : i32
        %dma_start3A_146 = tpu.memref_slice %arg14[%dma_start3A_145] : memref<131072xi32, #tpu.memory_space<vmem_shared>> -> memref<131072xi32, #tpu.memory_space<vmem_shared>>
        tpu.enqueue_indirect_dma source(%arg13 : memref<128xi32, #tpu.memory_space<vmem>>) target(%dma_start3A_146 : memref<131072xi32, #tpu.memory_space<vmem_shared>>) offsets(%dma_start3A_144 : memref<128xi32, #tpu.memory_space<vmem>>) semaphore(%run_scoped3A_142 : memref<!tpu.dma_semaphore, #tpu.memory_space<semaphore_mem>>) {add = true}
        %dma_wait3A = arith.constant 0 : i32
        %dma_wait3A_147 = tpu.memref_slice %arg7[%run_scoped3A_140, %dma_wait3A] : memref<8x128xi32, #tpu.memory_space<vmem>> -> memref<1x128xi32, #tpu.memory_space<vmem>>
        %dma_wait3A_148 = tpu.memref_squeeze %dma_wait3A_147 : memref<1x128xi32, #tpu.memory_space<vmem>> -> memref<128xi32, #tpu.memory_space<vmem>>
        %dma_wait3A_149 = arith.constant 0 : i32
        %dma_wait3A_150 = tpu.memref_slice %arg14[%dma_wait3A_149] : memref<131072xi32, #tpu.memory_space<vmem_shared>> -> memref<131072xi32, #tpu.memory_space<vmem_shared>>
        tpu.wait_indirect_dma semaphore(%run_scoped3A_142 : memref<!tpu.dma_semaphore, #tpu.memory_space<semaphore_mem>>) src(%arg13 : memref<128xi32, #tpu.memory_space<vmem>>) dst(%dma_wait3A_150 : memref<131072xi32, #tpu.memory_space<vmem_shared>>)
        tpu.yield
      }) : () -> ()
      %scan3A_141 = arith.constant 0 : i32
      scf.yield %scan3A_141 : i32
    }
    %scan3A_95 = arith.constant 32 : i32
    %scan3A_96 = arith.constant 0 : i32
    %scan3A_97 = arith.constant 0 : i32
    %scan3A_98 = arith.constant 8 : i32
    %scan3A_99 = arith.addi %scan3A_97, %scan3A_98 : i32
    %scan3A_100 = arith.constant 1 : i32
    %scan3A_101 = scf.for %scan3A_127 = %scan3A_97 to %scan3A_99 step %scan3A_100 iter_args(%scan3A_128 = %scan3A_96) -> (i32)  : i32 {
      %mul3A_129 = arith.constant 64 : i32
      %mul3A_130 = arith.muli %arg1, %mul3A_129 : i32
      %mul3A_131 = arith.constant 8 : i32
      %mul3A_132 = arith.muli %scan3A_127, %mul3A_131 : i32
      %add3A_133 = arith.addi %mul3A_130, %mul3A_132 : i32
      %multiple_of3A = tpu.assume_multiple %add3A_133, 8 : i32
      "tpu.region"() ({
        %run_scoped3A_190 = tpu.sem_alloc : memref<!tpu.dma_semaphore, #tpu.memory_space<semaphore_mem>>
        %dma_start3A = arith.constant 0 : i32
        %dma_start3A_191 = tpu.memref_slice %arg5[%multiple_of3A, %dma_start3A] : memref<1024x128xi32, #tpu.memory_space<hbm>> -> memref<8x128xi32, #tpu.memory_space<hbm>>
        %dma_start3A_192 = arith.constant 0 : i32
        %dma_start3A_193 = tpu.memref_slice %arg5[%multiple_of3A, %dma_start3A_192] : memref<1024x128xi32, #tpu.memory_space<hbm>> -> memref<8x128xi32, #tpu.memory_space<hbm>>
        tpu.enqueue_dma source(%dma_start3A_193 : memref<8x128xi32, #tpu.memory_space<hbm>>) target(%arg7 : memref<8x128xi32, #tpu.memory_space<vmem>>) target_semaphore(%run_scoped3A_190 : memref<!tpu.dma_semaphore, #tpu.memory_space<semaphore_mem>>)
        %dma_wait3A = arith.constant 0 : i32
        %dma_wait3A_194 = tpu.memref_slice %arg5[%multiple_of3A, %dma_wait3A] : memref<1024x128xi32, #tpu.memory_space<hbm>> -> memref<8x128xi32, #tpu.memory_space<hbm>>
        %dma_wait3A_195 = arith.constant 0 : i32
        %dma_wait3A_196 = tpu.memref_slice %arg5[%multiple_of3A, %dma_wait3A_195] : memref<1024x128xi32, #tpu.memory_space<hbm>> -> memref<8x128xi32, #tpu.memory_space<hbm>>
        tpu.wait_dma2 semaphore(%run_scoped3A_190 : memref<!tpu.dma_semaphore, #tpu.memory_space<semaphore_mem>>) src(%dma_wait3A_196 : memref<8x128xi32, #tpu.memory_space<hbm>>) dst(%arg7 : memref<8x128xi32, #tpu.memory_space<vmem>>)
        tpu.yield
      }) : () -> ()
      %run_scoped3A = arith.constant 0 : i32
      "tpu.region"() ({
        %run_scoped3A_190 = tpu.sem_alloc : memref<!tpu.dma_semaphore, #tpu.memory_space<semaphore_mem>>
        %dma_start3A = arith.constant 0 : i32
        %dma_start3A_191 = tpu.memref_slice %arg7[%run_scoped3A, %dma_start3A] : memref<8x128xi32, #tpu.memory_space<vmem>> -> memref<1x128xi32, #tpu.memory_space<vmem>>
        %dma_start3A_192 = tpu.memref_squeeze %dma_start3A_191 : memref<1x128xi32, #tpu.memory_space<vmem>> -> memref<128xi32, #tpu.memory_space<vmem>>
        %dma_start3A_193 = arith.constant 0 : i32
        %dma_start3A_194 = tpu.memref_slice %arg15[%dma_start3A_193] : memref<32768xi32, #tpu.memory_space<vmem_shared>> -> memref<32768xi32, #tpu.memory_space<vmem_shared>>
        tpu.enqueue_indirect_dma source(%arg13 : memref<128xi32, #tpu.memory_space<vmem>>) target(%dma_start3A_194 : memref<32768xi32, #tpu.memory_space<vmem_shared>>) offsets(%dma_start3A_192 : memref<128xi32, #tpu.memory_space<vmem>>) semaphore(%run_scoped3A_190 : memref<!tpu.dma_semaphore, #tpu.memory_space<semaphore_mem>>) {add = true}
        %dma_wait3A = arith.constant 0 : i32
        %dma_wait3A_195 = tpu.memref_slice %arg7[%run_scoped3A, %dma_wait3A] : memref<8x128xi32, #tpu.memory_space<vmem>> -> memref<1x128xi32, #tpu.memory_space<vmem>>
        %dma_wait3A_196 = tpu.memref_squeeze %dma_wait3A_195 : memref<1x128xi32, #tpu.memory_space<vmem>> -> memref<128xi32, #tpu.memory_space<vmem>>
        %dma_wait3A_197 = arith.constant 0 : i32
        %dma_wait3A_198 = tpu.memref_slice %arg15[%dma_wait3A_197] : memref<32768xi32, #tpu.memory_space<vmem_shared>> -> memref<32768xi32, #tpu.memory_space<vmem_shared>>
        tpu.wait_indirect_dma semaphore(%run_scoped3A_190 : memref<!tpu.dma_semaphore, #tpu.memory_space<semaphore_mem>>) src(%arg13 : memref<128xi32, #tpu.memory_space<vmem>>) dst(%dma_wait3A_198 : memref<32768xi32, #tpu.memory_space<vmem_shared>>)
        tpu.yield
      }) : () -> ()
      %add3A_134 = arith.constant 0 : i32
      %add3A_135 = arith.addi %multiple_of3A, %add3A_134 : i32
      %mul3A_136 = arith.constant 128 : i32
      %mul3A_137 = arith.muli %add3A_135, %mul3A_136 : i32
      %multiple_of3A_138 = tpu.assume_multiple %mul3A_137, 128 : i32
      %run_scoped3A_139 = arith.constant 0 : i32
      "tpu.region"() ({
        %run_scoped3A_190 = tpu.sem_alloc : memref<!tpu.dma_semaphore, #tpu.memory_space<semaphore_mem>>
        %dma_start3A = arith.constant 0 : i32
        %dma_start3A_191 = tpu.memref_slice %arg7[%run_scoped3A_139, %dma_start3A] : memref<8x128xi32, #tpu.memory_space<vmem>> -> memref<1x128xi32, #tpu.memory_space<vmem>>
        %dma_start3A_192 = tpu.memref_squeeze %dma_start3A_191 : memref<1x128xi32, #tpu.memory_space<vmem>> -> memref<128xi32, #tpu.memory_space<vmem>>
        %dma_start3A_193 = tpu.memref_slice %arg16[%multiple_of3A_138] : memref<131072xi32, #tpu.memory_space<vmem_shared>> -> memref<128xi32, #tpu.memory_space<vmem_shared>>
        %dma_start3A_194 = tpu.memref_slice %arg16[%multiple_of3A_138] : memref<131072xi32, #tpu.memory_space<vmem_shared>> -> memref<128xi32, #tpu.memory_space<vmem_shared>>
        %dma_start3A_195 = arith.constant 0 : i32
        %dma_start3A_196 = tpu.memref_slice %arg7[%run_scoped3A_139, %dma_start3A_195] : memref<8x128xi32, #tpu.memory_space<vmem>> -> memref<1x128xi32, #tpu.memory_space<vmem>>
        %dma_start3A_197 = tpu.memref_squeeze %dma_start3A_196 : memref<1x128xi32, #tpu.memory_space<vmem>> -> memref<128xi32, #tpu.memory_space<vmem>>
        tpu.enqueue_dma source(%dma_start3A_197 : memref<128xi32, #tpu.memory_space<vmem>>) target(%dma_start3A_194 : memref<128xi32, #tpu.memory_space<vmem_shared>>) target_semaphore(%run_scoped3A_190 : memref<!tpu.dma_semaphore, #tpu.memory_space<semaphore_mem>>)
        %dma_wait3A = arith.constant 0 : i32
        %dma_wait3A_198 = tpu.memref_slice %arg7[%run_scoped3A_139, %dma_wait3A] : memref<8x128xi32, #tpu.memory_space<vmem>> -> memref<1x128xi32, #tpu.memory_space<vmem>>
        %dma_wait3A_199 = tpu.memref_squeeze %dma_wait3A_198 : memref<1x128xi32, #tpu.memory_space<vmem>> -> memref<128xi32, #tpu.memory_space<vmem>>
        %dma_wait3A_200 = tpu.memref_slice %arg16[%multiple_of3A_138] : memref<131072xi32, #tpu.memory_space<vmem_shared>> -> memref<128xi32, #tpu.memory_space<vmem_shared>>
        %dma_wait3A_201 = tpu.memref_slice %arg16[%multiple_of3A_138] : memref<131072xi32, #tpu.memory_space<vmem_shared>> -> memref<128xi32, #tpu.memory_space<vmem_shared>>
        %dma_wait3A_202 = arith.constant 0 : i32
        %dma_wait3A_203 = tpu.memref_slice %arg7[%run_scoped3A_139, %dma_wait3A_202] : memref<8x128xi32, #tpu.memory_space<vmem>> -> memref<1x128xi32, #tpu.memory_space<vmem>>
        %dma_wait3A_204 = tpu.memref_squeeze %dma_wait3A_203 : memref<1x128xi32, #tpu.memory_space<vmem>> -> memref<128xi32, #tpu.memory_space<vmem>>
        tpu.wait_dma2 semaphore(%run_scoped3A_190 : memref<!tpu.dma_semaphore, #tpu.memory_space<semaphore_mem>>) src(%dma_wait3A_204 : memref<128xi32, #tpu.memory_space<vmem>>) dst(%dma_wait3A_201 : memref<128xi32, #tpu.memory_space<vmem_shared>>)
        tpu.yield
      }) : () -> ()
      %run_scoped3A_140 = arith.constant 1 : i32
      "tpu.region"() ({
        %run_scoped3A_190 = tpu.sem_alloc : memref<!tpu.dma_semaphore, #tpu.memory_space<semaphore_mem>>
        %dma_start3A = arith.constant 0 : i32
        %dma_start3A_191 = tpu.memref_slice %arg7[%run_scoped3A_140, %dma_start3A] : memref<8x128xi32, #tpu.memory_space<vmem>> -> memref<1x128xi32, #tpu.memory_space<vmem>>
        %dma_start3A_192 = tpu.memref_squeeze %dma_start3A_191 : memref<1x128xi32, #tpu.memory_space<vmem>> -> memref<128xi32, #tpu.memory_space<vmem>>
        %dma_start3A_193 = arith.constant 0 : i32
        %dma_start3A_194 = tpu.memref_slice %arg15[%dma_start3A_193] : memref<32768xi32, #tpu.memory_space<vmem_shared>> -> memref<32768xi32, #tpu.memory_space<vmem_shared>>
        tpu.enqueue_indirect_dma source(%arg13 : memref<128xi32, #tpu.memory_space<vmem>>) target(%dma_start3A_194 : memref<32768xi32, #tpu.memory_space<vmem_shared>>) offsets(%dma_start3A_192 : memref<128xi32, #tpu.memory_space<vmem>>) semaphore(%run_scoped3A_190 : memref<!tpu.dma_semaphore, #tpu.memory_space<semaphore_mem>>) {add = true}
        %dma_wait3A = arith.constant 0 : i32
        %dma_wait3A_195 = tpu.memref_slice %arg7[%run_scoped3A_140, %dma_wait3A] : memref<8x128xi32, #tpu.memory_space<vmem>> -> memref<1x128xi32, #tpu.memory_space<vmem>>
        %dma_wait3A_196 = tpu.memref_squeeze %dma_wait3A_195 : memref<1x128xi32, #tpu.memory_space<vmem>> -> memref<128xi32, #tpu.memory_space<vmem>>
        %dma_wait3A_197 = arith.constant 0 : i32
        %dma_wait3A_198 = tpu.memref_slice %arg15[%dma_wait3A_197] : memref<32768xi32, #tpu.memory_space<vmem_shared>> -> memref<32768xi32, #tpu.memory_space<vmem_shared>>
        tpu.wait_indirect_dma semaphore(%run_scoped3A_190 : memref<!tpu.dma_semaphore, #tpu.memory_space<semaphore_mem>>) src(%arg13 : memref<128xi32, #tpu.memory_space<vmem>>) dst(%dma_wait3A_198 : memref<32768xi32, #tpu.memory_space<vmem_shared>>)
        tpu.yield
      }) : () -> ()
      %add3A_141 = arith.constant 1 : i32
      %add3A_142 = arith.addi %multiple_of3A, %add3A_141 : i32
      %mul3A_143 = arith.constant 128 : i32
      %mul3A_144 = arith.muli %add3A_142, %mul3A_143 : i32
      %multiple_of3A_145 = tpu.assume_multiple %mul3A_144, 128 : i32
      %run_scoped3A_146 = arith.constant 1 : i32
      "tpu.region"() ({
        %run_scoped3A_190 = tpu.sem_alloc : memref<!tpu.dma_semaphore, #tpu.memory_space<semaphore_mem>>
        %dma_start3A = arith.constant 0 : i32
        %dma_start3A_191 = tpu.memref_slice %arg7[%run_scoped3A_146, %dma_start3A] : memref<8x128xi32, #tpu.memory_space<vmem>> -> memref<1x128xi32, #tpu.memory_space<vmem>>
        %dma_start3A_192 = tpu.memref_squeeze %dma_start3A_191 : memref<1x128xi32, #tpu.memory_space<vmem>> -> memref<128xi32, #tpu.memory_space<vmem>>
        %dma_start3A_193 = tpu.memref_slice %arg16[%multiple_of3A_145] : memref<131072xi32, #tpu.memory_space<vmem_shared>> -> memref<128xi32, #tpu.memory_space<vmem_shared>>
        %dma_start3A_194 = tpu.memref_slice %arg16[%multiple_of3A_145] : memref<131072xi32, #tpu.memory_space<vmem_shared>> -> memref<128xi32, #tpu.memory_space<vmem_shared>>
        %dma_start3A_195 = arith.constant 0 : i32
        %dma_start3A_196 = tpu.memref_slice %arg7[%run_scoped3A_146, %dma_start3A_195] : memref<8x128xi32, #tpu.memory_space<vmem>> -> memref<1x128xi32, #tpu.memory_space<vmem>>
        %dma_start3A_197 = tpu.memref_squeeze %dma_start3A_196 : memref<1x128xi32, #tpu.memory_space<vmem>> -> memref<128xi32, #tpu.memory_space<vmem>>
        tpu.enqueue_dma source(%dma_start3A_197 : memref<128xi32, #tpu.memory_space<vmem>>) target(%dma_start3A_194 : memref<128xi32, #tpu.memory_space<vmem_shared>>) target_semaphore(%run_scoped3A_190 : memref<!tpu.dma_semaphore, #tpu.memory_space<semaphore_mem>>)
        %dma_wait3A = arith.constant 0 : i32
        %dma_wait3A_198 = tpu.memref_slice %arg7[%run_scoped3A_146, %dma_wait3A] : memref<8x128xi32, #tpu.memory_space<vmem>> -> memref<1x128xi32, #tpu.memory_space<vmem>>
        %dma_wait3A_199 = tpu.memref_squeeze %dma_wait3A_198 : memref<1x128xi32, #tpu.memory_space<vmem>> -> memref<128xi32, #tpu.memory_space<vmem>>
        %dma_wait3A_200 = tpu.memref_slice %arg16[%multiple_of3A_145] : memref<131072xi32, #tpu.memory_space<vmem_shared>> -> memref<128xi32, #tpu.memory_space<vmem_shared>>
        %dma_wait3A_201 = tpu.memref_slice %arg16[%multiple_of3A_145] : memref<131072xi32, #tpu.memory_space<vmem_shared>> -> memref<128xi32, #tpu.memory_space<vmem_shared>>
        %dma_wait3A_202 = arith.constant 0 : i32
        %dma_wait3A_203 = tpu.memref_slice %arg7[%run_scoped3A_146, %dma_wait3A_202] : memref<8x128xi32, #tpu.memory_space<vmem>> -> memref<1x128xi32, #tpu.memory_space<vmem>>
        %dma_wait3A_204 = tpu.memref_squeeze %dma_wait3A_203 : memref<1x128xi32, #tpu.memory_space<vmem>> -> memref<128xi32, #tpu.memory_space<vmem>>
        tpu.wait_dma2 semaphore(%run_scoped3A_190 : memref<!tpu.dma_semaphore, #tpu.memory_space<semaphore_mem>>) src(%dma_wait3A_204 : memref<128xi32, #tpu.memory_space<vmem>>) dst(%dma_wait3A_201 : memref<128xi32, #tpu.memory_space<vmem_shared>>)
        tpu.yield
      }) : () -> ()
      %run_scoped3A_147 = arith.constant 2 : i32
      "tpu.region"() ({
        %run_scoped3A_190 = tpu.sem_alloc : memref<!tpu.dma_semaphore, #tpu.memory_space<semaphore_mem>>
        %dma_start3A = arith.constant 0 : i32
        %dma_start3A_191 = tpu.memref_slice %arg7[%run_scoped3A_147, %dma_start3A] : memref<8x128xi32, #tpu.memory_space<vmem>> -> memref<1x128xi32, #tpu.memory_space<vmem>>
        %dma_start3A_192 = tpu.memref_squeeze %dma_start3A_191 : memref<1x128xi32, #tpu.memory_space<vmem>> -> memref<128xi32, #tpu.memory_space<vmem>>
        %dma_start3A_193 = arith.constant 0 : i32
        %dma_start3A_194 = tpu.memref_slice %arg15[%dma_start3A_193] : memref<32768xi32, #tpu.memory_space<vmem_shared>> -> memref<32768xi32, #tpu.memory_space<vmem_shared>>
        tpu.enqueue_indirect_dma source(%arg13 : memref<128xi32, #tpu.memory_space<vmem>>) target(%dma_start3A_194 : memref<32768xi32, #tpu.memory_space<vmem_shared>>) offsets(%dma_start3A_192 : memref<128xi32, #tpu.memory_space<vmem>>) semaphore(%run_scoped3A_190 : memref<!tpu.dma_semaphore, #tpu.memory_space<semaphore_mem>>) {add = true}
        %dma_wait3A = arith.constant 0 : i32
        %dma_wait3A_195 = tpu.memref_slice %arg7[%run_scoped3A_147, %dma_wait3A] : memref<8x128xi32, #tpu.memory_space<vmem>> -> memref<1x128xi32, #tpu.memory_space<vmem>>
        %dma_wait3A_196 = tpu.memref_squeeze %dma_wait3A_195 : memref<1x128xi32, #tpu.memory_space<vmem>> -> memref<128xi32, #tpu.memory_space<vmem>>
        %dma_wait3A_197 = arith.constant 0 : i32
        %dma_wait3A_198 = tpu.memref_slice %arg15[%dma_wait3A_197] : memref<32768xi32, #tpu.memory_space<vmem_shared>> -> memref<32768xi32, #tpu.memory_space<vmem_shared>>
        tpu.wait_indirect_dma semaphore(%run_scoped3A_190 : memref<!tpu.dma_semaphore, #tpu.memory_space<semaphore_mem>>) src(%arg13 : memref<128xi32, #tpu.memory_space<vmem>>) dst(%dma_wait3A_198 : memref<32768xi32, #tpu.memory_space<vmem_shared>>)
        tpu.yield
      }) : () -> ()
      %add3A_148 = arith.constant 2 : i32
      %add3A_149 = arith.addi %multiple_of3A, %add3A_148 : i32
      %mul3A_150 = arith.constant 128 : i32
      %mul3A_151 = arith.muli %add3A_149, %mul3A_150 : i32
      %multiple_of3A_152 = tpu.assume_multiple %mul3A_151, 128 : i32
      %run_scoped3A_153 = arith.constant 2 : i32
      "tpu.region"() ({
        %run_scoped3A_190 = tpu.sem_alloc : memref<!tpu.dma_semaphore, #tpu.memory_space<semaphore_mem>>
        %dma_start3A = arith.constant 0 : i32
        %dma_start3A_191 = tpu.memref_slice %arg7[%run_scoped3A_153, %dma_start3A] : memref<8x128xi32, #tpu.memory_space<vmem>> -> memref<1x128xi32, #tpu.memory_space<vmem>>
        %dma_start3A_192 = tpu.memref_squeeze %dma_start3A_191 : memref<1x128xi32, #tpu.memory_space<vmem>> -> memref<128xi32, #tpu.memory_space<vmem>>
        %dma_start3A_193 = tpu.memref_slice %arg16[%multiple_of3A_152] : memref<131072xi32, #tpu.memory_space<vmem_shared>> -> memref<128xi32, #tpu.memory_space<vmem_shared>>
        %dma_start3A_194 = tpu.memref_slice %arg16[%multiple_of3A_152] : memref<131072xi32, #tpu.memory_space<vmem_shared>> -> memref<128xi32, #tpu.memory_space<vmem_shared>>
        %dma_start3A_195 = arith.constant 0 : i32
        %dma_start3A_196 = tpu.memref_slice %arg7[%run_scoped3A_153, %dma_start3A_195] : memref<8x128xi32, #tpu.memory_space<vmem>> -> memref<1x128xi32, #tpu.memory_space<vmem>>
        %dma_start3A_197 = tpu.memref_squeeze %dma_start3A_196 : memref<1x128xi32, #tpu.memory_space<vmem>> -> memref<128xi32, #tpu.memory_space<vmem>>
        tpu.enqueue_dma source(%dma_start3A_197 : memref<128xi32, #tpu.memory_space<vmem>>) target(%dma_start3A_194 : memref<128xi32, #tpu.memory_space<vmem_shared>>) target_semaphore(%run_scoped3A_190 : memref<!tpu.dma_semaphore, #tpu.memory_space<semaphore_mem>>)
        %dma_wait3A = arith.constant 0 : i32
        %dma_wait3A_198 = tpu.memref_slice %arg7[%run_scoped3A_153, %dma_wait3A] : memref<8x128xi32, #tpu.memory_space<vmem>> -> memref<1x128xi32, #tpu.memory_space<vmem>>
        %dma_wait3A_199 = tpu.memref_squeeze %dma_wait3A_198 : memref<1x128xi32, #tpu.memory_space<vmem>> -> memref<128xi32, #tpu.memory_space<vmem>>
        %dma_wait3A_200 = tpu.memref_slice %arg16[%multiple_of3A_152] : memref<131072xi32, #tpu.memory_space<vmem_shared>> -> memref<128xi32, #tpu.memory_space<vmem_shared>>
        %dma_wait3A_201 = tpu.memref_slice %arg16[%multiple_of3A_152] : memref<131072xi32, #tpu.memory_space<vmem_shared>> -> memref<128xi32, #tpu.memory_space<vmem_shared>>
        %dma_wait3A_202 = arith.constant 0 : i32
        %dma_wait3A_203 = tpu.memref_slice %arg7[%run_scoped3A_153, %dma_wait3A_202] : memref<8x128xi32, #tpu.memory_space<vmem>> -> memref<1x128xi32, #tpu.memory_space<vmem>>
        %dma_wait3A_204 = tpu.memref_squeeze %dma_wait3A_203 : memref<1x128xi32, #tpu.memory_space<vmem>> -> memref<128xi32, #tpu.memory_space<vmem>>
        tpu.wait_dma2 semaphore(%run_scoped3A_190 : memref<!tpu.dma_semaphore, #tpu.memory_space<semaphore_mem>>) src(%dma_wait3A_204 : memref<128xi32, #tpu.memory_space<vmem>>) dst(%dma_wait3A_201 : memref<128xi32, #tpu.memory_space<vmem_shared>>)
        tpu.yield
      }) : () -> ()
      %run_scoped3A_154 = arith.constant 3 : i32
      "tpu.region"() ({
        %run_scoped3A_190 = tpu.sem_alloc : memref<!tpu.dma_semaphore, #tpu.memory_space<semaphore_mem>>
        %dma_start3A = arith.constant 0 : i32
        %dma_start3A_191 = tpu.memref_slice %arg7[%run_scoped3A_154, %dma_start3A] : memref<8x128xi32, #tpu.memory_space<vmem>> -> memref<1x128xi32, #tpu.memory_space<vmem>>
        %dma_start3A_192 = tpu.memref_squeeze %dma_start3A_191 : memref<1x128xi32, #tpu.memory_space<vmem>> -> memref<128xi32, #tpu.memory_space<vmem>>
        %dma_start3A_193 = arith.constant 0 : i32
        %dma_start3A_194 = tpu.memref_slice %arg15[%dma_start3A_193] : memref<32768xi32, #tpu.memory_space<vmem_shared>> -> memref<32768xi32, #tpu.memory_space<vmem_shared>>
        tpu.enqueue_indirect_dma source(%arg13 : memref<128xi32, #tpu.memory_space<vmem>>) target(%dma_start3A_194 : memref<32768xi32, #tpu.memory_space<vmem_shared>>) offsets(%dma_start3A_192 : memref<128xi32, #tpu.memory_space<vmem>>) semaphore(%run_scoped3A_190 : memref<!tpu.dma_semaphore, #tpu.memory_space<semaphore_mem>>) {add = true}
        %dma_wait3A = arith.constant 0 : i32
        %dma_wait3A_195 = tpu.memref_slice %arg7[%run_scoped3A_154, %dma_wait3A] : memref<8x128xi32, #tpu.memory_space<vmem>> -> memref<1x128xi32, #tpu.memory_space<vmem>>
        %dma_wait3A_196 = tpu.memref_squeeze %dma_wait3A_195 : memref<1x128xi32, #tpu.memory_space<vmem>> -> memref<128xi32, #tpu.memory_space<vmem>>
        %dma_wait3A_197 = arith.constant 0 : i32
        %dma_wait3A_198 = tpu.memref_slice %arg15[%dma_wait3A_197] : memref<32768xi32, #tpu.memory_space<vmem_shared>> -> memref<32768xi32, #tpu.memory_space<vmem_shared>>
        tpu.wait_indirect_dma semaphore(%run_scoped3A_190 : memref<!tpu.dma_semaphore, #tpu.memory_space<semaphore_mem>>) src(%arg13 : memref<128xi32, #tpu.memory_space<vmem>>) dst(%dma_wait3A_198 : memref<32768xi32, #tpu.memory_space<vmem_shared>>)
        tpu.yield
      }) : () -> ()
      %add3A_155 = arith.constant 3 : i32
      %add3A_156 = arith.addi %multiple_of3A, %add3A_155 : i32
      %mul3A_157 = arith.constant 128 : i32
      %mul3A_158 = arith.muli %add3A_156, %mul3A_157 : i32
      %multiple_of3A_159 = tpu.assume_multiple %mul3A_158, 128 : i32
      %run_scoped3A_160 = arith.constant 3 : i32
      "tpu.region"() ({
        %run_scoped3A_190 = tpu.sem_alloc : memref<!tpu.dma_semaphore, #tpu.memory_space<semaphore_mem>>
        %dma_start3A = arith.constant 0 : i32
        %dma_start3A_191 = tpu.memref_slice %arg7[%run_scoped3A_160, %dma_start3A] : memref<8x128xi32, #tpu.memory_space<vmem>> -> memref<1x128xi32, #tpu.memory_space<vmem>>
        %dma_start3A_192 = tpu.memref_squeeze %dma_start3A_191 : memref<1x128xi32, #tpu.memory_space<vmem>> -> memref<128xi32, #tpu.memory_space<vmem>>
        %dma_start3A_193 = tpu.memref_slice %arg16[%multiple_of3A_159] : memref<131072xi32, #tpu.memory_space<vmem_shared>> -> memref<128xi32, #tpu.memory_space<vmem_shared>>
        %dma_start3A_194 = tpu.memref_slice %arg16[%multiple_of3A_159] : memref<131072xi32, #tpu.memory_space<vmem_shared>> -> memref<128xi32, #tpu.memory_space<vmem_shared>>
        %dma_start3A_195 = arith.constant 0 : i32
        %dma_start3A_196 = tpu.memref_slice %arg7[%run_scoped3A_160, %dma_start3A_195] : memref<8x128xi32, #tpu.memory_space<vmem>> -> memref<1x128xi32, #tpu.memory_space<vmem>>
        %dma_start3A_197 = tpu.memref_squeeze %dma_start3A_196 : memref<1x128xi32, #tpu.memory_space<vmem>> -> memref<128xi32, #tpu.memory_space<vmem>>
        tpu.enqueue_dma source(%dma_start3A_197 : memref<128xi32, #tpu.memory_space<vmem>>) target(%dma_start3A_194 : memref<128xi32, #tpu.memory_space<vmem_shared>>) target_semaphore(%run_scoped3A_190 : memref<!tpu.dma_semaphore, #tpu.memory_space<semaphore_mem>>)
        %dma_wait3A = arith.constant 0 : i32
        %dma_wait3A_198 = tpu.memref_slice %arg7[%run_scoped3A_160, %dma_wait3A] : memref<8x128xi32, #tpu.memory_space<vmem>> -> memref<1x128xi32, #tpu.memory_space<vmem>>
        %dma_wait3A_199 = tpu.memref_squeeze %dma_wait3A_198 : memref<1x128xi32, #tpu.memory_space<vmem>> -> memref<128xi32, #tpu.memory_space<vmem>>
        %dma_wait3A_200 = tpu.memref_slice %arg16[%multiple_of3A_159] : memref<131072xi32, #tpu.memory_space<vmem_shared>> -> memref<128xi32, #tpu.memory_space<vmem_shared>>
        %dma_wait3A_201 = tpu.memref_slice %arg16[%multiple_of3A_159] : memref<131072xi32, #tpu.memory_space<vmem_shared>> -> memref<128xi32, #tpu.memory_space<vmem_shared>>
        %dma_wait3A_202 = arith.constant 0 : i32
        %dma_wait3A_203 = tpu.memref_slice %arg7[%run_scoped3A_160, %dma_wait3A_202] : memref<8x128xi32, #tpu.memory_space<vmem>> -> memref<1x128xi32, #tpu.memory_space<vmem>>
        %dma_wait3A_204 = tpu.memref_squeeze %dma_wait3A_203 : memref<1x128xi32, #tpu.memory_space<vmem>> -> memref<128xi32, #tpu.memory_space<vmem>>
        tpu.wait_dma2 semaphore(%run_scoped3A_190 : memref<!tpu.dma_semaphore, #tpu.memory_space<semaphore_mem>>) src(%dma_wait3A_204 : memref<128xi32, #tpu.memory_space<vmem>>) dst(%dma_wait3A_201 : memref<128xi32, #tpu.memory_space<vmem_shared>>)
        tpu.yield
      }) : () -> ()
      %run_scoped3A_161 = arith.constant 4 : i32
      "tpu.region"() ({
        %run_scoped3A_190 = tpu.sem_alloc : memref<!tpu.dma_semaphore, #tpu.memory_space<semaphore_mem>>
        %dma_start3A = arith.constant 0 : i32
        %dma_start3A_191 = tpu.memref_slice %arg7[%run_scoped3A_161, %dma_start3A] : memref<8x128xi32, #tpu.memory_space<vmem>> -> memref<1x128xi32, #tpu.memory_space<vmem>>
        %dma_start3A_192 = tpu.memref_squeeze %dma_start3A_191 : memref<1x128xi32, #tpu.memory_space<vmem>> -> memref<128xi32, #tpu.memory_space<vmem>>
        %dma_start3A_193 = arith.constant 0 : i32
        %dma_start3A_194 = tpu.memref_slice %arg15[%dma_start3A_193] : memref<32768xi32, #tpu.memory_space<vmem_shared>> -> memref<32768xi32, #tpu.memory_space<vmem_shared>>
        tpu.enqueue_indirect_dma source(%arg13 : memref<128xi32, #tpu.memory_space<vmem>>) target(%dma_start3A_194 : memref<32768xi32, #tpu.memory_space<vmem_shared>>) offsets(%dma_start3A_192 : memref<128xi32, #tpu.memory_space<vmem>>) semaphore(%run_scoped3A_190 : memref<!tpu.dma_semaphore, #tpu.memory_space<semaphore_mem>>) {add = true}
        %dma_wait3A = arith.constant 0 : i32
        %dma_wait3A_195 = tpu.memref_slice %arg7[%run_scoped3A_161, %dma_wait3A] : memref<8x128xi32, #tpu.memory_space<vmem>> -> memref<1x128xi32, #tpu.memory_space<vmem>>
        %dma_wait3A_196 = tpu.memref_squeeze %dma_wait3A_195 : memref<1x128xi32, #tpu.memory_space<vmem>> -> memref<128xi32, #tpu.memory_space<vmem>>
        %dma_wait3A_197 = arith.constant 0 : i32
        %dma_wait3A_198 = tpu.memref_slice %arg15[%dma_wait3A_197] : memref<32768xi32, #tpu.memory_space<vmem_shared>> -> memref<32768xi32, #tpu.memory_space<vmem_shared>>
        tpu.wait_indirect_dma semaphore(%run_scoped3A_190 : memref<!tpu.dma_semaphore, #tpu.memory_space<semaphore_mem>>) src(%arg13 : memref<128xi32, #tpu.memory_space<vmem>>) dst(%dma_wait3A_198 : memref<32768xi32, #tpu.memory_space<vmem_shared>>)
        tpu.yield
      }) : () -> ()
      %add3A_162 = arith.constant 4 : i32
      %add3A_163 = arith.addi %multiple_of3A, %add3A_162 : i32
      %mul3A_164 = arith.constant 128 : i32
      %mul3A_165 = arith.muli %add3A_163, %mul3A_164 : i32
      %multiple_of3A_166 = tpu.assume_multiple %mul3A_165, 128 : i32
      %run_scoped3A_167 = arith.constant 4 : i32
      "tpu.region"() ({
        %run_scoped3A_190 = tpu.sem_alloc : memref<!tpu.dma_semaphore, #tpu.memory_space<semaphore_mem>>
        %dma_start3A = arith.constant 0 : i32
        %dma_start3A_191 = tpu.memref_slice %arg7[%run_scoped3A_167, %dma_start3A] : memref<8x128xi32, #tpu.memory_space<vmem>> -> memref<1x128xi32, #tpu.memory_space<vmem>>
        %dma_start3A_192 = tpu.memref_squeeze %dma_start3A_191 : memref<1x128xi32, #tpu.memory_space<vmem>> -> memref<128xi32, #tpu.memory_space<vmem>>
        %dma_start3A_193 = tpu.memref_slice %arg16[%multiple_of3A_166] : memref<131072xi32, #tpu.memory_space<vmem_shared>> -> memref<128xi32, #tpu.memory_space<vmem_shared>>
        %dma_start3A_194 = tpu.memref_slice %arg16[%multiple_of3A_166] : memref<131072xi32, #tpu.memory_space<vmem_shared>> -> memref<128xi32, #tpu.memory_space<vmem_shared>>
        %dma_start3A_195 = arith.constant 0 : i32
        %dma_start3A_196 = tpu.memref_slice %arg7[%run_scoped3A_167, %dma_start3A_195] : memref<8x128xi32, #tpu.memory_space<vmem>> -> memref<1x128xi32, #tpu.memory_space<vmem>>
        %dma_start3A_197 = tpu.memref_squeeze %dma_start3A_196 : memref<1x128xi32, #tpu.memory_space<vmem>> -> memref<128xi32, #tpu.memory_space<vmem>>
        tpu.enqueue_dma source(%dma_start3A_197 : memref<128xi32, #tpu.memory_space<vmem>>) target(%dma_start3A_194 : memref<128xi32, #tpu.memory_space<vmem_shared>>) target_semaphore(%run_scoped3A_190 : memref<!tpu.dma_semaphore, #tpu.memory_space<semaphore_mem>>)
        %dma_wait3A = arith.constant 0 : i32
        %dma_wait3A_198 = tpu.memref_slice %arg7[%run_scoped3A_167, %dma_wait3A] : memref<8x128xi32, #tpu.memory_space<vmem>> -> memref<1x128xi32, #tpu.memory_space<vmem>>
        %dma_wait3A_199 = tpu.memref_squeeze %dma_wait3A_198 : memref<1x128xi32, #tpu.memory_space<vmem>> -> memref<128xi32, #tpu.memory_space<vmem>>
        %dma_wait3A_200 = tpu.memref_slice %arg16[%multiple_of3A_166] : memref<131072xi32, #tpu.memory_space<vmem_shared>> -> memref<128xi32, #tpu.memory_space<vmem_shared>>
        %dma_wait3A_201 = tpu.memref_slice %arg16[%multiple_of3A_166] : memref<131072xi32, #tpu.memory_space<vmem_shared>> -> memref<128xi32, #tpu.memory_space<vmem_shared>>
        %dma_wait3A_202 = arith.constant 0 : i32
        %dma_wait3A_203 = tpu.memref_slice %arg7[%run_scoped3A_167, %dma_wait3A_202] : memref<8x128xi32, #tpu.memory_space<vmem>> -> memref<1x128xi32, #tpu.memory_space<vmem>>
        %dma_wait3A_204 = tpu.memref_squeeze %dma_wait3A_203 : memref<1x128xi32, #tpu.memory_space<vmem>> -> memref<128xi32, #tpu.memory_space<vmem>>
        tpu.wait_dma2 semaphore(%run_scoped3A_190 : memref<!tpu.dma_semaphore, #tpu.memory_space<semaphore_mem>>) src(%dma_wait3A_204 : memref<128xi32, #tpu.memory_space<vmem>>) dst(%dma_wait3A_201 : memref<128xi32, #tpu.memory_space<vmem_shared>>)
        tpu.yield
      }) : () -> ()
      %run_scoped3A_168 = arith.constant 5 : i32
      "tpu.region"() ({
        %run_scoped3A_190 = tpu.sem_alloc : memref<!tpu.dma_semaphore, #tpu.memory_space<semaphore_mem>>
        %dma_start3A = arith.constant 0 : i32
        %dma_start3A_191 = tpu.memref_slice %arg7[%run_scoped3A_168, %dma_start3A] : memref<8x128xi32, #tpu.memory_space<vmem>> -> memref<1x128xi32, #tpu.memory_space<vmem>>
        %dma_start3A_192 = tpu.memref_squeeze %dma_start3A_191 : memref<1x128xi32, #tpu.memory_space<vmem>> -> memref<128xi32, #tpu.memory_space<vmem>>
        %dma_start3A_193 = arith.constant 0 : i32
        %dma_start3A_194 = tpu.memref_slice %arg15[%dma_start3A_193] : memref<32768xi32, #tpu.memory_space<vmem_shared>> -> memref<32768xi32, #tpu.memory_space<vmem_shared>>
        tpu.enqueue_indirect_dma source(%arg13 : memref<128xi32, #tpu.memory_space<vmem>>) target(%dma_start3A_194 : memref<32768xi32, #tpu.memory_space<vmem_shared>>) offsets(%dma_start3A_192 : memref<128xi32, #tpu.memory_space<vmem>>) semaphore(%run_scoped3A_190 : memref<!tpu.dma_semaphore, #tpu.memory_space<semaphore_mem>>) {add = true}
        %dma_wait3A = arith.constant 0 : i32
        %dma_wait3A_195 = tpu.memref_slice %arg7[%run_scoped3A_168, %dma_wait3A] : memref<8x128xi32, #tpu.memory_space<vmem>> -> memref<1x128xi32, #tpu.memory_space<vmem>>
        %dma_wait3A_196 = tpu.memref_squeeze %dma_wait3A_195 : memref<1x128xi32, #tpu.memory_space<vmem>> -> memref<128xi32, #tpu.memory_space<vmem>>
        %dma_wait3A_197 = arith.constant 0 : i32
        %dma_wait3A_198 = tpu.memref_slice %arg15[%dma_wait3A_197] : memref<32768xi32, #tpu.memory_space<vmem_shared>> -> memref<32768xi32, #tpu.memory_space<vmem_shared>>
        tpu.wait_indirect_dma semaphore(%run_scoped3A_190 : memref<!tpu.dma_semaphore, #tpu.memory_space<semaphore_mem>>) src(%arg13 : memref<128xi32, #tpu.memory_space<vmem>>) dst(%dma_wait3A_198 : memref<32768xi32, #tpu.memory_space<vmem_shared>>)
        tpu.yield
      }) : () -> ()
      %add3A_169 = arith.constant 5 : i32
      %add3A_170 = arith.addi %multiple_of3A, %add3A_169 : i32
      %mul3A_171 = arith.constant 128 : i32
      %mul3A_172 = arith.muli %add3A_170, %mul3A_171 : i32
      %multiple_of3A_173 = tpu.assume_multiple %mul3A_172, 128 : i32
      %run_scoped3A_174 = arith.constant 5 : i32
      "tpu.region"() ({
        %run_scoped3A_190 = tpu.sem_alloc : memref<!tpu.dma_semaphore, #tpu.memory_space<semaphore_mem>>
        %dma_start3A = arith.constant 0 : i32
        %dma_start3A_191 = tpu.memref_slice %arg7[%run_scoped3A_174, %dma_start3A] : memref<8x128xi32, #tpu.memory_space<vmem>> -> memref<1x128xi32, #tpu.memory_space<vmem>>
        %dma_start3A_192 = tpu.memref_squeeze %dma_start3A_191 : memref<1x128xi32, #tpu.memory_space<vmem>> -> memref<128xi32, #tpu.memory_space<vmem>>
        %dma_start3A_193 = tpu.memref_slice %arg16[%multiple_of3A_173] : memref<131072xi32, #tpu.memory_space<vmem_shared>> -> memref<128xi32, #tpu.memory_space<vmem_shared>>
        %dma_start3A_194 = tpu.memref_slice %arg16[%multiple_of3A_173] : memref<131072xi32, #tpu.memory_space<vmem_shared>> -> memref<128xi32, #tpu.memory_space<vmem_shared>>
        %dma_start3A_195 = arith.constant 0 : i32
        %dma_start3A_196 = tpu.memref_slice %arg7[%run_scoped3A_174, %dma_start3A_195] : memref<8x128xi32, #tpu.memory_space<vmem>> -> memref<1x128xi32, #tpu.memory_space<vmem>>
        %dma_start3A_197 = tpu.memref_squeeze %dma_start3A_196 : memref<1x128xi32, #tpu.memory_space<vmem>> -> memref<128xi32, #tpu.memory_space<vmem>>
        tpu.enqueue_dma source(%dma_start3A_197 : memref<128xi32, #tpu.memory_space<vmem>>) target(%dma_start3A_194 : memref<128xi32, #tpu.memory_space<vmem_shared>>) target_semaphore(%run_scoped3A_190 : memref<!tpu.dma_semaphore, #tpu.memory_space<semaphore_mem>>)
        %dma_wait3A = arith.constant 0 : i32
        %dma_wait3A_198 = tpu.memref_slice %arg7[%run_scoped3A_174, %dma_wait3A] : memref<8x128xi32, #tpu.memory_space<vmem>> -> memref<1x128xi32, #tpu.memory_space<vmem>>
        %dma_wait3A_199 = tpu.memref_squeeze %dma_wait3A_198 : memref<1x128xi32, #tpu.memory_space<vmem>> -> memref<128xi32, #tpu.memory_space<vmem>>
        %dma_wait3A_200 = tpu.memref_slice %arg16[%multiple_of3A_173] : memref<131072xi32, #tpu.memory_space<vmem_shared>> -> memref<128xi32, #tpu.memory_space<vmem_shared>>
        %dma_wait3A_201 = tpu.memref_slice %arg16[%multiple_of3A_173] : memref<131072xi32, #tpu.memory_space<vmem_shared>> -> memref<128xi32, #tpu.memory_space<vmem_shared>>
        %dma_wait3A_202 = arith.constant 0 : i32
        %dma_wait3A_203 = tpu.memref_slice %arg7[%run_scoped3A_174, %dma_wait3A_202] : memref<8x128xi32, #tpu.memory_space<vmem>> -> memref<1x128xi32, #tpu.memory_space<vmem>>
        %dma_wait3A_204 = tpu.memref_squeeze %dma_wait3A_203 : memref<1x128xi32, #tpu.memory_space<vmem>> -> memref<128xi32, #tpu.memory_space<vmem>>
        tpu.wait_dma2 semaphore(%run_scoped3A_190 : memref<!tpu.dma_semaphore, #tpu.memory_space<semaphore_mem>>) src(%dma_wait3A_204 : memref<128xi32, #tpu.memory_space<vmem>>) dst(%dma_wait3A_201 : memref<128xi32, #tpu.memory_space<vmem_shared>>)
        tpu.yield
      }) : () -> ()
      %run_scoped3A_175 = arith.constant 6 : i32
      "tpu.region"() ({
        %run_scoped3A_190 = tpu.sem_alloc : memref<!tpu.dma_semaphore, #tpu.memory_space<semaphore_mem>>
        %dma_start3A = arith.constant 0 : i32
        %dma_start3A_191 = tpu.memref_slice %arg7[%run_scoped3A_175, %dma_start3A] : memref<8x128xi32, #tpu.memory_space<vmem>> -> memref<1x128xi32, #tpu.memory_space<vmem>>
        %dma_start3A_192 = tpu.memref_squeeze %dma_start3A_191 : memref<1x128xi32, #tpu.memory_space<vmem>> -> memref<128xi32, #tpu.memory_space<vmem>>
        %dma_start3A_193 = arith.constant 0 : i32
        %dma_start3A_194 = tpu.memref_slice %arg15[%dma_start3A_193] : memref<32768xi32, #tpu.memory_space<vmem_shared>> -> memref<32768xi32, #tpu.memory_space<vmem_shared>>
        tpu.enqueue_indirect_dma source(%arg13 : memref<128xi32, #tpu.memory_space<vmem>>) target(%dma_start3A_194 : memref<32768xi32, #tpu.memory_space<vmem_shared>>) offsets(%dma_start3A_192 : memref<128xi32, #tpu.memory_space<vmem>>) semaphore(%run_scoped3A_190 : memref<!tpu.dma_semaphore, #tpu.memory_space<semaphore_mem>>) {add = true}
        %dma_wait3A = arith.constant 0 : i32
        %dma_wait3A_195 = tpu.memref_slice %arg7[%run_scoped3A_175, %dma_wait3A] : memref<8x128xi32, #tpu.memory_space<vmem>> -> memref<1x128xi32, #tpu.memory_space<vmem>>
        %dma_wait3A_196 = tpu.memref_squeeze %dma_wait3A_195 : memref<1x128xi32, #tpu.memory_space<vmem>> -> memref<128xi32, #tpu.memory_space<vmem>>
        %dma_wait3A_197 = arith.constant 0 : i32
        %dma_wait3A_198 = tpu.memref_slice %arg15[%dma_wait3A_197] : memref<32768xi32, #tpu.memory_space<vmem_shared>> -> memref<32768xi32, #tpu.memory_space<vmem_shared>>
        tpu.wait_indirect_dma semaphore(%run_scoped3A_190 : memref<!tpu.dma_semaphore, #tpu.memory_space<semaphore_mem>>) src(%arg13 : memref<128xi32, #tpu.memory_space<vmem>>) dst(%dma_wait3A_198 : memref<32768xi32, #tpu.memory_space<vmem_shared>>)
        tpu.yield
      }) : () -> ()
      %add3A_176 = arith.constant 6 : i32
      %add3A_177 = arith.addi %multiple_of3A, %add3A_176 : i32
      %mul3A_178 = arith.constant 128 : i32
      %mul3A_179 = arith.muli %add3A_177, %mul3A_178 : i32
      %multiple_of3A_180 = tpu.assume_multiple %mul3A_179, 128 : i32
      %run_scoped3A_181 = arith.constant 6 : i32
      "tpu.region"() ({
        %run_scoped3A_190 = tpu.sem_alloc : memref<!tpu.dma_semaphore, #tpu.memory_space<semaphore_mem>>
        %dma_start3A = arith.constant 0 : i32
        %dma_start3A_191 = tpu.memref_slice %arg7[%run_scoped3A_181, %dma_start3A] : memref<8x128xi32, #tpu.memory_space<vmem>> -> memref<1x128xi32, #tpu.memory_space<vmem>>
        %dma_start3A_192 = tpu.memref_squeeze %dma_start3A_191 : memref<1x128xi32, #tpu.memory_space<vmem>> -> memref<128xi32, #tpu.memory_space<vmem>>
        %dma_start3A_193 = tpu.memref_slice %arg16[%multiple_of3A_180] : memref<131072xi32, #tpu.memory_space<vmem_shared>> -> memref<128xi32, #tpu.memory_space<vmem_shared>>
        %dma_start3A_194 = tpu.memref_slice %arg16[%multiple_of3A_180] : memref<131072xi32, #tpu.memory_space<vmem_shared>> -> memref<128xi32, #tpu.memory_space<vmem_shared>>
        %dma_start3A_195 = arith.constant 0 : i32
        %dma_start3A_196 = tpu.memref_slice %arg7[%run_scoped3A_181, %dma_start3A_195] : memref<8x128xi32, #tpu.memory_space<vmem>> -> memref<1x128xi32, #tpu.memory_space<vmem>>
        %dma_start3A_197 = tpu.memref_squeeze %dma_start3A_196 : memref<1x128xi32, #tpu.memory_space<vmem>> -> memref<128xi32, #tpu.memory_space<vmem>>
        tpu.enqueue_dma source(%dma_start3A_197 : memref<128xi32, #tpu.memory_space<vmem>>) target(%dma_start3A_194 : memref<128xi32, #tpu.memory_space<vmem_shared>>) target_semaphore(%run_scoped3A_190 : memref<!tpu.dma_semaphore, #tpu.memory_space<semaphore_mem>>)
        %dma_wait3A = arith.constant 0 : i32
        %dma_wait3A_198 = tpu.memref_slice %arg7[%run_scoped3A_181, %dma_wait3A] : memref<8x128xi32, #tpu.memory_space<vmem>> -> memref<1x128xi32, #tpu.memory_space<vmem>>
        %dma_wait3A_199 = tpu.memref_squeeze %dma_wait3A_198 : memref<1x128xi32, #tpu.memory_space<vmem>> -> memref<128xi32, #tpu.memory_space<vmem>>
        %dma_wait3A_200 = tpu.memref_slice %arg16[%multiple_of3A_180] : memref<131072xi32, #tpu.memory_space<vmem_shared>> -> memref<128xi32, #tpu.memory_space<vmem_shared>>
        %dma_wait3A_201 = tpu.memref_slice %arg16[%multiple_of3A_180] : memref<131072xi32, #tpu.memory_space<vmem_shared>> -> memref<128xi32, #tpu.memory_space<vmem_shared>>
        %dma_wait3A_202 = arith.constant 0 : i32
        %dma_wait3A_203 = tpu.memref_slice %arg7[%run_scoped3A_181, %dma_wait3A_202] : memref<8x128xi32, #tpu.memory_space<vmem>> -> memref<1x128xi32, #tpu.memory_space<vmem>>
        %dma_wait3A_204 = tpu.memref_squeeze %dma_wait3A_203 : memref<1x128xi32, #tpu.memory_space<vmem>> -> memref<128xi32, #tpu.memory_space<vmem>>
        tpu.wait_dma2 semaphore(%run_scoped3A_190 : memref<!tpu.dma_semaphore, #tpu.memory_space<semaphore_mem>>) src(%dma_wait3A_204 : memref<128xi32, #tpu.memory_space<vmem>>) dst(%dma_wait3A_201 : memref<128xi32, #tpu.memory_space<vmem_shared>>)
        tpu.yield
      }) : () -> ()
      %run_scoped3A_182 = arith.constant 7 : i32
      "tpu.region"() ({
        %run_scoped3A_190 = tpu.sem_alloc : memref<!tpu.dma_semaphore, #tpu.memory_space<semaphore_mem>>
        %dma_start3A = arith.constant 0 : i32
        %dma_start3A_191 = tpu.memref_slice %arg7[%run_scoped3A_182, %dma_start3A] : memref<8x128xi32, #tpu.memory_space<vmem>> -> memref<1x128xi32, #tpu.memory_space<vmem>>
        %dma_start3A_192 = tpu.memref_squeeze %dma_start3A_191 : memref<1x128xi32, #tpu.memory_space<vmem>> -> memref<128xi32, #tpu.memory_space<vmem>>
        %dma_start3A_193 = arith.constant 0 : i32
        %dma_start3A_194 = tpu.memref_slice %arg15[%dma_start3A_193] : memref<32768xi32, #tpu.memory_space<vmem_shared>> -> memref<32768xi32, #tpu.memory_space<vmem_shared>>
        tpu.enqueue_indirect_dma source(%arg13 : memref<128xi32, #tpu.memory_space<vmem>>) target(%dma_start3A_194 : memref<32768xi32, #tpu.memory_space<vmem_shared>>) offsets(%dma_start3A_192 : memref<128xi32, #tpu.memory_space<vmem>>) semaphore(%run_scoped3A_190 : memref<!tpu.dma_semaphore, #tpu.memory_space<semaphore_mem>>) {add = true}
        %dma_wait3A = arith.constant 0 : i32
        %dma_wait3A_195 = tpu.memref_slice %arg7[%run_scoped3A_182, %dma_wait3A] : memref<8x128xi32, #tpu.memory_space<vmem>> -> memref<1x128xi32, #tpu.memory_space<vmem>>
        %dma_wait3A_196 = tpu.memref_squeeze %dma_wait3A_195 : memref<1x128xi32, #tpu.memory_space<vmem>> -> memref<128xi32, #tpu.memory_space<vmem>>
        %dma_wait3A_197 = arith.constant 0 : i32
        %dma_wait3A_198 = tpu.memref_slice %arg15[%dma_wait3A_197] : memref<32768xi32, #tpu.memory_space<vmem_shared>> -> memref<32768xi32, #tpu.memory_space<vmem_shared>>
        tpu.wait_indirect_dma semaphore(%run_scoped3A_190 : memref<!tpu.dma_semaphore, #tpu.memory_space<semaphore_mem>>) src(%arg13 : memref<128xi32, #tpu.memory_space<vmem>>) dst(%dma_wait3A_198 : memref<32768xi32, #tpu.memory_space<vmem_shared>>)
        tpu.yield
      }) : () -> ()
      %add3A_183 = arith.constant 7 : i32
      %add3A_184 = arith.addi %multiple_of3A, %add3A_183 : i32
      %mul3A_185 = arith.constant 128 : i32
      %mul3A_186 = arith.muli %add3A_184, %mul3A_185 : i32
      %multiple_of3A_187 = tpu.assume_multiple %mul3A_186, 128 : i32
      %run_scoped3A_188 = arith.constant 7 : i32
      "tpu.region"() ({
        %run_scoped3A_190 = tpu.sem_alloc : memref<!tpu.dma_semaphore, #tpu.memory_space<semaphore_mem>>
        %dma_start3A = arith.constant 0 : i32
        %dma_start3A_191 = tpu.memref_slice %arg7[%run_scoped3A_188, %dma_start3A] : memref<8x128xi32, #tpu.memory_space<vmem>> -> memref<1x128xi32, #tpu.memory_space<vmem>>
        %dma_start3A_192 = tpu.memref_squeeze %dma_start3A_191 : memref<1x128xi32, #tpu.memory_space<vmem>> -> memref<128xi32, #tpu.memory_space<vmem>>
        %dma_start3A_193 = tpu.memref_slice %arg16[%multiple_of3A_187] : memref<131072xi32, #tpu.memory_space<vmem_shared>> -> memref<128xi32, #tpu.memory_space<vmem_shared>>
        %dma_start3A_194 = tpu.memref_slice %arg16[%multiple_of3A_187] : memref<131072xi32, #tpu.memory_space<vmem_shared>> -> memref<128xi32, #tpu.memory_space<vmem_shared>>
        %dma_start3A_195 = arith.constant 0 : i32
        %dma_start3A_196 = tpu.memref_slice %arg7[%run_scoped3A_188, %dma_start3A_195] : memref<8x128xi32, #tpu.memory_space<vmem>> -> memref<1x128xi32, #tpu.memory_space<vmem>>
        %dma_start3A_197 = tpu.memref_squeeze %dma_start3A_196 : memref<1x128xi32, #tpu.memory_space<vmem>> -> memref<128xi32, #tpu.memory_space<vmem>>
        tpu.enqueue_dma source(%dma_start3A_197 : memref<128xi32, #tpu.memory_space<vmem>>) target(%dma_start3A_194 : memref<128xi32, #tpu.memory_space<vmem_shared>>) target_semaphore(%run_scoped3A_190 : memref<!tpu.dma_semaphore, #tpu.memory_space<semaphore_mem>>)
        %dma_wait3A = arith.constant 0 : i32
        %dma_wait3A_198 = tpu.memref_slice %arg7[%run_scoped3A_188, %dma_wait3A] : memref<8x128xi32, #tpu.memory_space<vmem>> -> memref<1x128xi32, #tpu.memory_space<vmem>>
        %dma_wait3A_199 = tpu.memref_squeeze %dma_wait3A_198 : memref<1x128xi32, #tpu.memory_space<vmem>> -> memref<128xi32, #tpu.memory_space<vmem>>
        %dma_wait3A_200 = tpu.memref_slice %arg16[%multiple_of3A_187] : memref<131072xi32, #tpu.memory_space<vmem_shared>> -> memref<128xi32, #tpu.memory_space<vmem_shared>>
        %dma_wait3A_201 = tpu.memref_slice %arg16[%multiple_of3A_187] : memref<131072xi32, #tpu.memory_space<vmem_shared>> -> memref<128xi32, #tpu.memory_space<vmem_shared>>
        %dma_wait3A_202 = arith.constant 0 : i32
        %dma_wait3A_203 = tpu.memref_slice %arg7[%run_scoped3A_188, %dma_wait3A_202] : memref<8x128xi32, #tpu.memory_space<vmem>> -> memref<1x128xi32, #tpu.memory_space<vmem>>
        %dma_wait3A_204 = tpu.memref_squeeze %dma_wait3A_203 : memref<1x128xi32, #tpu.memory_space<vmem>> -> memref<128xi32, #tpu.memory_space<vmem>>
        tpu.wait_dma2 semaphore(%run_scoped3A_190 : memref<!tpu.dma_semaphore, #tpu.memory_space<semaphore_mem>>) src(%dma_wait3A_204 : memref<128xi32, #tpu.memory_space<vmem>>) dst(%dma_wait3A_201 : memref<128xi32, #tpu.memory_space<vmem_shared>>)
        tpu.yield
      }) : () -> ()
      %scan3A_189 = arith.constant 0 : i32
      scf.yield %scan3A_189 : i32
    }
    %scan3A_102 = arith.constant 8 : i32
    %barrier3A_103 = arith.constant 0 : index
    tpu.barrier barrier_id(%barrier3A_103)
    %scan3A_104 = arith.constant 0 : i32
    %scan3A_105 = arith.constant 0 : i32
    %scan3A_106 = arith.constant 8 : i32
    %scan3A_107 = arith.addi %scan3A_105, %scan3A_106 : i32
    %scan3A_108 = arith.constant 1 : i32
    %scan3A_109 = scf.for %scan3A_127 = %scan3A_105 to %scan3A_107 step %scan3A_108 iter_args(%scan3A_128 = %scan3A_104) -> (i32)  : i32 {
      %mul3A_129 = arith.constant 8192 : i32
      %mul3A_130 = arith.muli %arg1, %mul3A_129 : i32
      %mul3A_131 = arith.constant 1024 : i32
      %mul3A_132 = arith.muli %scan3A_127, %mul3A_131 : i32
      %add3A_133 = arith.addi %mul3A_130, %mul3A_132 : i32
      %multiple_of3A = tpu.assume_multiple %add3A_133, 1024 : i32
      %jit3A = arith.constant 128 : i32
      %div3A = arith.divsi %multiple_of3A, %jit3A : i32
      %sign3A = arith.constant 0 : i32
      %sign3A_134 = arith.cmpi sgt, %multiple_of3A, %sign3A : i32
      %sign3A_135 = arith.extui %sign3A_134 : i1 to i32
      %sign3A_136 = arith.constant 0 : i32
      %sign3A_137 = arith.cmpi slt, %multiple_of3A, %sign3A_136 : i32
      %sign3A_138 = arith.extui %sign3A_137 : i1 to i32
      %sign3A_139 = arith.subi %sign3A_135, %sign3A_138 : i32
      %sign3A_140 = arith.constant 0 : i32
      %sign3A_141 = arith.cmpi sgt, %jit3A, %sign3A_140 : i32
      %sign3A_142 = arith.extui %sign3A_141 : i1 to i32
      %sign3A_143 = arith.constant 0 : i32
      %sign3A_144 = arith.cmpi slt, %jit3A, %sign3A_143 : i32
      %sign3A_145 = arith.extui %sign3A_144 : i1 to i32
      %sign3A_146 = arith.subi %sign3A_142, %sign3A_145 : i32
      %ne3A = arith.cmpi ne, %sign3A_139, %sign3A_146 : i32
      %rem3A = arith.remsi %multiple_of3A, %jit3A : i32
      %ne3A_147 = arith.constant 0 : i32
      %ne3A_148 = arith.cmpi ne, %rem3A, %ne3A_147 : i32
      %and3A = arith.andi %ne3A, %ne3A_148 : i1
      %sub3A = arith.constant 1 : i32
      %sub3A_149 = arith.subi %div3A, %sub3A : i32
      %select_n3A = arith.select %and3A, %sub3A_149, %div3A : i32
      %multiple_of3A_150 = tpu.assume_multiple %select_n3A, 8 : i32
      "tpu.region"() ({
        %run_scoped3A_206 = tpu.sem_alloc : memref<!tpu.dma_semaphore, #tpu.memory_space<semaphore_mem>>
        %dma_start3A = tpu.memref_slice %arg14[%multiple_of3A] : memref<131072xi32, #tpu.memory_space<vmem_shared>> -> memref<1024xi32, #tpu.memory_space<vmem_shared>>
        %dma_start3A_207 = tpu.memref_slice %arg14[%multiple_of3A] : memref<131072xi32, #tpu.memory_space<vmem_shared>> -> memref<1024xi32, #tpu.memory_space<vmem_shared>>
        tpu.enqueue_dma source(%dma_start3A_207 : memref<1024xi32, #tpu.memory_space<vmem_shared>>) target(%arg11 : memref<1024xi32, #tpu.memory_space<vmem>>) target_semaphore(%run_scoped3A_206 : memref<!tpu.dma_semaphore, #tpu.memory_space<semaphore_mem>>)
        %dma_wait3A = tpu.memref_slice %arg14[%multiple_of3A] : memref<131072xi32, #tpu.memory_space<vmem_shared>> -> memref<1024xi32, #tpu.memory_space<vmem_shared>>
        %dma_wait3A_208 = tpu.memref_slice %arg14[%multiple_of3A] : memref<131072xi32, #tpu.memory_space<vmem_shared>> -> memref<1024xi32, #tpu.memory_space<vmem_shared>>
        tpu.wait_dma2 semaphore(%run_scoped3A_206 : memref<!tpu.dma_semaphore, #tpu.memory_space<semaphore_mem>>) src(%dma_wait3A_208 : memref<1024xi32, #tpu.memory_space<vmem_shared>>) dst(%arg11 : memref<1024xi32, #tpu.memory_space<vmem>>)
        tpu.yield
      }) : () -> ()
      "tpu.region"() ({
        %run_scoped3A_206 = tpu.sem_alloc : memref<!tpu.dma_semaphore, #tpu.memory_space<semaphore_mem>>
        %dma_start3A = arith.constant 0 : i32
        %dma_start3A_207 = tpu.memref_slice %arg5[%multiple_of3A_150, %dma_start3A] : memref<1024x128xi32, #tpu.memory_space<hbm>> -> memref<8x128xi32, #tpu.memory_space<hbm>>
        %dma_start3A_208 = arith.constant 0 : i32
        %dma_start3A_209 = tpu.memref_slice %arg5[%multiple_of3A_150, %dma_start3A_208] : memref<1024x128xi32, #tpu.memory_space<hbm>> -> memref<8x128xi32, #tpu.memory_space<hbm>>
        tpu.enqueue_dma source(%dma_start3A_209 : memref<8x128xi32, #tpu.memory_space<hbm>>) target(%arg7 : memref<8x128xi32, #tpu.memory_space<vmem>>) target_semaphore(%run_scoped3A_206 : memref<!tpu.dma_semaphore, #tpu.memory_space<semaphore_mem>>)
        %dma_wait3A = arith.constant 0 : i32
        %dma_wait3A_210 = tpu.memref_slice %arg5[%multiple_of3A_150, %dma_wait3A] : memref<1024x128xi32, #tpu.memory_space<hbm>> -> memref<8x128xi32, #tpu.memory_space<hbm>>
        %dma_wait3A_211 = arith.constant 0 : i32
        %dma_wait3A_212 = tpu.memref_slice %arg5[%multiple_of3A_150, %dma_wait3A_211] : memref<1024x128xi32, #tpu.memory_space<hbm>> -> memref<8x128xi32, #tpu.memory_space<hbm>>
        tpu.wait_dma2 semaphore(%run_scoped3A_206 : memref<!tpu.dma_semaphore, #tpu.memory_space<semaphore_mem>>) src(%dma_wait3A_212 : memref<8x128xi32, #tpu.memory_space<hbm>>) dst(%arg7 : memref<8x128xi32, #tpu.memory_space<vmem>>)
        tpu.yield
      }) : () -> ()
      %run_scoped3A = arith.constant 0 : i32
      %run_scoped3A_151 = arith.constant 0 : i32
      "tpu.region"() ({
        %run_scoped3A_206 = tpu.sem_alloc : memref<!tpu.dma_semaphore, #tpu.memory_space<semaphore_mem>>
        %dma_start3A = arith.constant 0 : i32
        %dma_start3A_207 = tpu.memref_slice %arg9[%run_scoped3A_151, %dma_start3A] : memref<8x128xi32, #tpu.memory_space<vmem>> -> memref<1x128xi32, #tpu.memory_space<vmem>>
        %dma_start3A_208 = tpu.memref_squeeze %dma_start3A_207 : memref<1x128xi32, #tpu.memory_space<vmem>> -> memref<128xi32, #tpu.memory_space<vmem>>
        %dma_start3A_209 = arith.constant 0 : i32
        %dma_start3A_210 = tpu.memref_slice %arg7[%run_scoped3A, %dma_start3A_209] : memref<8x128xi32, #tpu.memory_space<vmem>> -> memref<1x128xi32, #tpu.memory_space<vmem>>
        %dma_start3A_211 = tpu.memref_squeeze %dma_start3A_210 : memref<1x128xi32, #tpu.memory_space<vmem>> -> memref<128xi32, #tpu.memory_space<vmem>>
        %dma_start3A_212 = arith.constant 0 : i32
        %dma_start3A_213 = tpu.memref_slice %arg15[%dma_start3A_212] : memref<32768xi32, #tpu.memory_space<vmem_shared>> -> memref<32768xi32, #tpu.memory_space<vmem_shared>>
        tpu.enqueue_indirect_dma source(%dma_start3A_213 : memref<32768xi32, #tpu.memory_space<vmem_shared>>) target(%dma_start3A_208 : memref<128xi32, #tpu.memory_space<vmem>>) offsets(%dma_start3A_211 : memref<128xi32, #tpu.memory_space<vmem>>) semaphore(%run_scoped3A_206 : memref<!tpu.dma_semaphore, #tpu.memory_space<semaphore_mem>>)
        %dma_wait3A = arith.constant 0 : i32
        %dma_wait3A_214 = tpu.memref_slice %arg9[%run_scoped3A_151, %dma_wait3A] : memref<8x128xi32, #tpu.memory_space<vmem>> -> memref<1x128xi32, #tpu.memory_space<vmem>>
        %dma_wait3A_215 = tpu.memref_squeeze %dma_wait3A_214 : memref<1x128xi32, #tpu.memory_space<vmem>> -> memref<128xi32, #tpu.memory_space<vmem>>
        %dma_wait3A_216 = arith.constant 0 : i32
        %dma_wait3A_217 = tpu.memref_slice %arg7[%run_scoped3A, %dma_wait3A_216] : memref<8x128xi32, #tpu.memory_space<vmem>> -> memref<1x128xi32, #tpu.memory_space<vmem>>
        %dma_wait3A_218 = tpu.memref_squeeze %dma_wait3A_217 : memref<1x128xi32, #tpu.memory_space<vmem>> -> memref<128xi32, #tpu.memory_space<vmem>>
        %dma_wait3A_219 = arith.constant 0 : i32
        %dma_wait3A_220 = tpu.memref_slice %arg15[%dma_wait3A_219] : memref<32768xi32, #tpu.memory_space<vmem_shared>> -> memref<32768xi32, #tpu.memory_space<vmem_shared>>
        tpu.wait_indirect_dma semaphore(%run_scoped3A_206 : memref<!tpu.dma_semaphore, #tpu.memory_space<semaphore_mem>>) src(%dma_wait3A_220 : memref<32768xi32, #tpu.memory_space<vmem_shared>>) dst(%dma_wait3A_215 : memref<128xi32, #tpu.memory_space<vmem>>)
        tpu.yield
      }) : () -> ()
      %run_scoped3A_152 = arith.constant 1 : i32
      %run_scoped3A_153 = arith.constant 1 : i32
      "tpu.region"() ({
        %run_scoped3A_206 = tpu.sem_alloc : memref<!tpu.dma_semaphore, #tpu.memory_space<semaphore_mem>>
        %dma_start3A = arith.constant 0 : i32
        %dma_start3A_207 = tpu.memref_slice %arg9[%run_scoped3A_153, %dma_start3A] : memref<8x128xi32, #tpu.memory_space<vmem>> -> memref<1x128xi32, #tpu.memory_space<vmem>>
        %dma_start3A_208 = tpu.memref_squeeze %dma_start3A_207 : memref<1x128xi32, #tpu.memory_space<vmem>> -> memref<128xi32, #tpu.memory_space<vmem>>
        %dma_start3A_209 = arith.constant 0 : i32
        %dma_start3A_210 = tpu.memref_slice %arg7[%run_scoped3A_152, %dma_start3A_209] : memref<8x128xi32, #tpu.memory_space<vmem>> -> memref<1x128xi32, #tpu.memory_space<vmem>>
        %dma_start3A_211 = tpu.memref_squeeze %dma_start3A_210 : memref<1x128xi32, #tpu.memory_space<vmem>> -> memref<128xi32, #tpu.memory_space<vmem>>
        %dma_start3A_212 = arith.constant 0 : i32
        %dma_start3A_213 = tpu.memref_slice %arg15[%dma_start3A_212] : memref<32768xi32, #tpu.memory_space<vmem_shared>> -> memref<32768xi32, #tpu.memory_space<vmem_shared>>
        tpu.enqueue_indirect_dma source(%dma_start3A_213 : memref<32768xi32, #tpu.memory_space<vmem_shared>>) target(%dma_start3A_208 : memref<128xi32, #tpu.memory_space<vmem>>) offsets(%dma_start3A_211 : memref<128xi32, #tpu.memory_space<vmem>>) semaphore(%run_scoped3A_206 : memref<!tpu.dma_semaphore, #tpu.memory_space<semaphore_mem>>)
        %dma_wait3A = arith.constant 0 : i32
        %dma_wait3A_214 = tpu.memref_slice %arg9[%run_scoped3A_153, %dma_wait3A] : memref<8x128xi32, #tpu.memory_space<vmem>> -> memref<1x128xi32, #tpu.memory_space<vmem>>
        %dma_wait3A_215 = tpu.memref_squeeze %dma_wait3A_214 : memref<1x128xi32, #tpu.memory_space<vmem>> -> memref<128xi32, #tpu.memory_space<vmem>>
        %dma_wait3A_216 = arith.constant 0 : i32
        %dma_wait3A_217 = tpu.memref_slice %arg7[%run_scoped3A_152, %dma_wait3A_216] : memref<8x128xi32, #tpu.memory_space<vmem>> -> memref<1x128xi32, #tpu.memory_space<vmem>>
        %dma_wait3A_218 = tpu.memref_squeeze %dma_wait3A_217 : memref<1x128xi32, #tpu.memory_space<vmem>> -> memref<128xi32, #tpu.memory_space<vmem>>
        %dma_wait3A_219 = arith.constant 0 : i32
        %dma_wait3A_220 = tpu.memref_slice %arg15[%dma_wait3A_219] : memref<32768xi32, #tpu.memory_space<vmem_shared>> -> memref<32768xi32, #tpu.memory_space<vmem_shared>>
        tpu.wait_indirect_dma semaphore(%run_scoped3A_206 : memref<!tpu.dma_semaphore, #tpu.memory_space<semaphore_mem>>) src(%dma_wait3A_220 : memref<32768xi32, #tpu.memory_space<vmem_shared>>) dst(%dma_wait3A_215 : memref<128xi32, #tpu.memory_space<vmem>>)
        tpu.yield
      }) : () -> ()
      %run_scoped3A_154 = arith.constant 2 : i32
      %run_scoped3A_155 = arith.constant 2 : i32
      "tpu.region"() ({
        %run_scoped3A_206 = tpu.sem_alloc : memref<!tpu.dma_semaphore, #tpu.memory_space<semaphore_mem>>
        %dma_start3A = arith.constant 0 : i32
        %dma_start3A_207 = tpu.memref_slice %arg9[%run_scoped3A_155, %dma_start3A] : memref<8x128xi32, #tpu.memory_space<vmem>> -> memref<1x128xi32, #tpu.memory_space<vmem>>
        %dma_start3A_208 = tpu.memref_squeeze %dma_start3A_207 : memref<1x128xi32, #tpu.memory_space<vmem>> -> memref<128xi32, #tpu.memory_space<vmem>>
        %dma_start3A_209 = arith.constant 0 : i32
        %dma_start3A_210 = tpu.memref_slice %arg7[%run_scoped3A_154, %dma_start3A_209] : memref<8x128xi32, #tpu.memory_space<vmem>> -> memref<1x128xi32, #tpu.memory_space<vmem>>
        %dma_start3A_211 = tpu.memref_squeeze %dma_start3A_210 : memref<1x128xi32, #tpu.memory_space<vmem>> -> memref<128xi32, #tpu.memory_space<vmem>>
        %dma_start3A_212 = arith.constant 0 : i32
        %dma_start3A_213 = tpu.memref_slice %arg15[%dma_start3A_212] : memref<32768xi32, #tpu.memory_space<vmem_shared>> -> memref<32768xi32, #tpu.memory_space<vmem_shared>>
        tpu.enqueue_indirect_dma source(%dma_start3A_213 : memref<32768xi32, #tpu.memory_space<vmem_shared>>) target(%dma_start3A_208 : memref<128xi32, #tpu.memory_space<vmem>>) offsets(%dma_start3A_211 : memref<128xi32, #tpu.memory_space<vmem>>) semaphore(%run_scoped3A_206 : memref<!tpu.dma_semaphore, #tpu.memory_space<semaphore_mem>>)
        %dma_wait3A = arith.constant 0 : i32
        %dma_wait3A_214 = tpu.memref_slice %arg9[%run_scoped3A_155, %dma_wait3A] : memref<8x128xi32, #tpu.memory_space<vmem>> -> memref<1x128xi32, #tpu.memory_space<vmem>>
        %dma_wait3A_215 = tpu.memref_squeeze %dma_wait3A_214 : memref<1x128xi32, #tpu.memory_space<vmem>> -> memref<128xi32, #tpu.memory_space<vmem>>
        %dma_wait3A_216 = arith.constant 0 : i32
        %dma_wait3A_217 = tpu.memref_slice %arg7[%run_scoped3A_154, %dma_wait3A_216] : memref<8x128xi32, #tpu.memory_space<vmem>> -> memref<1x128xi32, #tpu.memory_space<vmem>>
        %dma_wait3A_218 = tpu.memref_squeeze %dma_wait3A_217 : memref<1x128xi32, #tpu.memory_space<vmem>> -> memref<128xi32, #tpu.memory_space<vmem>>
        %dma_wait3A_219 = arith.constant 0 : i32
        %dma_wait3A_220 = tpu.memref_slice %arg15[%dma_wait3A_219] : memref<32768xi32, #tpu.memory_space<vmem_shared>> -> memref<32768xi32, #tpu.memory_space<vmem_shared>>
        tpu.wait_indirect_dma semaphore(%run_scoped3A_206 : memref<!tpu.dma_semaphore, #tpu.memory_space<semaphore_mem>>) src(%dma_wait3A_220 : memref<32768xi32, #tpu.memory_space<vmem_shared>>) dst(%dma_wait3A_215 : memref<128xi32, #tpu.memory_space<vmem>>)
        tpu.yield
      }) : () -> ()
      %run_scoped3A_156 = arith.constant 3 : i32
      %run_scoped3A_157 = arith.constant 3 : i32
      "tpu.region"() ({
        %run_scoped3A_206 = tpu.sem_alloc : memref<!tpu.dma_semaphore, #tpu.memory_space<semaphore_mem>>
        %dma_start3A = arith.constant 0 : i32
        %dma_start3A_207 = tpu.memref_slice %arg9[%run_scoped3A_157, %dma_start3A] : memref<8x128xi32, #tpu.memory_space<vmem>> -> memref<1x128xi32, #tpu.memory_space<vmem>>
        %dma_start3A_208 = tpu.memref_squeeze %dma_start3A_207 : memref<1x128xi32, #tpu.memory_space<vmem>> -> memref<128xi32, #tpu.memory_space<vmem>>
        %dma_start3A_209 = arith.constant 0 : i32
        %dma_start3A_210 = tpu.memref_slice %arg7[%run_scoped3A_156, %dma_start3A_209] : memref<8x128xi32, #tpu.memory_space<vmem>> -> memref<1x128xi32, #tpu.memory_space<vmem>>
        %dma_start3A_211 = tpu.memref_squeeze %dma_start3A_210 : memref<1x128xi32, #tpu.memory_space<vmem>> -> memref<128xi32, #tpu.memory_space<vmem>>
        %dma_start3A_212 = arith.constant 0 : i32
        %dma_start3A_213 = tpu.memref_slice %arg15[%dma_start3A_212] : memref<32768xi32, #tpu.memory_space<vmem_shared>> -> memref<32768xi32, #tpu.memory_space<vmem_shared>>
        tpu.enqueue_indirect_dma source(%dma_start3A_213 : memref<32768xi32, #tpu.memory_space<vmem_shared>>) target(%dma_start3A_208 : memref<128xi32, #tpu.memory_space<vmem>>) offsets(%dma_start3A_211 : memref<128xi32, #tpu.memory_space<vmem>>) semaphore(%run_scoped3A_206 : memref<!tpu.dma_semaphore, #tpu.memory_space<semaphore_mem>>)
        %dma_wait3A = arith.constant 0 : i32
        %dma_wait3A_214 = tpu.memref_slice %arg9[%run_scoped3A_157, %dma_wait3A] : memref<8x128xi32, #tpu.memory_space<vmem>> -> memref<1x128xi32, #tpu.memory_space<vmem>>
        %dma_wait3A_215 = tpu.memref_squeeze %dma_wait3A_214 : memref<1x128xi32, #tpu.memory_space<vmem>> -> memref<128xi32, #tpu.memory_space<vmem>>
        %dma_wait3A_216 = arith.constant 0 : i32
        %dma_wait3A_217 = tpu.memref_slice %arg7[%run_scoped3A_156, %dma_wait3A_216] : memref<8x128xi32, #tpu.memory_space<vmem>> -> memref<1x128xi32, #tpu.memory_space<vmem>>
        %dma_wait3A_218 = tpu.memref_squeeze %dma_wait3A_217 : memref<1x128xi32, #tpu.memory_space<vmem>> -> memref<128xi32, #tpu.memory_space<vmem>>
        %dma_wait3A_219 = arith.constant 0 : i32
        %dma_wait3A_220 = tpu.memref_slice %arg15[%dma_wait3A_219] : memref<32768xi32, #tpu.memory_space<vmem_shared>> -> memref<32768xi32, #tpu.memory_space<vmem_shared>>
        tpu.wait_indirect_dma semaphore(%run_scoped3A_206 : memref<!tpu.dma_semaphore, #tpu.memory_space<semaphore_mem>>) src(%dma_wait3A_220 : memref<32768xi32, #tpu.memory_space<vmem_shared>>) dst(%dma_wait3A_215 : memref<128xi32, #tpu.memory_space<vmem>>)
        tpu.yield
      }) : () -> ()
      %run_scoped3A_158 = arith.constant 4 : i32
      %run_scoped3A_159 = arith.constant 4 : i32
      "tpu.region"() ({
        %run_scoped3A_206 = tpu.sem_alloc : memref<!tpu.dma_semaphore, #tpu.memory_space<semaphore_mem>>
        %dma_start3A = arith.constant 0 : i32
        %dma_start3A_207 = tpu.memref_slice %arg9[%run_scoped3A_159, %dma_start3A] : memref<8x128xi32, #tpu.memory_space<vmem>> -> memref<1x128xi32, #tpu.memory_space<vmem>>
        %dma_start3A_208 = tpu.memref_squeeze %dma_start3A_207 : memref<1x128xi32, #tpu.memory_space<vmem>> -> memref<128xi32, #tpu.memory_space<vmem>>
        %dma_start3A_209 = arith.constant 0 : i32
        %dma_start3A_210 = tpu.memref_slice %arg7[%run_scoped3A_158, %dma_start3A_209] : memref<8x128xi32, #tpu.memory_space<vmem>> -> memref<1x128xi32, #tpu.memory_space<vmem>>
        %dma_start3A_211 = tpu.memref_squeeze %dma_start3A_210 : memref<1x128xi32, #tpu.memory_space<vmem>> -> memref<128xi32, #tpu.memory_space<vmem>>
        %dma_start3A_212 = arith.constant 0 : i32
        %dma_start3A_213 = tpu.memref_slice %arg15[%dma_start3A_212] : memref<32768xi32, #tpu.memory_space<vmem_shared>> -> memref<32768xi32, #tpu.memory_space<vmem_shared>>
        tpu.enqueue_indirect_dma source(%dma_start3A_213 : memref<32768xi32, #tpu.memory_space<vmem_shared>>) target(%dma_start3A_208 : memref<128xi32, #tpu.memory_space<vmem>>) offsets(%dma_start3A_211 : memref<128xi32, #tpu.memory_space<vmem>>) semaphore(%run_scoped3A_206 : memref<!tpu.dma_semaphore, #tpu.memory_space<semaphore_mem>>)
        %dma_wait3A = arith.constant 0 : i32
        %dma_wait3A_214 = tpu.memref_slice %arg9[%run_scoped3A_159, %dma_wait3A] : memref<8x128xi32, #tpu.memory_space<vmem>> -> memref<1x128xi32, #tpu.memory_space<vmem>>
        %dma_wait3A_215 = tpu.memref_squeeze %dma_wait3A_214 : memref<1x128xi32, #tpu.memory_space<vmem>> -> memref<128xi32, #tpu.memory_space<vmem>>
        %dma_wait3A_216 = arith.constant 0 : i32
        %dma_wait3A_217 = tpu.memref_slice %arg7[%run_scoped3A_158, %dma_wait3A_216] : memref<8x128xi32, #tpu.memory_space<vmem>> -> memref<1x128xi32, #tpu.memory_space<vmem>>
        %dma_wait3A_218 = tpu.memref_squeeze %dma_wait3A_217 : memref<1x128xi32, #tpu.memory_space<vmem>> -> memref<128xi32, #tpu.memory_space<vmem>>
        %dma_wait3A_219 = arith.constant 0 : i32
        %dma_wait3A_220 = tpu.memref_slice %arg15[%dma_wait3A_219] : memref<32768xi32, #tpu.memory_space<vmem_shared>> -> memref<32768xi32, #tpu.memory_space<vmem_shared>>
        tpu.wait_indirect_dma semaphore(%run_scoped3A_206 : memref<!tpu.dma_semaphore, #tpu.memory_space<semaphore_mem>>) src(%dma_wait3A_220 : memref<32768xi32, #tpu.memory_space<vmem_shared>>) dst(%dma_wait3A_215 : memref<128xi32, #tpu.memory_space<vmem>>)
        tpu.yield
      }) : () -> ()
      %run_scoped3A_160 = arith.constant 5 : i32
      %run_scoped3A_161 = arith.constant 5 : i32
      "tpu.region"() ({
        %run_scoped3A_206 = tpu.sem_alloc : memref<!tpu.dma_semaphore, #tpu.memory_space<semaphore_mem>>
        %dma_start3A = arith.constant 0 : i32
        %dma_start3A_207 = tpu.memref_slice %arg9[%run_scoped3A_161, %dma_start3A] : memref<8x128xi32, #tpu.memory_space<vmem>> -> memref<1x128xi32, #tpu.memory_space<vmem>>
        %dma_start3A_208 = tpu.memref_squeeze %dma_start3A_207 : memref<1x128xi32, #tpu.memory_space<vmem>> -> memref<128xi32, #tpu.memory_space<vmem>>
        %dma_start3A_209 = arith.constant 0 : i32
        %dma_start3A_210 = tpu.memref_slice %arg7[%run_scoped3A_160, %dma_start3A_209] : memref<8x128xi32, #tpu.memory_space<vmem>> -> memref<1x128xi32, #tpu.memory_space<vmem>>
        %dma_start3A_211 = tpu.memref_squeeze %dma_start3A_210 : memref<1x128xi32, #tpu.memory_space<vmem>> -> memref<128xi32, #tpu.memory_space<vmem>>
        %dma_start3A_212 = arith.constant 0 : i32
        %dma_start3A_213 = tpu.memref_slice %arg15[%dma_start3A_212] : memref<32768xi32, #tpu.memory_space<vmem_shared>> -> memref<32768xi32, #tpu.memory_space<vmem_shared>>
        tpu.enqueue_indirect_dma source(%dma_start3A_213 : memref<32768xi32, #tpu.memory_space<vmem_shared>>) target(%dma_start3A_208 : memref<128xi32, #tpu.memory_space<vmem>>) offsets(%dma_start3A_211 : memref<128xi32, #tpu.memory_space<vmem>>) semaphore(%run_scoped3A_206 : memref<!tpu.dma_semaphore, #tpu.memory_space<semaphore_mem>>)
        %dma_wait3A = arith.constant 0 : i32
        %dma_wait3A_214 = tpu.memref_slice %arg9[%run_scoped3A_161, %dma_wait3A] : memref<8x128xi32, #tpu.memory_space<vmem>> -> memref<1x128xi32, #tpu.memory_space<vmem>>
        %dma_wait3A_215 = tpu.memref_squeeze %dma_wait3A_214 : memref<1x128xi32, #tpu.memory_space<vmem>> -> memref<128xi32, #tpu.memory_space<vmem>>
        %dma_wait3A_216 = arith.constant 0 : i32
        %dma_wait3A_217 = tpu.memref_slice %arg7[%run_scoped3A_160, %dma_wait3A_216] : memref<8x128xi32, #tpu.memory_space<vmem>> -> memref<1x128xi32, #tpu.memory_space<vmem>>
        %dma_wait3A_218 = tpu.memref_squeeze %dma_wait3A_217 : memref<1x128xi32, #tpu.memory_space<vmem>> -> memref<128xi32, #tpu.memory_space<vmem>>
        %dma_wait3A_219 = arith.constant 0 : i32
        %dma_wait3A_220 = tpu.memref_slice %arg15[%dma_wait3A_219] : memref<32768xi32, #tpu.memory_space<vmem_shared>> -> memref<32768xi32, #tpu.memory_space<vmem_shared>>
        tpu.wait_indirect_dma semaphore(%run_scoped3A_206 : memref<!tpu.dma_semaphore, #tpu.memory_space<semaphore_mem>>) src(%dma_wait3A_220 : memref<32768xi32, #tpu.memory_space<vmem_shared>>) dst(%dma_wait3A_215 : memref<128xi32, #tpu.memory_space<vmem>>)
        tpu.yield
      }) : () -> ()
      %run_scoped3A_162 = arith.constant 6 : i32
      %run_scoped3A_163 = arith.constant 6 : i32
      "tpu.region"() ({
        %run_scoped3A_206 = tpu.sem_alloc : memref<!tpu.dma_semaphore, #tpu.memory_space<semaphore_mem>>
        %dma_start3A = arith.constant 0 : i32
        %dma_start3A_207 = tpu.memref_slice %arg9[%run_scoped3A_163, %dma_start3A] : memref<8x128xi32, #tpu.memory_space<vmem>> -> memref<1x128xi32, #tpu.memory_space<vmem>>
        %dma_start3A_208 = tpu.memref_squeeze %dma_start3A_207 : memref<1x128xi32, #tpu.memory_space<vmem>> -> memref<128xi32, #tpu.memory_space<vmem>>
        %dma_start3A_209 = arith.constant 0 : i32
        %dma_start3A_210 = tpu.memref_slice %arg7[%run_scoped3A_162, %dma_start3A_209] : memref<8x128xi32, #tpu.memory_space<vmem>> -> memref<1x128xi32, #tpu.memory_space<vmem>>
        %dma_start3A_211 = tpu.memref_squeeze %dma_start3A_210 : memref<1x128xi32, #tpu.memory_space<vmem>> -> memref<128xi32, #tpu.memory_space<vmem>>
        %dma_start3A_212 = arith.constant 0 : i32
        %dma_start3A_213 = tpu.memref_slice %arg15[%dma_start3A_212] : memref<32768xi32, #tpu.memory_space<vmem_shared>> -> memref<32768xi32, #tpu.memory_space<vmem_shared>>
        tpu.enqueue_indirect_dma source(%dma_start3A_213 : memref<32768xi32, #tpu.memory_space<vmem_shared>>) target(%dma_start3A_208 : memref<128xi32, #tpu.memory_space<vmem>>) offsets(%dma_start3A_211 : memref<128xi32, #tpu.memory_space<vmem>>) semaphore(%run_scoped3A_206 : memref<!tpu.dma_semaphore, #tpu.memory_space<semaphore_mem>>)
        %dma_wait3A = arith.constant 0 : i32
        %dma_wait3A_214 = tpu.memref_slice %arg9[%run_scoped3A_163, %dma_wait3A] : memref<8x128xi32, #tpu.memory_space<vmem>> -> memref<1x128xi32, #tpu.memory_space<vmem>>
        %dma_wait3A_215 = tpu.memref_squeeze %dma_wait3A_214 : memref<1x128xi32, #tpu.memory_space<vmem>> -> memref<128xi32, #tpu.memory_space<vmem>>
        %dma_wait3A_216 = arith.constant 0 : i32
        %dma_wait3A_217 = tpu.memref_slice %arg7[%run_scoped3A_162, %dma_wait3A_216] : memref<8x128xi32, #tpu.memory_space<vmem>> -> memref<1x128xi32, #tpu.memory_space<vmem>>
        %dma_wait3A_218 = tpu.memref_squeeze %dma_wait3A_217 : memref<1x128xi32, #tpu.memory_space<vmem>> -> memref<128xi32, #tpu.memory_space<vmem>>
        %dma_wait3A_219 = arith.constant 0 : i32
        %dma_wait3A_220 = tpu.memref_slice %arg15[%dma_wait3A_219] : memref<32768xi32, #tpu.memory_space<vmem_shared>> -> memref<32768xi32, #tpu.memory_space<vmem_shared>>
        tpu.wait_indirect_dma semaphore(%run_scoped3A_206 : memref<!tpu.dma_semaphore, #tpu.memory_space<semaphore_mem>>) src(%dma_wait3A_220 : memref<32768xi32, #tpu.memory_space<vmem_shared>>) dst(%dma_wait3A_215 : memref<128xi32, #tpu.memory_space<vmem>>)
        tpu.yield
      }) : () -> ()
      %run_scoped3A_164 = arith.constant 7 : i32
      %run_scoped3A_165 = arith.constant 7 : i32
      "tpu.region"() ({
        %run_scoped3A_206 = tpu.sem_alloc : memref<!tpu.dma_semaphore, #tpu.memory_space<semaphore_mem>>
        %dma_start3A = arith.constant 0 : i32
        %dma_start3A_207 = tpu.memref_slice %arg9[%run_scoped3A_165, %dma_start3A] : memref<8x128xi32, #tpu.memory_space<vmem>> -> memref<1x128xi32, #tpu.memory_space<vmem>>
        %dma_start3A_208 = tpu.memref_squeeze %dma_start3A_207 : memref<1x128xi32, #tpu.memory_space<vmem>> -> memref<128xi32, #tpu.memory_space<vmem>>
        %dma_start3A_209 = arith.constant 0 : i32
        %dma_start3A_210 = tpu.memref_slice %arg7[%run_scoped3A_164, %dma_start3A_209] : memref<8x128xi32, #tpu.memory_space<vmem>> -> memref<1x128xi32, #tpu.memory_space<vmem>>
        %dma_start3A_211 = tpu.memref_squeeze %dma_start3A_210 : memref<1x128xi32, #tpu.memory_space<vmem>> -> memref<128xi32, #tpu.memory_space<vmem>>
        %dma_start3A_212 = arith.constant 0 : i32
        %dma_start3A_213 = tpu.memref_slice %arg15[%dma_start3A_212] : memref<32768xi32, #tpu.memory_space<vmem_shared>> -> memref<32768xi32, #tpu.memory_space<vmem_shared>>
        tpu.enqueue_indirect_dma source(%dma_start3A_213 : memref<32768xi32, #tpu.memory_space<vmem_shared>>) target(%dma_start3A_208 : memref<128xi32, #tpu.memory_space<vmem>>) offsets(%dma_start3A_211 : memref<128xi32, #tpu.memory_space<vmem>>) semaphore(%run_scoped3A_206 : memref<!tpu.dma_semaphore, #tpu.memory_space<semaphore_mem>>)
        %dma_wait3A = arith.constant 0 : i32
        %dma_wait3A_214 = tpu.memref_slice %arg9[%run_scoped3A_165, %dma_wait3A] : memref<8x128xi32, #tpu.memory_space<vmem>> -> memref<1x128xi32, #tpu.memory_space<vmem>>
        %dma_wait3A_215 = tpu.memref_squeeze %dma_wait3A_214 : memref<1x128xi32, #tpu.memory_space<vmem>> -> memref<128xi32, #tpu.memory_space<vmem>>
        %dma_wait3A_216 = arith.constant 0 : i32
        %dma_wait3A_217 = tpu.memref_slice %arg7[%run_scoped3A_164, %dma_wait3A_216] : memref<8x128xi32, #tpu.memory_space<vmem>> -> memref<1x128xi32, #tpu.memory_space<vmem>>
        %dma_wait3A_218 = tpu.memref_squeeze %dma_wait3A_217 : memref<1x128xi32, #tpu.memory_space<vmem>> -> memref<128xi32, #tpu.memory_space<vmem>>
        %dma_wait3A_219 = arith.constant 0 : i32
        %dma_wait3A_220 = tpu.memref_slice %arg15[%dma_wait3A_219] : memref<32768xi32, #tpu.memory_space<vmem_shared>> -> memref<32768xi32, #tpu.memory_space<vmem_shared>>
        tpu.wait_indirect_dma semaphore(%run_scoped3A_206 : memref<!tpu.dma_semaphore, #tpu.memory_space<semaphore_mem>>) src(%dma_wait3A_220 : memref<32768xi32, #tpu.memory_space<vmem_shared>>) dst(%dma_wait3A_215 : memref<128xi32, #tpu.memory_space<vmem>>)
        tpu.yield
      }) : () -> ()
      %scan3A_166 = arith.constant 0 : i32
      %scan3A_167 = arith.constant 0 : i32
      %scan3A_168 = arith.constant 64 : i32
      %scan3A_169 = arith.addi %scan3A_167, %scan3A_168 : i32
      %scan3A_170 = arith.constant 1 : i32
      %scan3A_171 = scf.for %scan3A_206 = %scan3A_167 to %scan3A_169 step %scan3A_170 iter_args(%scan3A_207 = %scan3A_166) -> (i32)  : i32 {
        %jit3A_208 = arith.constant 8 : i32
        %div3A_209 = arith.divsi %scan3A_206, %jit3A_208 : i32
        %sign3A_210 = arith.constant 0 : i32
        %sign3A_211 = arith.cmpi sgt, %scan3A_206, %sign3A_210 : i32
        %sign3A_212 = arith.extui %sign3A_211 : i1 to i32
        %sign3A_213 = arith.constant 0 : i32
        %sign3A_214 = arith.cmpi slt, %scan3A_206, %sign3A_213 : i32
        %sign3A_215 = arith.extui %sign3A_214 : i1 to i32
        %sign3A_216 = arith.subi %sign3A_212, %sign3A_215 : i32
        %sign3A_217 = arith.constant 0 : i32
        %sign3A_218 = arith.cmpi sgt, %jit3A_208, %sign3A_217 : i32
        %sign3A_219 = arith.extui %sign3A_218 : i1 to i32
        %sign3A_220 = arith.constant 0 : i32
        %sign3A_221 = arith.cmpi slt, %jit3A_208, %sign3A_220 : i32
        %sign3A_222 = arith.extui %sign3A_221 : i1 to i32
        %sign3A_223 = arith.subi %sign3A_219, %sign3A_222 : i32
        %ne3A_224 = arith.cmpi ne, %sign3A_216, %sign3A_223 : i32
        %rem3A_225 = arith.remsi %scan3A_206, %jit3A_208 : i32
        %ne3A_226 = arith.constant 0 : i32
        %ne3A_227 = arith.cmpi ne, %rem3A_225, %ne3A_226 : i32
        %and3A_228 = arith.andi %ne3A_224, %ne3A_227 : i1
        %sub3A_229 = arith.constant 1 : i32
        %sub3A_230 = arith.subi %div3A_209, %sub3A_229 : i32
        %select_n3A_231 = arith.select %and3A_228, %sub3A_230, %div3A_209 : i32
        %jit3A_232 = arith.constant 8 : i32
        %eq3A = arith.constant 0 : i32
        %eq3A_233 = arith.cmpi eq, %jit3A_232, %eq3A : i32
        %jit3A_234 = arith.constant 1 : i32
        %select_n3A_235 = arith.select %eq3A_233, %jit3A_234, %jit3A_232 : i32
        %rem3A_236 = arith.remsi %scan3A_206, %select_n3A_235 : i32
        %ne3A_237 = arith.constant 0 : i32
        %ne3A_238 = arith.cmpi ne, %rem3A_236, %ne3A_237 : i32
        %lt3A = arith.constant 0 : i32
        %lt3A_239 = arith.cmpi slt, %rem3A_236, %lt3A : i32
        %lt3A_240 = arith.constant 0 : i32
        %lt3A_241 = arith.cmpi slt, %select_n3A_235, %lt3A_240 : i32
        %ne3A_242 = arith.xori %lt3A_239, %lt3A_241 : i1
        %and3A_243 = arith.andi %ne3A_242, %ne3A_238 : i1
        %add3A_244 = arith.addi %rem3A_236, %select_n3A_235 : i32
        %select_n3A_245 = arith.select %and3A_243, %add3A_244, %rem3A_236 : i32
        %mul3A_246 = arith.constant 16 : i32
        %mul3A_247 = arith.muli %scan3A_206, %mul3A_246 : i32
        %get3A = arith.index_cast %mul3A_247 : i32 to index
        %get3A_248 = tpu.vector_load %arg11[%get3A] {strides = array<i32>} : memref<1024xi32, #tpu.memory_space<vmem>>, vector<16xi32>,
        %mul3A_249 = arith.constant 16 : i32
        %mul3A_250 = arith.muli %select_n3A_245, %mul3A_249 : i32
        %get3A_251 = arith.index_cast %select_n3A_231 : i32 to index
        %get3A_252 = arith.index_cast %mul3A_250 : i32 to index
        %get3A_253 = tpu.vector_load %arg9[%get3A_251, %get3A_252] {strides = array<i32>} : memref<8x128xi32, #tpu.memory_space<vmem>>, vector<16xi32>,
        %max3A = arith.constant 1 : i32
        %max3A_254 = vector.broadcast %max3A : i32 to vector<16xi32>
        %max3A_255 = arith.maxsi %get3A_248, %max3A_254 : vector<16xi32>
        %convert_element_type3A = arith.sitofp %max3A_255 : vector<16xi32> to vector<16xf32>
        %convert_element_type3A_256 = arith.sitofp %get3A_253 : vector<16xi32> to vector<16xf32>
        %mul3A_257 = arith.mulf %convert_element_type3A, %convert_element_type3A_256 : vector<16xf32>
        %div3A_258 = arith.constant 1.000000e+00 : f32
        %div3A_259 = vector.broadcast %div3A_258 : f32 to vector<16xf32>
        %div3A_260 = arith.divf %div3A_259, %mul3A_257 : vector<16xf32>
        %bitcast3A = vector.bitcast %div3A_260 : vector<16xf32> to vector<16xi32>
        %mul3A_261 = arith.constant 16 : i32
        %mul3A_262 = arith.muli %select_n3A_245, %mul3A_261 : i32
        %swap3A_263 = arith.index_cast %select_n3A_231 : i32 to index
        %swap3A_264 = arith.index_cast %mul3A_262 : i32 to index
        %swap3A_265 = tpu.vector_load %arg10[%swap3A_263, %swap3A_264] {strides = array<i32>} : memref<8x128xi32, #tpu.memory_space<vmem>>, vector<16xi32>,
        tpu.vector_store %arg10[%swap3A_263, %swap3A_264], %bitcast3A {strides = array<i32>} : memref<8x128xi32, #tpu.memory_space<vmem>>, vector<16xi32>,
        %scan3A_266 = arith.constant 0 : i32
        scf.yield %scan3A_266 : i32
      }
      %scan3A_172 = arith.constant 64 : i32
      %add3A_173 = arith.constant 0 : i32
      %add3A_174 = arith.addi %multiple_of3A, %add3A_173 : i32
      %multiple_of3A_175 = tpu.assume_multiple %add3A_174, 128 : i32
      %run_scoped3A_176 = arith.constant 0 : i32
      "tpu.region"() ({
        %run_scoped3A_206 = tpu.sem_alloc : memref<!tpu.dma_semaphore, #tpu.memory_space<semaphore_mem>>
        %dma_start3A = arith.constant 0 : i32
        %dma_start3A_207 = tpu.memref_slice %arg10[%run_scoped3A_176, %dma_start3A] : memref<8x128xi32, #tpu.memory_space<vmem>> -> memref<1x128xi32, #tpu.memory_space<vmem>>
        %dma_start3A_208 = tpu.memref_squeeze %dma_start3A_207 : memref<1x128xi32, #tpu.memory_space<vmem>> -> memref<128xi32, #tpu.memory_space<vmem>>
        %dma_start3A_209 = tpu.memref_slice %arg14[%multiple_of3A_175] : memref<131072xi32, #tpu.memory_space<vmem_shared>> -> memref<128xi32, #tpu.memory_space<vmem_shared>>
        %dma_start3A_210 = tpu.memref_slice %arg14[%multiple_of3A_175] : memref<131072xi32, #tpu.memory_space<vmem_shared>> -> memref<128xi32, #tpu.memory_space<vmem_shared>>
        %dma_start3A_211 = arith.constant 0 : i32
        %dma_start3A_212 = tpu.memref_slice %arg10[%run_scoped3A_176, %dma_start3A_211] : memref<8x128xi32, #tpu.memory_space<vmem>> -> memref<1x128xi32, #tpu.memory_space<vmem>>
        %dma_start3A_213 = tpu.memref_squeeze %dma_start3A_212 : memref<1x128xi32, #tpu.memory_space<vmem>> -> memref<128xi32, #tpu.memory_space<vmem>>
        tpu.enqueue_dma source(%dma_start3A_213 : memref<128xi32, #tpu.memory_space<vmem>>) target(%dma_start3A_210 : memref<128xi32, #tpu.memory_space<vmem_shared>>) target_semaphore(%run_scoped3A_206 : memref<!tpu.dma_semaphore, #tpu.memory_space<semaphore_mem>>)
        %dma_wait3A = arith.constant 0 : i32
        %dma_wait3A_214 = tpu.memref_slice %arg10[%run_scoped3A_176, %dma_wait3A] : memref<8x128xi32, #tpu.memory_space<vmem>> -> memref<1x128xi32, #tpu.memory_space<vmem>>
        %dma_wait3A_215 = tpu.memref_squeeze %dma_wait3A_214 : memref<1x128xi32, #tpu.memory_space<vmem>> -> memref<128xi32, #tpu.memory_space<vmem>>
        %dma_wait3A_216 = tpu.memref_slice %arg14[%multiple_of3A_175] : memref<131072xi32, #tpu.memory_space<vmem_shared>> -> memref<128xi32, #tpu.memory_space<vmem_shared>>
        %dma_wait3A_217 = tpu.memref_slice %arg14[%multiple_of3A_175] : memref<131072xi32, #tpu.memory_space<vmem_shared>> -> memref<128xi32, #tpu.memory_space<vmem_shared>>
        %dma_wait3A_218 = arith.constant 0 : i32
        %dma_wait3A_219 = tpu.memref_slice %arg10[%run_scoped3A_176, %dma_wait3A_218] : memref<8x128xi32, #tpu.memory_space<vmem>> -> memref<1x128xi32, #tpu.memory_space<vmem>>
        %dma_wait3A_220 = tpu.memref_squeeze %dma_wait3A_219 : memref<1x128xi32, #tpu.memory_space<vmem>> -> memref<128xi32, #tpu.memory_space<vmem>>
        tpu.wait_dma2 semaphore(%run_scoped3A_206 : memref<!tpu.dma_semaphore, #tpu.memory_space<semaphore_mem>>) src(%dma_wait3A_220 : memref<128xi32, #tpu.memory_space<vmem>>) dst(%dma_wait3A_217 : memref<128xi32, #tpu.memory_space<vmem_shared>>)
        tpu.yield
      }) : () -> ()
      %add3A_177 = arith.constant 128 : i32
      %add3A_178 = arith.addi %multiple_of3A, %add3A_177 : i32
      %multiple_of3A_179 = tpu.assume_multiple %add3A_178, 128 : i32
      %run_scoped3A_180 = arith.constant 1 : i32
      "tpu.region"() ({
        %run_scoped3A_206 = tpu.sem_alloc : memref<!tpu.dma_semaphore, #tpu.memory_space<semaphore_mem>>
        %dma_start3A = arith.constant 0 : i32
        %dma_start3A_207 = tpu.memref_slice %arg10[%run_scoped3A_180, %dma_start3A] : memref<8x128xi32, #tpu.memory_space<vmem>> -> memref<1x128xi32, #tpu.memory_space<vmem>>
        %dma_start3A_208 = tpu.memref_squeeze %dma_start3A_207 : memref<1x128xi32, #tpu.memory_space<vmem>> -> memref<128xi32, #tpu.memory_space<vmem>>
        %dma_start3A_209 = tpu.memref_slice %arg14[%multiple_of3A_179] : memref<131072xi32, #tpu.memory_space<vmem_shared>> -> memref<128xi32, #tpu.memory_space<vmem_shared>>
        %dma_start3A_210 = tpu.memref_slice %arg14[%multiple_of3A_179] : memref<131072xi32, #tpu.memory_space<vmem_shared>> -> memref<128xi32, #tpu.memory_space<vmem_shared>>
        %dma_start3A_211 = arith.constant 0 : i32
        %dma_start3A_212 = tpu.memref_slice %arg10[%run_scoped3A_180, %dma_start3A_211] : memref<8x128xi32, #tpu.memory_space<vmem>> -> memref<1x128xi32, #tpu.memory_space<vmem>>
        %dma_start3A_213 = tpu.memref_squeeze %dma_start3A_212 : memref<1x128xi32, #tpu.memory_space<vmem>> -> memref<128xi32, #tpu.memory_space<vmem>>
        tpu.enqueue_dma source(%dma_start3A_213 : memref<128xi32, #tpu.memory_space<vmem>>) target(%dma_start3A_210 : memref<128xi32, #tpu.memory_space<vmem_shared>>) target_semaphore(%run_scoped3A_206 : memref<!tpu.dma_semaphore, #tpu.memory_space<semaphore_mem>>)
        %dma_wait3A = arith.constant 0 : i32
        %dma_wait3A_214 = tpu.memref_slice %arg10[%run_scoped3A_180, %dma_wait3A] : memref<8x128xi32, #tpu.memory_space<vmem>> -> memref<1x128xi32, #tpu.memory_space<vmem>>
        %dma_wait3A_215 = tpu.memref_squeeze %dma_wait3A_214 : memref<1x128xi32, #tpu.memory_space<vmem>> -> memref<128xi32, #tpu.memory_space<vmem>>
        %dma_wait3A_216 = tpu.memref_slice %arg14[%multiple_of3A_179] : memref<131072xi32, #tpu.memory_space<vmem_shared>> -> memref<128xi32, #tpu.memory_space<vmem_shared>>
        %dma_wait3A_217 = tpu.memref_slice %arg14[%multiple_of3A_179] : memref<131072xi32, #tpu.memory_space<vmem_shared>> -> memref<128xi32, #tpu.memory_space<vmem_shared>>
        %dma_wait3A_218 = arith.constant 0 : i32
        %dma_wait3A_219 = tpu.memref_slice %arg10[%run_scoped3A_180, %dma_wait3A_218] : memref<8x128xi32, #tpu.memory_space<vmem>> -> memref<1x128xi32, #tpu.memory_space<vmem>>
        %dma_wait3A_220 = tpu.memref_squeeze %dma_wait3A_219 : memref<1x128xi32, #tpu.memory_space<vmem>> -> memref<128xi32, #tpu.memory_space<vmem>>
        tpu.wait_dma2 semaphore(%run_scoped3A_206 : memref<!tpu.dma_semaphore, #tpu.memory_space<semaphore_mem>>) src(%dma_wait3A_220 : memref<128xi32, #tpu.memory_space<vmem>>) dst(%dma_wait3A_217 : memref<128xi32, #tpu.memory_space<vmem_shared>>)
        tpu.yield
      }) : () -> ()
      %add3A_181 = arith.constant 256 : i32
      %add3A_182 = arith.addi %multiple_of3A, %add3A_181 : i32
      %multiple_of3A_183 = tpu.assume_multiple %add3A_182, 128 : i32
      %run_scoped3A_184 = arith.constant 2 : i32
      "tpu.region"() ({
        %run_scoped3A_206 = tpu.sem_alloc : memref<!tpu.dma_semaphore, #tpu.memory_space<semaphore_mem>>
        %dma_start3A = arith.constant 0 : i32
        %dma_start3A_207 = tpu.memref_slice %arg10[%run_scoped3A_184, %dma_start3A] : memref<8x128xi32, #tpu.memory_space<vmem>> -> memref<1x128xi32, #tpu.memory_space<vmem>>
        %dma_start3A_208 = tpu.memref_squeeze %dma_start3A_207 : memref<1x128xi32, #tpu.memory_space<vmem>> -> memref<128xi32, #tpu.memory_space<vmem>>
        %dma_start3A_209 = tpu.memref_slice %arg14[%multiple_of3A_183] : memref<131072xi32, #tpu.memory_space<vmem_shared>> -> memref<128xi32, #tpu.memory_space<vmem_shared>>
        %dma_start3A_210 = tpu.memref_slice %arg14[%multiple_of3A_183] : memref<131072xi32, #tpu.memory_space<vmem_shared>> -> memref<128xi32, #tpu.memory_space<vmem_shared>>
        %dma_start3A_211 = arith.constant 0 : i32
        %dma_start3A_212 = tpu.memref_slice %arg10[%run_scoped3A_184, %dma_start3A_211] : memref<8x128xi32, #tpu.memory_space<vmem>> -> memref<1x128xi32, #tpu.memory_space<vmem>>
        %dma_start3A_213 = tpu.memref_squeeze %dma_start3A_212 : memref<1x128xi32, #tpu.memory_space<vmem>> -> memref<128xi32, #tpu.memory_space<vmem>>
        tpu.enqueue_dma source(%dma_start3A_213 : memref<128xi32, #tpu.memory_space<vmem>>) target(%dma_start3A_210 : memref<128xi32, #tpu.memory_space<vmem_shared>>) target_semaphore(%run_scoped3A_206 : memref<!tpu.dma_semaphore, #tpu.memory_space<semaphore_mem>>)
        %dma_wait3A = arith.constant 0 : i32
        %dma_wait3A_214 = tpu.memref_slice %arg10[%run_scoped3A_184, %dma_wait3A] : memref<8x128xi32, #tpu.memory_space<vmem>> -> memref<1x128xi32, #tpu.memory_space<vmem>>
        %dma_wait3A_215 = tpu.memref_squeeze %dma_wait3A_214 : memref<1x128xi32, #tpu.memory_space<vmem>> -> memref<128xi32, #tpu.memory_space<vmem>>
        %dma_wait3A_216 = tpu.memref_slice %arg14[%multiple_of3A_183] : memref<131072xi32, #tpu.memory_space<vmem_shared>> -> memref<128xi32, #tpu.memory_space<vmem_shared>>
        %dma_wait3A_217 = tpu.memref_slice %arg14[%multiple_of3A_183] : memref<131072xi32, #tpu.memory_space<vmem_shared>> -> memref<128xi32, #tpu.memory_space<vmem_shared>>
        %dma_wait3A_218 = arith.constant 0 : i32
        %dma_wait3A_219 = tpu.memref_slice %arg10[%run_scoped3A_184, %dma_wait3A_218] : memref<8x128xi32, #tpu.memory_space<vmem>> -> memref<1x128xi32, #tpu.memory_space<vmem>>
        %dma_wait3A_220 = tpu.memref_squeeze %dma_wait3A_219 : memref<1x128xi32, #tpu.memory_space<vmem>> -> memref<128xi32, #tpu.memory_space<vmem>>
        tpu.wait_dma2 semaphore(%run_scoped3A_206 : memref<!tpu.dma_semaphore, #tpu.memory_space<semaphore_mem>>) src(%dma_wait3A_220 : memref<128xi32, #tpu.memory_space<vmem>>) dst(%dma_wait3A_217 : memref<128xi32, #tpu.memory_space<vmem_shared>>)
        tpu.yield
      }) : () -> ()
      %add3A_185 = arith.constant 384 : i32
      %add3A_186 = arith.addi %multiple_of3A, %add3A_185 : i32
      %multiple_of3A_187 = tpu.assume_multiple %add3A_186, 128 : i32
      %run_scoped3A_188 = arith.constant 3 : i32
      "tpu.region"() ({
        %run_scoped3A_206 = tpu.sem_alloc : memref<!tpu.dma_semaphore, #tpu.memory_space<semaphore_mem>>
        %dma_start3A = arith.constant 0 : i32
        %dma_start3A_207 = tpu.memref_slice %arg10[%run_scoped3A_188, %dma_start3A] : memref<8x128xi32, #tpu.memory_space<vmem>> -> memref<1x128xi32, #tpu.memory_space<vmem>>
        %dma_start3A_208 = tpu.memref_squeeze %dma_start3A_207 : memref<1x128xi32, #tpu.memory_space<vmem>> -> memref<128xi32, #tpu.memory_space<vmem>>
        %dma_start3A_209 = tpu.memref_slice %arg14[%multiple_of3A_187] : memref<131072xi32, #tpu.memory_space<vmem_shared>> -> memref<128xi32, #tpu.memory_space<vmem_shared>>
        %dma_start3A_210 = tpu.memref_slice %arg14[%multiple_of3A_187] : memref<131072xi32, #tpu.memory_space<vmem_shared>> -> memref<128xi32, #tpu.memory_space<vmem_shared>>
        %dma_start3A_211 = arith.constant 0 : i32
        %dma_start3A_212 = tpu.memref_slice %arg10[%run_scoped3A_188, %dma_start3A_211] : memref<8x128xi32, #tpu.memory_space<vmem>> -> memref<1x128xi32, #tpu.memory_space<vmem>>
        %dma_start3A_213 = tpu.memref_squeeze %dma_start3A_212 : memref<1x128xi32, #tpu.memory_space<vmem>> -> memref<128xi32, #tpu.memory_space<vmem>>
        tpu.enqueue_dma source(%dma_start3A_213 : memref<128xi32, #tpu.memory_space<vmem>>) target(%dma_start3A_210 : memref<128xi32, #tpu.memory_space<vmem_shared>>) target_semaphore(%run_scoped3A_206 : memref<!tpu.dma_semaphore, #tpu.memory_space<semaphore_mem>>)
        %dma_wait3A = arith.constant 0 : i32
        %dma_wait3A_214 = tpu.memref_slice %arg10[%run_scoped3A_188, %dma_wait3A] : memref<8x128xi32, #tpu.memory_space<vmem>> -> memref<1x128xi32, #tpu.memory_space<vmem>>
        %dma_wait3A_215 = tpu.memref_squeeze %dma_wait3A_214 : memref<1x128xi32, #tpu.memory_space<vmem>> -> memref<128xi32, #tpu.memory_space<vmem>>
        %dma_wait3A_216 = tpu.memref_slice %arg14[%multiple_of3A_187] : memref<131072xi32, #tpu.memory_space<vmem_shared>> -> memref<128xi32, #tpu.memory_space<vmem_shared>>
        %dma_wait3A_217 = tpu.memref_slice %arg14[%multiple_of3A_187] : memref<131072xi32, #tpu.memory_space<vmem_shared>> -> memref<128xi32, #tpu.memory_space<vmem_shared>>
        %dma_wait3A_218 = arith.constant 0 : i32
        %dma_wait3A_219 = tpu.memref_slice %arg10[%run_scoped3A_188, %dma_wait3A_218] : memref<8x128xi32, #tpu.memory_space<vmem>> -> memref<1x128xi32, #tpu.memory_space<vmem>>
        %dma_wait3A_220 = tpu.memref_squeeze %dma_wait3A_219 : memref<1x128xi32, #tpu.memory_space<vmem>> -> memref<128xi32, #tpu.memory_space<vmem>>
        tpu.wait_dma2 semaphore(%run_scoped3A_206 : memref<!tpu.dma_semaphore, #tpu.memory_space<semaphore_mem>>) src(%dma_wait3A_220 : memref<128xi32, #tpu.memory_space<vmem>>) dst(%dma_wait3A_217 : memref<128xi32, #tpu.memory_space<vmem_shared>>)
        tpu.yield
      }) : () -> ()
      %add3A_189 = arith.constant 512 : i32
      %add3A_190 = arith.addi %multiple_of3A, %add3A_189 : i32
      %multiple_of3A_191 = tpu.assume_multiple %add3A_190, 128 : i32
      %run_scoped3A_192 = arith.constant 4 : i32
      "tpu.region"() ({
        %run_scoped3A_206 = tpu.sem_alloc : memref<!tpu.dma_semaphore, #tpu.memory_space<semaphore_mem>>
        %dma_start3A = arith.constant 0 : i32
        %dma_start3A_207 = tpu.memref_slice %arg10[%run_scoped3A_192, %dma_start3A] : memref<8x128xi32, #tpu.memory_space<vmem>> -> memref<1x128xi32, #tpu.memory_space<vmem>>
        %dma_start3A_208 = tpu.memref_squeeze %dma_start3A_207 : memref<1x128xi32, #tpu.memory_space<vmem>> -> memref<128xi32, #tpu.memory_space<vmem>>
        %dma_start3A_209 = tpu.memref_slice %arg14[%multiple_of3A_191] : memref<131072xi32, #tpu.memory_space<vmem_shared>> -> memref<128xi32, #tpu.memory_space<vmem_shared>>
        %dma_start3A_210 = tpu.memref_slice %arg14[%multiple_of3A_191] : memref<131072xi32, #tpu.memory_space<vmem_shared>> -> memref<128xi32, #tpu.memory_space<vmem_shared>>
        %dma_start3A_211 = arith.constant 0 : i32
        %dma_start3A_212 = tpu.memref_slice %arg10[%run_scoped3A_192, %dma_start3A_211] : memref<8x128xi32, #tpu.memory_space<vmem>> -> memref<1x128xi32, #tpu.memory_space<vmem>>
        %dma_start3A_213 = tpu.memref_squeeze %dma_start3A_212 : memref<1x128xi32, #tpu.memory_space<vmem>> -> memref<128xi32, #tpu.memory_space<vmem>>
        tpu.enqueue_dma source(%dma_start3A_213 : memref<128xi32, #tpu.memory_space<vmem>>) target(%dma_start3A_210 : memref<128xi32, #tpu.memory_space<vmem_shared>>) target_semaphore(%run_scoped3A_206 : memref<!tpu.dma_semaphore, #tpu.memory_space<semaphore_mem>>)
        %dma_wait3A = arith.constant 0 : i32
        %dma_wait3A_214 = tpu.memref_slice %arg10[%run_scoped3A_192, %dma_wait3A] : memref<8x128xi32, #tpu.memory_space<vmem>> -> memref<1x128xi32, #tpu.memory_space<vmem>>
        %dma_wait3A_215 = tpu.memref_squeeze %dma_wait3A_214 : memref<1x128xi32, #tpu.memory_space<vmem>> -> memref<128xi32, #tpu.memory_space<vmem>>
        %dma_wait3A_216 = tpu.memref_slice %arg14[%multiple_of3A_191] : memref<131072xi32, #tpu.memory_space<vmem_shared>> -> memref<128xi32, #tpu.memory_space<vmem_shared>>
        %dma_wait3A_217 = tpu.memref_slice %arg14[%multiple_of3A_191] : memref<131072xi32, #tpu.memory_space<vmem_shared>> -> memref<128xi32, #tpu.memory_space<vmem_shared>>
        %dma_wait3A_218 = arith.constant 0 : i32
        %dma_wait3A_219 = tpu.memref_slice %arg10[%run_scoped3A_192, %dma_wait3A_218] : memref<8x128xi32, #tpu.memory_space<vmem>> -> memref<1x128xi32, #tpu.memory_space<vmem>>
        %dma_wait3A_220 = tpu.memref_squeeze %dma_wait3A_219 : memref<1x128xi32, #tpu.memory_space<vmem>> -> memref<128xi32, #tpu.memory_space<vmem>>
        tpu.wait_dma2 semaphore(%run_scoped3A_206 : memref<!tpu.dma_semaphore, #tpu.memory_space<semaphore_mem>>) src(%dma_wait3A_220 : memref<128xi32, #tpu.memory_space<vmem>>) dst(%dma_wait3A_217 : memref<128xi32, #tpu.memory_space<vmem_shared>>)
        tpu.yield
      }) : () -> ()
      %add3A_193 = arith.constant 640 : i32
      %add3A_194 = arith.addi %multiple_of3A, %add3A_193 : i32
      %multiple_of3A_195 = tpu.assume_multiple %add3A_194, 128 : i32
      %run_scoped3A_196 = arith.constant 5 : i32
      "tpu.region"() ({
        %run_scoped3A_206 = tpu.sem_alloc : memref<!tpu.dma_semaphore, #tpu.memory_space<semaphore_mem>>
        %dma_start3A = arith.constant 0 : i32
        %dma_start3A_207 = tpu.memref_slice %arg10[%run_scoped3A_196, %dma_start3A] : memref<8x128xi32, #tpu.memory_space<vmem>> -> memref<1x128xi32, #tpu.memory_space<vmem>>
        %dma_start3A_208 = tpu.memref_squeeze %dma_start3A_207 : memref<1x128xi32, #tpu.memory_space<vmem>> -> memref<128xi32, #tpu.memory_space<vmem>>
        %dma_start3A_209 = tpu.memref_slice %arg14[%multiple_of3A_195] : memref<131072xi32, #tpu.memory_space<vmem_shared>> -> memref<128xi32, #tpu.memory_space<vmem_shared>>
        %dma_start3A_210 = tpu.memref_slice %arg14[%multiple_of3A_195] : memref<131072xi32, #tpu.memory_space<vmem_shared>> -> memref<128xi32, #tpu.memory_space<vmem_shared>>
        %dma_start3A_211 = arith.constant 0 : i32
        %dma_start3A_212 = tpu.memref_slice %arg10[%run_scoped3A_196, %dma_start3A_211] : memref<8x128xi32, #tpu.memory_space<vmem>> -> memref<1x128xi32, #tpu.memory_space<vmem>>
        %dma_start3A_213 = tpu.memref_squeeze %dma_start3A_212 : memref<1x128xi32, #tpu.memory_space<vmem>> -> memref<128xi32, #tpu.memory_space<vmem>>
        tpu.enqueue_dma source(%dma_start3A_213 : memref<128xi32, #tpu.memory_space<vmem>>) target(%dma_start3A_210 : memref<128xi32, #tpu.memory_space<vmem_shared>>) target_semaphore(%run_scoped3A_206 : memref<!tpu.dma_semaphore, #tpu.memory_space<semaphore_mem>>)
        %dma_wait3A = arith.constant 0 : i32
        %dma_wait3A_214 = tpu.memref_slice %arg10[%run_scoped3A_196, %dma_wait3A] : memref<8x128xi32, #tpu.memory_space<vmem>> -> memref<1x128xi32, #tpu.memory_space<vmem>>
        %dma_wait3A_215 = tpu.memref_squeeze %dma_wait3A_214 : memref<1x128xi32, #tpu.memory_space<vmem>> -> memref<128xi32, #tpu.memory_space<vmem>>
        %dma_wait3A_216 = tpu.memref_slice %arg14[%multiple_of3A_195] : memref<131072xi32, #tpu.memory_space<vmem_shared>> -> memref<128xi32, #tpu.memory_space<vmem_shared>>
        %dma_wait3A_217 = tpu.memref_slice %arg14[%multiple_of3A_195] : memref<131072xi32, #tpu.memory_space<vmem_shared>> -> memref<128xi32, #tpu.memory_space<vmem_shared>>
        %dma_wait3A_218 = arith.constant 0 : i32
        %dma_wait3A_219 = tpu.memref_slice %arg10[%run_scoped3A_196, %dma_wait3A_218] : memref<8x128xi32, #tpu.memory_space<vmem>> -> memref<1x128xi32, #tpu.memory_space<vmem>>
        %dma_wait3A_220 = tpu.memref_squeeze %dma_wait3A_219 : memref<1x128xi32, #tpu.memory_space<vmem>> -> memref<128xi32, #tpu.memory_space<vmem>>
        tpu.wait_dma2 semaphore(%run_scoped3A_206 : memref<!tpu.dma_semaphore, #tpu.memory_space<semaphore_mem>>) src(%dma_wait3A_220 : memref<128xi32, #tpu.memory_space<vmem>>) dst(%dma_wait3A_217 : memref<128xi32, #tpu.memory_space<vmem_shared>>)
        tpu.yield
      }) : () -> ()
      %add3A_197 = arith.constant 768 : i32
      %add3A_198 = arith.addi %multiple_of3A, %add3A_197 : i32
      %multiple_of3A_199 = tpu.assume_multiple %add3A_198, 128 : i32
      %run_scoped3A_200 = arith.constant 6 : i32
      "tpu.region"() ({
        %run_scoped3A_206 = tpu.sem_alloc : memref<!tpu.dma_semaphore, #tpu.memory_space<semaphore_mem>>
        %dma_start3A = arith.constant 0 : i32
        %dma_start3A_207 = tpu.memref_slice %arg10[%run_scoped3A_200, %dma_start3A] : memref<8x128xi32, #tpu.memory_space<vmem>> -> memref<1x128xi32, #tpu.memory_space<vmem>>
        %dma_start3A_208 = tpu.memref_squeeze %dma_start3A_207 : memref<1x128xi32, #tpu.memory_space<vmem>> -> memref<128xi32, #tpu.memory_space<vmem>>
        %dma_start3A_209 = tpu.memref_slice %arg14[%multiple_of3A_199] : memref<131072xi32, #tpu.memory_space<vmem_shared>> -> memref<128xi32, #tpu.memory_space<vmem_shared>>
        %dma_start3A_210 = tpu.memref_slice %arg14[%multiple_of3A_199] : memref<131072xi32, #tpu.memory_space<vmem_shared>> -> memref<128xi32, #tpu.memory_space<vmem_shared>>
        %dma_start3A_211 = arith.constant 0 : i32
        %dma_start3A_212 = tpu.memref_slice %arg10[%run_scoped3A_200, %dma_start3A_211] : memref<8x128xi32, #tpu.memory_space<vmem>> -> memref<1x128xi32, #tpu.memory_space<vmem>>
        %dma_start3A_213 = tpu.memref_squeeze %dma_start3A_212 : memref<1x128xi32, #tpu.memory_space<vmem>> -> memref<128xi32, #tpu.memory_space<vmem>>
        tpu.enqueue_dma source(%dma_start3A_213 : memref<128xi32, #tpu.memory_space<vmem>>) target(%dma_start3A_210 : memref<128xi32, #tpu.memory_space<vmem_shared>>) target_semaphore(%run_scoped3A_206 : memref<!tpu.dma_semaphore, #tpu.memory_space<semaphore_mem>>)
        %dma_wait3A = arith.constant 0 : i32
        %dma_wait3A_214 = tpu.memref_slice %arg10[%run_scoped3A_200, %dma_wait3A] : memref<8x128xi32, #tpu.memory_space<vmem>> -> memref<1x128xi32, #tpu.memory_space<vmem>>
        %dma_wait3A_215 = tpu.memref_squeeze %dma_wait3A_214 : memref<1x128xi32, #tpu.memory_space<vmem>> -> memref<128xi32, #tpu.memory_space<vmem>>
        %dma_wait3A_216 = tpu.memref_slice %arg14[%multiple_of3A_199] : memref<131072xi32, #tpu.memory_space<vmem_shared>> -> memref<128xi32, #tpu.memory_space<vmem_shared>>
        %dma_wait3A_217 = tpu.memref_slice %arg14[%multiple_of3A_199] : memref<131072xi32, #tpu.memory_space<vmem_shared>> -> memref<128xi32, #tpu.memory_space<vmem_shared>>
        %dma_wait3A_218 = arith.constant 0 : i32
        %dma_wait3A_219 = tpu.memref_slice %arg10[%run_scoped3A_200, %dma_wait3A_218] : memref<8x128xi32, #tpu.memory_space<vmem>> -> memref<1x128xi32, #tpu.memory_space<vmem>>
        %dma_wait3A_220 = tpu.memref_squeeze %dma_wait3A_219 : memref<1x128xi32, #tpu.memory_space<vmem>> -> memref<128xi32, #tpu.memory_space<vmem>>
        tpu.wait_dma2 semaphore(%run_scoped3A_206 : memref<!tpu.dma_semaphore, #tpu.memory_space<semaphore_mem>>) src(%dma_wait3A_220 : memref<128xi32, #tpu.memory_space<vmem>>) dst(%dma_wait3A_217 : memref<128xi32, #tpu.memory_space<vmem_shared>>)
        tpu.yield
      }) : () -> ()
      %add3A_201 = arith.constant 896 : i32
      %add3A_202 = arith.addi %multiple_of3A, %add3A_201 : i32
      %multiple_of3A_203 = tpu.assume_multiple %add3A_202, 128 : i32
      %run_scoped3A_204 = arith.constant 7 : i32
      "tpu.region"() ({
        %run_scoped3A_206 = tpu.sem_alloc : memref<!tpu.dma_semaphore, #tpu.memory_space<semaphore_mem>>
        %dma_start3A = arith.constant 0 : i32
        %dma_start3A_207 = tpu.memref_slice %arg10[%run_scoped3A_204, %dma_start3A] : memref<8x128xi32, #tpu.memory_space<vmem>> -> memref<1x128xi32, #tpu.memory_space<vmem>>
        %dma_start3A_208 = tpu.memref_squeeze %dma_start3A_207 : memref<1x128xi32, #tpu.memory_space<vmem>> -> memref<128xi32, #tpu.memory_space<vmem>>
        %dma_start3A_209 = tpu.memref_slice %arg14[%multiple_of3A_203] : memref<131072xi32, #tpu.memory_space<vmem_shared>> -> memref<128xi32, #tpu.memory_space<vmem_shared>>
        %dma_start3A_210 = tpu.memref_slice %arg14[%multiple_of3A_203] : memref<131072xi32, #tpu.memory_space<vmem_shared>> -> memref<128xi32, #tpu.memory_space<vmem_shared>>
        %dma_start3A_211 = arith.constant 0 : i32
        %dma_start3A_212 = tpu.memref_slice %arg10[%run_scoped3A_204, %dma_start3A_211] : memref<8x128xi32, #tpu.memory_space<vmem>> -> memref<1x128xi32, #tpu.memory_space<vmem>>
        %dma_start3A_213 = tpu.memref_squeeze %dma_start3A_212 : memref<1x128xi32, #tpu.memory_space<vmem>> -> memref<128xi32, #tpu.memory_space<vmem>>
        tpu.enqueue_dma source(%dma_start3A_213 : memref<128xi32, #tpu.memory_space<vmem>>) target(%dma_start3A_210 : memref<128xi32, #tpu.memory_space<vmem_shared>>) target_semaphore(%run_scoped3A_206 : memref<!tpu.dma_semaphore, #tpu.memory_space<semaphore_mem>>)
        %dma_wait3A = arith.constant 0 : i32
        %dma_wait3A_214 = tpu.memref_slice %arg10[%run_scoped3A_204, %dma_wait3A] : memref<8x128xi32, #tpu.memory_space<vmem>> -> memref<1x128xi32, #tpu.memory_space<vmem>>
        %dma_wait3A_215 = tpu.memref_squeeze %dma_wait3A_214 : memref<1x128xi32, #tpu.memory_space<vmem>> -> memref<128xi32, #tpu.memory_space<vmem>>
        %dma_wait3A_216 = tpu.memref_slice %arg14[%multiple_of3A_203] : memref<131072xi32, #tpu.memory_space<vmem_shared>> -> memref<128xi32, #tpu.memory_space<vmem_shared>>
        %dma_wait3A_217 = tpu.memref_slice %arg14[%multiple_of3A_203] : memref<131072xi32, #tpu.memory_space<vmem_shared>> -> memref<128xi32, #tpu.memory_space<vmem_shared>>
        %dma_wait3A_218 = arith.constant 0 : i32
        %dma_wait3A_219 = tpu.memref_slice %arg10[%run_scoped3A_204, %dma_wait3A_218] : memref<8x128xi32, #tpu.memory_space<vmem>> -> memref<1x128xi32, #tpu.memory_space<vmem>>
        %dma_wait3A_220 = tpu.memref_squeeze %dma_wait3A_219 : memref<1x128xi32, #tpu.memory_space<vmem>> -> memref<128xi32, #tpu.memory_space<vmem>>
        tpu.wait_dma2 semaphore(%run_scoped3A_206 : memref<!tpu.dma_semaphore, #tpu.memory_space<semaphore_mem>>) src(%dma_wait3A_220 : memref<128xi32, #tpu.memory_space<vmem>>) dst(%dma_wait3A_217 : memref<128xi32, #tpu.memory_space<vmem_shared>>)
        tpu.yield
      }) : () -> ()
      %scan3A_205 = arith.constant 0 : i32
      scf.yield %scan3A_205 : i32
    }
    %scan3A_110 = arith.constant 8 : i32
    %barrier3A_111 = arith.constant 0 : index
    tpu.barrier barrier_id(%barrier3A_111)
    %scan3A_112 = arith.constant 0 : i32
    %scan3A_113 = arith.constant 0 : i32
    %scan3A_114 = arith.constant 65 : i32
    %scan3A_115 = arith.addi %scan3A_113, %scan3A_114 : i32
    %scan3A_116 = arith.constant 1 : i32
    %scan3A_117 = scf.for %scan3A_127 = %scan3A_113 to %scan3A_115 step %scan3A_116 iter_args(%scan3A_128 = %scan3A_112) -> (i32)  : i32 {
      %jit3A = arith.constant 2 : i32
      %eq3A = arith.constant 0 : i32
      %eq3A_129 = arith.cmpi eq, %jit3A, %eq3A : i32
      %jit3A_130 = arith.constant 1 : i32
      %select_n3A = arith.select %eq3A_129, %jit3A_130, %jit3A : i32
      %rem3A = arith.remsi %scan3A_127, %select_n3A : i32
      %ne3A = arith.constant 0 : i32
      %ne3A_131 = arith.cmpi ne, %rem3A, %ne3A : i32
      %lt3A = arith.constant 0 : i32
      %lt3A_132 = arith.cmpi slt, %rem3A, %lt3A : i32
      %lt3A_133 = arith.constant 0 : i32
      %lt3A_134 = arith.cmpi slt, %select_n3A, %lt3A_133 : i32
      %ne3A_135 = arith.xori %lt3A_132, %lt3A_134 : i1
      %and3A = arith.andi %ne3A_135, %ne3A_131 : i1
      %add3A_136 = arith.addi %rem3A, %select_n3A : i32
      %select_n3A_137 = arith.select %and3A, %add3A_136, %rem3A : i32
      %sub3A = arith.constant 1 : i32
      %sub3A_138 = arith.subi %scan3A_127, %sub3A : i32
      %jit3A_139 = arith.constant 2 : i32
      %eq3A_140 = arith.constant 0 : i32
      %eq3A_141 = arith.cmpi eq, %jit3A_139, %eq3A_140 : i32
      %jit3A_142 = arith.constant 1 : i32
      %select_n3A_143 = arith.select %eq3A_141, %jit3A_142, %jit3A_139 : i32
      %rem3A_144 = arith.remsi %sub3A_138, %select_n3A_143 : i32
      %ne3A_145 = arith.constant 0 : i32
      %ne3A_146 = arith.cmpi ne, %rem3A_144, %ne3A_145 : i32
      %lt3A_147 = arith.constant 0 : i32
      %lt3A_148 = arith.cmpi slt, %rem3A_144, %lt3A_147 : i32
      %lt3A_149 = arith.constant 0 : i32
      %lt3A_150 = arith.cmpi slt, %select_n3A_143, %lt3A_149 : i32
      %ne3A_151 = arith.xori %lt3A_148, %lt3A_150 : i1
      %and3A_152 = arith.andi %ne3A_151, %ne3A_146 : i1
      %add3A_153 = arith.addi %rem3A_144, %select_n3A_143 : i32
      %select_n3A_154 = arith.select %and3A_152, %add3A_153, %rem3A_144 : i32
      %lt3A_155 = arith.constant 64 : i32
      %lt3A_156 = arith.cmpi slt, %scan3A_127, %lt3A_155 : i32
      %convert_element_type3A = arith.extui %lt3A_156 : i1 to i32
      %cond3A = arith.constant 0 : i32
      %cond3A_157 = arith.cmpi ne, %convert_element_type3A, %cond3A : i32
      scf.if %cond3A_157 {
        %mul3A_163 = arith.constant 256 : i32
        %mul3A_164 = arith.muli %arg1, %mul3A_163 : i32
        %mul3A_165 = arith.constant 4 : i32
        %mul3A_166 = arith.muli %scan3A_127, %mul3A_165 : i32
        %add3A_167 = arith.addi %mul3A_164, %mul3A_166 : i32
        %multiple_of3A = tpu.assume_multiple %add3A_167, 4 : i32
        %mul3A_168 = arith.constant 4 : i32
        %mul3A_169 = arith.muli %select_n3A_137, %mul3A_168 : i32
        "tpu.region"() ({
          %run_scoped3A = tpu.sem_alloc : memref<!tpu.dma_semaphore, #tpu.memory_space<semaphore_mem>>
          %dma_start3A_242 = arith.constant 0 : i32
          %dma_start3A_243 = tpu.memref_slice %arg8[%mul3A_169, %dma_start3A_242] : memref<8x128xi32, #tpu.memory_space<vmem>> -> memref<4x128xi32, #tpu.memory_space<vmem>>
          %dma_start3A_244 = arith.constant 0 : i32
          %dma_start3A_245 = tpu.memref_slice %arg3[%multiple_of3A, %dma_start3A_244] : memref<4096x128xi32, #tpu.memory_space<hbm>> -> memref<4x128xi32, #tpu.memory_space<hbm>>
          %dma_start3A_246 = arith.constant 0 : i32
          %dma_start3A_247 = tpu.memref_slice %arg8[%mul3A_169, %dma_start3A_246] : memref<8x128xi32, #tpu.memory_space<vmem>> -> memref<4x128xi32, #tpu.memory_space<vmem>>
          %dma_start3A_248 = arith.constant 0 : i32
          %dma_start3A_249 = tpu.memref_slice %arg3[%multiple_of3A, %dma_start3A_248] : memref<4096x128xi32, #tpu.memory_space<hbm>> -> memref<4x128xi32, #tpu.memory_space<hbm>>
          tpu.enqueue_dma source(%dma_start3A_249 : memref<4x128xi32, #tpu.memory_space<hbm>>) target(%dma_start3A_247 : memref<4x128xi32, #tpu.memory_space<vmem>>) target_semaphore(%run_scoped3A : memref<!tpu.dma_semaphore, #tpu.memory_space<semaphore_mem>>)
          %dma_wait3A = arith.constant 0 : i32
          %dma_wait3A_250 = tpu.memref_slice %arg8[%mul3A_169, %dma_wait3A] : memref<8x128xi32, #tpu.memory_space<vmem>> -> memref<4x128xi32, #tpu.memory_space<vmem>>
          %dma_wait3A_251 = arith.constant 0 : i32
          %dma_wait3A_252 = tpu.memref_slice %arg3[%multiple_of3A, %dma_wait3A_251] : memref<4096x128xi32, #tpu.memory_space<hbm>> -> memref<4x128xi32, #tpu.memory_space<hbm>>
          %dma_wait3A_253 = arith.constant 0 : i32
          %dma_wait3A_254 = tpu.memref_slice %arg8[%mul3A_169, %dma_wait3A_253] : memref<8x128xi32, #tpu.memory_space<vmem>> -> memref<4x128xi32, #tpu.memory_space<vmem>>
          %dma_wait3A_255 = arith.constant 0 : i32
          %dma_wait3A_256 = tpu.memref_slice %arg3[%multiple_of3A, %dma_wait3A_255] : memref<4096x128xi32, #tpu.memory_space<hbm>> -> memref<4x128xi32, #tpu.memory_space<hbm>>
          tpu.wait_dma2 semaphore(%run_scoped3A : memref<!tpu.dma_semaphore, #tpu.memory_space<semaphore_mem>>) src(%dma_wait3A_256 : memref<4x128xi32, #tpu.memory_space<hbm>>) dst(%dma_wait3A_254 : memref<4x128xi32, #tpu.memory_space<vmem>>)
          tpu.yield
        }) : () -> ()
        %mul3A_170 = arith.constant 4 : i32
        %mul3A_171 = arith.muli %select_n3A_137, %mul3A_170 : i32
        "tpu.region"() ({
          %run_scoped3A = tpu.sem_alloc : memref<!tpu.dma_semaphore, #tpu.memory_space<semaphore_mem>>
          %dma_start3A_242 = arith.constant 0 : i32
          %dma_start3A_243 = tpu.memref_slice %arg7[%mul3A_171, %dma_start3A_242] : memref<8x128xi32, #tpu.memory_space<vmem>> -> memref<4x128xi32, #tpu.memory_space<vmem>>
          %dma_start3A_244 = arith.constant 0 : i32
          %dma_start3A_245 = tpu.memref_slice %arg4[%multiple_of3A, %dma_start3A_244] : memref<4096x128xi32, #tpu.memory_space<hbm>> -> memref<4x128xi32, #tpu.memory_space<hbm>>
          %dma_start3A_246 = arith.constant 0 : i32
          %dma_start3A_247 = tpu.memref_slice %arg7[%mul3A_171, %dma_start3A_246] : memref<8x128xi32, #tpu.memory_space<vmem>> -> memref<4x128xi32, #tpu.memory_space<vmem>>
          %dma_start3A_248 = arith.constant 0 : i32
          %dma_start3A_249 = tpu.memref_slice %arg4[%multiple_of3A, %dma_start3A_248] : memref<4096x128xi32, #tpu.memory_space<hbm>> -> memref<4x128xi32, #tpu.memory_space<hbm>>
          tpu.enqueue_dma source(%dma_start3A_249 : memref<4x128xi32, #tpu.memory_space<hbm>>) target(%dma_start3A_247 : memref<4x128xi32, #tpu.memory_space<vmem>>) target_semaphore(%run_scoped3A : memref<!tpu.dma_semaphore, #tpu.memory_space<semaphore_mem>>)
          %dma_wait3A = arith.constant 0 : i32
          %dma_wait3A_250 = tpu.memref_slice %arg7[%mul3A_171, %dma_wait3A] : memref<8x128xi32, #tpu.memory_space<vmem>> -> memref<4x128xi32, #tpu.memory_space<vmem>>
          %dma_wait3A_251 = arith.constant 0 : i32
          %dma_wait3A_252 = tpu.memref_slice %arg4[%multiple_of3A, %dma_wait3A_251] : memref<4096x128xi32, #tpu.memory_space<hbm>> -> memref<4x128xi32, #tpu.memory_space<hbm>>
          %dma_wait3A_253 = arith.constant 0 : i32
          %dma_wait3A_254 = tpu.memref_slice %arg7[%mul3A_171, %dma_wait3A_253] : memref<8x128xi32, #tpu.memory_space<vmem>> -> memref<4x128xi32, #tpu.memory_space<vmem>>
          %dma_wait3A_255 = arith.constant 0 : i32
          %dma_wait3A_256 = tpu.memref_slice %arg4[%multiple_of3A, %dma_wait3A_255] : memref<4096x128xi32, #tpu.memory_space<hbm>> -> memref<4x128xi32, #tpu.memory_space<hbm>>
          tpu.wait_dma2 semaphore(%run_scoped3A : memref<!tpu.dma_semaphore, #tpu.memory_space<semaphore_mem>>) src(%dma_wait3A_256 : memref<4x128xi32, #tpu.memory_space<hbm>>) dst(%dma_wait3A_254 : memref<4x128xi32, #tpu.memory_space<vmem>>)
          tpu.yield
        }) : () -> ()
        %scan3A_172 = arith.constant 0 : i32
        %scan3A_173 = arith.constant 0 : i32
        %scan3A_174 = arith.constant 32 : i32
        %scan3A_175 = arith.addi %scan3A_173, %scan3A_174 : i32
        %scan3A_176 = arith.constant 1 : i32
        %scan3A_177 = scf.for %scan3A_242 = %scan3A_173 to %scan3A_175 step %scan3A_176 iter_args(%scan3A_243 = %scan3A_172) -> (i32)  : i32 {
          %mul3A_244 = arith.constant 4 : i32
          %mul3A_245 = arith.muli %select_n3A_137, %mul3A_244 : i32
          %jit3A_246 = arith.constant 8 : i32
          %div3A = arith.divsi %scan3A_242, %jit3A_246 : i32
          %sign3A = arith.constant 0 : i32
          %sign3A_247 = arith.cmpi sgt, %scan3A_242, %sign3A : i32
          %sign3A_248 = arith.extui %sign3A_247 : i1 to i32
          %sign3A_249 = arith.constant 0 : i32
          %sign3A_250 = arith.cmpi slt, %scan3A_242, %sign3A_249 : i32
          %sign3A_251 = arith.extui %sign3A_250 : i1 to i32
          %sign3A_252 = arith.subi %sign3A_248, %sign3A_251 : i32
          %sign3A_253 = arith.constant 0 : i32
          %sign3A_254 = arith.cmpi sgt, %jit3A_246, %sign3A_253 : i32
          %sign3A_255 = arith.extui %sign3A_254 : i1 to i32
          %sign3A_256 = arith.constant 0 : i32
          %sign3A_257 = arith.cmpi slt, %jit3A_246, %sign3A_256 : i32
          %sign3A_258 = arith.extui %sign3A_257 : i1 to i32
          %sign3A_259 = arith.subi %sign3A_255, %sign3A_258 : i32
          %ne3A_260 = arith.cmpi ne, %sign3A_252, %sign3A_259 : i32
          %rem3A_261 = arith.remsi %scan3A_242, %jit3A_246 : i32
          %ne3A_262 = arith.constant 0 : i32
          %ne3A_263 = arith.cmpi ne, %rem3A_261, %ne3A_262 : i32
          %and3A_264 = arith.andi %ne3A_260, %ne3A_263 : i1
          %sub3A_265 = arith.constant 1 : i32
          %sub3A_266 = arith.subi %div3A, %sub3A_265 : i32
          %select_n3A_267 = arith.select %and3A_264, %sub3A_266, %div3A : i32
          %add3A_268 = arith.addi %mul3A_245, %select_n3A_267 : i32
          %jit3A_269 = arith.constant 8 : i32
          %eq3A_270 = arith.constant 0 : i32
          %eq3A_271 = arith.cmpi eq, %jit3A_269, %eq3A_270 : i32
          %jit3A_272 = arith.constant 1 : i32
          %select_n3A_273 = arith.select %eq3A_271, %jit3A_272, %jit3A_269 : i32
          %rem3A_274 = arith.remsi %scan3A_242, %select_n3A_273 : i32
          %ne3A_275 = arith.constant 0 : i32
          %ne3A_276 = arith.cmpi ne, %rem3A_274, %ne3A_275 : i32
          %lt3A_277 = arith.constant 0 : i32
          %lt3A_278 = arith.cmpi slt, %rem3A_274, %lt3A_277 : i32
          %lt3A_279 = arith.constant 0 : i32
          %lt3A_280 = arith.cmpi slt, %select_n3A_273, %lt3A_279 : i32
          %ne3A_281 = arith.xori %lt3A_278, %lt3A_280 : i1
          %and3A_282 = arith.andi %ne3A_281, %ne3A_276 : i1
          %add3A_283 = arith.addi %rem3A_274, %select_n3A_273 : i32
          %select_n3A_284 = arith.select %and3A_282, %add3A_283, %rem3A_274 : i32
          %mul3A_285 = arith.constant 16 : i32
          %mul3A_286 = arith.muli %select_n3A_284, %mul3A_285 : i32
          %get3A = arith.index_cast %add3A_268 : i32 to index
          %get3A_287 = arith.index_cast %mul3A_286 : i32 to index
          %get3A_288 = tpu.vector_load %arg8[%get3A, %get3A_287] {strides = array<i32>} : memref<8x128xi32, #tpu.memory_space<vmem>>, vector<16xi32>,
          %mul3A_289 = arith.constant 2 : i32
          %mul3A_290 = vector.broadcast %mul3A_289 : i32 to vector<16xi32>
          %mul3A_291 = arith.muli %get3A_288, %mul3A_290 : vector<16xi32>
          %add3A_292 = vector.broadcast %arg0 : i32 to vector<16xi32>
          %add3A_293 = arith.addi %mul3A_291, %add3A_292 : vector<16xi32>
          %mul3A_294 = arith.constant 16 : i32
          %mul3A_295 = arith.muli %select_n3A_284, %mul3A_294 : i32
          %swap3A_296 = arith.index_cast %add3A_268 : i32 to index
          %swap3A_297 = arith.index_cast %mul3A_295 : i32 to index
          %swap3A_298 = tpu.vector_load %arg8[%swap3A_296, %swap3A_297] {strides = array<i32>} : memref<8x128xi32, #tpu.memory_space<vmem>>, vector<16xi32>,
          tpu.vector_store %arg8[%swap3A_296, %swap3A_297], %add3A_293 {strides = array<i32>} : memref<8x128xi32, #tpu.memory_space<vmem>>, vector<16xi32>,
          %scan3A_299 = arith.constant 0 : i32
          scf.yield %scan3A_299 : i32
        }
        %scan3A_178 = arith.constant 32 : i32
        %mul3A_179 = arith.constant 4 : i32
        %mul3A_180 = arith.muli %select_n3A_137, %mul3A_179 : i32
        %add3A_181 = arith.constant 0 : i32
        %add3A_182 = arith.addi %mul3A_180, %add3A_181 : i32
        "tpu.region"() ({
          %run_scoped3A = tpu.sem_alloc : memref<!tpu.dma_semaphore, #tpu.memory_space<semaphore_mem>>
          %dma_start3A_242 = arith.constant 0 : i32
          %dma_start3A_243 = tpu.memref_slice %arg10[%add3A_182, %dma_start3A_242] : memref<8x128xi32, #tpu.memory_space<vmem>> -> memref<1x128xi32, #tpu.memory_space<vmem>>
          %dma_start3A_244 = tpu.memref_squeeze %dma_start3A_243 : memref<1x128xi32, #tpu.memory_space<vmem>> -> memref<128xi32, #tpu.memory_space<vmem>>
          %dma_start3A_245 = arith.constant 0 : i32
          %dma_start3A_246 = tpu.memref_slice %arg7[%add3A_182, %dma_start3A_245] : memref<8x128xi32, #tpu.memory_space<vmem>> -> memref<1x128xi32, #tpu.memory_space<vmem>>
          %dma_start3A_247 = tpu.memref_squeeze %dma_start3A_246 : memref<1x128xi32, #tpu.memory_space<vmem>> -> memref<128xi32, #tpu.memory_space<vmem>>
          %dma_start3A_248 = arith.constant 0 : i32
          %dma_start3A_249 = tpu.memref_slice %arg14[%dma_start3A_248] : memref<131072xi32, #tpu.memory_space<vmem_shared>> -> memref<131072xi32, #tpu.memory_space<vmem_shared>>
          tpu.enqueue_indirect_dma source(%dma_start3A_249 : memref<131072xi32, #tpu.memory_space<vmem_shared>>) target(%dma_start3A_244 : memref<128xi32, #tpu.memory_space<vmem>>) offsets(%dma_start3A_247 : memref<128xi32, #tpu.memory_space<vmem>>) semaphore(%run_scoped3A : memref<!tpu.dma_semaphore, #tpu.memory_space<semaphore_mem>>)
          %dma_wait3A = arith.constant 0 : i32
          %dma_wait3A_250 = tpu.memref_slice %arg10[%add3A_182, %dma_wait3A] : memref<8x128xi32, #tpu.memory_space<vmem>> -> memref<1x128xi32, #tpu.memory_space<vmem>>
          %dma_wait3A_251 = tpu.memref_squeeze %dma_wait3A_250 : memref<1x128xi32, #tpu.memory_space<vmem>> -> memref<128xi32, #tpu.memory_space<vmem>>
          %dma_wait3A_252 = arith.constant 0 : i32
          %dma_wait3A_253 = tpu.memref_slice %arg7[%add3A_182, %dma_wait3A_252] : memref<8x128xi32, #tpu.memory_space<vmem>> -> memref<1x128xi32, #tpu.memory_space<vmem>>
          %dma_wait3A_254 = tpu.memref_squeeze %dma_wait3A_253 : memref<1x128xi32, #tpu.memory_space<vmem>> -> memref<128xi32, #tpu.memory_space<vmem>>
          %dma_wait3A_255 = arith.constant 0 : i32
          %dma_wait3A_256 = tpu.memref_slice %arg14[%dma_wait3A_255] : memref<131072xi32, #tpu.memory_space<vmem_shared>> -> memref<131072xi32, #tpu.memory_space<vmem_shared>>
          tpu.wait_indirect_dma semaphore(%run_scoped3A : memref<!tpu.dma_semaphore, #tpu.memory_space<semaphore_mem>>) src(%dma_wait3A_256 : memref<131072xi32, #tpu.memory_space<vmem_shared>>) dst(%dma_wait3A_251 : memref<128xi32, #tpu.memory_space<vmem>>)
          tpu.yield
        }) : () -> ()
        "tpu.region"() ({
          %run_scoped3A = tpu.sem_alloc : memref<!tpu.dma_semaphore, #tpu.memory_space<semaphore_mem>>
          %dma_start3A_242 = arith.constant 0 : i32
          %dma_start3A_243 = tpu.memref_slice %arg9[%add3A_182, %dma_start3A_242] : memref<8x128xi32, #tpu.memory_space<vmem>> -> memref<1x128xi32, #tpu.memory_space<vmem>>
          %dma_start3A_244 = tpu.memref_squeeze %dma_start3A_243 : memref<1x128xi32, #tpu.memory_space<vmem>> -> memref<128xi32, #tpu.memory_space<vmem>>
          %dma_start3A_245 = arith.constant 0 : i32
          %dma_start3A_246 = tpu.memref_slice %arg7[%add3A_182, %dma_start3A_245] : memref<8x128xi32, #tpu.memory_space<vmem>> -> memref<1x128xi32, #tpu.memory_space<vmem>>
          %dma_start3A_247 = tpu.memref_squeeze %dma_start3A_246 : memref<1x128xi32, #tpu.memory_space<vmem>> -> memref<128xi32, #tpu.memory_space<vmem>>
          %dma_start3A_248 = arith.constant 0 : i32
          %dma_start3A_249 = tpu.memref_slice %arg16[%dma_start3A_248] : memref<131072xi32, #tpu.memory_space<vmem_shared>> -> memref<131072xi32, #tpu.memory_space<vmem_shared>>
          tpu.enqueue_indirect_dma source(%dma_start3A_249 : memref<131072xi32, #tpu.memory_space<vmem_shared>>) target(%dma_start3A_244 : memref<128xi32, #tpu.memory_space<vmem>>) offsets(%dma_start3A_247 : memref<128xi32, #tpu.memory_space<vmem>>) semaphore(%run_scoped3A : memref<!tpu.dma_semaphore, #tpu.memory_space<semaphore_mem>>)
          %dma_wait3A = arith.constant 0 : i32
          %dma_wait3A_250 = tpu.memref_slice %arg9[%add3A_182, %dma_wait3A] : memref<8x128xi32, #tpu.memory_space<vmem>> -> memref<1x128xi32, #tpu.memory_space<vmem>>
          %dma_wait3A_251 = tpu.memref_squeeze %dma_wait3A_250 : memref<1x128xi32, #tpu.memory_space<vmem>> -> memref<128xi32, #tpu.memory_space<vmem>>
          %dma_wait3A_252 = arith.constant 0 : i32
          %dma_wait3A_253 = tpu.memref_slice %arg7[%add3A_182, %dma_wait3A_252] : memref<8x128xi32, #tpu.memory_space<vmem>> -> memref<1x128xi32, #tpu.memory_space<vmem>>
          %dma_wait3A_254 = tpu.memref_squeeze %dma_wait3A_253 : memref<1x128xi32, #tpu.memory_space<vmem>> -> memref<128xi32, #tpu.memory_space<vmem>>
          %dma_wait3A_255 = arith.constant 0 : i32
          %dma_wait3A_256 = tpu.memref_slice %arg16[%dma_wait3A_255] : memref<131072xi32, #tpu.memory_space<vmem_shared>> -> memref<131072xi32, #tpu.memory_space<vmem_shared>>
          tpu.wait_indirect_dma semaphore(%run_scoped3A : memref<!tpu.dma_semaphore, #tpu.memory_space<semaphore_mem>>) src(%dma_wait3A_256 : memref<131072xi32, #tpu.memory_space<vmem_shared>>) dst(%dma_wait3A_251 : memref<128xi32, #tpu.memory_space<vmem>>)
          tpu.yield
        }) : () -> ()
        %mul3A_183 = arith.constant 128 : i32
        %mul3A_184 = arith.muli %add3A_182, %mul3A_183 : i32
        %dma_start3A = arith.constant 0 : i32
        %dma_start3A_185 = tpu.memref_slice %arg12[%mul3A_184, %dma_start3A] : memref<1024x32xf32, #tpu.memory_space<vmem>> -> memref<128x32xf32, #tpu.memory_space<vmem>>
        %dma_start3A_186 = arith.constant 0 : i32
        %dma_start3A_187 = tpu.memref_slice %arg8[%add3A_182, %dma_start3A_186] : memref<8x128xi32, #tpu.memory_space<vmem>> -> memref<1x128xi32, #tpu.memory_space<vmem>>
        %dma_start3A_188 = tpu.memref_squeeze %dma_start3A_187 : memref<1x128xi32, #tpu.memory_space<vmem>> -> memref<128xi32, #tpu.memory_space<vmem>>
        %dma_start3A_189 = arith.constant 0 : i32
        %dma_start3A_190 = arith.constant 0 : i32
        %dma_start3A_191 = tpu.memref_slice %arg2[%dma_start3A_189, %dma_start3A_190] : memref<524288x32xf32, #tpu.memory_space<hbm>> -> memref<524288x32xf32, #tpu.memory_space<hbm>>
        %dma_start3A_192 = tpu.memref_slice %arg18[%select_n3A_137] : memref<2x!tpu.dma_semaphore, #tpu.memory_space<semaphore_mem>> -> memref<1x!tpu.dma_semaphore, #tpu.memory_space<semaphore_mem>>
        %dma_start3A_193 = tpu.memref_squeeze %dma_start3A_192 : memref<1x!tpu.dma_semaphore, #tpu.memory_space<semaphore_mem>> -> memref<!tpu.dma_semaphore, #tpu.memory_space<semaphore_mem>>
        tpu.enqueue_indirect_dma source(%dma_start3A_191 : memref<524288x32xf32, #tpu.memory_space<hbm>>) target(%dma_start3A_185 : memref<128x32xf32, #tpu.memory_space<vmem>>) offsets(%dma_start3A_188 : memref<128xi32, #tpu.memory_space<vmem>>) semaphore(%dma_start3A_193 : memref<!tpu.dma_semaphore, #tpu.memory_space<semaphore_mem>>)
        %mul3A_194 = arith.constant 4 : i32
        %mul3A_195 = arith.muli %select_n3A_137, %mul3A_194 : i32
        %add3A_196 = arith.constant 1 : i32
        %add3A_197 = arith.addi %mul3A_195, %add3A_196 : i32
        "tpu.region"() ({
          %run_scoped3A = tpu.sem_alloc : memref<!tpu.dma_semaphore, #tpu.memory_space<semaphore_mem>>
          %dma_start3A_242 = arith.constant 0 : i32
          %dma_start3A_243 = tpu.memref_slice %arg10[%add3A_197, %dma_start3A_242] : memref<8x128xi32, #tpu.memory_space<vmem>> -> memref<1x128xi32, #tpu.memory_space<vmem>>
          %dma_start3A_244 = tpu.memref_squeeze %dma_start3A_243 : memref<1x128xi32, #tpu.memory_space<vmem>> -> memref<128xi32, #tpu.memory_space<vmem>>
          %dma_start3A_245 = arith.constant 0 : i32
          %dma_start3A_246 = tpu.memref_slice %arg7[%add3A_197, %dma_start3A_245] : memref<8x128xi32, #tpu.memory_space<vmem>> -> memref<1x128xi32, #tpu.memory_space<vmem>>
          %dma_start3A_247 = tpu.memref_squeeze %dma_start3A_246 : memref<1x128xi32, #tpu.memory_space<vmem>> -> memref<128xi32, #tpu.memory_space<vmem>>
          %dma_start3A_248 = arith.constant 0 : i32
          %dma_start3A_249 = tpu.memref_slice %arg14[%dma_start3A_248] : memref<131072xi32, #tpu.memory_space<vmem_shared>> -> memref<131072xi32, #tpu.memory_space<vmem_shared>>
          tpu.enqueue_indirect_dma source(%dma_start3A_249 : memref<131072xi32, #tpu.memory_space<vmem_shared>>) target(%dma_start3A_244 : memref<128xi32, #tpu.memory_space<vmem>>) offsets(%dma_start3A_247 : memref<128xi32, #tpu.memory_space<vmem>>) semaphore(%run_scoped3A : memref<!tpu.dma_semaphore, #tpu.memory_space<semaphore_mem>>)
          %dma_wait3A = arith.constant 0 : i32
          %dma_wait3A_250 = tpu.memref_slice %arg10[%add3A_197, %dma_wait3A] : memref<8x128xi32, #tpu.memory_space<vmem>> -> memref<1x128xi32, #tpu.memory_space<vmem>>
          %dma_wait3A_251 = tpu.memref_squeeze %dma_wait3A_250 : memref<1x128xi32, #tpu.memory_space<vmem>> -> memref<128xi32, #tpu.memory_space<vmem>>
          %dma_wait3A_252 = arith.constant 0 : i32
          %dma_wait3A_253 = tpu.memref_slice %arg7[%add3A_197, %dma_wait3A_252] : memref<8x128xi32, #tpu.memory_space<vmem>> -> memref<1x128xi32, #tpu.memory_space<vmem>>
          %dma_wait3A_254 = tpu.memref_squeeze %dma_wait3A_253 : memref<1x128xi32, #tpu.memory_space<vmem>> -> memref<128xi32, #tpu.memory_space<vmem>>
          %dma_wait3A_255 = arith.constant 0 : i32
          %dma_wait3A_256 = tpu.memref_slice %arg14[%dma_wait3A_255] : memref<131072xi32, #tpu.memory_space<vmem_shared>> -> memref<131072xi32, #tpu.memory_space<vmem_shared>>
          tpu.wait_indirect_dma semaphore(%run_scoped3A : memref<!tpu.dma_semaphore, #tpu.memory_space<semaphore_mem>>) src(%dma_wait3A_256 : memref<131072xi32, #tpu.memory_space<vmem_shared>>) dst(%dma_wait3A_251 : memref<128xi32, #tpu.memory_space<vmem>>)
          tpu.yield
        }) : () -> ()
        "tpu.region"() ({
          %run_scoped3A = tpu.sem_alloc : memref<!tpu.dma_semaphore, #tpu.memory_space<semaphore_mem>>
          %dma_start3A_242 = arith.constant 0 : i32
          %dma_start3A_243 = tpu.memref_slice %arg9[%add3A_197, %dma_start3A_242] : memref<8x128xi32, #tpu.memory_space<vmem>> -> memref<1x128xi32, #tpu.memory_space<vmem>>
          %dma_start3A_244 = tpu.memref_squeeze %dma_start3A_243 : memref<1x128xi32, #tpu.memory_space<vmem>> -> memref<128xi32, #tpu.memory_space<vmem>>
          %dma_start3A_245 = arith.constant 0 : i32
          %dma_start3A_246 = tpu.memref_slice %arg7[%add3A_197, %dma_start3A_245] : memref<8x128xi32, #tpu.memory_space<vmem>> -> memref<1x128xi32, #tpu.memory_space<vmem>>
          %dma_start3A_247 = tpu.memref_squeeze %dma_start3A_246 : memref<1x128xi32, #tpu.memory_space<vmem>> -> memref<128xi32, #tpu.memory_space<vmem>>
          %dma_start3A_248 = arith.constant 0 : i32
          %dma_start3A_249 = tpu.memref_slice %arg16[%dma_start3A_248] : memref<131072xi32, #tpu.memory_space<vmem_shared>> -> memref<131072xi32, #tpu.memory_space<vmem_shared>>
          tpu.enqueue_indirect_dma source(%dma_start3A_249 : memref<131072xi32, #tpu.memory_space<vmem_shared>>) target(%dma_start3A_244 : memref<128xi32, #tpu.memory_space<vmem>>) offsets(%dma_start3A_247 : memref<128xi32, #tpu.memory_space<vmem>>) semaphore(%run_scoped3A : memref<!tpu.dma_semaphore, #tpu.memory_space<semaphore_mem>>)
          %dma_wait3A = arith.constant 0 : i32
          %dma_wait3A_250 = tpu.memref_slice %arg9[%add3A_197, %dma_wait3A] : memref<8x128xi32, #tpu.memory_space<vmem>> -> memref<1x128xi32, #tpu.memory_space<vmem>>
          %dma_wait3A_251 = tpu.memref_squeeze %dma_wait3A_250 : memref<1x128xi32, #tpu.memory_space<vmem>> -> memref<128xi32, #tpu.memory_space<vmem>>
          %dma_wait3A_252 = arith.constant 0 : i32
          %dma_wait3A_253 = tpu.memref_slice %arg7[%add3A_197, %dma_wait3A_252] : memref<8x128xi32, #tpu.memory_space<vmem>> -> memref<1x128xi32, #tpu.memory_space<vmem>>
          %dma_wait3A_254 = tpu.memref_squeeze %dma_wait3A_253 : memref<1x128xi32, #tpu.memory_space<vmem>> -> memref<128xi32, #tpu.memory_space<vmem>>
          %dma_wait3A_255 = arith.constant 0 : i32
          %dma_wait3A_256 = tpu.memref_slice %arg16[%dma_wait3A_255] : memref<131072xi32, #tpu.memory_space<vmem_shared>> -> memref<131072xi32, #tpu.memory_space<vmem_shared>>
          tpu.wait_indirect_dma semaphore(%run_scoped3A : memref<!tpu.dma_semaphore, #tpu.memory_space<semaphore_mem>>) src(%dma_wait3A_256 : memref<131072xi32, #tpu.memory_space<vmem_shared>>) dst(%dma_wait3A_251 : memref<128xi32, #tpu.memory_space<vmem>>)
          tpu.yield
        }) : () -> ()
        %mul3A_198 = arith.constant 128 : i32
        %mul3A_199 = arith.muli %add3A_197, %mul3A_198 : i32
        %dma_start3A_200 = arith.constant 0 : i32
        %dma_start3A_201 = tpu.memref_slice %arg12[%mul3A_199, %dma_start3A_200] : memref<1024x32xf32, #tpu.memory_space<vmem>> -> memref<128x32xf32, #tpu.memory_space<vmem>>
        %dma_start3A_202 = arith.constant 0 : i32
        %dma_start3A_203 = tpu.memref_slice %arg8[%add3A_197, %dma_start3A_202] : memref<8x128xi32, #tpu.memory_space<vmem>> -> memref<1x128xi32, #tpu.memory_space<vmem>>
        %dma_start3A_204 = tpu.memref_squeeze %dma_start3A_203 : memref<1x128xi32, #tpu.memory_space<vmem>> -> memref<128xi32, #tpu.memory_space<vmem>>
        %dma_start3A_205 = arith.constant 0 : i32
        %dma_start3A_206 = arith.constant 0 : i32
        %dma_start3A_207 = tpu.memref_slice %arg2[%dma_start3A_205, %dma_start3A_206] : memref<524288x32xf32, #tpu.memory_space<hbm>> -> memref<524288x32xf32, #tpu.memory_space<hbm>>
        %dma_start3A_208 = tpu.memref_slice %arg18[%select_n3A_137] : memref<2x!tpu.dma_semaphore, #tpu.memory_space<semaphore_mem>> -> memref<1x!tpu.dma_semaphore, #tpu.memory_space<semaphore_mem>>
        %dma_start3A_209 = tpu.memref_squeeze %dma_start3A_208 : memref<1x!tpu.dma_semaphore, #tpu.memory_space<semaphore_mem>> -> memref<!tpu.dma_semaphore, #tpu.memory_space<semaphore_mem>>
        tpu.enqueue_indirect_dma source(%dma_start3A_207 : memref<524288x32xf32, #tpu.memory_space<hbm>>) target(%dma_start3A_201 : memref<128x32xf32, #tpu.memory_space<vmem>>) offsets(%dma_start3A_204 : memref<128xi32, #tpu.memory_space<vmem>>) semaphore(%dma_start3A_209 : memref<!tpu.dma_semaphore, #tpu.memory_space<semaphore_mem>>)
        %mul3A_210 = arith.constant 4 : i32
        %mul3A_211 = arith.muli %select_n3A_137, %mul3A_210 : i32
        %add3A_212 = arith.constant 2 : i32
        %add3A_213 = arith.addi %mul3A_211, %add3A_212 : i32
        "tpu.region"() ({
          %run_scoped3A = tpu.sem_alloc : memref<!tpu.dma_semaphore, #tpu.memory_space<semaphore_mem>>
          %dma_start3A_242 = arith.constant 0 : i32
          %dma_start3A_243 = tpu.memref_slice %arg10[%add3A_213, %dma_start3A_242] : memref<8x128xi32, #tpu.memory_space<vmem>> -> memref<1x128xi32, #tpu.memory_space<vmem>>
          %dma_start3A_244 = tpu.memref_squeeze %dma_start3A_243 : memref<1x128xi32, #tpu.memory_space<vmem>> -> memref<128xi32, #tpu.memory_space<vmem>>
          %dma_start3A_245 = arith.constant 0 : i32
          %dma_start3A_246 = tpu.memref_slice %arg7[%add3A_213, %dma_start3A_245] : memref<8x128xi32, #tpu.memory_space<vmem>> -> memref<1x128xi32, #tpu.memory_space<vmem>>
          %dma_start3A_247 = tpu.memref_squeeze %dma_start3A_246 : memref<1x128xi32, #tpu.memory_space<vmem>> -> memref<128xi32, #tpu.memory_space<vmem>>
          %dma_start3A_248 = arith.constant 0 : i32
          %dma_start3A_249 = tpu.memref_slice %arg14[%dma_start3A_248] : memref<131072xi32, #tpu.memory_space<vmem_shared>> -> memref<131072xi32, #tpu.memory_space<vmem_shared>>
          tpu.enqueue_indirect_dma source(%dma_start3A_249 : memref<131072xi32, #tpu.memory_space<vmem_shared>>) target(%dma_start3A_244 : memref<128xi32, #tpu.memory_space<vmem>>) offsets(%dma_start3A_247 : memref<128xi32, #tpu.memory_space<vmem>>) semaphore(%run_scoped3A : memref<!tpu.dma_semaphore, #tpu.memory_space<semaphore_mem>>)
          %dma_wait3A = arith.constant 0 : i32
          %dma_wait3A_250 = tpu.memref_slice %arg10[%add3A_213, %dma_wait3A] : memref<8x128xi32, #tpu.memory_space<vmem>> -> memref<1x128xi32, #tpu.memory_space<vmem>>
          %dma_wait3A_251 = tpu.memref_squeeze %dma_wait3A_250 : memref<1x128xi32, #tpu.memory_space<vmem>> -> memref<128xi32, #tpu.memory_space<vmem>>
          %dma_wait3A_252 = arith.constant 0 : i32
          %dma_wait3A_253 = tpu.memref_slice %arg7[%add3A_213, %dma_wait3A_252] : memref<8x128xi32, #tpu.memory_space<vmem>> -> memref<1x128xi32, #tpu.memory_space<vmem>>
          %dma_wait3A_254 = tpu.memref_squeeze %dma_wait3A_253 : memref<1x128xi32, #tpu.memory_space<vmem>> -> memref<128xi32, #tpu.memory_space<vmem>>
          %dma_wait3A_255 = arith.constant 0 : i32
          %dma_wait3A_256 = tpu.memref_slice %arg14[%dma_wait3A_255] : memref<131072xi32, #tpu.memory_space<vmem_shared>> -> memref<131072xi32, #tpu.memory_space<vmem_shared>>
          tpu.wait_indirect_dma semaphore(%run_scoped3A : memref<!tpu.dma_semaphore, #tpu.memory_space<semaphore_mem>>) src(%dma_wait3A_256 : memref<131072xi32, #tpu.memory_space<vmem_shared>>) dst(%dma_wait3A_251 : memref<128xi32, #tpu.memory_space<vmem>>)
          tpu.yield
        }) : () -> ()
        "tpu.region"() ({
          %run_scoped3A = tpu.sem_alloc : memref<!tpu.dma_semaphore, #tpu.memory_space<semaphore_mem>>
          %dma_start3A_242 = arith.constant 0 : i32
          %dma_start3A_243 = tpu.memref_slice %arg9[%add3A_213, %dma_start3A_242] : memref<8x128xi32, #tpu.memory_space<vmem>> -> memref<1x128xi32, #tpu.memory_space<vmem>>
          %dma_start3A_244 = tpu.memref_squeeze %dma_start3A_243 : memref<1x128xi32, #tpu.memory_space<vmem>> -> memref<128xi32, #tpu.memory_space<vmem>>
          %dma_start3A_245 = arith.constant 0 : i32
          %dma_start3A_246 = tpu.memref_slice %arg7[%add3A_213, %dma_start3A_245] : memref<8x128xi32, #tpu.memory_space<vmem>> -> memref<1x128xi32, #tpu.memory_space<vmem>>
          %dma_start3A_247 = tpu.memref_squeeze %dma_start3A_246 : memref<1x128xi32, #tpu.memory_space<vmem>> -> memref<128xi32, #tpu.memory_space<vmem>>
          %dma_start3A_248 = arith.constant 0 : i32
          %dma_start3A_249 = tpu.memref_slice %arg16[%dma_start3A_248] : memref<131072xi32, #tpu.memory_space<vmem_shared>> -> memref<131072xi32, #tpu.memory_space<vmem_shared>>
          tpu.enqueue_indirect_dma source(%dma_start3A_249 : memref<131072xi32, #tpu.memory_space<vmem_shared>>) target(%dma_start3A_244 : memref<128xi32, #tpu.memory_space<vmem>>) offsets(%dma_start3A_247 : memref<128xi32, #tpu.memory_space<vmem>>) semaphore(%run_scoped3A : memref<!tpu.dma_semaphore, #tpu.memory_space<semaphore_mem>>)
          %dma_wait3A = arith.constant 0 : i32
          %dma_wait3A_250 = tpu.memref_slice %arg9[%add3A_213, %dma_wait3A] : memref<8x128xi32, #tpu.memory_space<vmem>> -> memref<1x128xi32, #tpu.memory_space<vmem>>
          %dma_wait3A_251 = tpu.memref_squeeze %dma_wait3A_250 : memref<1x128xi32, #tpu.memory_space<vmem>> -> memref<128xi32, #tpu.memory_space<vmem>>
          %dma_wait3A_252 = arith.constant 0 : i32
          %dma_wait3A_253 = tpu.memref_slice %arg7[%add3A_213, %dma_wait3A_252] : memref<8x128xi32, #tpu.memory_space<vmem>> -> memref<1x128xi32, #tpu.memory_space<vmem>>
          %dma_wait3A_254 = tpu.memref_squeeze %dma_wait3A_253 : memref<1x128xi32, #tpu.memory_space<vmem>> -> memref<128xi32, #tpu.memory_space<vmem>>
          %dma_wait3A_255 = arith.constant 0 : i32
          %dma_wait3A_256 = tpu.memref_slice %arg16[%dma_wait3A_255] : memref<131072xi32, #tpu.memory_space<vmem_shared>> -> memref<131072xi32, #tpu.memory_space<vmem_shared>>
          tpu.wait_indirect_dma semaphore(%run_scoped3A : memref<!tpu.dma_semaphore, #tpu.memory_space<semaphore_mem>>) src(%dma_wait3A_256 : memref<131072xi32, #tpu.memory_space<vmem_shared>>) dst(%dma_wait3A_251 : memref<128xi32, #tpu.memory_space<vmem>>)
          tpu.yield
        }) : () -> ()
        %mul3A_214 = arith.constant 128 : i32
        %mul3A_215 = arith.muli %add3A_213, %mul3A_214 : i32
        %dma_start3A_216 = arith.constant 0 : i32
        %dma_start3A_217 = tpu.memref_slice %arg12[%mul3A_215, %dma_start3A_216] : memref<1024x32xf32, #tpu.memory_space<vmem>> -> memref<128x32xf32, #tpu.memory_space<vmem>>
        %dma_start3A_218 = arith.constant 0 : i32
        %dma_start3A_219 = tpu.memref_slice %arg8[%add3A_213, %dma_start3A_218] : memref<8x128xi32, #tpu.memory_space<vmem>> -> memref<1x128xi32, #tpu.memory_space<vmem>>
        %dma_start3A_220 = tpu.memref_squeeze %dma_start3A_219 : memref<1x128xi32, #tpu.memory_space<vmem>> -> memref<128xi32, #tpu.memory_space<vmem>>
        %dma_start3A_221 = arith.constant 0 : i32
        %dma_start3A_222 = arith.constant 0 : i32
        %dma_start3A_223 = tpu.memref_slice %arg2[%dma_start3A_221, %dma_start3A_222] : memref<524288x32xf32, #tpu.memory_space<hbm>> -> memref<524288x32xf32, #tpu.memory_space<hbm>>
        %dma_start3A_224 = tpu.memref_slice %arg18[%select_n3A_137] : memref<2x!tpu.dma_semaphore, #tpu.memory_space<semaphore_mem>> -> memref<1x!tpu.dma_semaphore, #tpu.memory_space<semaphore_mem>>
        %dma_start3A_225 = tpu.memref_squeeze %dma_start3A_224 : memref<1x!tpu.dma_semaphore, #tpu.memory_space<semaphore_mem>> -> memref<!tpu.dma_semaphore, #tpu.memory_space<semaphore_mem>>
        tpu.enqueue_indirect_dma source(%dma_start3A_223 : memref<524288x32xf32, #tpu.memory_space<hbm>>) target(%dma_start3A_217 : memref<128x32xf32, #tpu.memory_space<vmem>>) offsets(%dma_start3A_220 : memref<128xi32, #tpu.memory_space<vmem>>) semaphore(%dma_start3A_225 : memref<!tpu.dma_semaphore, #tpu.memory_space<semaphore_mem>>)
        %mul3A_226 = arith.constant 4 : i32
        %mul3A_227 = arith.muli %select_n3A_137, %mul3A_226 : i32
        %add3A_228 = arith.constant 3 : i32
        %add3A_229 = arith.addi %mul3A_227, %add3A_228 : i32
        "tpu.region"() ({
          %run_scoped3A = tpu.sem_alloc : memref<!tpu.dma_semaphore, #tpu.memory_space<semaphore_mem>>
          %dma_start3A_242 = arith.constant 0 : i32
          %dma_start3A_243 = tpu.memref_slice %arg10[%add3A_229, %dma_start3A_242] : memref<8x128xi32, #tpu.memory_space<vmem>> -> memref<1x128xi32, #tpu.memory_space<vmem>>
          %dma_start3A_244 = tpu.memref_squeeze %dma_start3A_243 : memref<1x128xi32, #tpu.memory_space<vmem>> -> memref<128xi32, #tpu.memory_space<vmem>>
          %dma_start3A_245 = arith.constant 0 : i32
          %dma_start3A_246 = tpu.memref_slice %arg7[%add3A_229, %dma_start3A_245] : memref<8x128xi32, #tpu.memory_space<vmem>> -> memref<1x128xi32, #tpu.memory_space<vmem>>
          %dma_start3A_247 = tpu.memref_squeeze %dma_start3A_246 : memref<1x128xi32, #tpu.memory_space<vmem>> -> memref<128xi32, #tpu.memory_space<vmem>>
          %dma_start3A_248 = arith.constant 0 : i32
          %dma_start3A_249 = tpu.memref_slice %arg14[%dma_start3A_248] : memref<131072xi32, #tpu.memory_space<vmem_shared>> -> memref<131072xi32, #tpu.memory_space<vmem_shared>>
          tpu.enqueue_indirect_dma source(%dma_start3A_249 : memref<131072xi32, #tpu.memory_space<vmem_shared>>) target(%dma_start3A_244 : memref<128xi32, #tpu.memory_space<vmem>>) offsets(%dma_start3A_247 : memref<128xi32, #tpu.memory_space<vmem>>) semaphore(%run_scoped3A : memref<!tpu.dma_semaphore, #tpu.memory_space<semaphore_mem>>)
          %dma_wait3A = arith.constant 0 : i32
          %dma_wait3A_250 = tpu.memref_slice %arg10[%add3A_229, %dma_wait3A] : memref<8x128xi32, #tpu.memory_space<vmem>> -> memref<1x128xi32, #tpu.memory_space<vmem>>
          %dma_wait3A_251 = tpu.memref_squeeze %dma_wait3A_250 : memref<1x128xi32, #tpu.memory_space<vmem>> -> memref<128xi32, #tpu.memory_space<vmem>>
          %dma_wait3A_252 = arith.constant 0 : i32
          %dma_wait3A_253 = tpu.memref_slice %arg7[%add3A_229, %dma_wait3A_252] : memref<8x128xi32, #tpu.memory_space<vmem>> -> memref<1x128xi32, #tpu.memory_space<vmem>>
          %dma_wait3A_254 = tpu.memref_squeeze %dma_wait3A_253 : memref<1x128xi32, #tpu.memory_space<vmem>> -> memref<128xi32, #tpu.memory_space<vmem>>
          %dma_wait3A_255 = arith.constant 0 : i32
          %dma_wait3A_256 = tpu.memref_slice %arg14[%dma_wait3A_255] : memref<131072xi32, #tpu.memory_space<vmem_shared>> -> memref<131072xi32, #tpu.memory_space<vmem_shared>>
          tpu.wait_indirect_dma semaphore(%run_scoped3A : memref<!tpu.dma_semaphore, #tpu.memory_space<semaphore_mem>>) src(%dma_wait3A_256 : memref<131072xi32, #tpu.memory_space<vmem_shared>>) dst(%dma_wait3A_251 : memref<128xi32, #tpu.memory_space<vmem>>)
          tpu.yield
        }) : () -> ()
        "tpu.region"() ({
          %run_scoped3A = tpu.sem_alloc : memref<!tpu.dma_semaphore, #tpu.memory_space<semaphore_mem>>
          %dma_start3A_242 = arith.constant 0 : i32
          %dma_start3A_243 = tpu.memref_slice %arg9[%add3A_229, %dma_start3A_242] : memref<8x128xi32, #tpu.memory_space<vmem>> -> memref<1x128xi32, #tpu.memory_space<vmem>>
          %dma_start3A_244 = tpu.memref_squeeze %dma_start3A_243 : memref<1x128xi32, #tpu.memory_space<vmem>> -> memref<128xi32, #tpu.memory_space<vmem>>
          %dma_start3A_245 = arith.constant 0 : i32
          %dma_start3A_246 = tpu.memref_slice %arg7[%add3A_229, %dma_start3A_245] : memref<8x128xi32, #tpu.memory_space<vmem>> -> memref<1x128xi32, #tpu.memory_space<vmem>>
          %dma_start3A_247 = tpu.memref_squeeze %dma_start3A_246 : memref<1x128xi32, #tpu.memory_space<vmem>> -> memref<128xi32, #tpu.memory_space<vmem>>
          %dma_start3A_248 = arith.constant 0 : i32
          %dma_start3A_249 = tpu.memref_slice %arg16[%dma_start3A_248] : memref<131072xi32, #tpu.memory_space<vmem_shared>> -> memref<131072xi32, #tpu.memory_space<vmem_shared>>
          tpu.enqueue_indirect_dma source(%dma_start3A_249 : memref<131072xi32, #tpu.memory_space<vmem_shared>>) target(%dma_start3A_244 : memref<128xi32, #tpu.memory_space<vmem>>) offsets(%dma_start3A_247 : memref<128xi32, #tpu.memory_space<vmem>>) semaphore(%run_scoped3A : memref<!tpu.dma_semaphore, #tpu.memory_space<semaphore_mem>>)
          %dma_wait3A = arith.constant 0 : i32
          %dma_wait3A_250 = tpu.memref_slice %arg9[%add3A_229, %dma_wait3A] : memref<8x128xi32, #tpu.memory_space<vmem>> -> memref<1x128xi32, #tpu.memory_space<vmem>>
          %dma_wait3A_251 = tpu.memref_squeeze %dma_wait3A_250 : memref<1x128xi32, #tpu.memory_space<vmem>> -> memref<128xi32, #tpu.memory_space<vmem>>
          %dma_wait3A_252 = arith.constant 0 : i32
          %dma_wait3A_253 = tpu.memref_slice %arg7[%add3A_229, %dma_wait3A_252] : memref<8x128xi32, #tpu.memory_space<vmem>> -> memref<1x128xi32, #tpu.memory_space<vmem>>
          %dma_wait3A_254 = tpu.memref_squeeze %dma_wait3A_253 : memref<1x128xi32, #tpu.memory_space<vmem>> -> memref<128xi32, #tpu.memory_space<vmem>>
          %dma_wait3A_255 = arith.constant 0 : i32
          %dma_wait3A_256 = tpu.memref_slice %arg16[%dma_wait3A_255] : memref<131072xi32, #tpu.memory_space<vmem_shared>> -> memref<131072xi32, #tpu.memory_space<vmem_shared>>
          tpu.wait_indirect_dma semaphore(%run_scoped3A : memref<!tpu.dma_semaphore, #tpu.memory_space<semaphore_mem>>) src(%dma_wait3A_256 : memref<131072xi32, #tpu.memory_space<vmem_shared>>) dst(%dma_wait3A_251 : memref<128xi32, #tpu.memory_space<vmem>>)
          tpu.yield
        }) : () -> ()
        %mul3A_230 = arith.constant 128 : i32
        %mul3A_231 = arith.muli %add3A_229, %mul3A_230 : i32
        %dma_start3A_232 = arith.constant 0 : i32
        %dma_start3A_233 = tpu.memref_slice %arg12[%mul3A_231, %dma_start3A_232] : memref<1024x32xf32, #tpu.memory_space<vmem>> -> memref<128x32xf32, #tpu.memory_space<vmem>>
        %dma_start3A_234 = arith.constant 0 : i32
        %dma_start3A_235 = tpu.memref_slice %arg8[%add3A_229, %dma_start3A_234] : memref<8x128xi32, #tpu.memory_space<vmem>> -> memref<1x128xi32, #tpu.memory_space<vmem>>
        %dma_start3A_236 = tpu.memref_squeeze %dma_start3A_235 : memref<1x128xi32, #tpu.memory_space<vmem>> -> memref<128xi32, #tpu.memory_space<vmem>>
        %dma_start3A_237 = arith.constant 0 : i32
        %dma_start3A_238 = arith.constant 0 : i32
        %dma_start3A_239 = tpu.memref_slice %arg2[%dma_start3A_237, %dma_start3A_238] : memref<524288x32xf32, #tpu.memory_space<hbm>> -> memref<524288x32xf32, #tpu.memory_space<hbm>>
        %dma_start3A_240 = tpu.memref_slice %arg18[%select_n3A_137] : memref<2x!tpu.dma_semaphore, #tpu.memory_space<semaphore_mem>> -> memref<1x!tpu.dma_semaphore, #tpu.memory_space<semaphore_mem>>
        %dma_start3A_241 = tpu.memref_squeeze %dma_start3A_240 : memref<1x!tpu.dma_semaphore, #tpu.memory_space<semaphore_mem>> -> memref<!tpu.dma_semaphore, #tpu.memory_space<semaphore_mem>>
        tpu.enqueue_indirect_dma source(%dma_start3A_239 : memref<524288x32xf32, #tpu.memory_space<hbm>>) target(%dma_start3A_233 : memref<128x32xf32, #tpu.memory_space<vmem>>) offsets(%dma_start3A_236 : memref<128xi32, #tpu.memory_space<vmem>>) semaphore(%dma_start3A_241 : memref<!tpu.dma_semaphore, #tpu.memory_space<semaphore_mem>>)
      } else {
      }
      %gt3A = arith.constant 0 : i32
      %gt3A_158 = arith.cmpi sgt, %scan3A_127, %gt3A : i32
      %convert_element_type3A_159 = arith.extui %gt3A_158 : i1 to i32
      %cond3A_160 = arith.constant 0 : i32
      %cond3A_161 = arith.cmpi ne, %convert_element_type3A_159, %cond3A_160 : i32
      scf.if %cond3A_161 {
        %mul3A_163 = arith.constant 512 : i32
        %mul3A_164 = arith.muli %select_n3A_154, %mul3A_163 : i32
        %dma_wait3A = arith.constant 0 : i32
        %dma_wait3A_165 = tpu.memref_slice %arg12[%mul3A_164, %dma_wait3A] : memref<1024x32xf32, #tpu.memory_space<vmem>> -> memref<512x32xf32, #tpu.memory_space<vmem>>
        %dma_wait3A_166 = arith.constant 0 : i32
        %dma_wait3A_167 = arith.constant 0 : i32
        %dma_wait3A_168 = tpu.memref_slice %arg2[%dma_wait3A_166, %dma_wait3A_167] : memref<524288x32xf32, #tpu.memory_space<hbm>> -> memref<512x32xf32, #tpu.memory_space<hbm>>
        %dma_wait3A_169 = tpu.memref_slice %arg18[%select_n3A_154] : memref<2x!tpu.dma_semaphore, #tpu.memory_space<semaphore_mem>> -> memref<1x!tpu.dma_semaphore, #tpu.memory_space<semaphore_mem>>
        %dma_wait3A_170 = tpu.memref_squeeze %dma_wait3A_169 : memref<1x!tpu.dma_semaphore, #tpu.memory_space<semaphore_mem>> -> memref<!tpu.dma_semaphore, #tpu.memory_space<semaphore_mem>>
        %dma_wait3A_171 = arith.constant 0 : i32
        %dma_wait3A_172 = tpu.memref_slice %arg12[%mul3A_164, %dma_wait3A_171] : memref<1024x32xf32, #tpu.memory_space<vmem>> -> memref<512x32xf32, #tpu.memory_space<vmem>>
        %dma_wait3A_173 = arith.constant 0 : i32
        %dma_wait3A_174 = arith.constant 0 : i32
        %dma_wait3A_175 = tpu.memref_slice %arg2[%dma_wait3A_173, %dma_wait3A_174] : memref<524288x32xf32, #tpu.memory_space<hbm>> -> memref<512x32xf32, #tpu.memory_space<hbm>>
        tpu.wait_dma2 semaphore(%dma_wait3A_170 : memref<!tpu.dma_semaphore, #tpu.memory_space<semaphore_mem>>) src(%dma_wait3A_175 : memref<512x32xf32, #tpu.memory_space<hbm>>) dst(%dma_wait3A_172 : memref<512x32xf32, #tpu.memory_space<vmem>>)
        %scan3A_176 = arith.constant 0 : i32
        %scan3A_177 = arith.constant 0 : i32
        %scan3A_178 = arith.constant 32 : i32
        %scan3A_179 = arith.addi %scan3A_177, %scan3A_178 : i32
        %scan3A_180 = arith.constant 1 : i32
        %scan3A_181 = scf.for %scan3A_207 = %scan3A_177 to %scan3A_179 step %scan3A_180 iter_args(%scan3A_208 = %scan3A_176) -> (i32)  : i32 {
          %mul3A_209 = arith.constant 4 : i32
          %mul3A_210 = arith.muli %select_n3A_154, %mul3A_209 : i32
          %jit3A_211 = arith.constant 8 : i32
          %div3A = arith.divsi %scan3A_207, %jit3A_211 : i32
          %sign3A = arith.constant 0 : i32
          %sign3A_212 = arith.cmpi sgt, %scan3A_207, %sign3A : i32
          %sign3A_213 = arith.extui %sign3A_212 : i1 to i32
          %sign3A_214 = arith.constant 0 : i32
          %sign3A_215 = arith.cmpi slt, %scan3A_207, %sign3A_214 : i32
          %sign3A_216 = arith.extui %sign3A_215 : i1 to i32
          %sign3A_217 = arith.subi %sign3A_213, %sign3A_216 : i32
          %sign3A_218 = arith.constant 0 : i32
          %sign3A_219 = arith.cmpi sgt, %jit3A_211, %sign3A_218 : i32
          %sign3A_220 = arith.extui %sign3A_219 : i1 to i32
          %sign3A_221 = arith.constant 0 : i32
          %sign3A_222 = arith.cmpi slt, %jit3A_211, %sign3A_221 : i32
          %sign3A_223 = arith.extui %sign3A_222 : i1 to i32
          %sign3A_224 = arith.subi %sign3A_220, %sign3A_223 : i32
          %ne3A_225 = arith.cmpi ne, %sign3A_217, %sign3A_224 : i32
          %rem3A_226 = arith.remsi %scan3A_207, %jit3A_211 : i32
          %ne3A_227 = arith.constant 0 : i32
          %ne3A_228 = arith.cmpi ne, %rem3A_226, %ne3A_227 : i32
          %and3A_229 = arith.andi %ne3A_225, %ne3A_228 : i1
          %sub3A_230 = arith.constant 1 : i32
          %sub3A_231 = arith.subi %div3A, %sub3A_230 : i32
          %select_n3A_232 = arith.select %and3A_229, %sub3A_231, %div3A : i32
          %add3A_233 = arith.addi %mul3A_210, %select_n3A_232 : i32
          %jit3A_234 = arith.constant 8 : i32
          %eq3A_235 = arith.constant 0 : i32
          %eq3A_236 = arith.cmpi eq, %jit3A_234, %eq3A_235 : i32
          %jit3A_237 = arith.constant 1 : i32
          %select_n3A_238 = arith.select %eq3A_236, %jit3A_237, %jit3A_234 : i32
          %rem3A_239 = arith.remsi %scan3A_207, %select_n3A_238 : i32
          %ne3A_240 = arith.constant 0 : i32
          %ne3A_241 = arith.cmpi ne, %rem3A_239, %ne3A_240 : i32
          %lt3A_242 = arith.constant 0 : i32
          %lt3A_243 = arith.cmpi slt, %rem3A_239, %lt3A_242 : i32
          %lt3A_244 = arith.constant 0 : i32
          %lt3A_245 = arith.cmpi slt, %select_n3A_238, %lt3A_244 : i32
          %ne3A_246 = arith.xori %lt3A_243, %lt3A_245 : i1
          %and3A_247 = arith.andi %ne3A_246, %ne3A_241 : i1
          %add3A_248 = arith.addi %rem3A_239, %select_n3A_238 : i32
          %select_n3A_249 = arith.select %and3A_247, %add3A_248, %rem3A_239 : i32
          %mul3A_250 = arith.constant 16 : i32
          %mul3A_251 = arith.muli %select_n3A_249, %mul3A_250 : i32
          %get3A = arith.index_cast %add3A_233 : i32 to index
          %get3A_252 = arith.index_cast %mul3A_251 : i32 to index
          %get3A_253 = tpu.vector_load %arg10[%get3A, %get3A_252] {strides = array<i32>} : memref<8x128xi32, #tpu.memory_space<vmem>>, vector<16xi32>,
          %bitcast3A = vector.bitcast %get3A_253 : vector<16xi32> to vector<16xf32>
          %mul3A_254 = arith.constant 16 : i32
          %mul3A_255 = arith.muli %scan3A_207, %mul3A_254 : i32
          %add3A_256 = arith.addi %mul3A_164, %mul3A_255 : i32
          %add3A_257 = arith.constant 0 : i32
          %add3A_258 = arith.addi %add3A_256, %add3A_257 : i32
          %slice3A = vector.extract_strided_slice %bitcast3A {offsets = [0], sizes = [1], strides = [1]} : vector<16xf32> to vector<1xf32>
          %squeeze3A = vector.extract %slice3A[0] : f32 from vector<1xf32>
          %broadcast_in_dim3A_259 = vector.broadcast %squeeze3A : f32 to vector<16xf32>
          %get3A_260 = arith.index_cast %add3A_258 : i32 to index
          %get3A_261 = arith.constant 0 : index
          %get3A_262 = tpu.vector_load %arg12[%get3A_260, %get3A_261] {strides = array<i32>} : memref<1024x32xf32, #tpu.memory_space<vmem>>, vector<16xf32>,
          %mul3A_263 = arith.mulf %get3A_262, %broadcast_in_dim3A_259 : vector<16xf32>
          %swap3A_264 = arith.index_cast %add3A_258 : i32 to index
          %swap3A_265 = arith.constant 0 : index
          %swap3A_266 = tpu.vector_load %arg12[%swap3A_264, %swap3A_265] {strides = array<i32>} : memref<1024x32xf32, #tpu.memory_space<vmem>>, vector<16xf32>,
          tpu.vector_store %arg12[%swap3A_264, %swap3A_265], %mul3A_263 {strides = array<i32>} : memref<1024x32xf32, #tpu.memory_space<vmem>>, vector<16xf32>,
          %get3A_267 = arith.index_cast %add3A_258 : i32 to index
          %get3A_268 = arith.constant 16 : index
          %get3A_269 = tpu.vector_load %arg12[%get3A_267, %get3A_268] {strides = array<i32>} : memref<1024x32xf32, #tpu.memory_space<vmem>>, vector<16xf32>,
          %mul3A_270 = arith.mulf %get3A_269, %broadcast_in_dim3A_259 : vector<16xf32>
          %swap3A_271 = arith.index_cast %add3A_258 : i32 to index
          %swap3A_272 = arith.constant 16 : index
          %swap3A_273 = tpu.vector_load %arg12[%swap3A_271, %swap3A_272] {strides = array<i32>} : memref<1024x32xf32, #tpu.memory_space<vmem>>, vector<16xf32>,
          tpu.vector_store %arg12[%swap3A_271, %swap3A_272], %mul3A_270 {strides = array<i32>} : memref<1024x32xf32, #tpu.memory_space<vmem>>, vector<16xf32>,
          %mul3A_274 = arith.constant 16 : i32
          %mul3A_275 = arith.muli %scan3A_207, %mul3A_274 : i32
          %add3A_276 = arith.addi %mul3A_164, %mul3A_275 : i32
          %add3A_277 = arith.constant 1 : i32
          %add3A_278 = arith.addi %add3A_276, %add3A_277 : i32
          %slice3A_279 = vector.extract_strided_slice %bitcast3A {offsets = [1], sizes = [1], strides = [1]} : vector<16xf32> to vector<1xf32>
          %squeeze3A_280 = vector.extract %slice3A_279[0] : f32 from vector<1xf32>
          %broadcast_in_dim3A_281 = vector.broadcast %squeeze3A_280 : f32 to vector<16xf32>
          %get3A_282 = arith.index_cast %add3A_278 : i32 to index
          %get3A_283 = arith.constant 0 : index
          %get3A_284 = tpu.vector_load %arg12[%get3A_282, %get3A_283] {strides = array<i32>} : memref<1024x32xf32, #tpu.memory_space<vmem>>, vector<16xf32>,
          %mul3A_285 = arith.mulf %get3A_284, %broadcast_in_dim3A_281 : vector<16xf32>
          %swap3A_286 = arith.index_cast %add3A_278 : i32 to index
          %swap3A_287 = arith.constant 0 : index
          %swap3A_288 = tpu.vector_load %arg12[%swap3A_286, %swap3A_287] {strides = array<i32>} : memref<1024x32xf32, #tpu.memory_space<vmem>>, vector<16xf32>,
          tpu.vector_store %arg12[%swap3A_286, %swap3A_287], %mul3A_285 {strides = array<i32>} : memref<1024x32xf32, #tpu.memory_space<vmem>>, vector<16xf32>,
          %get3A_289 = arith.index_cast %add3A_278 : i32 to index
          %get3A_290 = arith.constant 16 : index
          %get3A_291 = tpu.vector_load %arg12[%get3A_289, %get3A_290] {strides = array<i32>} : memref<1024x32xf32, #tpu.memory_space<vmem>>, vector<16xf32>,
          %mul3A_292 = arith.mulf %get3A_291, %broadcast_in_dim3A_281 : vector<16xf32>
          %swap3A_293 = arith.index_cast %add3A_278 : i32 to index
          %swap3A_294 = arith.constant 16 : index
          %swap3A_295 = tpu.vector_load %arg12[%swap3A_293, %swap3A_294] {strides = array<i32>} : memref<1024x32xf32, #tpu.memory_space<vmem>>, vector<16xf32>,
          tpu.vector_store %arg12[%swap3A_293, %swap3A_294], %mul3A_292 {strides = array<i32>} : memref<1024x32xf32, #tpu.memory_space<vmem>>, vector<16xf32>,
          %mul3A_296 = arith.constant 16 : i32
          %mul3A_297 = arith.muli %scan3A_207, %mul3A_296 : i32
          %add3A_298 = arith.addi %mul3A_164, %mul3A_297 : i32
          %add3A_299 = arith.constant 2 : i32
          %add3A_300 = arith.addi %add3A_298, %add3A_299 : i32
          %slice3A_301 = vector.extract_strided_slice %bitcast3A {offsets = [2], sizes = [1], strides = [1]} : vector<16xf32> to vector<1xf32>
          %squeeze3A_302 = vector.extract %slice3A_301[0] : f32 from vector<1xf32>
          %broadcast_in_dim3A_303 = vector.broadcast %squeeze3A_302 : f32 to vector<16xf32>
          %get3A_304 = arith.index_cast %add3A_300 : i32 to index
          %get3A_305 = arith.constant 0 : index
          %get3A_306 = tpu.vector_load %arg12[%get3A_304, %get3A_305] {strides = array<i32>} : memref<1024x32xf32, #tpu.memory_space<vmem>>, vector<16xf32>,
          %mul3A_307 = arith.mulf %get3A_306, %broadcast_in_dim3A_303 : vector<16xf32>
          %swap3A_308 = arith.index_cast %add3A_300 : i32 to index
          %swap3A_309 = arith.constant 0 : index
          %swap3A_310 = tpu.vector_load %arg12[%swap3A_308, %swap3A_309] {strides = array<i32>} : memref<1024x32xf32, #tpu.memory_space<vmem>>, vector<16xf32>,
          tpu.vector_store %arg12[%swap3A_308, %swap3A_309], %mul3A_307 {strides = array<i32>} : memref<1024x32xf32, #tpu.memory_space<vmem>>, vector<16xf32>,
          %get3A_311 = arith.index_cast %add3A_300 : i32 to index
          %get3A_312 = arith.constant 16 : index
          %get3A_313 = tpu.vector_load %arg12[%get3A_311, %get3A_312] {strides = array<i32>} : memref<1024x32xf32, #tpu.memory_space<vmem>>, vector<16xf32>,
          %mul3A_314 = arith.mulf %get3A_313, %broadcast_in_dim3A_303 : vector<16xf32>
          %swap3A_315 = arith.index_cast %add3A_300 : i32 to index
          %swap3A_316 = arith.constant 16 : index
          %swap3A_317 = tpu.vector_load %arg12[%swap3A_315, %swap3A_316] {strides = array<i32>} : memref<1024x32xf32, #tpu.memory_space<vmem>>, vector<16xf32>,
          tpu.vector_store %arg12[%swap3A_315, %swap3A_316], %mul3A_314 {strides = array<i32>} : memref<1024x32xf32, #tpu.memory_space<vmem>>, vector<16xf32>,
          %mul3A_318 = arith.constant 16 : i32
          %mul3A_319 = arith.muli %scan3A_207, %mul3A_318 : i32
          %add3A_320 = arith.addi %mul3A_164, %mul3A_319 : i32
          %add3A_321 = arith.constant 3 : i32
          %add3A_322 = arith.addi %add3A_320, %add3A_321 : i32
          %slice3A_323 = vector.extract_strided_slice %bitcast3A {offsets = [3], sizes = [1], strides = [1]} : vector<16xf32> to vector<1xf32>
          %squeeze3A_324 = vector.extract %slice3A_323[0] : f32 from vector<1xf32>
          %broadcast_in_dim3A_325 = vector.broadcast %squeeze3A_324 : f32 to vector<16xf32>
          %get3A_326 = arith.index_cast %add3A_322 : i32 to index
          %get3A_327 = arith.constant 0 : index
          %get3A_328 = tpu.vector_load %arg12[%get3A_326, %get3A_327] {strides = array<i32>} : memref<1024x32xf32, #tpu.memory_space<vmem>>, vector<16xf32>,
          %mul3A_329 = arith.mulf %get3A_328, %broadcast_in_dim3A_325 : vector<16xf32>
          %swap3A_330 = arith.index_cast %add3A_322 : i32 to index
          %swap3A_331 = arith.constant 0 : index
          %swap3A_332 = tpu.vector_load %arg12[%swap3A_330, %swap3A_331] {strides = array<i32>} : memref<1024x32xf32, #tpu.memory_space<vmem>>, vector<16xf32>,
          tpu.vector_store %arg12[%swap3A_330, %swap3A_331], %mul3A_329 {strides = array<i32>} : memref<1024x32xf32, #tpu.memory_space<vmem>>, vector<16xf32>,
          %get3A_333 = arith.index_cast %add3A_322 : i32 to index
          %get3A_334 = arith.constant 16 : index
          %get3A_335 = tpu.vector_load %arg12[%get3A_333, %get3A_334] {strides = array<i32>} : memref<1024x32xf32, #tpu.memory_space<vmem>>, vector<16xf32>,
          %mul3A_336 = arith.mulf %get3A_335, %broadcast_in_dim3A_325 : vector<16xf32>
          %swap3A_337 = arith.index_cast %add3A_322 : i32 to index
          %swap3A_338 = arith.constant 16 : index
          %swap3A_339 = tpu.vector_load %arg12[%swap3A_337, %swap3A_338] {strides = array<i32>} : memref<1024x32xf32, #tpu.memory_space<vmem>>, vector<16xf32>,
          tpu.vector_store %arg12[%swap3A_337, %swap3A_338], %mul3A_336 {strides = array<i32>} : memref<1024x32xf32, #tpu.memory_space<vmem>>, vector<16xf32>,
          %mul3A_340 = arith.constant 16 : i32
          %mul3A_341 = arith.muli %scan3A_207, %mul3A_340 : i32
          %add3A_342 = arith.addi %mul3A_164, %mul3A_341 : i32
          %add3A_343 = arith.constant 4 : i32
          %add3A_344 = arith.addi %add3A_342, %add3A_343 : i32
          %slice3A_345 = vector.extract_strided_slice %bitcast3A {offsets = [4], sizes = [1], strides = [1]} : vector<16xf32> to vector<1xf32>
          %squeeze3A_346 = vector.extract %slice3A_345[0] : f32 from vector<1xf32>
          %broadcast_in_dim3A_347 = vector.broadcast %squeeze3A_346 : f32 to vector<16xf32>
          %get3A_348 = arith.index_cast %add3A_344 : i32 to index
          %get3A_349 = arith.constant 0 : index
          %get3A_350 = tpu.vector_load %arg12[%get3A_348, %get3A_349] {strides = array<i32>} : memref<1024x32xf32, #tpu.memory_space<vmem>>, vector<16xf32>,
          %mul3A_351 = arith.mulf %get3A_350, %broadcast_in_dim3A_347 : vector<16xf32>
          %swap3A_352 = arith.index_cast %add3A_344 : i32 to index
          %swap3A_353 = arith.constant 0 : index
          %swap3A_354 = tpu.vector_load %arg12[%swap3A_352, %swap3A_353] {strides = array<i32>} : memref<1024x32xf32, #tpu.memory_space<vmem>>, vector<16xf32>,
          tpu.vector_store %arg12[%swap3A_352, %swap3A_353], %mul3A_351 {strides = array<i32>} : memref<1024x32xf32, #tpu.memory_space<vmem>>, vector<16xf32>,
          %get3A_355 = arith.index_cast %add3A_344 : i32 to index
          %get3A_356 = arith.constant 16 : index
          %get3A_357 = tpu.vector_load %arg12[%get3A_355, %get3A_356] {strides = array<i32>} : memref<1024x32xf32, #tpu.memory_space<vmem>>, vector<16xf32>,
          %mul3A_358 = arith.mulf %get3A_357, %broadcast_in_dim3A_347 : vector<16xf32>
          %swap3A_359 = arith.index_cast %add3A_344 : i32 to index
          %swap3A_360 = arith.constant 16 : index
          %swap3A_361 = tpu.vector_load %arg12[%swap3A_359, %swap3A_360] {strides = array<i32>} : memref<1024x32xf32, #tpu.memory_space<vmem>>, vector<16xf32>,
          tpu.vector_store %arg12[%swap3A_359, %swap3A_360], %mul3A_358 {strides = array<i32>} : memref<1024x32xf32, #tpu.memory_space<vmem>>, vector<16xf32>,
          %mul3A_362 = arith.constant 16 : i32
          %mul3A_363 = arith.muli %scan3A_207, %mul3A_362 : i32
          %add3A_364 = arith.addi %mul3A_164, %mul3A_363 : i32
          %add3A_365 = arith.constant 5 : i32
          %add3A_366 = arith.addi %add3A_364, %add3A_365 : i32
          %slice3A_367 = vector.extract_strided_slice %bitcast3A {offsets = [5], sizes = [1], strides = [1]} : vector<16xf32> to vector<1xf32>
          %squeeze3A_368 = vector.extract %slice3A_367[0] : f32 from vector<1xf32>
          %broadcast_in_dim3A_369 = vector.broadcast %squeeze3A_368 : f32 to vector<16xf32>
          %get3A_370 = arith.index_cast %add3A_366 : i32 to index
          %get3A_371 = arith.constant 0 : index
          %get3A_372 = tpu.vector_load %arg12[%get3A_370, %get3A_371] {strides = array<i32>} : memref<1024x32xf32, #tpu.memory_space<vmem>>, vector<16xf32>,
          %mul3A_373 = arith.mulf %get3A_372, %broadcast_in_dim3A_369 : vector<16xf32>
          %swap3A_374 = arith.index_cast %add3A_366 : i32 to index
          %swap3A_375 = arith.constant 0 : index
          %swap3A_376 = tpu.vector_load %arg12[%swap3A_374, %swap3A_375] {strides = array<i32>} : memref<1024x32xf32, #tpu.memory_space<vmem>>, vector<16xf32>,
          tpu.vector_store %arg12[%swap3A_374, %swap3A_375], %mul3A_373 {strides = array<i32>} : memref<1024x32xf32, #tpu.memory_space<vmem>>, vector<16xf32>,
          %get3A_377 = arith.index_cast %add3A_366 : i32 to index
          %get3A_378 = arith.constant 16 : index
          %get3A_379 = tpu.vector_load %arg12[%get3A_377, %get3A_378] {strides = array<i32>} : memref<1024x32xf32, #tpu.memory_space<vmem>>, vector<16xf32>,
          %mul3A_380 = arith.mulf %get3A_379, %broadcast_in_dim3A_369 : vector<16xf32>
          %swap3A_381 = arith.index_cast %add3A_366 : i32 to index
          %swap3A_382 = arith.constant 16 : index
          %swap3A_383 = tpu.vector_load %arg12[%swap3A_381, %swap3A_382] {strides = array<i32>} : memref<1024x32xf32, #tpu.memory_space<vmem>>, vector<16xf32>,
          tpu.vector_store %arg12[%swap3A_381, %swap3A_382], %mul3A_380 {strides = array<i32>} : memref<1024x32xf32, #tpu.memory_space<vmem>>, vector<16xf32>,
          %mul3A_384 = arith.constant 16 : i32
          %mul3A_385 = arith.muli %scan3A_207, %mul3A_384 : i32
          %add3A_386 = arith.addi %mul3A_164, %mul3A_385 : i32
          %add3A_387 = arith.constant 6 : i32
          %add3A_388 = arith.addi %add3A_386, %add3A_387 : i32
          %slice3A_389 = vector.extract_strided_slice %bitcast3A {offsets = [6], sizes = [1], strides = [1]} : vector<16xf32> to vector<1xf32>
          %squeeze3A_390 = vector.extract %slice3A_389[0] : f32 from vector<1xf32>
          %broadcast_in_dim3A_391 = vector.broadcast %squeeze3A_390 : f32 to vector<16xf32>
          %get3A_392 = arith.index_cast %add3A_388 : i32 to index
          %get3A_393 = arith.constant 0 : index
          %get3A_394 = tpu.vector_load %arg12[%get3A_392, %get3A_393] {strides = array<i32>} : memref<1024x32xf32, #tpu.memory_space<vmem>>, vector<16xf32>,
          %mul3A_395 = arith.mulf %get3A_394, %broadcast_in_dim3A_391 : vector<16xf32>
          %swap3A_396 = arith.index_cast %add3A_388 : i32 to index
          %swap3A_397 = arith.constant 0 : index
          %swap3A_398 = tpu.vector_load %arg12[%swap3A_396, %swap3A_397] {strides = array<i32>} : memref<1024x32xf32, #tpu.memory_space<vmem>>, vector<16xf32>,
          tpu.vector_store %arg12[%swap3A_396, %swap3A_397], %mul3A_395 {strides = array<i32>} : memref<1024x32xf32, #tpu.memory_space<vmem>>, vector<16xf32>,
          %get3A_399 = arith.index_cast %add3A_388 : i32 to index
          %get3A_400 = arith.constant 16 : index
          %get3A_401 = tpu.vector_load %arg12[%get3A_399, %get3A_400] {strides = array<i32>} : memref<1024x32xf32, #tpu.memory_space<vmem>>, vector<16xf32>,
          %mul3A_402 = arith.mulf %get3A_401, %broadcast_in_dim3A_391 : vector<16xf32>
          %swap3A_403 = arith.index_cast %add3A_388 : i32 to index
          %swap3A_404 = arith.constant 16 : index
          %swap3A_405 = tpu.vector_load %arg12[%swap3A_403, %swap3A_404] {strides = array<i32>} : memref<1024x32xf32, #tpu.memory_space<vmem>>, vector<16xf32>,
          tpu.vector_store %arg12[%swap3A_403, %swap3A_404], %mul3A_402 {strides = array<i32>} : memref<1024x32xf32, #tpu.memory_space<vmem>>, vector<16xf32>,
          %mul3A_406 = arith.constant 16 : i32
          %mul3A_407 = arith.muli %scan3A_207, %mul3A_406 : i32
          %add3A_408 = arith.addi %mul3A_164, %mul3A_407 : i32
          %add3A_409 = arith.constant 7 : i32
          %add3A_410 = arith.addi %add3A_408, %add3A_409 : i32
          %slice3A_411 = vector.extract_strided_slice %bitcast3A {offsets = [7], sizes = [1], strides = [1]} : vector<16xf32> to vector<1xf32>
          %squeeze3A_412 = vector.extract %slice3A_411[0] : f32 from vector<1xf32>
          %broadcast_in_dim3A_413 = vector.broadcast %squeeze3A_412 : f32 to vector<16xf32>
          %get3A_414 = arith.index_cast %add3A_410 : i32 to index
          %get3A_415 = arith.constant 0 : index
          %get3A_416 = tpu.vector_load %arg12[%get3A_414, %get3A_415] {strides = array<i32>} : memref<1024x32xf32, #tpu.memory_space<vmem>>, vector<16xf32>,
          %mul3A_417 = arith.mulf %get3A_416, %broadcast_in_dim3A_413 : vector<16xf32>
          %swap3A_418 = arith.index_cast %add3A_410 : i32 to index
          %swap3A_419 = arith.constant 0 : index
          %swap3A_420 = tpu.vector_load %arg12[%swap3A_418, %swap3A_419] {strides = array<i32>} : memref<1024x32xf32, #tpu.memory_space<vmem>>, vector<16xf32>,
          tpu.vector_store %arg12[%swap3A_418, %swap3A_419], %mul3A_417 {strides = array<i32>} : memref<1024x32xf32, #tpu.memory_space<vmem>>, vector<16xf32>,
          %get3A_421 = arith.index_cast %add3A_410 : i32 to index
          %get3A_422 = arith.constant 16 : index
          %get3A_423 = tpu.vector_load %arg12[%get3A_421, %get3A_422] {strides = array<i32>} : memref<1024x32xf32, #tpu.memory_space<vmem>>, vector<16xf32>,
          %mul3A_424 = arith.mulf %get3A_423, %broadcast_in_dim3A_413 : vector<16xf32>
          %swap3A_425 = arith.index_cast %add3A_410 : i32 to index
          %swap3A_426 = arith.constant 16 : index
          %swap3A_427 = tpu.vector_load %arg12[%swap3A_425, %swap3A_426] {strides = array<i32>} : memref<1024x32xf32, #tpu.memory_space<vmem>>, vector<16xf32>,
          tpu.vector_store %arg12[%swap3A_425, %swap3A_426], %mul3A_424 {strides = array<i32>} : memref<1024x32xf32, #tpu.memory_space<vmem>>, vector<16xf32>,
          %mul3A_428 = arith.constant 16 : i32
          %mul3A_429 = arith.muli %scan3A_207, %mul3A_428 : i32
          %add3A_430 = arith.addi %mul3A_164, %mul3A_429 : i32
          %add3A_431 = arith.constant 8 : i32
          %add3A_432 = arith.addi %add3A_430, %add3A_431 : i32
          %slice3A_433 = vector.extract_strided_slice %bitcast3A {offsets = [8], sizes = [1], strides = [1]} : vector<16xf32> to vector<1xf32>
          %squeeze3A_434 = vector.extract %slice3A_433[0] : f32 from vector<1xf32>
          %broadcast_in_dim3A_435 = vector.broadcast %squeeze3A_434 : f32 to vector<16xf32>
          %get3A_436 = arith.index_cast %add3A_432 : i32 to index
          %get3A_437 = arith.constant 0 : index
          %get3A_438 = tpu.vector_load %arg12[%get3A_436, %get3A_437] {strides = array<i32>} : memref<1024x32xf32, #tpu.memory_space<vmem>>, vector<16xf32>,
          %mul3A_439 = arith.mulf %get3A_438, %broadcast_in_dim3A_435 : vector<16xf32>
          %swap3A_440 = arith.index_cast %add3A_432 : i32 to index
          %swap3A_441 = arith.constant 0 : index
          %swap3A_442 = tpu.vector_load %arg12[%swap3A_440, %swap3A_441] {strides = array<i32>} : memref<1024x32xf32, #tpu.memory_space<vmem>>, vector<16xf32>,
          tpu.vector_store %arg12[%swap3A_440, %swap3A_441], %mul3A_439 {strides = array<i32>} : memref<1024x32xf32, #tpu.memory_space<vmem>>, vector<16xf32>,
          %get3A_443 = arith.index_cast %add3A_432 : i32 to index
          %get3A_444 = arith.constant 16 : index
          %get3A_445 = tpu.vector_load %arg12[%get3A_443, %get3A_444] {strides = array<i32>} : memref<1024x32xf32, #tpu.memory_space<vmem>>, vector<16xf32>,
          %mul3A_446 = arith.mulf %get3A_445, %broadcast_in_dim3A_435 : vector<16xf32>
          %swap3A_447 = arith.index_cast %add3A_432 : i32 to index
          %swap3A_448 = arith.constant 16 : index
          %swap3A_449 = tpu.vector_load %arg12[%swap3A_447, %swap3A_448] {strides = array<i32>} : memref<1024x32xf32, #tpu.memory_space<vmem>>, vector<16xf32>,
          tpu.vector_store %arg12[%swap3A_447, %swap3A_448], %mul3A_446 {strides = array<i32>} : memref<1024x32xf32, #tpu.memory_space<vmem>>, vector<16xf32>,
          %mul3A_450 = arith.constant 16 : i32
          %mul3A_451 = arith.muli %scan3A_207, %mul3A_450 : i32
          %add3A_452 = arith.addi %mul3A_164, %mul3A_451 : i32
          %add3A_453 = arith.constant 9 : i32
          %add3A_454 = arith.addi %add3A_452, %add3A_453 : i32
          %slice3A_455 = vector.extract_strided_slice %bitcast3A {offsets = [9], sizes = [1], strides = [1]} : vector<16xf32> to vector<1xf32>
          %squeeze3A_456 = vector.extract %slice3A_455[0] : f32 from vector<1xf32>
          %broadcast_in_dim3A_457 = vector.broadcast %squeeze3A_456 : f32 to vector<16xf32>
          %get3A_458 = arith.index_cast %add3A_454 : i32 to index
          %get3A_459 = arith.constant 0 : index
          %get3A_460 = tpu.vector_load %arg12[%get3A_458, %get3A_459] {strides = array<i32>} : memref<1024x32xf32, #tpu.memory_space<vmem>>, vector<16xf32>,
          %mul3A_461 = arith.mulf %get3A_460, %broadcast_in_dim3A_457 : vector<16xf32>
          %swap3A_462 = arith.index_cast %add3A_454 : i32 to index
          %swap3A_463 = arith.constant 0 : index
          %swap3A_464 = tpu.vector_load %arg12[%swap3A_462, %swap3A_463] {strides = array<i32>} : memref<1024x32xf32, #tpu.memory_space<vmem>>, vector<16xf32>,
          tpu.vector_store %arg12[%swap3A_462, %swap3A_463], %mul3A_461 {strides = array<i32>} : memref<1024x32xf32, #tpu.memory_space<vmem>>, vector<16xf32>,
          %get3A_465 = arith.index_cast %add3A_454 : i32 to index
          %get3A_466 = arith.constant 16 : index
          %get3A_467 = tpu.vector_load %arg12[%get3A_465, %get3A_466] {strides = array<i32>} : memref<1024x32xf32, #tpu.memory_space<vmem>>, vector<16xf32>,
          %mul3A_468 = arith.mulf %get3A_467, %broadcast_in_dim3A_457 : vector<16xf32>
          %swap3A_469 = arith.index_cast %add3A_454 : i32 to index
          %swap3A_470 = arith.constant 16 : index
          %swap3A_471 = tpu.vector_load %arg12[%swap3A_469, %swap3A_470] {strides = array<i32>} : memref<1024x32xf32, #tpu.memory_space<vmem>>, vector<16xf32>,
          tpu.vector_store %arg12[%swap3A_469, %swap3A_470], %mul3A_468 {strides = array<i32>} : memref<1024x32xf32, #tpu.memory_space<vmem>>, vector<16xf32>,
          %mul3A_472 = arith.constant 16 : i32
          %mul3A_473 = arith.muli %scan3A_207, %mul3A_472 : i32
          %add3A_474 = arith.addi %mul3A_164, %mul3A_473 : i32
          %add3A_475 = arith.constant 10 : i32
          %add3A_476 = arith.addi %add3A_474, %add3A_475 : i32
          %slice3A_477 = vector.extract_strided_slice %bitcast3A {offsets = [10], sizes = [1], strides = [1]} : vector<16xf32> to vector<1xf32>
          %squeeze3A_478 = vector.extract %slice3A_477[0] : f32 from vector<1xf32>
          %broadcast_in_dim3A_479 = vector.broadcast %squeeze3A_478 : f32 to vector<16xf32>
          %get3A_480 = arith.index_cast %add3A_476 : i32 to index
          %get3A_481 = arith.constant 0 : index
          %get3A_482 = tpu.vector_load %arg12[%get3A_480, %get3A_481] {strides = array<i32>} : memref<1024x32xf32, #tpu.memory_space<vmem>>, vector<16xf32>,
          %mul3A_483 = arith.mulf %get3A_482, %broadcast_in_dim3A_479 : vector<16xf32>
          %swap3A_484 = arith.index_cast %add3A_476 : i32 to index
          %swap3A_485 = arith.constant 0 : index
          %swap3A_486 = tpu.vector_load %arg12[%swap3A_484, %swap3A_485] {strides = array<i32>} : memref<1024x32xf32, #tpu.memory_space<vmem>>, vector<16xf32>,
          tpu.vector_store %arg12[%swap3A_484, %swap3A_485], %mul3A_483 {strides = array<i32>} : memref<1024x32xf32, #tpu.memory_space<vmem>>, vector<16xf32>,
          %get3A_487 = arith.index_cast %add3A_476 : i32 to index
          %get3A_488 = arith.constant 16 : index
          %get3A_489 = tpu.vector_load %arg12[%get3A_487, %get3A_488] {strides = array<i32>} : memref<1024x32xf32, #tpu.memory_space<vmem>>, vector<16xf32>,
          %mul3A_490 = arith.mulf %get3A_489, %broadcast_in_dim3A_479 : vector<16xf32>
          %swap3A_491 = arith.index_cast %add3A_476 : i32 to index
          %swap3A_492 = arith.constant 16 : index
          %swap3A_493 = tpu.vector_load %arg12[%swap3A_491, %swap3A_492] {strides = array<i32>} : memref<1024x32xf32, #tpu.memory_space<vmem>>, vector<16xf32>,
          tpu.vector_store %arg12[%swap3A_491, %swap3A_492], %mul3A_490 {strides = array<i32>} : memref<1024x32xf32, #tpu.memory_space<vmem>>, vector<16xf32>,
          %mul3A_494 = arith.constant 16 : i32
          %mul3A_495 = arith.muli %scan3A_207, %mul3A_494 : i32
          %add3A_496 = arith.addi %mul3A_164, %mul3A_495 : i32
          %add3A_497 = arith.constant 11 : i32
          %add3A_498 = arith.addi %add3A_496, %add3A_497 : i32
          %slice3A_499 = vector.extract_strided_slice %bitcast3A {offsets = [11], sizes = [1], strides = [1]} : vector<16xf32> to vector<1xf32>
          %squeeze3A_500 = vector.extract %slice3A_499[0] : f32 from vector<1xf32>
          %broadcast_in_dim3A_501 = vector.broadcast %squeeze3A_500 : f32 to vector<16xf32>
          %get3A_502 = arith.index_cast %add3A_498 : i32 to index
          %get3A_503 = arith.constant 0 : index
          %get3A_504 = tpu.vector_load %arg12[%get3A_502, %get3A_503] {strides = array<i32>} : memref<1024x32xf32, #tpu.memory_space<vmem>>, vector<16xf32>,
          %mul3A_505 = arith.mulf %get3A_504, %broadcast_in_dim3A_501 : vector<16xf32>
          %swap3A_506 = arith.index_cast %add3A_498 : i32 to index
          %swap3A_507 = arith.constant 0 : index
          %swap3A_508 = tpu.vector_load %arg12[%swap3A_506, %swap3A_507] {strides = array<i32>} : memref<1024x32xf32, #tpu.memory_space<vmem>>, vector<16xf32>,
          tpu.vector_store %arg12[%swap3A_506, %swap3A_507], %mul3A_505 {strides = array<i32>} : memref<1024x32xf32, #tpu.memory_space<vmem>>, vector<16xf32>,
          %get3A_509 = arith.index_cast %add3A_498 : i32 to index
          %get3A_510 = arith.constant 16 : index
          %get3A_511 = tpu.vector_load %arg12[%get3A_509, %get3A_510] {strides = array<i32>} : memref<1024x32xf32, #tpu.memory_space<vmem>>, vector<16xf32>,
          %mul3A_512 = arith.mulf %get3A_511, %broadcast_in_dim3A_501 : vector<16xf32>
          %swap3A_513 = arith.index_cast %add3A_498 : i32 to index
          %swap3A_514 = arith.constant 16 : index
          %swap3A_515 = tpu.vector_load %arg12[%swap3A_513, %swap3A_514] {strides = array<i32>} : memref<1024x32xf32, #tpu.memory_space<vmem>>, vector<16xf32>,
          tpu.vector_store %arg12[%swap3A_513, %swap3A_514], %mul3A_512 {strides = array<i32>} : memref<1024x32xf32, #tpu.memory_space<vmem>>, vector<16xf32>,
          %mul3A_516 = arith.constant 16 : i32
          %mul3A_517 = arith.muli %scan3A_207, %mul3A_516 : i32
          %add3A_518 = arith.addi %mul3A_164, %mul3A_517 : i32
          %add3A_519 = arith.constant 12 : i32
          %add3A_520 = arith.addi %add3A_518, %add3A_519 : i32
          %slice3A_521 = vector.extract_strided_slice %bitcast3A {offsets = [12], sizes = [1], strides = [1]} : vector<16xf32> to vector<1xf32>
          %squeeze3A_522 = vector.extract %slice3A_521[0] : f32 from vector<1xf32>
          %broadcast_in_dim3A_523 = vector.broadcast %squeeze3A_522 : f32 to vector<16xf32>
          %get3A_524 = arith.index_cast %add3A_520 : i32 to index
          %get3A_525 = arith.constant 0 : index
          %get3A_526 = tpu.vector_load %arg12[%get3A_524, %get3A_525] {strides = array<i32>} : memref<1024x32xf32, #tpu.memory_space<vmem>>, vector<16xf32>,
          %mul3A_527 = arith.mulf %get3A_526, %broadcast_in_dim3A_523 : vector<16xf32>
          %swap3A_528 = arith.index_cast %add3A_520 : i32 to index
          %swap3A_529 = arith.constant 0 : index
          %swap3A_530 = tpu.vector_load %arg12[%swap3A_528, %swap3A_529] {strides = array<i32>} : memref<1024x32xf32, #tpu.memory_space<vmem>>, vector<16xf32>,
          tpu.vector_store %arg12[%swap3A_528, %swap3A_529], %mul3A_527 {strides = array<i32>} : memref<1024x32xf32, #tpu.memory_space<vmem>>, vector<16xf32>,
          %get3A_531 = arith.index_cast %add3A_520 : i32 to index
          %get3A_532 = arith.constant 16 : index
          %get3A_533 = tpu.vector_load %arg12[%get3A_531, %get3A_532] {strides = array<i32>} : memref<1024x32xf32, #tpu.memory_space<vmem>>, vector<16xf32>,
          %mul3A_534 = arith.mulf %get3A_533, %broadcast_in_dim3A_523 : vector<16xf32>
          %swap3A_535 = arith.index_cast %add3A_520 : i32 to index
          %swap3A_536 = arith.constant 16 : index
          %swap3A_537 = tpu.vector_load %arg12[%swap3A_535, %swap3A_536] {strides = array<i32>} : memref<1024x32xf32, #tpu.memory_space<vmem>>, vector<16xf32>,
          tpu.vector_store %arg12[%swap3A_535, %swap3A_536], %mul3A_534 {strides = array<i32>} : memref<1024x32xf32, #tpu.memory_space<vmem>>, vector<16xf32>,
          %mul3A_538 = arith.constant 16 : i32
          %mul3A_539 = arith.muli %scan3A_207, %mul3A_538 : i32
          %add3A_540 = arith.addi %mul3A_164, %mul3A_539 : i32
          %add3A_541 = arith.constant 13 : i32
          %add3A_542 = arith.addi %add3A_540, %add3A_541 : i32
          %slice3A_543 = vector.extract_strided_slice %bitcast3A {offsets = [13], sizes = [1], strides = [1]} : vector<16xf32> to vector<1xf32>
          %squeeze3A_544 = vector.extract %slice3A_543[0] : f32 from vector<1xf32>
          %broadcast_in_dim3A_545 = vector.broadcast %squeeze3A_544 : f32 to vector<16xf32>
          %get3A_546 = arith.index_cast %add3A_542 : i32 to index
          %get3A_547 = arith.constant 0 : index
          %get3A_548 = tpu.vector_load %arg12[%get3A_546, %get3A_547] {strides = array<i32>} : memref<1024x32xf32, #tpu.memory_space<vmem>>, vector<16xf32>,
          %mul3A_549 = arith.mulf %get3A_548, %broadcast_in_dim3A_545 : vector<16xf32>
          %swap3A_550 = arith.index_cast %add3A_542 : i32 to index
          %swap3A_551 = arith.constant 0 : index
          %swap3A_552 = tpu.vector_load %arg12[%swap3A_550, %swap3A_551] {strides = array<i32>} : memref<1024x32xf32, #tpu.memory_space<vmem>>, vector<16xf32>,
          tpu.vector_store %arg12[%swap3A_550, %swap3A_551], %mul3A_549 {strides = array<i32>} : memref<1024x32xf32, #tpu.memory_space<vmem>>, vector<16xf32>,
          %get3A_553 = arith.index_cast %add3A_542 : i32 to index
          %get3A_554 = arith.constant 16 : index
          %get3A_555 = tpu.vector_load %arg12[%get3A_553, %get3A_554] {strides = array<i32>} : memref<1024x32xf32, #tpu.memory_space<vmem>>, vector<16xf32>,
          %mul3A_556 = arith.mulf %get3A_555, %broadcast_in_dim3A_545 : vector<16xf32>
          %swap3A_557 = arith.index_cast %add3A_542 : i32 to index
          %swap3A_558 = arith.constant 16 : index
          %swap3A_559 = tpu.vector_load %arg12[%swap3A_557, %swap3A_558] {strides = array<i32>} : memref<1024x32xf32, #tpu.memory_space<vmem>>, vector<16xf32>,
          tpu.vector_store %arg12[%swap3A_557, %swap3A_558], %mul3A_556 {strides = array<i32>} : memref<1024x32xf32, #tpu.memory_space<vmem>>, vector<16xf32>,
          %mul3A_560 = arith.constant 16 : i32
          %mul3A_561 = arith.muli %scan3A_207, %mul3A_560 : i32
          %add3A_562 = arith.addi %mul3A_164, %mul3A_561 : i32
          %add3A_563 = arith.constant 14 : i32
          %add3A_564 = arith.addi %add3A_562, %add3A_563 : i32
          %slice3A_565 = vector.extract_strided_slice %bitcast3A {offsets = [14], sizes = [1], strides = [1]} : vector<16xf32> to vector<1xf32>
          %squeeze3A_566 = vector.extract %slice3A_565[0] : f32 from vector<1xf32>
          %broadcast_in_dim3A_567 = vector.broadcast %squeeze3A_566 : f32 to vector<16xf32>
          %get3A_568 = arith.index_cast %add3A_564 : i32 to index
          %get3A_569 = arith.constant 0 : index
          %get3A_570 = tpu.vector_load %arg12[%get3A_568, %get3A_569] {strides = array<i32>} : memref<1024x32xf32, #tpu.memory_space<vmem>>, vector<16xf32>,
          %mul3A_571 = arith.mulf %get3A_570, %broadcast_in_dim3A_567 : vector<16xf32>
          %swap3A_572 = arith.index_cast %add3A_564 : i32 to index
          %swap3A_573 = arith.constant 0 : index
          %swap3A_574 = tpu.vector_load %arg12[%swap3A_572, %swap3A_573] {strides = array<i32>} : memref<1024x32xf32, #tpu.memory_space<vmem>>, vector<16xf32>,
          tpu.vector_store %arg12[%swap3A_572, %swap3A_573], %mul3A_571 {strides = array<i32>} : memref<1024x32xf32, #tpu.memory_space<vmem>>, vector<16xf32>,
          %get3A_575 = arith.index_cast %add3A_564 : i32 to index
          %get3A_576 = arith.constant 16 : index
          %get3A_577 = tpu.vector_load %arg12[%get3A_575, %get3A_576] {strides = array<i32>} : memref<1024x32xf32, #tpu.memory_space<vmem>>, vector<16xf32>,
          %mul3A_578 = arith.mulf %get3A_577, %broadcast_in_dim3A_567 : vector<16xf32>
          %swap3A_579 = arith.index_cast %add3A_564 : i32 to index
          %swap3A_580 = arith.constant 16 : index
          %swap3A_581 = tpu.vector_load %arg12[%swap3A_579, %swap3A_580] {strides = array<i32>} : memref<1024x32xf32, #tpu.memory_space<vmem>>, vector<16xf32>,
          tpu.vector_store %arg12[%swap3A_579, %swap3A_580], %mul3A_578 {strides = array<i32>} : memref<1024x32xf32, #tpu.memory_space<vmem>>, vector<16xf32>,
          %mul3A_582 = arith.constant 16 : i32
          %mul3A_583 = arith.muli %scan3A_207, %mul3A_582 : i32
          %add3A_584 = arith.addi %mul3A_164, %mul3A_583 : i32
          %add3A_585 = arith.constant 15 : i32
          %add3A_586 = arith.addi %add3A_584, %add3A_585 : i32
          %slice3A_587 = vector.extract_strided_slice %bitcast3A {offsets = [15], sizes = [1], strides = [1]} : vector<16xf32> to vector<1xf32>
          %squeeze3A_588 = vector.extract %slice3A_587[0] : f32 from vector<1xf32>
          %broadcast_in_dim3A_589 = vector.broadcast %squeeze3A_588 : f32 to vector<16xf32>
          %get3A_590 = arith.index_cast %add3A_586 : i32 to index
          %get3A_591 = arith.constant 0 : index
          %get3A_592 = tpu.vector_load %arg12[%get3A_590, %get3A_591] {strides = array<i32>} : memref<1024x32xf32, #tpu.memory_space<vmem>>, vector<16xf32>,
          %mul3A_593 = arith.mulf %get3A_592, %broadcast_in_dim3A_589 : vector<16xf32>
          %swap3A_594 = arith.index_cast %add3A_586 : i32 to index
          %swap3A_595 = arith.constant 0 : index
          %swap3A_596 = tpu.vector_load %arg12[%swap3A_594, %swap3A_595] {strides = array<i32>} : memref<1024x32xf32, #tpu.memory_space<vmem>>, vector<16xf32>,
          tpu.vector_store %arg12[%swap3A_594, %swap3A_595], %mul3A_593 {strides = array<i32>} : memref<1024x32xf32, #tpu.memory_space<vmem>>, vector<16xf32>,
          %get3A_597 = arith.index_cast %add3A_586 : i32 to index
          %get3A_598 = arith.constant 16 : index
          %get3A_599 = tpu.vector_load %arg12[%get3A_597, %get3A_598] {strides = array<i32>} : memref<1024x32xf32, #tpu.memory_space<vmem>>, vector<16xf32>,
          %mul3A_600 = arith.mulf %get3A_599, %broadcast_in_dim3A_589 : vector<16xf32>
          %swap3A_601 = arith.index_cast %add3A_586 : i32 to index
          %swap3A_602 = arith.constant 16 : index
          %swap3A_603 = tpu.vector_load %arg12[%swap3A_601, %swap3A_602] {strides = array<i32>} : memref<1024x32xf32, #tpu.memory_space<vmem>>, vector<16xf32>,
          tpu.vector_store %arg12[%swap3A_601, %swap3A_602], %mul3A_600 {strides = array<i32>} : memref<1024x32xf32, #tpu.memory_space<vmem>>, vector<16xf32>,
          %scan3A_604 = arith.constant 0 : i32
          scf.yield %scan3A_604 : i32
        }
        %scan3A_182 = arith.constant 32 : i32
        %mul3A_183 = arith.constant 4 : i32
        %mul3A_184 = arith.muli %select_n3A_154, %mul3A_183 : i32
        %add3A_185 = arith.constant 0 : i32
        %add3A_186 = arith.addi %mul3A_184, %add3A_185 : i32
        %mul3A_187 = arith.constant 128 : i32
        %mul3A_188 = arith.muli %add3A_186, %mul3A_187 : i32
        "tpu.region"() ({
          %run_scoped3A = tpu.sem_alloc : memref<!tpu.dma_semaphore, #tpu.memory_space<semaphore_mem>>
          %dma_start3A = arith.constant 0 : i32
          %dma_start3A_207 = tpu.memref_slice %arg12[%mul3A_188, %dma_start3A] : memref<1024x32xf32, #tpu.memory_space<vmem>> -> memref<128x32xf32, #tpu.memory_space<vmem>>
          %dma_start3A_208 = arith.constant 0 : i32
          %dma_start3A_209 = tpu.memref_slice %arg9[%add3A_186, %dma_start3A_208] : memref<8x128xi32, #tpu.memory_space<vmem>> -> memref<1x128xi32, #tpu.memory_space<vmem>>
          %dma_start3A_210 = tpu.memref_squeeze %dma_start3A_209 : memref<1x128xi32, #tpu.memory_space<vmem>> -> memref<128xi32, #tpu.memory_space<vmem>>
          %dma_start3A_211 = arith.constant 0 : i32
          %dma_start3A_212 = arith.constant 0 : i32
          %dma_start3A_213 = tpu.memref_slice %arg17[%dma_start3A_211, %dma_start3A_212] : memref<32768x32xf32, #tpu.memory_space<vmem_shared>> -> memref<32768x32xf32, #tpu.memory_space<vmem_shared>>
          tpu.enqueue_indirect_dma source(%dma_start3A_207 : memref<128x32xf32, #tpu.memory_space<vmem>>) target(%dma_start3A_213 : memref<32768x32xf32, #tpu.memory_space<vmem_shared>>) offsets(%dma_start3A_210 : memref<128xi32, #tpu.memory_space<vmem>>) semaphore(%run_scoped3A : memref<!tpu.dma_semaphore, #tpu.memory_space<semaphore_mem>>) {add = true}
          %dma_wait3A_214 = arith.constant 0 : i32
          %dma_wait3A_215 = tpu.memref_slice %arg12[%mul3A_188, %dma_wait3A_214] : memref<1024x32xf32, #tpu.memory_space<vmem>> -> memref<128x32xf32, #tpu.memory_space<vmem>>
          %dma_wait3A_216 = arith.constant 0 : i32
          %dma_wait3A_217 = tpu.memref_slice %arg9[%add3A_186, %dma_wait3A_216] : memref<8x128xi32, #tpu.memory_space<vmem>> -> memref<1x128xi32, #tpu.memory_space<vmem>>
          %dma_wait3A_218 = tpu.memref_squeeze %dma_wait3A_217 : memref<1x128xi32, #tpu.memory_space<vmem>> -> memref<128xi32, #tpu.memory_space<vmem>>
          %dma_wait3A_219 = arith.constant 0 : i32
          %dma_wait3A_220 = arith.constant 0 : i32
          %dma_wait3A_221 = tpu.memref_slice %arg17[%dma_wait3A_219, %dma_wait3A_220] : memref<32768x32xf32, #tpu.memory_space<vmem_shared>> -> memref<32768x32xf32, #tpu.memory_space<vmem_shared>>
          tpu.wait_indirect_dma semaphore(%run_scoped3A : memref<!tpu.dma_semaphore, #tpu.memory_space<semaphore_mem>>) src(%dma_wait3A_215 : memref<128x32xf32, #tpu.memory_space<vmem>>) dst(%dma_wait3A_221 : memref<32768x32xf32, #tpu.memory_space<vmem_shared>>)
          tpu.yield
        }) : () -> ()
        %mul3A_189 = arith.constant 4 : i32
        %mul3A_190 = arith.muli %select_n3A_154, %mul3A_189 : i32
        %add3A_191 = arith.constant 1 : i32
        %add3A_192 = arith.addi %mul3A_190, %add3A_191 : i32
        %mul3A_193 = arith.constant 128 : i32
        %mul3A_194 = arith.muli %add3A_192, %mul3A_193 : i32
        "tpu.region"() ({
          %run_scoped3A = tpu.sem_alloc : memref<!tpu.dma_semaphore, #tpu.memory_space<semaphore_mem>>
          %dma_start3A = arith.constant 0 : i32
          %dma_start3A_207 = tpu.memref_slice %arg12[%mul3A_194, %dma_start3A] : memref<1024x32xf32, #tpu.memory_space<vmem>> -> memref<128x32xf32, #tpu.memory_space<vmem>>
          %dma_start3A_208 = arith.constant 0 : i32
          %dma_start3A_209 = tpu.memref_slice %arg9[%add3A_192, %dma_start3A_208] : memref<8x128xi32, #tpu.memory_space<vmem>> -> memref<1x128xi32, #tpu.memory_space<vmem>>
          %dma_start3A_210 = tpu.memref_squeeze %dma_start3A_209 : memref<1x128xi32, #tpu.memory_space<vmem>> -> memref<128xi32, #tpu.memory_space<vmem>>
          %dma_start3A_211 = arith.constant 0 : i32
          %dma_start3A_212 = arith.constant 0 : i32
          %dma_start3A_213 = tpu.memref_slice %arg17[%dma_start3A_211, %dma_start3A_212] : memref<32768x32xf32, #tpu.memory_space<vmem_shared>> -> memref<32768x32xf32, #tpu.memory_space<vmem_shared>>
          tpu.enqueue_indirect_dma source(%dma_start3A_207 : memref<128x32xf32, #tpu.memory_space<vmem>>) target(%dma_start3A_213 : memref<32768x32xf32, #tpu.memory_space<vmem_shared>>) offsets(%dma_start3A_210 : memref<128xi32, #tpu.memory_space<vmem>>) semaphore(%run_scoped3A : memref<!tpu.dma_semaphore, #tpu.memory_space<semaphore_mem>>) {add = true}
          %dma_wait3A_214 = arith.constant 0 : i32
          %dma_wait3A_215 = tpu.memref_slice %arg12[%mul3A_194, %dma_wait3A_214] : memref<1024x32xf32, #tpu.memory_space<vmem>> -> memref<128x32xf32, #tpu.memory_space<vmem>>
          %dma_wait3A_216 = arith.constant 0 : i32
          %dma_wait3A_217 = tpu.memref_slice %arg9[%add3A_192, %dma_wait3A_216] : memref<8x128xi32, #tpu.memory_space<vmem>> -> memref<1x128xi32, #tpu.memory_space<vmem>>
          %dma_wait3A_218 = tpu.memref_squeeze %dma_wait3A_217 : memref<1x128xi32, #tpu.memory_space<vmem>> -> memref<128xi32, #tpu.memory_space<vmem>>
          %dma_wait3A_219 = arith.constant 0 : i32
          %dma_wait3A_220 = arith.constant 0 : i32
          %dma_wait3A_221 = tpu.memref_slice %arg17[%dma_wait3A_219, %dma_wait3A_220] : memref<32768x32xf32, #tpu.memory_space<vmem_shared>> -> memref<32768x32xf32, #tpu.memory_space<vmem_shared>>
          tpu.wait_indirect_dma semaphore(%run_scoped3A : memref<!tpu.dma_semaphore, #tpu.memory_space<semaphore_mem>>) src(%dma_wait3A_215 : memref<128x32xf32, #tpu.memory_space<vmem>>) dst(%dma_wait3A_221 : memref<32768x32xf32, #tpu.memory_space<vmem_shared>>)
          tpu.yield
        }) : () -> ()
        %mul3A_195 = arith.constant 4 : i32
        %mul3A_196 = arith.muli %select_n3A_154, %mul3A_195 : i32
        %add3A_197 = arith.constant 2 : i32
        %add3A_198 = arith.addi %mul3A_196, %add3A_197 : i32
        %mul3A_199 = arith.constant 128 : i32
        %mul3A_200 = arith.muli %add3A_198, %mul3A_199 : i32
        "tpu.region"() ({
          %run_scoped3A = tpu.sem_alloc : memref<!tpu.dma_semaphore, #tpu.memory_space<semaphore_mem>>
          %dma_start3A = arith.constant 0 : i32
          %dma_start3A_207 = tpu.memref_slice %arg12[%mul3A_200, %dma_start3A] : memref<1024x32xf32, #tpu.memory_space<vmem>> -> memref<128x32xf32, #tpu.memory_space<vmem>>
          %dma_start3A_208 = arith.constant 0 : i32
          %dma_start3A_209 = tpu.memref_slice %arg9[%add3A_198, %dma_start3A_208] : memref<8x128xi32, #tpu.memory_space<vmem>> -> memref<1x128xi32, #tpu.memory_space<vmem>>
          %dma_start3A_210 = tpu.memref_squeeze %dma_start3A_209 : memref<1x128xi32, #tpu.memory_space<vmem>> -> memref<128xi32, #tpu.memory_space<vmem>>
          %dma_start3A_211 = arith.constant 0 : i32
          %dma_start3A_212 = arith.constant 0 : i32
          %dma_start3A_213 = tpu.memref_slice %arg17[%dma_start3A_211, %dma_start3A_212] : memref<32768x32xf32, #tpu.memory_space<vmem_shared>> -> memref<32768x32xf32, #tpu.memory_space<vmem_shared>>
          tpu.enqueue_indirect_dma source(%dma_start3A_207 : memref<128x32xf32, #tpu.memory_space<vmem>>) target(%dma_start3A_213 : memref<32768x32xf32, #tpu.memory_space<vmem_shared>>) offsets(%dma_start3A_210 : memref<128xi32, #tpu.memory_space<vmem>>) semaphore(%run_scoped3A : memref<!tpu.dma_semaphore, #tpu.memory_space<semaphore_mem>>) {add = true}
          %dma_wait3A_214 = arith.constant 0 : i32
          %dma_wait3A_215 = tpu.memref_slice %arg12[%mul3A_200, %dma_wait3A_214] : memref<1024x32xf32, #tpu.memory_space<vmem>> -> memref<128x32xf32, #tpu.memory_space<vmem>>
          %dma_wait3A_216 = arith.constant 0 : i32
          %dma_wait3A_217 = tpu.memref_slice %arg9[%add3A_198, %dma_wait3A_216] : memref<8x128xi32, #tpu.memory_space<vmem>> -> memref<1x128xi32, #tpu.memory_space<vmem>>
          %dma_wait3A_218 = tpu.memref_squeeze %dma_wait3A_217 : memref<1x128xi32, #tpu.memory_space<vmem>> -> memref<128xi32, #tpu.memory_space<vmem>>
          %dma_wait3A_219 = arith.constant 0 : i32
          %dma_wait3A_220 = arith.constant 0 : i32
          %dma_wait3A_221 = tpu.memref_slice %arg17[%dma_wait3A_219, %dma_wait3A_220] : memref<32768x32xf32, #tpu.memory_space<vmem_shared>> -> memref<32768x32xf32, #tpu.memory_space<vmem_shared>>
          tpu.wait_indirect_dma semaphore(%run_scoped3A : memref<!tpu.dma_semaphore, #tpu.memory_space<semaphore_mem>>) src(%dma_wait3A_215 : memref<128x32xf32, #tpu.memory_space<vmem>>) dst(%dma_wait3A_221 : memref<32768x32xf32, #tpu.memory_space<vmem_shared>>)
          tpu.yield
        }) : () -> ()
        %mul3A_201 = arith.constant 4 : i32
        %mul3A_202 = arith.muli %select_n3A_154, %mul3A_201 : i32
        %add3A_203 = arith.constant 3 : i32
        %add3A_204 = arith.addi %mul3A_202, %add3A_203 : i32
        %mul3A_205 = arith.constant 128 : i32
        %mul3A_206 = arith.muli %add3A_204, %mul3A_205 : i32
        "tpu.region"() ({
          %run_scoped3A = tpu.sem_alloc : memref<!tpu.dma_semaphore, #tpu.memory_space<semaphore_mem>>
          %dma_start3A = arith.constant 0 : i32
          %dma_start3A_207 = tpu.memref_slice %arg12[%mul3A_206, %dma_start3A] : memref<1024x32xf32, #tpu.memory_space<vmem>> -> memref<128x32xf32, #tpu.memory_space<vmem>>
          %dma_start3A_208 = arith.constant 0 : i32
          %dma_start3A_209 = tpu.memref_slice %arg9[%add3A_204, %dma_start3A_208] : memref<8x128xi32, #tpu.memory_space<vmem>> -> memref<1x128xi32, #tpu.memory_space<vmem>>
          %dma_start3A_210 = tpu.memref_squeeze %dma_start3A_209 : memref<1x128xi32, #tpu.memory_space<vmem>> -> memref<128xi32, #tpu.memory_space<vmem>>
          %dma_start3A_211 = arith.constant 0 : i32
          %dma_start3A_212 = arith.constant 0 : i32
          %dma_start3A_213 = tpu.memref_slice %arg17[%dma_start3A_211, %dma_start3A_212] : memref<32768x32xf32, #tpu.memory_space<vmem_shared>> -> memref<32768x32xf32, #tpu.memory_space<vmem_shared>>
          tpu.enqueue_indirect_dma source(%dma_start3A_207 : memref<128x32xf32, #tpu.memory_space<vmem>>) target(%dma_start3A_213 : memref<32768x32xf32, #tpu.memory_space<vmem_shared>>) offsets(%dma_start3A_210 : memref<128xi32, #tpu.memory_space<vmem>>) semaphore(%run_scoped3A : memref<!tpu.dma_semaphore, #tpu.memory_space<semaphore_mem>>) {add = true}
          %dma_wait3A_214 = arith.constant 0 : i32
          %dma_wait3A_215 = tpu.memref_slice %arg12[%mul3A_206, %dma_wait3A_214] : memref<1024x32xf32, #tpu.memory_space<vmem>> -> memref<128x32xf32, #tpu.memory_space<vmem>>
          %dma_wait3A_216 = arith.constant 0 : i32
          %dma_wait3A_217 = tpu.memref_slice %arg9[%add3A_204, %dma_wait3A_216] : memref<8x128xi32, #tpu.memory_space<vmem>> -> memref<1x128xi32, #tpu.memory_space<vmem>>
          %dma_wait3A_218 = tpu.memref_squeeze %dma_wait3A_217 : memref<1x128xi32, #tpu.memory_space<vmem>> -> memref<128xi32, #tpu.memory_space<vmem>>
          %dma_wait3A_219 = arith.constant 0 : i32
          %dma_wait3A_220 = arith.constant 0 : i32
          %dma_wait3A_221 = tpu.memref_slice %arg17[%dma_wait3A_219, %dma_wait3A_220] : memref<32768x32xf32, #tpu.memory_space<vmem_shared>> -> memref<32768x32xf32, #tpu.memory_space<vmem_shared>>
          tpu.wait_indirect_dma semaphore(%run_scoped3A : memref<!tpu.dma_semaphore, #tpu.memory_space<semaphore_mem>>) src(%dma_wait3A_215 : memref<128x32xf32, #tpu.memory_space<vmem>>) dst(%dma_wait3A_221 : memref<32768x32xf32, #tpu.memory_space<vmem_shared>>)
          tpu.yield
        }) : () -> ()
      } else {
      }
      %scan3A_162 = arith.constant 0 : i32
      scf.yield %scan3A_162 : i32
    }
    %scan3A_118 = arith.constant 65 : i32
    %barrier3A_119 = arith.constant 0 : index
    tpu.barrier barrier_id(%barrier3A_119)
    %mul3A_120 = arith.constant 2048 : i32
    %mul3A_121 = arith.muli %arg1, %mul3A_120 : i32
    %mul3A_122 = arith.constant 32768 : i32
    %mul3A_123 = arith.muli %arg0, %mul3A_122 : i32
    %mul3A_124 = arith.constant 2048 : i32
    %mul3A_125 = arith.muli %arg1, %mul3A_124 : i32
    %add3A_126 = arith.addi %mul3A_123, %mul3A_125 : i32
    "tpu.region"() ({
      %run_scoped3A = tpu.sem_alloc : memref<!tpu.dma_semaphore, #tpu.memory_space<semaphore_mem>>
      %dma_start3A = arith.constant 0 : i32
      %dma_start3A_127 = tpu.memref_slice %arg6[%add3A_126, %dma_start3A] : memref<65536x32xf32, #tpu.memory_space<hbm>> -> memref<2048x32xf32, #tpu.memory_space<hbm>>
      %dma_start3A_128 = arith.constant 0 : i32
      %dma_start3A_129 = tpu.memref_slice %arg17[%mul3A_121, %dma_start3A_128] : memref<32768x32xf32, #tpu.memory_space<vmem_shared>> -> memref<2048x32xf32, #tpu.memory_space<vmem_shared>>
      tpu.enqueue_dma source(%dma_start3A_129 : memref<2048x32xf32, #tpu.memory_space<vmem_shared>>) target(%dma_start3A_127 : memref<2048x32xf32, #tpu.memory_space<hbm>>) target_semaphore(%run_scoped3A : memref<!tpu.dma_semaphore, #tpu.memory_space<semaphore_mem>>)
      %dma_wait3A = arith.constant 0 : i32
      %dma_wait3A_130 = tpu.memref_slice %arg6[%add3A_126, %dma_wait3A] : memref<65536x32xf32, #tpu.memory_space<hbm>> -> memref<2048x32xf32, #tpu.memory_space<hbm>>
      %dma_wait3A_131 = arith.constant 0 : i32
      %dma_wait3A_132 = tpu.memref_slice %arg17[%mul3A_121, %dma_wait3A_131] : memref<32768x32xf32, #tpu.memory_space<vmem_shared>> -> memref<2048x32xf32, #tpu.memory_space<vmem_shared>>
      tpu.wait_dma2 semaphore(%run_scoped3A : memref<!tpu.dma_semaphore, #tpu.memory_space<semaphore_mem>>) src(%dma_wait3A_132 : memref<2048x32xf32, #tpu.memory_space<vmem_shared>>) dst(%dma_wait3A_130 : memref<2048x32xf32, #tpu.memory_space<hbm>>)
      tpu.yield
    }) : () -> ()
    return
  }
}

module attributes {stable_mosaic.version = 14 : i64} {
  func.func @_matmul_body(%arg0: i32, %arg1: memref<2048x64xf32, #tpu.memory_space<vmem>>, %arg2: memref<64x64xf32, #tpu.memory_space<vmem>>, %arg3: memref<64x2048xf32, #tpu.memory_space<vmem>>) attributes {dimension_semantics = [#tpu.dimension_semantics<arbitrary>], iteration_bounds = array<i64: 128>, scalar_prefetch = 0 : i64, scratch_operands = 0 : i64, tpu.core_type = #tpu.core_type<tc>, window_params = [{transform_indices = @transform_0, window_bounds = array<i64: 2048, 64>}, {pipeline_mode = #tpu.pipeline_mode<synchronous>, transform_indices = @transform_1, window_bounds = array<i64: 64, 64>}, {transform_indices = @transform_2, window_bounds = array<i64: 64, 2048>}]} {
    %get3A = arith.constant 0 : index
    %get3A_0 = arith.constant 0 : index
    %get3A_1 = vector.load %arg2[%get3A, %get3A_0] : memref<64x64xf32, #tpu.memory_space<vmem>>, vector<64x64xf32>
    %get3A_2 = arith.constant 0 : index
    %get3A_3 = arith.constant 0 : index
    %get3A_4 = vector.load %arg1[%get3A_2, %get3A_3] : memref<2048x64xf32, #tpu.memory_space<vmem>>, vector<2048x64xf32>
    %dot_general3A = arith.constant dense<0.000000e+00> : vector<64x2048xf32>
    %dot_general3A_5 = tpu.matmul %get3A_1, %get3A_4, %dot_general3A {dimension_numbers = #tpu.dot_dimension_numbers<[0], [1], [1], [0], [0, 1, 1, 0], [], []>, transpose_lhs_hint = false} : vector<64x64xf32>, vector<2048x64xf32>, vector<64x2048xf32> -> vector<64x2048xf32>
    %swap3A = arith.constant 0 : index
    %swap3A_6 = arith.constant 0 : index
    %swap3A_7 = vector.load %arg3[%swap3A, %swap3A_6] : memref<64x2048xf32, #tpu.memory_space<vmem>>, vector<64x2048xf32>
    tpu.vector_store %arg3[%swap3A, %swap3A_6], %dot_general3A_5 {strides = array<i32>} : memref<64x2048xf32, #tpu.memory_space<vmem>>, vector<64x2048xf32>,
    return
  }
  func.func @transform_0(%arg0: i32) -> (i32, i32) {
    %c0_i32 = arith.constant 0 : i32
    %c0_i32_0 = arith.constant 0 : i32
    return %arg0, %c0_i32 : i32, i32
  }
  func.func @transform_1(%arg0: i32) -> (i32, i32) {
    %c0_i32 = arith.constant 0 : i32
    %c0_i32_0 = arith.constant 0 : i32
    %c0_i32_1 = arith.constant 0 : i32
    return %c0_i32, %c0_i32_0 : i32, i32
  }
  func.func @transform_2(%arg0: i32) -> (i32, i32) {
    %c0_i32 = arith.constant 0 : i32
    %c0_i32_0 = arith.constant 0 : i32
    return %c0_i32, %arg0 : i32, i32
  }
}

module attributes {stable_mosaic.version = 14 : i64} {
  func.func @_fuse_body(%arg0: i32, %arg1: memref<2048x64xf32, #tpu.memory_space<vmem>>, %arg2: memref<2048x32xf32, #tpu.memory_space<vmem>>, %arg3: memref<2048x32xf32, #tpu.memory_space<vmem>>, %arg4: memref<64x64xf32, #tpu.memory_space<vmem>>, %arg5: memref<2048x64xf32, #tpu.memory_space<vmem>>) attributes {dimension_semantics = [#tpu.dimension_semantics<arbitrary>], iteration_bounds = array<i64: 16>, scalar_prefetch = 0 : i64, scratch_operands = 0 : i64, tpu.core_type = #tpu.core_type<tc>, window_params = [{transform_indices = @transform_0, window_bounds = array<i64: 2048, 64>}, {transform_indices = @transform_1, window_bounds = array<i64: 2048, 32>}, {transform_indices = @transform_2, window_bounds = array<i64: 2048, 32>}, {pipeline_mode = #tpu.pipeline_mode<synchronous>, transform_indices = @transform_3, window_bounds = array<i64: 64, 64>}, {transform_indices = @transform_4, window_bounds = array<i64: 2048, 64>}]} {
    %get3A = arith.constant 0 : index
    %get3A_0 = arith.constant 0 : index
    %get3A_1 = vector.load %arg2[%get3A, %get3A_0] : memref<2048x32xf32, #tpu.memory_space<vmem>>, vector<2048x32xf32>
    %get3A_2 = arith.constant 0 : index
    %get3A_3 = arith.constant 0 : index
    %get3A_4 = vector.load %arg3[%get3A_2, %get3A_3] : memref<2048x32xf32, #tpu.memory_space<vmem>>, vector<2048x32xf32>
    %concatenate3A = tpu.concatenate %get3A_1, %get3A_4 in 1 : vector<2048x32xf32>, vector<2048x32xf32> -> vector<2048x64xf32>
    %get3A_5 = arith.constant 0 : index
    %get3A_6 = arith.constant 0 : index
    %get3A_7 = vector.load %arg1[%get3A_5, %get3A_6] : memref<2048x64xf32, #tpu.memory_space<vmem>>, vector<2048x64xf32>
    %get3A_8 = arith.constant 0 : index
    %get3A_9 = arith.constant 0 : index
    %get3A_10 = vector.load %arg4[%get3A_8, %get3A_9] : memref<64x64xf32, #tpu.memory_space<vmem>>, vector<64x64xf32>
    %dot_general3A = arith.constant dense<0.000000e+00> : vector<2048x64xf32>
    %dot_general3A_11 = tpu.matmul %concatenate3A, %get3A_10, %dot_general3A {dimension_numbers = #tpu.dot_dimension_numbers<[1], [0], [0], [1], [0, 0, 1, 1], [], []>, transpose_lhs_hint = false} : vector<2048x64xf32>, vector<64x64xf32>, vector<2048x64xf32> -> vector<2048x64xf32>
    %add3A = arith.addf %get3A_7, %dot_general3A_11 : vector<2048x64xf32>
    %swap3A = arith.constant 0 : index
    %swap3A_12 = arith.constant 0 : index
    %swap3A_13 = vector.load %arg5[%swap3A, %swap3A_12] : memref<2048x64xf32, #tpu.memory_space<vmem>>, vector<2048x64xf32>
    tpu.vector_store %arg5[%swap3A, %swap3A_12], %add3A {strides = array<i32>} : memref<2048x64xf32, #tpu.memory_space<vmem>>, vector<2048x64xf32>,
    return
  }
  func.func @transform_0(%arg0: i32) -> (i32, i32) {
    %c0_i32 = arith.constant 0 : i32
    %c0_i32_0 = arith.constant 0 : i32
    return %arg0, %c0_i32 : i32, i32
  }
  func.func @transform_1(%arg0: i32) -> (i32, i32) {
    %c0_i32 = arith.constant 0 : i32
    %c0_i32_0 = arith.constant 0 : i32
    return %arg0, %c0_i32 : i32, i32
  }
  func.func @transform_2(%arg0: i32) -> (i32, i32) {
    %add3A = arith.constant 16 : i32
    %add3A_0 = arith.addi %arg0, %add3A : i32
    %c0_i32 = arith.constant 0 : i32
    %c0_i32_1 = arith.constant 0 : i32
    return %add3A_0, %c0_i32 : i32, i32
  }
  func.func @transform_3(%arg0: i32) -> (i32, i32) {
    %c0_i32 = arith.constant 0 : i32
    %c0_i32_0 = arith.constant 0 : i32
    %c0_i32_1 = arith.constant 0 : i32
    return %c0_i32, %c0_i32_0 : i32, i32
  }
  func.func @transform_4(%arg0: i32) -> (i32, i32) {
    %c0_i32 = arith.constant 0 : i32
    %c0_i32_0 = arith.constant 0 : i32
    return %arg0, %c0_i32 : i32, i32
  }
}

</mosaic_0001>

<sc_bundles>
// kernel: kernel.5.cloned.1.call-start
scs
__scs_entry_jumppad:
0x0: {  	(pc) =	sbr.rel $0x88, $3  }
0x1: {  	(tag) =	ssettag $0x0;
	lr =	simm.s32 $0x1  }
0x2: {  	[smem:$0x3F9B] =	sst lr;
	_ =	strace $0xD0000000  }
0x3: {  	_ = 	snop  }
0x4: {  	_ = 	snop  }
0x5: {  	_ = 	snop  }
0x6: {  	_ = 	snop  }
0x7: {  	_ = 	snop  }
__scs_overlays_trampoline_lowered:
0x8: {  	[smem:$0x3FAA] =	sst s0  }
0x9: {  	[smem:$0x3FAB] =	sst s1  }
0xa: {  	[smem:$0x3FAC] =	sst s2  }
0xb: {  	[smem:$0x3FAD] =	sst s3  }
0xc: {  	[smem:$0x3FAE] =	sst s4  }
0xd: {  	[smem:$0x3FAF] =	sst s5  }
0xe: {  	[smem:$0x3FB0] =	sst s6  }
0xf: {  	[smem:$0x3FB1] =	sst s7  }
0x10: {  	[smem:$0x3FB2] =	sst s8  }
0x11: {  	[smem:$0x3FB3] =	sst s9;
	s0 =	simm.s32 @!p0 $0x0  }
0x12: {  	s1 =	sld [smem:$0x3F99];
	s0 =	simm.s32 @p0 $0x1  }
0x13: {  	[smem:$0x3FB4] =	sst s0;
	s0 =	simm.s32 @!p1 $0x0  }
0x14: {  	s2 =	sld [smem:$0x3F98];
	s0 =	simm.s32 @p1 $0x1  }
0x15: {  	[smem:$0x3FB5] =	sst s0;
	s0 =	simm.s32 @!p2 $0x0  }
0x16: {  	s3 =	sld [smem:$0x3FDB];
	s0 =	simm.s32 @p2 $0x1  }
0x17: {  	s4 =	simm.s32 $0x1BF5;
	[smem:$0x3FB7] =	sst s0  }
0x18: {  	s0 =	sld [smem:$0x3F9A];
	_ =	swait.ge [sflag:s4], $0x0  }
0x19: {  	s7 =	sld [smem:$0x3F9B]  }
0x1a: {  	s8 =	sadd.s32 $0xFFFFE003, lr  }
0x1b: {  	s9 =	sadd.s32 $0xFFFFFEF7, lr;
	s5 =	simm.s32 $0xFFFFFFFF;
	p2 =	slt.u32 s8, $0xFFFFF086  }
0x1c: {  	p1 =	slt.u32 s9, $0xF7A;
	s5 =	simm.s32 @!p2 $0x0  }
0x1d: {  	s5 =	simm.s32 @p1 $0x1;
	p0 =	seq.s32 s7, s2  }
0x1e: {  	s7 =	smul.u32 @!p0 $0xF7A, s2;
	p2 =	seq.s32 @!p0 s5, $0x0  }
0x1f: {  	s9 =	smul.u32 $0xF7A, s1;
	s8 =	simm.s32 @!p0 $0x1BF5;
	p2 =	por !p2, p0  }
0x20: {  	[sflag:s8] =	ssyncset.s32 @!p0 $0xFFFFF086;
	s6 =	sadd.s32 @!p0 s3, s7;
	s7 =	simm.s32 @!p0 $0x108  }
0x21: {  	s3 =	sadd.s32 s3, s9;
	s6 =	sadd.s32 @!p0 $0x88, s6;
	s7 =	simm.s32 @p2 $0x1082  }
0x22: {  	[simem:s7], [sflag:s8] =	dma.local @!p0 [hbm:s6], $0xF7A  }
0x23: {  	s9 =	sor.u32 $0xD0000000, s2;
	s6 =	simm.s32 $0x108;
	_ =	swait.ge @!p0 [sflag:s8], $0x0  }
0x24: {  	s3 =	sadd.s32 $0x88, s3;
	s6 =	simm.s32 @!p1 $0x1082;
	[sflag:s4] =	ssyncset.s32 $0xFFFFF086  }
0x25: {  	[simem:s6], [sflag:s4] =	dma.local [hbm:s3], $0xF7A  }
0x26: {  	[smem:$0x3F9B] =	sst s1;
	(tag) =	ssettag s2;
	_ =	strace s9  }
0x27: {  	s1 =	sld [smem:$0x3FAB]  }
0x28: {  	s2 =	sld [smem:$0x3FAC]  }
0x29: {  	s4 =	sld [smem:$0x3FAE]  }
0x2a: {  	p0 =	seq.s32 s5, $0x0;
	s5 =	sld [smem:$0x3FAF]  }
0x2b: {  	s6 =	sld [smem:$0x3FB0]  }
0x2c: {  	s7 =	sld [smem:$0x3FB1]  }
0x2d: {  	s3 =	simm.s32 $0x108;
	s8 =	sld [smem:$0x3FB2]  }
0x2e: {  	s3 =	simm.s32 @!p0 $0x1082;
	s9 =	sld [smem:$0x3FB3]  }
0x2f: {  	lr =	sadd.s32 s0, s3;
	s0 =	sld [smem:$0x3FAA]  }
0x30: {  	s3 =	sld [smem:$0x3FAD]  }
0x31: {  	[smem:$0x3FB6] =	sst s10  }
0x32: {  	s10 =	sld [smem:$0x3FB4];
	_ =	sdelay $0x3  }
0x33: {  	p0 =	seq.s32 s10, $0x1;
	s10 =	sld [smem:$0x3FB6];
	_ =	sdelay $0x3  }
0x34: {  	[smem:$0x3FB6] =	sst s10  }
0x35: {  	s10 =	sld [smem:$0x3FB5];
	_ =	sdelay $0x3  }
0x36: {  	p1 =	seq.s32 s10, $0x1;
	s10 =	sld [smem:$0x3FB6];
	_ =	sdelay $0x3  }
0x37: {  	[smem:$0x3FB6] =	sst s10  }
0x38: {  	s10 =	sld [smem:$0x3FB7]  }
0x39: {  	_ = 	snop;
	(pc) =	sbr.ind lr, $3  }
0x3a: {  	_ = 	snop  }
0x3b: {  	_ = 	snop  }
0x3c: {  	p2 =	seq.s32 s10, $0x1;
	s10 =	sld [smem:$0x3FB6]  }
0x3d: {  	_ =	shalt  }
0x3e: {  	_ =	shalt  }
0x3f: {  	_ =	shalt  }
0x40: {  	_ =	shalt  }
0x41: {  	_ =	shalt  }
0x42: {  	_ =	shalt  }
0x43: {  	_ =	shalt  }
0x44: {  	_ =	shalt  }
0x45: {  	_ =	shalt  }
0x46: {  	_ =	shalt  }
0x47: {  	_ =	shalt  }
0x48: {  	_ =	shalt  }
0x49: {  	_ =	shalt  }
0x4a: {  	_ =	shalt  }
0x4b: {  	_ =	shalt  }
0x4c: {  	_ =	shalt  }
0x4d: {  	_ =	shalt  }
0x4e: {  	_ =	shalt  }
0x4f: {  	_ =	shalt  }
0x50: {  	_ =	shalt  }
0x51: {  	_ =	shalt  }
0x52: {  	_ =	shalt  }
0x53: {  	_ =	shalt  }
0x54: {  	_ =	shalt  }
0x55: {  	_ =	shalt  }
0x56: {  	_ =	shalt  }
0x57: {  	_ =	shalt  }
0x58: {  	_ =	shalt  }
0x59: {  	_ =	shalt  }
0x5a: {  	_ =	shalt  }
0x5b: {  	_ =	shalt  }
0x5c: {  	_ =	shalt  }
0x5d: {  	_ =	shalt  }
0x5e: {  	_ =	shalt  }
0x5f: {  	_ =	shalt  }
0x60: {  	_ =	shalt  }
0x61: {  	_ =	shalt  }
0x62: {  	_ =	shalt  }
0x63: {  	_ =	shalt  }
0x64: {  	_ =	shalt  }
0x65: {  	_ =	shalt  }
0x66: {  	_ =	shalt  }
0x67: {  	_ =	shalt  }
0x68: {  	_ =	shalt  }
0x69: {  	_ =	shalt  }
0x6a: {  	_ =	shalt  }
0x6b: {  	_ =	shalt  }
0x6c: {  	_ =	shalt  }
0x6d: {  	_ =	shalt  }
0x6e: {  	_ =	shalt  }
0x6f: {  	_ =	shalt  }
0x70: {  	_ =	shalt  }
0x71: {  	_ =	shalt  }
0x72: {  	_ =	shalt  }
0x73: {  	_ =	shalt  }
0x74: {  	_ =	shalt  }
0x75: {  	_ =	shalt  }
0x76: {  	_ =	shalt  }
0x77: {  	_ =	shalt  }
0x78: {  	_ =	shalt  }
0x79: {  	_ =	shalt  }
0x7a: {  	_ =	shalt  }
0x7b: {  	_ =	shalt  }
0x7c: {  	_ =	shalt  }
0x7d: {  	_ =	shalt  }
0x7e: {  	_ =	shalt  }
0x7f: {  	_ =	shalt  }
0x80: {  	_ =	shalt  }
0x81: {  	_ =	shalt  }
0x82: {  	_ =	shalt  }
0x83: {  	_ =	shalt  }
0x84: {  	_ =	shalt  }
0x85: {  	_ =	shalt  }
0x86: {  	_ =	shalt  }
0x87: {  	_ =	shalt  }
.Lfunc_end0:
.L_simem_size_0:
called_computation_lowered:
.L_overlay_start_0:
0x88: {  	s2 =	sld [smem:$0x3FD9]  }
0x89: {  	s3 =	sld [smem:$0x3FFE];
	_ =	sdelay $0x1  }
0x8a: {  	s1 =	srdreg.scid  }
0x8b: {  	s0 =	sand.u32 $0x1, s1  }
0x8c: {  	s14 =	sshll.u32 s0, $0xA;
	s2 =	sadd.s32 s3, s2  }
0x8d: {  	s2 =	sadd.s32 s2, s14  }
0x8e: {  	[smem:$0x3FC2] =	sst s2  }
0x8f: {  	_ = 	snop  }
0x90: {  	s2 =	sld [smem:$0x3FD0]  }
0x91: {  	s15 =	sld [smem:$0x3FC6]  }
0x92: {  	s4 =	sld [smem:$0x3FC5]  }
0x93: {  	s6 =	simm.s32 $0xA;
	s7 =	simm.s32 $0x10;
	s5 =	sld [smem:$0x3FC4]  }
0x94: {  	[smem:s7], [sflag:s6] =	dma.local [hbm:s2], $0x1  }
0x95: {  	_ =	swait.eq [sflag:s6], $0x1  }
0x96: {  	[sflag:s6] =	ssyncset.done $0x0  }
0x97: {  	[sflag:s6] =	ssyncadd.s32 $0xFFFFFFFF  }
0x98: {  	s16 =	sld [smem:$0x11];
	(tm) =	ssettm $0x1  }
0x99: {  	s17 =	sld [smem:$0x3FFB];
	_ =	sdelay $0x3  }
0x9a: {  	_ =	strace s17  }
0x9b: {  	s6 =	sld [smem:$0x3FFC];
	_ =	sdelay $0x3  }
0x9c: {  	_ =	strace s6  }
0x9d: {  	s6 =	sld [smem:$0x3FFD];
	_ =	sdelay $0x3  }
0x9e: {  	_ =	strace s6  }
0x9f: {  	_ =	strace $0x8FFFFFFF  }
0xa0: {  	s18 =	sld [smem:$0x3FDB];
	_ =	sdelay $0x1  }
0xa1: {  	s19 =	simm.s32 $_scs_section_size  }
0xa2: {  	s8 =	simm.s32 $_size__tile_overlayer_lowered;
	s9 =	simm.s32 $_tile_overlayer_lowered  }
0xa3: {  	s22 =	simm.s32 $0x1BFF;
	s21 =	sshll.u32 s9, $0x1;
	s6 =	sadd.s32 s19, s18  }
0xa4: {  	s10 =	simm.s32 $0x0;
	s20 =	sshll.u32 s8, $0x1;
	s8 =	sadd.s32 s21, s6  }
0xa5: {  	[timem:s10], [sflag:s22] =	dma.local [hbm:s8], s20  }
0xa6: {  	_ =	swait.ge [sflag:s22], s20  }
0xa7: {  	s7 =	ssub.s32 $0x0, s20;
	[sflag:s22] =	ssyncset.done $0x0  }
0xa8: {  	[sflag:s22] =	ssyncadd.s32 s7;
	_ =	sdelay $0x1  }
0xa9: {  	s23 =	simm.s32 $0x1B8B  }
0xaa: {  	_ =	swait.ge [sflag:s23], $0x1  }
0xab: {  	[sflag:s23] =	ssyncset.done $0x0  }
0xac: {  	s25 =	simm.s32 $0x1B8E;
	s24 =	sld [smem:$0x3FFE];
	[sflag:s23] =	ssyncadd.s32 $0xFFFFFFFF  }
0xad: {  	s26 =	simm.s32 $execute0_lowered;
	[smem:$0x3FD2] =	sst s25  }
0xae: {  	s8 =	sshll.u32 s26, $0x1;
	_ =	strace $0x80000046;
	[dreg:$0x1] =	wrdreg $0xFFFFFFFF  }
0xaf: {  	s28 =	simm.s32 $_size_execute0_lowered;
	s6 =	sadd.s32 s6, s8;
	[dreg:$0x0] =	wrdreg $0x0  }
0xb0: {  	s8 =	sshll.u32 s28, $0x1;
	[dreg:$0x2] =	wrdreg s6  }
0xb1: {  	[dreg:$0x3] =	wrdreg s8  }
0xb2: {  	[dreg:$0x4] =	wrdreg $0xC0  }
0xb3: {  	_ =	task [dreg:s10], $0x5FFFF  }
0xb4: {  	[dreg:$0x1] =	wrdreg $0xFFFFFFFF  }
0xb5: {  	[dreg:$0x0] =	wrdreg $0x60  }
0xb6: {  	[dreg:$0x2] =	wrdreg s24  }
0xb7: {  	[dreg:$0x3] =	wrdreg s15  }
0xb8: {  	[dreg:$0x4] =	wrdreg s4  }
0xb9: {  	[dreg:$0x5] =	wrdreg s5  }
0xba: {  	[dreg:$0x6] =	wrdreg s16  }
0xbb: {  	[dreg:$0x7] =	wrdreg $0x94800  }
0xbc: {  	[dreg:$0x8] =	wrdreg $0xB4800  }
0xbd: {  	[dreg:$0x9] =	wrdreg $0xDC800  }
0xbe: {  	[dreg:$0xa] =	wrdreg $0xBC800  }
0xbf: {  	[dreg:$0xb] =	wrdreg $0x9  }
0xc0: {  	_ =	task.clear_ibuf [dreg:s10], $0xCFFFF;
	_ =	strace $0x90000046  }
0xc1: {  	s29 =	simm.s32 $0x9;
	_ =	strace $0x80000048  }
0xc2: {  	_ =	swait.ge [sflag:s29], $0x1  }
0xc3: {  	[sflag:s29] =	ssyncadd.s32 $0xFFFFFFFF  }
0xc4: {  	_ =	strace $0x90000048  }
0xc5: {  	_ =	sfence  }
0xc6: {  	s30 =	sld [smem:$0x0];
	_ =	sdelay $0x2  }
0xc7: {  	s31 =	sshll.u32 s1, $0xD;
	s1 =	sshrl.u32 s1, $0x2  }
0xc8: {  	s3 =	sand.u32 $0x4000, s31;
	s1 =	sadd.s32 s1, s30  }
0xc9: {  	s0 =	sor.u32 s3, s0;
	s1 =	sshll.u32 s1, $0x11  }
0xca: {  	s0 =	sor.u32 s1, s0  }
0xcb: {  	s0 =	sadd.s32 $0x8F2B, s0  }
0xcc: {  	[sflag:s0] =	ssyncadd.remote.s32 $0x1  }
0xcd: {  	_ =	sfence.sel $0xFFFF  }
0xce: {  	[dreg:$0x0] =	wrdreg $0xFFFFFFFF;
	(pc) =	sbr.abs _section_cstart, $3  }
0xcf: {  	[dreg:$0x1] =	wrdreg $0xFFFFFFFF  }
0xd0: {  	_ =	task.clear_ibuf [dreg:s10], $0x2FFFF;
	_ =	strace $0x9FFFFFFF  }
0xd1: {  	(tm) =	ssettm $0x7FFFFFFF  }
tec
execute0_lowered:
.L_overlay_start_1:
0x0: {  	(tag) =	ssettag $0x1  }
0x1: {  	s0 =	rddreg [dreg:$0x0]  }
0x2: {  	s13 =	rddreg [dreg:$0x2]  }
0x3: {  	s24 =	rddreg [dreg:$0x3]  }
0x4: {  	s1 =	rddreg [dreg:$0x4]  }
0x5: {  	s4 =	rddreg [dreg:$0x5]  }
0x6: {  	s5 =	rddreg [dreg:$0x6]  }
0x7: {  	s6 =	rddreg [dreg:$0x7]  }
0x8: {  	s7 =	rddreg [dreg:$0x8];
	s9 =	simm.s32 $0x0;
	s2 =	srdreg.scid  }
0x9: {  	s14 =	stileid.u32;
	s31 =	simm.s32 $0x1000;
	s28 =	simm.s32 $0x4  }
0xa: {  	[smem:$0x7FF] =	sst s9;
	s3 =	sand.u32 $0x1, s2;
	s10 =	sshll.u32 s14, $0xD  }
0xb: {  	s11 =	sadd.s32 $0x400E00, s0;
	s26 =	sshll.u32 s14, $0xB;
	s16 =	sshll.u32 s14, $0x10  }
0xc: {  	_ =	strace $0x80000047;
	s2 =	ssub.s32 $0x2, s3;
	s15 =	sadd.s32 s10, s4  }
0xd: {  	s12 =	sor.u32 $0x400, s26;
	s19 =	sadd.s32 s16, s6;
	[dreg:$0xa] =	wrdreg s15  }
0xe: {  	s1 =	sadd.s32 s1, s10;
	s21 =	sadd.s32 $0x400, s15;
	[dreg:$0x11] =	wrdreg s19  }
0xf: {  	s30 =	sadd.s32 s10, s7;
	s22 =	sadd.s32 $0x800, s15;
	[dreg:$0xb] =	wrdreg s21  }
0x10: {  	s16 =	simm.s32 $0x180;
	s23 =	sadd.s32 $0xC00, s15;
	[dreg:$0xc] =	wrdreg s22  }
0x11: {  	s20 =	sshrl.u32 s2, $0x1;
	s25 =	sadd.s32 $0x1000, s15;
	[dreg:$0xd] =	wrdreg s23  }
0x12: {  	s8 =	sadd.s32 $0x1400, s15;
	s17 =	sadd.s32 s12, s5;
	[dreg:$0xe] =	wrdreg s25  }
0x13: {  	s18 =	sshll.u32 s12, $0x5;
	s0 =	ssub.s32 s2, s20;
	[dreg:$0xf] =	wrdreg s8  }
0x14: {  	s2 =	sadd.s32 s26, s5;
	[dreg:$0x12] =	wrdreg s17;
	s20 =	sshll.u32 s3, $0x11  }
0x15: {  	s21 =	sshll.u32 s14, $0xA;
	s23 =	sshll.u32 s14, $0xC;
	s25 =	sadd.s32 $0x1800, s15  }
0x16: {  	s26 =	sadd.s32 $0x1C00, s15;
	s14 =	simm.s32 $0x9400;
	[dreg:$0x10] =	wrdreg s2  }
0x17: {  	s15 =	simm.s32 $0x100;
	s17 =	simm.s32 $0x200;
	[dreg:$0x18] =	wrdreg s25  }
0x18: {  	s8 =	simm.s32 $0x300;
	s2 =	sadd.s32 s18, s6;
	[dreg:$0x19] =	wrdreg s26  }
.Ltmp0:
0x19: {  	s1 =	sadd.s32 s20, s1;
	[dreg:$0x17] =	wrdreg s23;
	(pc) =	sbr.rel .LBB2_1-.Ltmp0, $4  }
0x1a: {  	s0 =	smax.u32 s0, $0x1;
	s22 =	sadd.s32 s21, s24;
	[dreg:$0x13] =	wrdreg s2  }
0x1b: {  	s29 =	sadd.s32 s23, s13;
	s13 =	simm.s32 $0x80;
	[dreg:$0x14] =	wrdreg s1  }
0x1c: {  	v1 =	vimm.f32 $0.0e+00;
	s18 =	simm.s32 $0x280;
	s20 =	simm.s32 $0x380;
	[dreg:$0x15] =	wrdreg s0  }
0x1d: {  	v2 =	vimm.s32 $0x0;
	v3 =	vimm.s32 $0x1;
	v0 =	vmov s3;
	[dreg:$0x16] =	wrdreg s22;
	s2 =	simm.s32 $0x3;
	s1 =	simm.s32 $0x0  }
.LBB2_22:
0x1e: {  	s0 =	stileid.u32;
	[bflag:$0x0] =	sbarrier.arrive $0xFFFF  }
0x1f: {  	s0 =	sshll.u32 s0, $0x6;
	s19 =	rddreg [dreg:$0x11]  }
0x20: {  	s3 =	rddreg [dreg:$0x14];
	s0 =	sor.u32 $0x1C03, s0;
	s1 =	sshrl.u32 s19, $0x3  }
0x21: {  	[hbm:s3], [sflag:s0] =	dma.local [spmem:s1], $0x2000  }
0x22: {  	_ =	swait.ge [sflag:s2], $0x2000  }
0x23: {  	s25 =	rddreg [dreg:$0x1a]  }
0x24: {  	s26 =	rddreg [dreg:$0x15];
	s1 =	sadd.s32 $0x1, s25  }
0x25: {  	p0 =	sne.s32 s1, s26  }
.Ltmp1:
0x26: {  	_ = 	snop;
	(pc) =	sbr.rel @!p0 .LBB2_23-.Ltmp1, $4  }
0x27: {  	_ = 	snop  }
0x28: {  	[sflag:s2] =	ssyncset.done $0x0  }
0x29: {  	[sflag:s2] =	ssyncadd.s32 $0xFFFFE000  }
0x2a: {  	s24 =	rddreg [dreg:$0x3]  }
.LBB2_1:
0x2b: {  	[dreg:$0x1a] =	wrdreg s1;
	s0 =	simm.s32 $0x0  }
.LBB2_2:
0x2c: {  	p0 =	sne.s32 s0, $0x1FF80  }
.Ltmp2:
0x2d: {  	_ = 	snop;
	(pc) =	sbr.rel @p0 .LBB2_2-.Ltmp2, $4  }
0x2e: {  	_ = 	snop  }
0x2f: {  	s1 =	sshra.s32 s0, $0x2  }
0x30: {  	[tilespmem:s1+$0x1400] =	vst v1  }
0x31: {  	s0 =	sadd.s32 $0x80, s0;
	[tilespmem:s1+$0x1410] =	vst v1  }
0x32: {  	s0 =	simm.s32 $0x40;
	s1 =	simm.s32 $0x0  }
.LBB2_4:
0x33: {  	p0 =	sne.s32 s0, $0xFC0;
	[tilespmem:s1+$0x1000] =	vst v2;
	s1 =	smov.u32 s0;
	s0 =	sadd.s32 $0x40, s0  }
.Ltmp3:
0x34: {  	(pc) =	sbr.rel @p0 .LBB2_4-.Ltmp3, $2  }
0x35: {  	_ =	sdelay $0x2  }
0x36: {  	s1 =	sshra.s32 s1, $0x2  }
0x37: {  	[tilespmem:s1+$0x1000] =	vst v2  }
0x38: {  	[tilespmem:$0x9400] =	vst v3  }
0x39: {  	[tilespmem:$0x9410] =	vst v3  }
0x3a: {  	[tilespmem:$0x9420] =	vst v3  }
0x3b: {  	[tilespmem:$0x9430] =	vst v3  }
0x3c: {  	[tilespmem:$0x9440] =	vst v3  }
0x3d: {  	[tilespmem:$0x9450] =	vst v3  }
0x3e: {  	[tilespmem:$0x9460] =	vst v3  }
0x3f: {  	s0 =	rddreg [dreg:$0xa];
	[tilespmem:$0x9470] =	vst v3  }
0x40: {  	[spmem:s0] =	stream.linear.scatter [tilespmem:s31], [sflag:$0x3], $0x400, $0x38;
	[tilespmem:$0x1DC80] =	vst v63  }
0x41: {  	_ =	swait.ge [sflag:s2], $0x400  }
0x42: {  	[sflag:s2] =	ssyncset.done $0x0  }
0x43: {  	s22 =	rddreg [dreg:$0xb];
	[sflag:s2] =	ssyncadd.s32 $0xFFFFFC00  }
0x44: {  	[spmem:s22] =	stream.linear.scatter [tilespmem:s31], [sflag:$0x3], $0x400, $0x38;
	[tilespmem:$0x1DC80] =	vst v63  }
0x45: {  	_ =	swait.ge [sflag:s2], $0x400  }
0x46: {  	[sflag:s2] =	ssyncset.done $0x0  }
0x47: {  	s23 =	rddreg [dreg:$0xc];
	[sflag:s2] =	ssyncadd.s32 $0xFFFFFC00  }
0x48: {  	[spmem:s23] =	stream.linear.scatter [tilespmem:s31], [sflag:$0x3], $0x400, $0x38;
	[tilespmem:$0x1DC80] =	vst v63  }
0x49: {  	_ =	swait.ge [sflag:s2], $0x400  }
0x4a: {  	[sflag:s2] =	ssyncset.done $0x0  }
0x4b: {  	s25 =	rddreg [dreg:$0xd];
	[sflag:s2] =	ssyncadd.s32 $0xFFFFFC00  }
0x4c: {  	[spmem:s25] =	stream.linear.scatter [tilespmem:s31], [sflag:$0x3], $0x400, $0x38;
	[tilespmem:$0x1DC80] =	vst v63  }
0x4d: {  	_ =	swait.ge [sflag:s2], $0x400  }
0x4e: {  	[sflag:s2] =	ssyncset.done $0x0  }
0x4f: {  	s26 =	rddreg [dreg:$0xe];
	[sflag:s2] =	ssyncadd.s32 $0xFFFFFC00  }
0x50: {  	[spmem:s26] =	stream.linear.scatter [tilespmem:s31], [sflag:$0x3], $0x400, $0x38;
	[tilespmem:$0x1DC80] =	vst v63  }
0x51: {  	_ =	swait.ge [sflag:s2], $0x400  }
0x52: {  	[sflag:s2] =	ssyncset.done $0x0  }
0x53: {  	s1 =	rddreg [dreg:$0xf];
	[sflag:s2] =	ssyncadd.s32 $0xFFFFFC00  }
0x54: {  	[spmem:s1] =	stream.linear.scatter [tilespmem:s31], [sflag:$0x3], $0x400, $0x38;
	[tilespmem:$0x1DC80] =	vst v63  }
0x55: {  	_ =	swait.ge [sflag:s2], $0x400  }
0x56: {  	[sflag:s2] =	ssyncset.done $0x0  }
0x57: {  	s3 =	rddreg [dreg:$0x18];
	[sflag:s2] =	ssyncadd.s32 $0xFFFFFC00  }
0x58: {  	[spmem:s3] =	stream.linear.scatter [tilespmem:s31], [sflag:$0x3], $0x400, $0x38;
	[tilespmem:$0x1DC80] =	vst v63  }
0x59: {  	_ =	swait.ge [sflag:s2], $0x400  }
0x5a: {  	[sflag:s2] =	ssyncset.done $0x0  }
0x5b: {  	s12 =	rddreg [dreg:$0x19];
	[sflag:s2] =	ssyncadd.s32 $0xFFFFFC00  }
0x5c: {  	[spmem:s12] =	stream.linear.scatter [tilespmem:s31], [sflag:$0x3], $0x400, $0x38;
	[tilespmem:$0x1DC80] =	vst v63  }
0x5d: {  	_ =	swait.ge [sflag:s2], $0x400  }
0x5e: {  	[sflag:s2] =	ssyncset.done $0x0  }
0x5f: {  	s21 =	rddreg [dreg:$0x10];
	[sflag:s2] =	ssyncadd.s32 $0xFFFFFC00  }
0x60: {  	[spmem:s21] =	stream.linear.scatter [tilespmem:s31], [sflag:$0x3], $0x400, $0x38;
	[tilespmem:$0x1DC80] =	vst v63  }
0x61: {  	_ =	swait.ge [sflag:s2], $0x400  }
0x62: {  	[sflag:s2] =	ssyncset.done $0x0  }
0x63: {  	s22 =	simm.s32 $0x1400;
	[sflag:s2] =	ssyncadd.s32 $0xFFFFFC00  }
0x64: {  	[spmem:s19] =	stream.linear.scatter [tilespmem:s22], [sflag:$0x3], $0x8000, $0x38;
	[tilespmem:$0x1DC80] =	vst v63  }
0x65: {  	_ =	swait.ge [sflag:s2], $0x8000  }
0x66: {  	[sflag:s2] =	ssyncset.done $0x0  }
0x67: {  	s23 =	rddreg [dreg:$0x12];
	[sflag:s2] =	ssyncadd.s32 $0xFFFF8000  }
0x68: {  	[spmem:s23] =	stream.linear.scatter [tilespmem:s31], [sflag:$0x3], $0x400, $0x38;
	[tilespmem:$0x1DC80] =	vst v63  }
0x69: {  	_ =	swait.ge [sflag:s2], $0x400  }
0x6a: {  	[sflag:s2] =	ssyncset.done $0x0  }
0x6b: {  	s25 =	rddreg [dreg:$0x13];
	[sflag:s2] =	ssyncadd.s32 $0xFFFFFC00  }
0x6c: {  	[spmem:s25] =	stream.linear.scatter [tilespmem:s22], [sflag:$0x3], $0x8000, $0x38;
	[tilespmem:$0x1DC80] =	vst v63  }
0x6d: {  	_ =	swait.ge [sflag:s2], $0x8000  }
0x6e: {  	[sflag:s2] =	ssyncset.done $0x0  }
0x6f: {  	[sflag:s2] =	ssyncadd.s32 $0xFFFF8000  }
0x70: {  	s0 =	simm.s32 $0x0;
	s26 =	sadd.s32 $0x0, s29;
	[bflag:$0x0] =	sbarrier.arrive $0xFFFF  }
0x71: {  	[tilespmem:s0], [sflag:$0x3] =	stream.linear.gather [hbm4b:s26+s0], $0x400, $0x38;
	[tilespmem:$0x1DC80] =	vst v63  }
0x72: {  	_ =	swait.ge [sflag:s2], $0x400  }
0x73: {  	[sflag:s2] =	ssyncset.done $0x0  }
0x74: {  	[sflag:s2] =	ssyncadd.s32 $0xFFFFFC00  }
0x75: {  	[spmem:s4] =	stream.indirect.scatter.add.s32 [tilespmem:s14], [sflag:$0x3], $0x1, s0, s13, $0xb8;
	[tilespmem:$0x1DC80] =	vst v63  }
0x76: {  	_ =	swait.ge [sflag:s2], $0x80  }
0x77: {  	[sflag:s2] =	ssyncset.done $0x0  }
0x78: {  	[sflag:s2] =	ssyncadd.s32 $0xFFFFFF80  }
0x79: {  	[spmem:s4] =	stream.indirect.scatter.add.s32 [tilespmem:s14], [sflag:$0x3], $0x1, s13, s13, $0xb8;
	[tilespmem:$0x1DC80] =	vst v63  }
0x7a: {  	_ =	swait.ge [sflag:s2], $0x80  }
0x7b: {  	[sflag:s2] =	ssyncset.done $0x0  }
0x7c: {  	[sflag:s2] =	ssyncadd.s32 $0xFFFFFF80  }
0x7d: {  	[spmem:s4] =	stream.indirect.scatter.add.s32 [tilespmem:s14], [sflag:$0x3], $0x1, s15, s13, $0xb8;
	[tilespmem:$0x1DC80] =	vst v63  }
0x7e: {  	_ =	swait.ge [sflag:s2], $0x80  }
0x7f: {  	[sflag:s2] =	ssyncset.done $0x0  }
0x80: {  	[sflag:s2] =	ssyncadd.s32 $0xFFFFFF80  }
0x81: {  	[spmem:s4] =	stream.indirect.scatter.add.s32 [tilespmem:s14], [sflag:$0x3], $0x1, s16, s13, $0xb8;
	[tilespmem:$0x1DC80] =	vst v63  }
0x82: {  	_ =	swait.ge [sflag:s2], $0x80  }
0x83: {  	[sflag:s2] =	ssyncset.done $0x0  }
0x84: {  	[sflag:s2] =	ssyncadd.s32 $0xFFFFFF80  }
0x85: {  	[spmem:s4] =	stream.indirect.scatter.add.s32 [tilespmem:s14], [sflag:$0x3], $0x1, s17, s13, $0xb8;
	[tilespmem:$0x1DC80] =	vst v63  }
0x86: {  	_ =	swait.ge [sflag:s2], $0x80  }
0x87: {  	[sflag:s2] =	ssyncset.done $0x0  }
0x88: {  	[sflag:s2] =	ssyncadd.s32 $0xFFFFFF80  }
0x89: {  	[spmem:s4] =	stream.indirect.scatter.add.s32 [tilespmem:s14], [sflag:$0x3], $0x1, s18, s13, $0xb8;
	[tilespmem:$0x1DC80] =	vst v63  }
0x8a: {  	_ =	swait.ge [sflag:s2], $0x80  }
0x8b: {  	[sflag:s2] =	ssyncset.done $0x0  }
0x8c: {  	[sflag:s2] =	ssyncadd.s32 $0xFFFFFF80  }
0x8d: {  	[spmem:s4] =	stream.indirect.scatter.add.s32 [tilespmem:s14], [sflag:$0x3], $0x1, s8, s13, $0xb8;
	[tilespmem:$0x1DC80] =	vst v63  }
0x8e: {  	_ =	swait.ge [sflag:s2], $0x80  }
0x8f: {  	[sflag:s2] =	ssyncset.done $0x0  }
0x90: {  	[sflag:s2] =	ssyncadd.s32 $0xFFFFFF80  }
0x91: {  	[spmem:s4] =	stream.indirect.scatter.add.s32 [tilespmem:s14], [sflag:$0x3], $0x1, s20, s13, $0xb8;
	[tilespmem:$0x1DC80] =	vst v63  }
0x92: {  	_ =	swait.ge [sflag:s2], $0x80  }
0x93: {  	s1 =	simm.s32 $0x80;
	s12 =	simm.s32 $0x100;
	[sflag:s2] =	ssyncset.done $0x0  }
.LBB2_6:
0x94: {  	s19 =	sadd.s32 s1, s29  }
0x95: {  	[sflag:s2] =	ssyncadd.s32 $0xFFFFFF80;
	s1 =	smov.u32 s12;
	s3 =	sadd.s32 $0x80, s12  }
0x96: {  	[tilespmem:s0], [sflag:$0x3] =	stream.linear.gather [hbm4b:s19+s0], $0x400, $0x38;
	[tilespmem:$0x1DC80] =	vst v63  }
0x97: {  	p0 =	sne.s32 s12, $0xF80;
	_ =	swait.ge [sflag:s2], $0x400  }
0x98: {  	[sflag:s2] =	ssyncset.done $0x0  }
0x99: {  	[sflag:s2] =	ssyncadd.s32 $0xFFFFFC00  }
0x9a: {  	[spmem:s4] =	stream.indirect.scatter.add.s32 [tilespmem:s14], [sflag:$0x3], $0x1, s0, s13, $0xb8;
	[tilespmem:$0x1DC80] =	vst v63  }
0x9b: {  	_ =	swait.ge [sflag:s2], $0x80  }
0x9c: {  	[sflag:s2] =	ssyncset.done $0x0  }
0x9d: {  	[sflag:s2] =	ssyncadd.s32 $0xFFFFFF80  }
0x9e: {  	[spmem:s4] =	stream.indirect.scatter.add.s32 [tilespmem:s14], [sflag:$0x3], $0x1, s13, s13, $0xb8;
	[tilespmem:$0x1DC80] =	vst v63  }
0x9f: {  	_ =	swait.ge [sflag:s2], $0x80  }
0xa0: {  	[sflag:s2] =	ssyncset.done $0x0  }
0xa1: {  	[sflag:s2] =	ssyncadd.s32 $0xFFFFFF80  }
0xa2: {  	[spmem:s4] =	stream.indirect.scatter.add.s32 [tilespmem:s14], [sflag:$0x3], $0x1, s15, s13, $0xb8;
	[tilespmem:$0x1DC80] =	vst v63  }
0xa3: {  	_ =	swait.ge [sflag:s2], $0x80  }
0xa4: {  	[sflag:s2] =	ssyncset.done $0x0  }
0xa5: {  	[sflag:s2] =	ssyncadd.s32 $0xFFFFFF80  }
0xa6: {  	[spmem:s4] =	stream.indirect.scatter.add.s32 [tilespmem:s14], [sflag:$0x3], $0x1, s16, s13, $0xb8;
	[tilespmem:$0x1DC80] =	vst v63  }
0xa7: {  	_ =	swait.ge [sflag:s2], $0x80  }
0xa8: {  	[sflag:s2] =	ssyncset.done $0x0  }
0xa9: {  	[sflag:s2] =	ssyncadd.s32 $0xFFFFFF80  }
0xaa: {  	[spmem:s4] =	stream.indirect.scatter.add.s32 [tilespmem:s14], [sflag:$0x3], $0x1, s17, s13, $0xb8;
	[tilespmem:$0x1DC80] =	vst v63  }
0xab: {  	_ =	swait.ge [sflag:s2], $0x80  }
0xac: {  	[sflag:s2] =	ssyncset.done $0x0  }
0xad: {  	[sflag:s2] =	ssyncadd.s32 $0xFFFFFF80  }
0xae: {  	[spmem:s4] =	stream.indirect.scatter.add.s32 [tilespmem:s14], [sflag:$0x3], $0x1, s18, s13, $0xb8;
	[tilespmem:$0x1DC80] =	vst v63  }
0xaf: {  	_ =	swait.ge [sflag:s2], $0x80  }
0xb0: {  	[sflag:s2] =	ssyncset.done $0x0  }
0xb1: {  	[sflag:s2] =	ssyncadd.s32 $0xFFFFFF80  }
0xb2: {  	[spmem:s4] =	stream.indirect.scatter.add.s32 [tilespmem:s14], [sflag:$0x3], $0x1, s8, s13, $0xb8;
	[tilespmem:$0x1DC80] =	vst v63  }
0xb3: {  	_ =	swait.ge [sflag:s2], $0x80  }
.Ltmp4:
0xb4: {  	[sflag:s2] =	ssyncset.done $0x0;
	(pc) =	sbr.rel @p0 .LBB2_6-.Ltmp4, $4  }
0xb5: {  	[sflag:s2] =	ssyncadd.s32 $0xFFFFFF80  }
0xb6: {  	[spmem:s4] =	stream.indirect.scatter.add.s32 [tilespmem:s14], [sflag:$0x3], $0x1, s20, s13, $0xb8;
	[tilespmem:$0x1DC80] =	vst v63  }
0xb7: {  	_ =	swait.ge [sflag:s2], $0x80  }
0xb8: {  	s12 =	smov.u32 s3;
	[sflag:s2] =	ssyncset.done $0x0  }
0xb9: {  	s1 =	sadd.s32 s1, s29;
	[sflag:s2] =	ssyncadd.s32 $0xFFFFFF80  }
0xba: {  	[tilespmem:s0], [sflag:$0x3] =	stream.linear.gather [hbm4b:s1+s0], $0x400, $0x38;
	[tilespmem:$0x1DC80] =	vst v63  }
0xbb: {  	_ =	swait.ge [sflag:s2], $0x400  }
0xbc: {  	[sflag:s2] =	ssyncset.done $0x0  }
0xbd: {  	[sflag:s2] =	ssyncadd.s32 $0xFFFFFC00  }
0xbe: {  	[spmem:s4] =	stream.indirect.scatter.add.s32 [tilespmem:s14], [sflag:$0x3], $0x1, s0, s13, $0xb8;
	[tilespmem:$0x1DC80] =	vst v63  }
0xbf: {  	_ =	swait.ge [sflag:s2], $0x80  }
0xc0: {  	[sflag:s2] =	ssyncset.done $0x0  }
0xc1: {  	[sflag:s2] =	ssyncadd.s32 $0xFFFFFF80  }
0xc2: {  	[spmem:s4] =	stream.indirect.scatter.add.s32 [tilespmem:s14], [sflag:$0x3], $0x1, s13, s13, $0xb8;
	[tilespmem:$0x1DC80] =	vst v63  }
0xc3: {  	_ =	swait.ge [sflag:s2], $0x80  }
0xc4: {  	[sflag:s2] =	ssyncset.done $0x0  }
0xc5: {  	[sflag:s2] =	ssyncadd.s32 $0xFFFFFF80  }
0xc6: {  	[spmem:s4] =	stream.indirect.scatter.add.s32 [tilespmem:s14], [sflag:$0x3], $0x1, s15, s13, $0xb8;
	[tilespmem:$0x1DC80] =	vst v63  }
0xc7: {  	_ =	swait.ge [sflag:s2], $0x80  }
0xc8: {  	[sflag:s2] =	ssyncset.done $0x0  }
0xc9: {  	[sflag:s2] =	ssyncadd.s32 $0xFFFFFF80  }
0xca: {  	[spmem:s4] =	stream.indirect.scatter.add.s32 [tilespmem:s14], [sflag:$0x3], $0x1, s16, s13, $0xb8;
	[tilespmem:$0x1DC80] =	vst v63  }
0xcb: {  	_ =	swait.ge [sflag:s2], $0x80  }
0xcc: {  	[sflag:s2] =	ssyncset.done $0x0  }
0xcd: {  	[sflag:s2] =	ssyncadd.s32 $0xFFFFFF80  }
0xce: {  	[spmem:s4] =	stream.indirect.scatter.add.s32 [tilespmem:s14], [sflag:$0x3], $0x1, s17, s13, $0xb8;
	[tilespmem:$0x1DC80] =	vst v63  }
0xcf: {  	_ =	swait.ge [sflag:s2], $0x80  }
0xd0: {  	[sflag:s2] =	ssyncset.done $0x0  }
0xd1: {  	[sflag:s2] =	ssyncadd.s32 $0xFFFFFF80  }
0xd2: {  	[spmem:s4] =	stream.indirect.scatter.add.s32 [tilespmem:s14], [sflag:$0x3], $0x1, s18, s13, $0xb8;
	[tilespmem:$0x1DC80] =	vst v63  }
0xd3: {  	_ =	swait.ge [sflag:s2], $0x80  }
0xd4: {  	[sflag:s2] =	ssyncset.done $0x0  }
0xd5: {  	[sflag:s2] =	ssyncadd.s32 $0xFFFFFF80  }
0xd6: {  	[spmem:s4] =	stream.indirect.scatter.add.s32 [tilespmem:s14], [sflag:$0x3], $0x1, s8, s13, $0xb8;
	[tilespmem:$0x1DC80] =	vst v63  }
0xd7: {  	_ =	swait.ge [sflag:s2], $0x80  }
0xd8: {  	[sflag:s2] =	ssyncset.done $0x0  }
0xd9: {  	[sflag:s2] =	ssyncadd.s32 $0xFFFFFF80  }
0xda: {  	[spmem:s4] =	stream.indirect.scatter.add.s32 [tilespmem:s14], [sflag:$0x3], $0x1, s20, s13, $0xb8;
	[tilespmem:$0x1DC80] =	vst v63  }
0xdb: {  	_ =	swait.ge [sflag:s2], $0x80  }
0xdc: {  	[sflag:s2] =	ssyncset.done $0x0  }
0xdd: {  	s3 =	rddreg [dreg:$0x16];
	[sflag:s2] =	ssyncadd.s32 $0xFFFFFF80  }
0xde: {  	[tilespmem:s9], [sflag:$0x3] =	stream.linear.gather [hbm4b:s3+s9], $0x400, $0x38;
	[tilespmem:$0x1DC80] =	vst v63  }
0xdf: {  	_ =	swait.ge [sflag:s2], $0x400  }
0xe0: {  	[sflag:s2] =	ssyncset.done $0x0  }
0xe1: {  	[sflag:s2] =	ssyncadd.s32 $0xFFFFFC00  }
0xe2: {  	[spmem:s5] =	stream.indirect.scatter.add.s32 [tilespmem:s14], [sflag:$0x3], $0x1, s9, s13, $0xb8;
	[tilespmem:$0x1DC80] =	vst v63  }
0xe3: {  	_ =	swait.ge [sflag:s2], $0x80  }
0xe4: {  	[sflag:s2] =	ssyncset.done $0x0  }
0xe5: {  	s12 =	sadd.s32 $0x0, s30;
	[sflag:s2] =	ssyncadd.s32 $0xFFFFFF80  }
0xe6: {  	[spmem:s12] =	stream.linear.scatter [tilespmem:s9], [sflag:$0x3], $0x80, $0x38;
	[tilespmem:$0x1DC80] =	vst v63  }
0xe7: {  	_ =	swait.ge [sflag:s2], $0x80  }
0xe8: {  	[sflag:s2] =	ssyncset.done $0x0  }
0xe9: {  	[sflag:s2] =	ssyncadd.s32 $0xFFFFFF80  }
0xea: {  	[spmem:s5] =	stream.indirect.scatter.add.s32 [tilespmem:s14], [sflag:$0x3], $0x1, s13, s13, $0xb8;
	[tilespmem:$0x1DC80] =	vst v63  }
0xeb: {  	_ =	swait.ge [sflag:s2], $0x80  }
0xec: {  	[sflag:s2] =	ssyncset.done $0x0  }
0xed: {  	s19 =	sadd.s32 $0x80, s12;
	[sflag:s2] =	ssyncadd.s32 $0xFFFFFF80  }
0xee: {  	[spmem:s19] =	stream.linear.scatter [tilespmem:s13], [sflag:$0x3], $0x80, $0x38;
	[tilespmem:$0x1DC80] =	vst v63  }
0xef: {  	_ =	swait.ge [sflag:s2], $0x80  }
0xf0: {  	[sflag:s2] =	ssyncset.done $0x0  }
0xf1: {  	[sflag:s2] =	ssyncadd.s32 $0xFFFFFF80  }
0xf2: {  	[spmem:s5] =	stream.indirect.scatter.add.s32 [tilespmem:s14], [sflag:$0x3], $0x1, s15, s13, $0xb8;
	[tilespmem:$0x1DC80] =	vst v63  }
0xf3: {  	_ =	swait.ge [sflag:s2], $0x80  }
0xf4: {  	[sflag:s2] =	ssyncset.done $0x0  }
0xf5: {  	s21 =	sadd.s32 $0x100, s12;
	[sflag:s2] =	ssyncadd.s32 $0xFFFFFF80  }
0xf6: {  	[spmem:s21] =	stream.linear.scatter [tilespmem:s15], [sflag:$0x3], $0x80, $0x38;
	[tilespmem:$0x1DC80] =	vst v63  }
0xf7: {  	_ =	swait.ge [sflag:s2], $0x80  }
0xf8: {  	[sflag:s2] =	ssyncset.done $0x0  }
0xf9: {  	[sflag:s2] =	ssyncadd.s32 $0xFFFFFF80  }
0xfa: {  	[spmem:s5] =	stream.indirect.scatter.add.s32 [tilespmem:s14], [sflag:$0x3], $0x1, s16, s13, $0xb8;
	[tilespmem:$0x1DC80] =	vst v63  }
0xfb: {  	_ =	swait.ge [sflag:s2], $0x80  }
0xfc: {  	[sflag:s2] =	ssyncset.done $0x0  }
0xfd: {  	s22 =	sadd.s32 $0x180, s12;
	[sflag:s2] =	ssyncadd.s32 $0xFFFFFF80  }
0xfe: {  	[spmem:s22] =	stream.linear.scatter [tilespmem:s16], [sflag:$0x3], $0x80, $0x38;
	[tilespmem:$0x1DC80] =	vst v63  }
0xff: {  	_ =	swait.ge [sflag:s2], $0x80  }
0x100: {  	[sflag:s2] =	ssyncset.done $0x0  }
0x101: {  	[sflag:s2] =	ssyncadd.s32 $0xFFFFFF80  }
0x102: {  	[spmem:s5] =	stream.indirect.scatter.add.s32 [tilespmem:s14], [sflag:$0x3], $0x1, s17, s13, $0xb8;
	[tilespmem:$0x1DC80] =	vst v63  }
0x103: {  	_ =	swait.ge [sflag:s2], $0x80  }
0x104: {  	[sflag:s2] =	ssyncset.done $0x0  }
0x105: {  	s23 =	sadd.s32 $0x200, s12;
	[sflag:s2] =	ssyncadd.s32 $0xFFFFFF80  }
0x106: {  	[spmem:s23] =	stream.linear.scatter [tilespmem:s17], [sflag:$0x3], $0x80, $0x38;
	[tilespmem:$0x1DC80] =	vst v63  }
0x107: {  	_ =	swait.ge [sflag:s2], $0x80  }
0x108: {  	[sflag:s2] =	ssyncset.done $0x0  }
0x109: {  	[sflag:s2] =	ssyncadd.s32 $0xFFFFFF80  }
0x10a: {  	[spmem:s5] =	stream.indirect.scatter.add.s32 [tilespmem:s14], [sflag:$0x3], $0x1, s18, s13, $0xb8;
	[tilespmem:$0x1DC80] =	vst v63  }
0x10b: {  	_ =	swait.ge [sflag:s2], $0x80  }
0x10c: {  	[sflag:s2] =	ssyncset.done $0x0  }
0x10d: {  	s25 =	sadd.s32 $0x280, s12;
	[sflag:s2] =	ssyncadd.s32 $0xFFFFFF80  }
0x10e: {  	[spmem:s25] =	stream.linear.scatter [tilespmem:s18], [sflag:$0x3], $0x80, $0x38;
	[tilespmem:$0x1DC80] =	vst v63  }
0x10f: {  	_ =	swait.ge [sflag:s2], $0x80  }
0x110: {  	[sflag:s2] =	ssyncset.done $0x0  }
0x111: {  	[sflag:s2] =	ssyncadd.s32 $0xFFFFFF80  }
0x112: {  	[spmem:s5] =	stream.indirect.scatter.add.s32 [tilespmem:s14], [sflag:$0x3], $0x1, s8, s13, $0xb8;
	[tilespmem:$0x1DC80] =	vst v63  }
0x113: {  	_ =	swait.ge [sflag:s2], $0x80  }
0x114: {  	[sflag:s2] =	ssyncset.done $0x0  }
0x115: {  	s26 =	sadd.s32 $0x300, s12;
	[sflag:s2] =	ssyncadd.s32 $0xFFFFFF80  }
0x116: {  	[spmem:s26] =	stream.linear.scatter [tilespmem:s8], [sflag:$0x3], $0x80, $0x38;
	[tilespmem:$0x1DC80] =	vst v63  }
0x117: {  	_ =	swait.ge [sflag:s2], $0x80  }
0x118: {  	[sflag:s2] =	ssyncset.done $0x0  }
0x119: {  	[sflag:s2] =	ssyncadd.s32 $0xFFFFFF80  }
0x11a: {  	[spmem:s5] =	stream.indirect.scatter.add.s32 [tilespmem:s14], [sflag:$0x3], $0x1, s20, s13, $0xb8;
	[tilespmem:$0x1DC80] =	vst v63  }
0x11b: {  	_ =	swait.ge [sflag:s2], $0x80  }
0x11c: {  	[sflag:s2] =	ssyncset.done $0x0  }
0x11d: {  	s0 =	sadd.s32 $0x380, s12;
	[sflag:s2] =	ssyncadd.s32 $0xFFFFFF80  }
0x11e: {  	[spmem:s0] =	stream.linear.scatter [tilespmem:s20], [sflag:$0x3], $0x80, $0x38;
	[tilespmem:$0x1DC80] =	vst v63  }
0x11f: {  	_ =	swait.ge [sflag:s2], $0x80  }
0x120: {  	s1 =	smov.u32 s3;
	s0 =	simm.s32 $0x1000;
	[sflag:s2] =	ssyncset.done $0x0  }
.LBB2_8:
0x121: {  	p0 =	sne.s32 s0, $0x7000;
	[sflag:s2] =	ssyncadd.s32 $0xFFFFFF80;
	s1 =	sadd.s32 $0x80, s1  }
0x122: {  	[tilespmem:s9], [sflag:$0x3] =	stream.linear.gather [hbm4b:s1+s9], $0x400, $0x38;
	[tilespmem:$0x1DC80] =	vst v63  }
0x123: {  	s3 =	smov.u32 s0;
	s0 =	sadd.s32 $0x1000, s0;
	_ =	swait.ge [sflag:s2], $0x400  }
0x124: {  	[sflag:s2] =	ssyncset.done $0x0  }
0x125: {  	[sflag:s2] =	ssyncadd.s32 $0xFFFFFC00  }
0x126: {  	[spmem:s5] =	stream.indirect.scatter.add.s32 [tilespmem:s14], [sflag:$0x3], $0x1, s9, s13, $0xb8;
	[tilespmem:$0x1DC80] =	vst v63  }
0x127: {  	_ =	swait.ge [sflag:s2], $0x80  }
0x128: {  	s3 =	sshra.s32 s3, $0x2;
	[sflag:s2] =	ssyncset.done $0x0  }
0x129: {  	s3 =	sadd.s32 s3, s30;
	[sflag:s2] =	ssyncadd.s32 $0xFFFFFF80  }
0x12a: {  	[spmem:s3] =	stream.linear.scatter [tilespmem:s9], [sflag:$0x3], $0x80, $0x38;
	[tilespmem:$0x1DC80] =	vst v63  }
0x12b: {  	_ =	swait.ge [sflag:s2], $0x80  }
0x12c: {  	[sflag:s2] =	ssyncset.done $0x0  }
0x12d: {  	[sflag:s2] =	ssyncadd.s32 $0xFFFFFF80  }
0x12e: {  	[spmem:s5] =	stream.indirect.scatter.add.s32 [tilespmem:s14], [sflag:$0x3], $0x1, s13, s13, $0xb8;
	[tilespmem:$0x1DC80] =	vst v63  }
0x12f: {  	_ =	swait.ge [sflag:s2], $0x80  }
0x130: {  	[sflag:s2] =	ssyncset.done $0x0  }
0x131: {  	s12 =	sadd.s32 $0x80, s3;
	[sflag:s2] =	ssyncadd.s32 $0xFFFFFF80  }
0x132: {  	[spmem:s12] =	stream.linear.scatter [tilespmem:s13], [sflag:$0x3], $0x80, $0x38;
	[tilespmem:$0x1DC80] =	vst v63  }
0x133: {  	_ =	swait.ge [sflag:s2], $0x80  }
0x134: {  	[sflag:s2] =	ssyncset.done $0x0  }
0x135: {  	[sflag:s2] =	ssyncadd.s32 $0xFFFFFF80  }
0x136: {  	[spmem:s5] =	stream.indirect.scatter.add.s32 [tilespmem:s14], [sflag:$0x3], $0x1, s15, s13, $0xb8;
	[tilespmem:$0x1DC80] =	vst v63  }
0x137: {  	_ =	swait.ge [sflag:s2], $0x80  }
0x138: {  	[sflag:s2] =	ssyncset.done $0x0  }
0x139: {  	s12 =	sadd.s32 $0x100, s3;
	[sflag:s2] =	ssyncadd.s32 $0xFFFFFF80  }
0x13a: {  	[spmem:s12] =	stream.linear.scatter [tilespmem:s15], [sflag:$0x3], $0x80, $0x38;
	[tilespmem:$0x1DC80] =	vst v63  }
0x13b: {  	_ =	swait.ge [sflag:s2], $0x80  }
0x13c: {  	[sflag:s2] =	ssyncset.done $0x0  }
0x13d: {  	[sflag:s2] =	ssyncadd.s32 $0xFFFFFF80  }
0x13e: {  	[spmem:s5] =	stream.indirect.scatter.add.s32 [tilespmem:s14], [sflag:$0x3], $0x1, s16, s13, $0xb8;
	[tilespmem:$0x1DC80] =	vst v63  }
0x13f: {  	_ =	swait.ge [sflag:s2], $0x80  }
0x140: {  	[sflag:s2] =	ssyncset.done $0x0  }
0x141: {  	s12 =	sadd.s32 $0x180, s3;
	[sflag:s2] =	ssyncadd.s32 $0xFFFFFF80  }
0x142: {  	[spmem:s12] =	stream.linear.scatter [tilespmem:s16], [sflag:$0x3], $0x80, $0x38;
	[tilespmem:$0x1DC80] =	vst v63  }
0x143: {  	_ =	swait.ge [sflag:s2], $0x80  }
0x144: {  	[sflag:s2] =	ssyncset.done $0x0  }
0x145: {  	[sflag:s2] =	ssyncadd.s32 $0xFFFFFF80  }
0x146: {  	[spmem:s5] =	stream.indirect.scatter.add.s32 [tilespmem:s14], [sflag:$0x3], $0x1, s17, s13, $0xb8;
	[tilespmem:$0x1DC80] =	vst v63  }
0x147: {  	_ =	swait.ge [sflag:s2], $0x80  }
0x148: {  	[sflag:s2] =	ssyncset.done $0x0  }
0x149: {  	s12 =	sadd.s32 $0x200, s3;
	[sflag:s2] =	ssyncadd.s32 $0xFFFFFF80  }
0x14a: {  	[spmem:s12] =	stream.linear.scatter [tilespmem:s17], [sflag:$0x3], $0x80, $0x38;
	[tilespmem:$0x1DC80] =	vst v63  }
0x14b: {  	_ =	swait.ge [sflag:s2], $0x80  }
0x14c: {  	[sflag:s2] =	ssyncset.done $0x0  }
0x14d: {  	[sflag:s2] =	ssyncadd.s32 $0xFFFFFF80  }
0x14e: {  	[spmem:s5] =	stream.indirect.scatter.add.s32 [tilespmem:s14], [sflag:$0x3], $0x1, s18, s13, $0xb8;
	[tilespmem:$0x1DC80] =	vst v63  }
0x14f: {  	_ =	swait.ge [sflag:s2], $0x80  }
0x150: {  	[sflag:s2] =	ssyncset.done $0x0  }
0x151: {  	s12 =	sadd.s32 $0x280, s3;
	[sflag:s2] =	ssyncadd.s32 $0xFFFFFF80  }
0x152: {  	[spmem:s12] =	stream.linear.scatter [tilespmem:s18], [sflag:$0x3], $0x80, $0x38;
	[tilespmem:$0x1DC80] =	vst v63  }
0x153: {  	_ =	swait.ge [sflag:s2], $0x80  }
0x154: {  	[sflag:s2] =	ssyncset.done $0x0  }
0x155: {  	[sflag:s2] =	ssyncadd.s32 $0xFFFFFF80  }
0x156: {  	[spmem:s5] =	stream.indirect.scatter.add.s32 [tilespmem:s14], [sflag:$0x3], $0x1, s8, s13, $0xb8;
	[tilespmem:$0x1DC80] =	vst v63  }
0x157: {  	_ =	swait.ge [sflag:s2], $0x80  }
0x158: {  	[sflag:s2] =	ssyncset.done $0x0  }
0x159: {  	s12 =	sadd.s32 $0x300, s3;
	[sflag:s2] =	ssyncadd.s32 $0xFFFFFF80  }
0x15a: {  	[spmem:s12] =	stream.linear.scatter [tilespmem:s8], [sflag:$0x3], $0x80, $0x38;
	[tilespmem:$0x1DC80] =	vst v63  }
0x15b: {  	_ =	swait.ge [sflag:s2], $0x80  }
0x15c: {  	[sflag:s2] =	ssyncset.done $0x0  }
0x15d: {  	[sflag:s2] =	ssyncadd.s32 $0xFFFFFF80  }
0x15e: {  	[spmem:s5] =	stream.indirect.scatter.add.s32 [tilespmem:s14], [sflag:$0x3], $0x1, s20, s13, $0xb8;
	[tilespmem:$0x1DC80] =	vst v63  }
0x15f: {  	_ =	swait.ge [sflag:s2], $0x80  }
.Ltmp5:
0x160: {  	[sflag:s2] =	ssyncset.done $0x0;
	(pc) =	sbr.rel @p0 .LBB2_8-.Ltmp5, $4  }
0x161: {  	s3 =	sadd.s32 $0x380, s3;
	[sflag:s2] =	ssyncadd.s32 $0xFFFFFF80  }
0x162: {  	[spmem:s3] =	stream.linear.scatter [tilespmem:s20], [sflag:$0x3], $0x80, $0x38;
	[tilespmem:$0x1DC80] =	vst v63  }
0x163: {  	_ =	swait.ge [sflag:s2], $0x80  }
0x164: {  	[sflag:s2] =	ssyncset.done $0x0  }
0x165: {  	[sflag:s2] =	ssyncadd.s32 $0xFFFFFF80  }
0x166: {  	s0 =	simm.s32 $0x0;
	s1 =	simm.s32 $0x0;
	[bflag:$0x0] =	sbarrier.arrive $0xFFFF  }
.LBB2_10:
0x167: {  	s3 =	sshll.u32 s1, $0xA  }
0x168: {  	s12 =	sadd.s32 s10, s3  }
0x169: {  	s3 =	sadd.s32 s12, s4  }
0x16a: {  	[tilespmem:s31], [sflag:$0x3] =	stream.linear.gather [spmem:s3], $0x400, $0x38;
	[tilespmem:$0x1DC80] =	vst v63  }
0x16b: {  	_ =	swait.ge [sflag:s2], $0x400  }
0x16c: {  	s12 =	sshrl.u32 s12, $0x3;
	[sflag:s2] =	ssyncset.done $0x0  }
0x16d: {  	s12 =	sadd.s32 s24, s12;
	[sflag:s2] =	ssyncadd.s32 $0xFFFFFC00  }
0x16e: {  	[tilespmem:s0], [sflag:$0x3] =	stream.linear.gather [hbm4b:s12+s0], $0x400, $0x38;
	[tilespmem:$0x1DC80] =	vst v63  }
0x16f: {  	_ =	swait.ge [sflag:s2], $0x400  }
0x170: {  	[sflag:s2] =	ssyncset.done $0x0  }
0x171: {  	s25 =	simm.s32 $0x800;
	[sflag:s2] =	ssyncadd.s32 $0xFFFFFC00  }
0x172: {  	[tilespmem:s25], [sflag:$0x3] =	stream.indirect.gather [spmem:s5], $0x1, s0, s13, $0xb8;
	[tilespmem:$0x1DC80] =	vst v63  }
0x173: {  	_ =	swait.ge [sflag:s2], $0x80  }
0x174: {  	[sflag:s2] =	ssyncset.done $0x0  }
0x175: {  	s26 =	simm.s32 $0x880;
	[sflag:s2] =	ssyncadd.s32 $0xFFFFFF80  }
0x176: {  	[tilespmem:s26], [sflag:$0x3] =	stream.indirect.gather [spmem:s5], $0x1, s13, s13, $0xb8;
	[tilespmem:$0x1DC80] =	vst v63  }
0x177: {  	_ =	swait.ge [sflag:s2], $0x80  }
0x178: {  	[sflag:s2] =	ssyncset.done $0x0  }
0x179: {  	s19 =	simm.s32 $0x900;
	[sflag:s2] =	ssyncadd.s32 $0xFFFFFF80  }
0x17a: {  	[tilespmem:s19], [sflag:$0x3] =	stream.indirect.gather [spmem:s5], $0x1, s15, s13, $0xb8;
	[tilespmem:$0x1DC80] =	vst v63  }
0x17b: {  	_ =	swait.ge [sflag:s2], $0x80  }
0x17c: {  	[sflag:s2] =	ssyncset.done $0x0  }
0x17d: {  	s21 =	simm.s32 $0x980;
	[sflag:s2] =	ssyncadd.s32 $0xFFFFFF80  }
0x17e: {  	[tilespmem:s21], [sflag:$0x3] =	stream.indirect.gather [spmem:s5], $0x1, s16, s13, $0xb8;
	[tilespmem:$0x1DC80] =	vst v63  }
0x17f: {  	_ =	swait.ge [sflag:s2], $0x80  }
0x180: {  	[sflag:s2] =	ssyncset.done $0x0  }
0x181: {  	s22 =	simm.s32 $0xA00;
	[sflag:s2] =	ssyncadd.s32 $0xFFFFFF80  }
0x182: {  	[tilespmem:s22], [sflag:$0x3] =	stream.indirect.gather [spmem:s5], $0x1, s17, s13, $0xb8;
	[tilespmem:$0x1DC80] =	vst v63  }
0x183: {  	_ =	swait.ge [sflag:s2], $0x80  }
0x184: {  	[sflag:s2] =	ssyncset.done $0x0  }
0x185: {  	s23 =	simm.s32 $0xA80;
	[sflag:s2] =	ssyncadd.s32 $0xFFFFFF80  }
0x186: {  	[tilespmem:s23], [sflag:$0x3] =	stream.indirect.gather [spmem:s5], $0x1, s18, s13, $0xb8;
	[tilespmem:$0x1DC80] =	vst v63  }
0x187: {  	_ =	swait.ge [sflag:s2], $0x80  }
0x188: {  	[sflag:s2] =	ssyncset.done $0x0  }
0x189: {  	s25 =	simm.s32 $0xB00;
	[sflag:s2] =	ssyncadd.s32 $0xFFFFFF80  }
0x18a: {  	[tilespmem:s25], [sflag:$0x3] =	stream.indirect.gather [spmem:s5], $0x1, s8, s13, $0xb8;
	[tilespmem:$0x1DC80] =	vst v63  }
0x18b: {  	_ =	swait.ge [sflag:s2], $0x80  }
0x18c: {  	[sflag:s2] =	ssyncset.done $0x0  }
0x18d: {  	s26 =	simm.s32 $0xB80;
	[sflag:s2] =	ssyncadd.s32 $0xFFFFFF80  }
0x18e: {  	[tilespmem:s26], [sflag:$0x3] =	stream.indirect.gather [spmem:s5], $0x1, s20, s13, $0xb8;
	[tilespmem:$0x1DC80] =	vst v63  }
0x18f: {  	_ =	swait.ge [sflag:s2], $0x80  }
0x190: {  	[sflag:s2] =	ssyncset.done $0x0  }
0x191: {  	s12 =	simm.s32 $0x0;
	[sflag:s2] =	ssyncadd.s32 $0xFFFFFF80  }
0x192: {  	v4 =	vld [tilespmem:s12+$0x1000];
	_ =	sdelay $0x1  }
0x193: {  	v5 =	vld [tilespmem:s12+$0x800];
	_ =	sdelay $0x1  }
0x194: {  	s19 =	simm.s32 $0x10  }
0x195: {  	v6 =	vld [tilespmem:s19+$0x1000];
	vm0 =	vgt.s32 v4, $0x1  }
0x196: {  	v4 =	vnsel vm0, $0x1, v4  }
0x197: {  	v5 =	vcvt.s32.f32 v5;
	v4 =	vcvt.s32.f32 v4  }
0x198: {  	v7 =	vld [tilespmem:s19+$0x800]  }
0x199: {  	v5 =	vmul.f32 v5, v4  }
0x19a: {  	vm15 =	vgt.s32 v6, $0x1  }
0x19b: {  	s21 =	simm.s32 $0x20;
	v4 =	vnsel vm15, $0x1, v6;
	(erf) = vrcp.f32 v5  }
0x19c: {  	v6 =	vcvt.s32.f32 v4;
	v4 =	vld [tilespmem:s21+$0x1000]  }
0x19d: {  	v7 =	vcvt.s32.f32 v7  }
0x19e: {  	v5 =	vld [tilespmem:s21+$0x800]  }
0x19f: {  	s22 =	simm.s32 $0xC0;
	v6 =	vmul.f32 v7, v6  }
.LBB2_11:
0x1a0: {  	p0 =	sne.s32 s22, $0xFC0  }
.Ltmp6:
0x1a1: {  	s23 =	sshra.s32 s22, $0x2;
	s22 =	sadd.s32 $0x40, s22;
	vm0 =	vgt.s32 v4, $0x1;
	(erf) = vrcp.f32 v6;
	(pc) =	sbr.rel @p0 .LBB2_11-.Ltmp6, $4  }
0x1a2: {  	v6 =	vnsel vm0, $0x1, v4;
	v4 =	vld [tilespmem:s23+$0x1000]  }
0x1a3: {  	v6 =	vcvt.s32.f32 v6;
	v7 =	vcvt.s32.f32 v5  }
0x1a4: {  	v5 =	vld [tilespmem:s23+$0x800];
	v8 =	vpop (erf)  }
0x1a5: {  	v6 =	vmul.f32 v7, v6;
	[tilespmem:s12+$0xC00] =	vst v8;
	s12 =	smov.u32 s19;
	s19 =	smov.u32 s21;
	s21 =	smov.u32 s23  }
0x1a6: {  	_ = 	snop  }
0x1a7: {  	vm0 =	vgt.s32 v4, $0x1  }
0x1a8: {  	v4 =	vnsel vm0, $0x1, v4  }
0x1a9: {  	v4 =	vcvt.s32.f32 v4;
	v5 =	vcvt.s32.f32 v5;
	_ =	sdelay $0x1  }
0x1aa: {  	v4 =	vmul.f32 v5, v4  }
0x1ab: {  	(erf) = vrcp.f32 v6  }
0x1ac: {  	(erf) = vrcp.f32 v4;
	_ =	sdelay $0x6  }
0x1ad: {  	v4 =	vpop (erf)  }
0x1ae: {  	[tilespmem:s12+$0xC00] =	vst v4;
	v4 =	vpop (erf)  }
0x1af: {  	[tilespmem:s19+$0xC00] =	vst v4;
	v4 =	vpop (erf)  }
0x1b0: {  	s23 =	simm.s32 $0xC00;
	[tilespmem:s21+$0xC00] =	vst v4  }
0x1b1: {  	[spmem:s3] =	stream.linear.scatter [tilespmem:s23], [sflag:$0x3], $0x80, $0x38;
	[tilespmem:$0x1DC80] =	vst v63  }
0x1b2: {  	_ =	swait.ge [sflag:s2], $0x80  }
0x1b3: {  	[sflag:s2] =	ssyncset.done $0x0  }
0x1b4: {  	s25 =	sadd.s32 $0x80, s3;
	s26 =	simm.s32 $0xC80;
	[sflag:s2] =	ssyncadd.s32 $0xFFFFFF80  }
0x1b5: {  	[spmem:s25] =	stream.linear.scatter [tilespmem:s26], [sflag:$0x3], $0x80, $0x38;
	[tilespmem:$0x1DC80] =	vst v63  }
0x1b6: {  	_ =	swait.ge [sflag:s2], $0x80  }
0x1b7: {  	[sflag:s2] =	ssyncset.done $0x0  }
0x1b8: {  	s19 =	sadd.s32 $0x100, s3;
	s21 =	simm.s32 $0xD00;
	[sflag:s2] =	ssyncadd.s32 $0xFFFFFF80  }
0x1b9: {  	[spmem:s19] =	stream.linear.scatter [tilespmem:s21], [sflag:$0x3], $0x80, $0x38;
	[tilespmem:$0x1DC80] =	vst v63  }
0x1ba: {  	_ =	swait.ge [sflag:s2], $0x80  }
0x1bb: {  	[sflag:s2] =	ssyncset.done $0x0  }
0x1bc: {  	s22 =	sadd.s32 $0x180, s3;
	s23 =	simm.s32 $0xD80;
	[sflag:s2] =	ssyncadd.s32 $0xFFFFFF80  }
0x1bd: {  	[spmem:s22] =	stream.linear.scatter [tilespmem:s23], [sflag:$0x3], $0x80, $0x38;
	[tilespmem:$0x1DC80] =	vst v63  }
0x1be: {  	_ =	swait.ge [sflag:s2], $0x80  }
0x1bf: {  	[sflag:s2] =	ssyncset.done $0x0  }
0x1c0: {  	s25 =	sadd.s32 $0x200, s3;
	s26 =	simm.s32 $0xE00;
	[sflag:s2] =	ssyncadd.s32 $0xFFFFFF80  }
0x1c1: {  	[spmem:s25] =	stream.linear.scatter [tilespmem:s26], [sflag:$0x3], $0x80, $0x38;
	[tilespmem:$0x1DC80] =	vst v63  }
0x1c2: {  	_ =	swait.ge [sflag:s2], $0x80  }
0x1c3: {  	[sflag:s2] =	ssyncset.done $0x0  }
0x1c4: {  	s19 =	sadd.s32 $0x280, s3;
	s21 =	simm.s32 $0xE80;
	[sflag:s2] =	ssyncadd.s32 $0xFFFFFF80  }
0x1c5: {  	[spmem:s19] =	stream.linear.scatter [tilespmem:s21], [sflag:$0x3], $0x80, $0x38;
	[tilespmem:$0x1DC80] =	vst v63  }
0x1c6: {  	_ =	swait.ge [sflag:s2], $0x80  }
0x1c7: {  	[sflag:s2] =	ssyncset.done $0x0  }
0x1c8: {  	s22 =	sadd.s32 $0x300, s3;
	s23 =	simm.s32 $0xF00;
	[sflag:s2] =	ssyncadd.s32 $0xFFFFFF80  }
0x1c9: {  	[spmem:s22] =	stream.linear.scatter [tilespmem:s23], [sflag:$0x3], $0x80, $0x38;
	[tilespmem:$0x1DC80] =	vst v63  }
0x1ca: {  	s1 =	sadd.s32 $0x1, s1;
	_ =	swait.ge [sflag:s2], $0x80  }
0x1cb: {  	p0 =	sne.s32 s1, $0x8;
	s25 =	sadd.s32 $0x380, s3;
	[sflag:s2] =	ssyncset.done $0x0  }
.Ltmp7:
0x1cc: {  	s26 =	simm.s32 $0xF80;
	[sflag:s2] =	ssyncadd.s32 $0xFFFFFF80;
	(pc) =	sbr.rel @p0 .LBB2_10-.Ltmp7, $4  }
0x1cd: {  	[spmem:s25] =	stream.linear.scatter [tilespmem:s26], [sflag:$0x3], $0x80, $0x38;
	[tilespmem:$0x1DC80] =	vst v63  }
0x1ce: {  	_ =	swait.ge [sflag:s2], $0x80  }
0x1cf: {  	[sflag:s2] =	ssyncset.done $0x0  }
0x1d0: {  	[sflag:s2] =	ssyncadd.s32 $0xFFFFFF80  }
.Ltmp8:
0x1d1: {  	(pc) =	sbr.rel .LBB2_14-.Ltmp8, $3  }
0x1d2: {  	_ =	sdelay $0x1  }
0x1d3: {  	[bflag:$0x0] =	sbarrier.arrive $0xFFFF  }
0x1d4: {  	s12 =	simm.s32 $0x0;
	p0 =	por $0x1, $0x1  }
.LBB2_21:
0x1d5: {  	s12 =	sadd.s32 $0x1, s12  }
0x1d6: {  	p1 =	sne.s32 s12, $0x41  }
.Ltmp9:
0x1d7: {  	_ = 	snop;
	(pc) =	sbr.rel @!p1 .LBB2_22-.Ltmp9, $2  }
0x1d8: {  	_ =	sdelay $0x2  }
0x1d9: {  	p0 =	por !p0, !p0  }
.LBB2_14:
0x1da: {  	p1 =	seq.s32 s12, $0x40  }
.Ltmp10:
0x1db: {  	_ = 	snop;
	(pc) =	sbr.rel @p1 .LBB2_18-.Ltmp10, $2  }
0x1dc: {  	_ =	sdelay $0x2  }
0x1dd: {  	s0 =	sand.u32 $0x1, s12  }
0x1de: {  	s3 =	sshll.u32 s12, $0x6;
	s19 =	rddreg [dreg:$0x17]  }
0x1df: {  	s1 =	sshll.u32 s0, $0x9;
	s23 =	rddreg [dreg:$0x1];
	s21 =	sadd.s32 s19, s3  }
0x1e0: {  	s3 =	sor.u32 $0x400, s1;
	s19 =	simm.s32 $0x0;
	s22 =	sadd.s32 s23, s21  }
0x1e1: {  	[tilespmem:s3], [sflag:$0x4] =	stream.linear.gather [hbm4b:s22+s19], $0x200, $0x38;
	[tilespmem:$0x1DC80] =	vst v63  }
0x1e2: {  	_ =	swait.ge [sflag:s28], $0x200  }
0x1e3: {  	[sflag:s28] =	ssyncset.done $0x0  }
0x1e4: {  	[sflag:s28] =	ssyncadd.s32 $0xFFFFFE00  }
0x1e5: {  	s24 =	rddreg [dreg:$0x2]  }
0x1e6: {  	s25 =	sand.u32 $0x600, s19;
	s21 =	sadd.s32 s24, s21  }
0x1e7: {  	[tilespmem:s1], [sflag:$0x4] =	stream.linear.gather [hbm4b:s21+s19], $0x200, $0x38;
	[tilespmem:$0x1DC80] =	vst v63  }
0x1e8: {  	s21 =	sshrl.u32 s25, $0x2;
	_ =	swait.ge [sflag:s28], $0x200  }
0x1e9: {  	s26 =	sand.u32 $0x70, s19;
	s21 =	sadd.s32 s21, s3;
	[sflag:s28] =	ssyncset.done $0x0  }
0x1ea: {  	s21 =	sadd.s32 s26, s21;
	[sflag:s28] =	ssyncadd.s32 $0xFFFFFE00  }
0x1eb: {  	v4 =	vld [tilespmem:s21+$0x0];
	_ =	sdelay $0x2  }
0x1ec: {  	s23 =	simm.s32 $0x40  }
0x1ed: {  	s23 =	sand.u32 $0x600, s23;
	s22 =	simm.s32 $0x80  }
.LBB2_16:
0x1ee: {  	p1 =	sne.s32 s22, $0x7C0;
	s23 =	sshrl.u32 s23, $0x2;
	v4 =	vshll.u32 v4, $0x1;
	s19 =	sadd.s32 $0x10, s19  }
0x1ef: {  	s24 =	sand.u32 $0x70, s19;
	s23 =	sadd.s32 s23, s3;
	v4 =	vor.u32 v0, v4  }
0x1f0: {  	[tilespmem:s21+$0x0] =	vst v4;
	s21 =	sadd.s32 s24, s23  }
.Ltmp11:
0x1f1: {  	v4 =	vld [tilespmem:s21+$0x0];
	(pc) =	sbr.rel @p1 .LBB2_16-.Ltmp11, $2  }
0x1f2: {  	_ =	sdelay $0x2  }
0x1f3: {  	s23 =	sand.u32 $0x600, s22;
	s22 =	sadd.s32 $0x40, s22  }
0x1f4: {  	s22 =	sshrl.u32 s23, $0x2;
	v4 =	vshll.u32 v4, $0x1;
	s19 =	sadd.s32 $0x10, s19  }
0x1f5: {  	s19 =	sand.u32 $0x70, s19;
	s22 =	sadd.s32 s22, s3;
	v4 =	vor.u32 v0, v4  }
0x1f6: {  	s19 =	sadd.s32 s19, s22;
	[tilespmem:s21+$0x0] =	vst v4  }
0x1f7: {  	v4 =	vld [tilespmem:s19+$0x0];
	_ =	sdelay $0x4  }
0x1f8: {  	v4 =	vshll.u32 v4, $0x1  }
0x1f9: {  	v4 =	vor.u32 v0, v4  }
0x1fa: {  	s22 =	sor.u32 $0xC00, s1;
	[tilespmem:s19+$0x0] =	vst v4  }
0x1fb: {  	[tilespmem:s22], [sflag:$0x4] =	stream.indirect.gather [spmem:s4], $0x1, s1, s13, $0xb8;
	[tilespmem:$0x1DC80] =	vst v63  }
0x1fc: {  	_ =	swait.ge [sflag:s28], $0x80  }
0x1fd: {  	[sflag:s28] =	ssyncset.done $0x0  }
0x1fe: {  	s23 =	sor.u32 $0x800, s1;
	[sflag:s28] =	ssyncadd.s32 $0xFFFFFF80  }
0x1ff: {  	[tilespmem:s23], [sflag:$0x4] =	stream.indirect.gather [spmem:s7], $0x1, s1, s13, $0xb8;
	[tilespmem:$0x1DC80] =	vst v63  }
0x200: {  	_ =	swait.ge [sflag:s28], $0x80  }
0x201: {  	s24 =	sshll.u32 s0, $0xE;
	[sflag:s28] =	ssyncset.done $0x0  }
0x202: {  	s21 =	sadd.s32 $0x1, s0;
	s19 =	sor.u32 $0x1400, s24;
	[sflag:s28] =	ssyncadd.s32 $0xFFFFFF80  }
0x203: {  	[tilespmem:s19], [sflag:s21] =	stream.indirect.gather [hbm4b:s11+s13], $0x20, s3, s13, $0xb8;
	[tilespmem:$0x1DC80] =	vst v63  }
0x204: {  	s25 =	sor.u32 $0x80, s1;
	s26 =	sor.u32 $0xC80, s1  }
0x205: {  	[tilespmem:s26], [sflag:$0x4] =	stream.indirect.gather [spmem:s4], $0x1, s25, s13, $0xb8;
	[tilespmem:$0x1DC80] =	vst v63  }
0x206: {  	_ =	swait.ge [sflag:s28], $0x80  }
0x207: {  	[sflag:s28] =	ssyncset.done $0x0  }
0x208: {  	s22 =	sor.u32 $0x880, s1;
	[sflag:s28] =	ssyncadd.s32 $0xFFFFFF80  }
0x209: {  	[tilespmem:s22], [sflag:$0x4] =	stream.indirect.gather [spmem:s7], $0x1, s25, s13, $0xb8;
	[tilespmem:$0x1DC80] =	vst v63  }
0x20a: {  	_ =	swait.ge [sflag:s28], $0x80  }
0x20b: {  	s3 =	sshll.u32 s25, $0x5;
	[sflag:s28] =	ssyncset.done $0x0  }
0x20c: {  	s23 =	sor.u32 $0x480, s1;
	s3 =	sadd.s32 $0x1400, s3;
	[sflag:s28] =	ssyncadd.s32 $0xFFFFFF80  }
0x20d: {  	[tilespmem:s3], [sflag:s21] =	stream.indirect.gather [hbm4b:s11+s13], $0x20, s23, s13, $0xb8;
	[tilespmem:$0x1DC80] =	vst v63  }
0x20e: {  	s24 =	sor.u32 $0x100, s1;
	s25 =	sor.u32 $0xD00, s1  }
0x20f: {  	[tilespmem:s25], [sflag:$0x4] =	stream.indirect.gather [spmem:s4], $0x1, s24, s13, $0xb8;
	[tilespmem:$0x1DC80] =	vst v63  }
0x210: {  	_ =	swait.ge [sflag:s28], $0x80  }
0x211: {  	[sflag:s28] =	ssyncset.done $0x0  }
0x212: {  	s26 =	sor.u32 $0x900, s1;
	[sflag:s28] =	ssyncadd.s32 $0xFFFFFF80  }
0x213: {  	[tilespmem:s26], [sflag:$0x4] =	stream.indirect.gather [spmem:s7], $0x1, s24, s13, $0xb8;
	[tilespmem:$0x1DC80] =	vst v63  }
0x214: {  	_ =	swait.ge [sflag:s28], $0x80  }
0x215: {  	s3 =	sshll.u32 s24, $0x5;
	[sflag:s28] =	ssyncset.done $0x0  }
0x216: {  	s22 =	sor.u32 $0x500, s1;
	s3 =	sadd.s32 $0x1400, s3;
	[sflag:s28] =	ssyncadd.s32 $0xFFFFFF80  }
0x217: {  	[tilespmem:s3], [sflag:s21] =	stream.indirect.gather [hbm4b:s11+s13], $0x20, s22, s13, $0xb8;
	[tilespmem:$0x1DC80] =	vst v63  }
0x218: {  	s23 =	sor.u32 $0x180, s1;
	s24 =	sor.u32 $0xD80, s1  }
0x219: {  	[tilespmem:s24], [sflag:$0x4] =	stream.indirect.gather [spmem:s4], $0x1, s23, s13, $0xb8;
	[tilespmem:$0x1DC80] =	vst v63  }
0x21a: {  	_ =	swait.ge [sflag:s28], $0x80  }
0x21b: {  	[sflag:s28] =	ssyncset.done $0x0  }
0x21c: {  	p1 =	seq.s32 s12, $0x0;
	s25 =	sor.u32 $0x980, s1;
	[sflag:s28] =	ssyncadd.s32 $0xFFFFFF80  }
0x21d: {  	[tilespmem:s25], [sflag:$0x4] =	stream.indirect.gather [spmem:s7], $0x1, s23, s13, $0xb8;
	[tilespmem:$0x1DC80] =	vst v63  }
.Ltmp12:
0x21e: {  	_ = 	snop;
	(pc) =	sbr.rel @p1 .LBB2_21-.Ltmp12, $4  }
0x21f: {  	_ =	swait.ge [sflag:s28], $0x80  }
0x220: {  	s3 =	sshll.u32 s23, $0x5;
	[sflag:s28] =	ssyncset.done $0x0  }
0x221: {  	s26 =	sor.u32 $0x580, s1;
	s3 =	sadd.s32 $0x1400, s3;
	[sflag:s28] =	ssyncadd.s32 $0xFFFFFF80  }
0x222: {  	[tilespmem:s3], [sflag:s21] =	stream.indirect.gather [hbm4b:s11+s13], $0x20, s26, s13, $0xb8;
	[tilespmem:$0x1DC80] =	vst v63  }
.LBB2_18:
0x223: {  	s19 =	sxor.u32 $0x1, s0  }
0x224: {  	s0 =	simm.s32 $0x1;
	s1 =	sadd.s32 $0x1, s19  }
0x225: {  	s0 =	simm.s32 @!p0 $0x0;
	_ =	swait.ge [sflag:s1], $0x4000  }
0x226: {  	s0 =	sshll.u32 s0, $0xE;
	[sflag:s1] =	ssyncset.done $0x0  }
0x227: {  	s24 =	sor.u32 $0x1500, s0;
	[sflag:s1] =	ssyncadd.s32 $0xFFFFC000  }
0x228: {  	v10 =	vld [tilespmem:s24+$0xFFFFFFF0]  }
0x229: {  	v13 =	vld [tilespmem:s24+$0xFFFFFF10]  }
0x22a: {  	v14 =	vld [tilespmem:s24+$0xE0]  }
0x22b: {  	s3 =	simm.s32 $0x0;
	s25 =	sshll.u32 s19, $0xB;
	v15 =	vld [tilespmem:s24+$0xFFFFFF40]  }
0x22c: {  	s26 =	sand.u32 $0x600, s3;
	s0 =	sshrl.u32 s25, $0x2;
	v7 =	vld [tilespmem:s24+$0xFFFFFF70]  }
0x22d: {  	s25 =	sor.u32 $0xC00, s0;
	s1 =	sshrl.u32 s26, $0x2;
	v4 =	vld [tilespmem:s24+$0xFFFFFFB0]  }
0x22e: {  	s21 =	sand.u32 $0x70, s3;
	s1 =	sadd.s32 s1, s25;
	v6 =	vld [tilespmem:s24+$0xFFFFFFC0]  }
0x22f: {  	v8 =	vld [tilespmem:s24+$0xFFFFFFE0];
	s1 =	sadd.s32 s21, s1  }
0x230: {  	v5 =	vld [tilespmem:s1+$0x0]  }
0x231: {  	v11 =	vld [tilespmem:s24+$0xFFFFFFD0]  }
0x232: {  	v16 =	vld [tilespmem:s24+$0xFFFFFF00]  }
0x233: {  	v12 =	vld [tilespmem:s24+$0x80]  }
0x234: {  	v24 =	vld [tilespmem:s24+$0xC0]  }
0x235: {  	v22 =	vld [tilespmem:s24+$0x90];
	v21 =	vbroadcast v5, $0x0;
	v9 =	vbroadcast v5, $0xF  }
0x236: {  	v20 =	vld [tilespmem:s24+$0xFFFFFF50];
	v19 =	vbroadcast v5, $0x2;
	v18 =	vbroadcast v5, $0xE  }
0x237: {  	v17 =	vld [tilespmem:s24+$0xB0];
	v26 =	vmul.f32 v21, v16;
	v16 =	vbroadcast v5, $0xD  }
0x238: {  	s22 =	smov.u32 s24;
	v23 =	vld [tilespmem:s24+$0xD0];
	s21 =	simm.s32 $0x40;
	s1 =	sshll.u32 s19, $0x9;
	v25 =	vmul.f32 v15, v19;
	v15 =	vbroadcast v5, $0xC  }
.LBB2_19:
0x239: {  	p1 =	sne.s32 s21, $0x7C0;
	[tilespmem:s24+$0xFFFFFF00] =	vst v26;
	v26 =	vld [tilespmem:s24+$0x60];
	v24 =	vmul.f32 v24, v18;
	v14 =	vmul.f32 v14, v9;
	s3 =	sadd.s32 $0x10, s3;
	s22 =	sadd.s32 $0x200, s22  }
0x23a: {  	s23 =	smov.u32 s21;
	s21 =	sadd.s32 $0x40, s21;
	[tilespmem:s24+$0xFFFFFF40] =	vst v25;
	v25 =	vbroadcast v5, $0xA;
	v22 =	vmul.f32 v22, v15;
	v27 =	vld [tilespmem:s24+$0xA0]  }
0x23b: {  	v13 =	vmul.f32 v13, v21;
	v19 =	vmul.f32 v20, v19;
	v20 =	vld [tilespmem:s24+$0x70];
	[tilespmem:s24+$0xE0] =	vst v14  }
0x23c: {  	v21 =	vbroadcast v5, $0x5;
	v14 =	vld [tilespmem:s24+$0xFFFFFF60];
	v17 =	vmul.f32 v17, v16;
	[tilespmem:s24+$0xC0] =	vst v24  }
0x23d: {  	[tilespmem:s24+$0xFFFFFF10] =	vst v13;
	v13 =	vbroadcast v5, $0x6;
	v24 =	vld [tilespmem:s24+$0x40];
	v18 =	vmul.f32 v23, v18  }
0x23e: {  	v29 =	vbroadcast v5, $0xB;
	v23 =	vbroadcast v5, $0x7;
	v28 =	vld [tilespmem:s24+$0x30];
	[tilespmem:s24+$0x90] =	vst v22  }
0x23f: {  	v22 =	vbroadcast v5, $0x9;
	v30 =	vld [tilespmem:s24+$0x20];
	v16 =	vmul.f32 v27, v16;
	[tilespmem:s24+$0xD0] =	vst v18  }
0x240: {  	v18 =	vbroadcast v5, $0x3;
	[tilespmem:s24+$0xFFFFFF50] =	vst v19;
	v19 =	vld [tilespmem:s24+$0x50];
	v20 =	vmul.f32 v20, v29  }
0x241: {  	v12 =	vmul.f32 v12, v15;
	v10 =	vmul.f32 v10, v23;
	v27 =	vld [tilespmem:s24+$0xFFFFFF20];
	[tilespmem:s24+$0xA0] =	vst v16  }
0x242: {  	v11 =	vmul.f32 v11, v13;
	v14 =	vmul.f32 v14, v18;
	v15 =	vld [tilespmem:s24+$0x0];
	[tilespmem:s24+$0x70] =	vst v20  }
0x243: {  	v16 =	vbroadcast v5, $0x1;
	v20 =	vmul.f32 v26, v29;
	[tilespmem:s24+$0xFFFFFFF0] =	vst v10;
	v10 =	vld [tilespmem:s24+$0x10]  }
0x244: {  	v29 =	vbroadcast v5, $0x8;
	v24 =	vmul.f32 v24, v25;
	v26 =	vld [tilespmem:s24+$0xFFFFFFA0];
	[tilespmem:s24+$0xB0] =	vst v17  }
0x245: {  	v30 =	vmul.f32 v30, v22;
	v17 =	vld [tilespmem:s24+$0xFFFFFF30];
	v19 =	vmul.f32 v19, v25;
	[tilespmem:s24+$0x80] =	vst v12  }
0x246: {  	v7 =	vmul.f32 v7, v18;
	v12 =	vmul.f32 v27, v16;
	[tilespmem:s24+$0xFFFFFFD0] =	vst v11;
	v11 =	vld [tilespmem:s24+$0xF0]  }
0x247: {  	v18 =	vmul.f32 v28, v22;
	[tilespmem:s24+$0xFFFFFF60] =	vst v14;
	v14 =	vld [tilespmem:s24+$0xFFFFFF90];
	v15 =	vmul.f32 v15, v29  }
0x248: {  	v8 =	vmul.f32 v8, v23;
	v22 =	vld [tilespmem:s24+$0xFFFFFF80];
	v23 =	vmul.f32 v10, v29;
	[tilespmem:s24+$0x60] =	vst v20  }
0x249: {  	v6 =	vmul.f32 v6, v13;
	[tilespmem:s24+$0xFFFFFF70] =	vst v7;
	v7 =	vmul.f32 v26, v21  }
0x24a: {  	v4 =	vmul.f32 v4, v21;
	[tilespmem:s24+$0xFFFFFF20] =	vst v12;
	v12 =	vmul.f32 v17, v16  }
0x24b: {  	v5 =	vbroadcast v5, $0x4;
	[tilespmem:s24+$0x40] =	vst v24;
	v9 =	vmul.f32 v11, v9  }
0x24c: {  	[tilespmem:s24+$0xFFFFFFE0] =	vst v8  }
0x24d: {  	v8 =	vmul.f32 v22, v5;
	v5 =	vmul.f32 v14, v5;
	[tilespmem:s24+$0xFFFFFFC0] =	vst v6  }
0x24e: {  	[tilespmem:s24+$0xFFFFFFB0] =	vst v4  }
0x24f: {  	[tilespmem:s24+$0xF0] =	vst v9  }
0x250: {  	[tilespmem:s24+$0xFFFFFF90] =	vst v5  }
0x251: {  	v10 =	vld [tilespmem:s22+$0xFFFFFFF0];
	[tilespmem:s24+$0xFFFFFFA0] =	vst v7  }
0x252: {  	v13 =	vld [tilespmem:s22+$0xFFFFFF10];
	[tilespmem:s24+$0x30] =	vst v18  }
0x253: {  	v14 =	vld [tilespmem:s22+$0xE0];
	[tilespmem:s24+$0x20] =	vst v30  }
0x254: {  	v25 =	vld [tilespmem:s22+$0xFFFFFF40];
	[tilespmem:s24+$0xFFFFFF80] =	vst v8  }
0x255: {  	s23 =	sand.u32 $0x600, s23;
	v7 =	vld [tilespmem:s22+$0xFFFFFF70];
	[tilespmem:s24+$0x50] =	vst v19  }
0x256: {  	s23 =	sshrl.u32 s23, $0x2;
	v4 =	vld [tilespmem:s22+$0xFFFFFFB0];
	[tilespmem:s24+$0xFFFFFF30] =	vst v12  }
0x257: {  	s26 =	sand.u32 $0x70, s3;
	s23 =	sadd.s32 s23, s25;
	v6 =	vld [tilespmem:s22+$0xFFFFFFC0];
	[tilespmem:s24+$0x0] =	vst v15  }
0x258: {  	s23 =	sadd.s32 s26, s23;
	v8 =	vld [tilespmem:s22+$0xFFFFFFE0];
	[tilespmem:s24+$0x10] =	vst v23;
	s24 =	smov.u32 s22  }
0x259: {  	v5 =	vld [tilespmem:s23+$0x0]  }
0x25a: {  	v11 =	vld [tilespmem:s22+$0xFFFFFFD0]  }
0x25b: {  	v15 =	vld [tilespmem:s22+$0xFFFFFF00]  }
0x25c: {  	v12 =	vld [tilespmem:s22+$0x80]  }
.Ltmp13:
0x25d: {  	v24 =	vld [tilespmem:s22+$0xC0];
	(pc) =	sbr.rel @p1 .LBB2_19-.Ltmp13, $4  }
0x25e: {  	v21 =	vbroadcast v5, $0x0;
	v22 =	vld [tilespmem:s22+$0x90];
	v9 =	vbroadcast v5, $0xF  }
0x25f: {  	v19 =	vbroadcast v5, $0x2;
	v18 =	vbroadcast v5, $0xE;
	v20 =	vld [tilespmem:s22+$0xFFFFFF50]  }
0x260: {  	v16 =	vbroadcast v5, $0xD;
	v26 =	vmul.f32 v21, v15;
	v17 =	vld [tilespmem:s22+$0xB0]  }
0x261: {  	v25 =	vmul.f32 v25, v19;
	v15 =	vbroadcast v5, $0xC;
	v23 =	vld [tilespmem:s22+$0xD0]  }
0x262: {  	[tilespmem:s24+$0xFFFFFF00] =	vst v26;
	v14 =	vmul.f32 v14, v9  }
0x263: {  	v24 =	vmul.f32 v24, v18;
	[tilespmem:s24+$0xFFFFFF40] =	vst v25  }
0x264: {  	v13 =	vmul.f32 v13, v21;
	[tilespmem:s24+$0xE0] =	vst v14  }
0x265: {  	v22 =	vmul.f32 v22, v15;
	[tilespmem:s24+$0xC0] =	vst v24  }
0x266: {  	v35 =	vbroadcast v5, $0x7;
	v12 =	vmul.f32 v12, v15;
	[tilespmem:s24+$0xFFFFFF10] =	vst v13  }
0x267: {  	v43 =	vbroadcast v5, $0x6;
	v32 =	vmul.f32 v20, v19;
	[tilespmem:s24+$0x90] =	vst v22  }
0x268: {  	v41 =	vbroadcast v5, $0x3;
	v10 =	vmul.f32 v10, v35;
	[tilespmem:s24+$0x80] =	vst v12  }
0x269: {  	v11 =	vmul.f32 v11, v43;
	[tilespmem:s24+$0xFFFFFF50] =	vst v32  }
0x26a: {  	v7 =	vmul.f32 v7, v41;
	[tilespmem:s24+$0xFFFFFFF0] =	vst v10  }
0x26b: {  	v63 =	vld [tilespmem:s24+$0xA0];
	v55 =	vbroadcast v5, $0x5;
	v8 =	vmul.f32 v8, v35;
	[tilespmem:s24+$0xFFFFFFD0] =	vst v11  }
0x26c: {  	v28 =	vld [tilespmem:s24+$0x70];
	v6 =	vmul.f32 v6, v43;
	[tilespmem:s24+$0xFFFFFF70] =	vst v7  }
0x26d: {  	v30 =	vld [tilespmem:s24+$0xFFFFFF60];
	v4 =	vmul.f32 v4, v55;
	[tilespmem:s24+$0xFFFFFFE0] =	vst v8  }
0x26e: {  	v29 =	vld [tilespmem:s24+$0x60];
	v40 =	vmul.f32 v17, v16;
	[tilespmem:s24+$0xFFFFFFC0] =	vst v6  }
0x26f: {  	v34 =	vbroadcast v5, $0xB;
	v44 =	vld [tilespmem:s24+$0xFFFFFF20];
	v31 =	vmul.f32 v23, v18;
	[tilespmem:s24+$0xFFFFFFB0] =	vst v4  }
0x270: {  	v33 =	vld [tilespmem:s24+$0x40];
	v25 =	vmul.f32 v63, v16;
	[tilespmem:s24+$0xB0] =	vst v40  }
0x271: {  	v49 =	vld [tilespmem:s24+$0xF0];
	v38 =	vmul.f32 v28, v34;
	[tilespmem:s24+$0xD0] =	vst v31  }
0x272: {  	v48 =	vbroadcast v5, $0x1;
	v51 =	vld [tilespmem:s24+$0xFFFFFF90];
	v45 =	vmul.f32 v30, v41;
	[tilespmem:s24+$0xA0] =	vst v25  }
0x273: {  	v46 =	vld [tilespmem:s24+$0xFFFFFFA0];
	v50 =	vbroadcast v5, $0xA;
	v14 =	vmul.f32 v29, v34;
	[tilespmem:s24+$0x70] =	vst v38  }
0x274: {  	v36 =	vld [tilespmem:s24+$0x30];
	v52 =	vmul.f32 v44, v48;
	[tilespmem:s24+$0xFFFFFF60] =	vst v45  }
0x275: {  	v37 =	vld [tilespmem:s24+$0x20];
	v57 =	vbroadcast v5, $0x4;
	v54 =	vmul.f32 v33, v50;
	[tilespmem:s24+$0x60] =	vst v14  }
0x276: {  	v39 =	vld [tilespmem:s24+$0x50];
	v58 =	vmul.f32 v49, v9;
	[tilespmem:s24+$0xFFFFFF20] =	vst v52  }
0x277: {  	v53 =	vld [tilespmem:s24+$0xFFFFFF80];
	v59 =	vbroadcast v5, $0x9;
	v60 =	vmul.f32 v51, v57;
	[tilespmem:s24+$0x40] =	vst v54  }
0x278: {  	v47 =	vld [tilespmem:s24+$0xFFFFFF30];
	v4 =	vmul.f32 v46, v55;
	[tilespmem:s24+$0xF0] =	vst v58  }
0x279: {  	v42 =	vld [tilespmem:s24+$0x0];
	v61 =	vmul.f32 v36, v59;
	[tilespmem:s24+$0xFFFFFF90] =	vst v60  }
0x27a: {  	v56 =	vld [tilespmem:s24+$0x10];
	v6 =	vmul.f32 v37, v59;
	[tilespmem:s24+$0xFFFFFFA0] =	vst v4  }
0x27b: {  	v62 =	vmul.f32 v39, v50;
	[tilespmem:s24+$0x30] =	vst v61  }
0x27c: {  	v5 =	vbroadcast v5, $0x8;
	v4 =	vmul.f32 v53, v57;
	[tilespmem:s24+$0x20] =	vst v6  }
0x27d: {  	v63 =	vmul.f32 v47, v48;
	[tilespmem:s24+$0x50] =	vst v62  }
0x27e: {  	[tilespmem:s24+$0xFFFFFF80] =	vst v4;
	v4 =	vmul.f32 v42, v5  }
0x27f: {  	[tilespmem:s24+$0xFFFFFF30] =	vst v63;
	v5 =	vmul.f32 v56, v5  }
0x280: {  	s3 =	sshll.u32 s19, $0xE;
	[tilespmem:s24+$0x0] =	vst v4  }
0x281: {  	s0 =	sor.u32 $0x800, s0;
	s3 =	sor.u32 $0x1400, s3;
	[tilespmem:s24+$0x10] =	vst v5  }
0x282: {  	[spmem:s6] =	stream.indirect.scatter.add.f32 [tilespmem:s3], [sflag:$0x4], $0x20, s0, s13, $0xb8;
	[tilespmem:$0x1DC80] =	vst v63  }
0x283: {  	_ =	swait.ge [sflag:s28], $0x1000  }
0x284: {  	s21 =	sshll.u32 s1, $0x5;
	[sflag:s28] =	ssyncset.done $0x0  }
0x285: {  	s23 =	sor.u32 $0x880, s1;
	s22 =	sadd.s32 $0x2400, s21;
	[sflag:s28] =	ssyncadd.s32 $0xFFFFF000  }
0x286: {  	[spmem:s6] =	stream.indirect.scatter.add.f32 [tilespmem:s22], [sflag:$0x4], $0x20, s23, s13, $0xb8;
	[tilespmem:$0x1DC80] =	vst v63  }
0x287: {  	_ =	swait.ge [sflag:s28], $0x1000  }
0x288: {  	[sflag:s28] =	ssyncset.done $0x0  }
0x289: {  	s25 =	sor.u32 $0x900, s1;
	s24 =	sadd.s32 $0x3400, s21;
	[sflag:s28] =	ssyncadd.s32 $0xFFFFF000  }
0x28a: {  	[spmem:s6] =	stream.indirect.scatter.add.f32 [tilespmem:s24], [sflag:$0x4], $0x20, s25, s13, $0xb8;
	[tilespmem:$0x1DC80] =	vst v63  }
0x28b: {  	_ =	swait.ge [sflag:s28], $0x1000  }
0x28c: {  	s26 =	sor.u32 $0x980, s1;
	[sflag:s28] =	ssyncset.done $0x0  }
.Ltmp14:
0x28d: {  	s0 =	sadd.s32 $0x4400, s21;
	[sflag:s28] =	ssyncadd.s32 $0xFFFFF000;
	(pc) =	sbr.rel .LBB2_21-.Ltmp14, $4  }
0x28e: {  	[spmem:s6] =	stream.indirect.scatter.add.f32 [tilespmem:s0], [sflag:$0x3], $0x20, s26, s13, $0xb8;
	[tilespmem:$0x1DC80] =	vst v63  }
0x28f: {  	_ =	swait.ge [sflag:s2], $0x1000  }
0x290: {  	[sflag:s2] =	ssyncset.done $0x0  }
0x291: {  	[sflag:s2] =	ssyncadd.s32 $0xFFFFF000  }
.LBB2_23:
0x292: {  	_ =	sfence.sel $0x180000  }
0x293: {  	[bflag:$0x0] =	sbarrier.arrive $0xFFFF  }
0x294: {  	_ =	strace $0x90000047  }
0x295: {  	s0 =	stileid.u32;
	[bflag:$0x2] =	sbarrier.arrive $0xFFFF  }
0x296: {  	p0 =	sne.s32 s0, $0x0;
	s0 =	rddreg [dreg:$0x9]  }
0x297: {  	s0 =	sadd.s32 @!p0 $0x100000, s0  }
0x298: {  	[sflag:s0] =	ssyncadd.tile.s32 @!p0 $0x1;
	_ =	shalt  }
.Lfunc_end2:
_tile_overlayer_lowered:
.L_overlay_start_2:
0x299: {  	(tag) =	ssettag $0x2  }
0x29a: {  	s0 =	rddreg [dreg:$0x0];
	s2 =	stileid.u32  }
0x29b: {  	s1 =	rddreg [dreg:$0x1];
	p0 =	sne.s32 s2, $0x0  }
0x29c: {  	s3 =	rddreg [dreg:$0x2];
	[bflag:$0x3] =	sbarrier.arrive $0xFFFF;
	s2 =	simm.s32 @!p0 $0x1C03  }
0x29d: {  	[timem:s3], [sflag:s2] =	dma.local @!p0 [hbm:s0], s1  }
0x29e: {  	s0 =	simm.s32 @!p0 $0x3  }
0x29f: {  	_ =	swait.ge @!p0 [sflag:s0], s1  }
0x2a0: {  	s1 =	ssub.s32 @!p0 $0x0, s1;
	[sflag:s0] =	ssyncset.done @!p0 $0x0  }
0x2a1: {  	[sflag:s0] =	ssyncadd.s32 @!p0 s1  }
0x2a2: {  	[bflag:$0x3] =	sbarrier.arrive $0xFFFF  }
0x2a3: {  	_ =	shalt  }

</sc_bundles>
